<compile_context>
chip_gen: v7x
topology: tpu7x:2x2x1
jax: 0.10.2.dev20260603
libtpu: 0.0.44.dev20260713+nightly
codegen_flags: <defaults>
</compile_context>

<pallas_src>
import functools

import jax
import jax.numpy as jnp
import numpy as np
from jax import lax
from jax.experimental import pallas as pl
from jax.experimental.pallas import tpu as pltpu
from jax.experimental.pallas import tpu_sc as plsc

_G = 2
_R = 2
_CDIM = 4
_DPG = 512
_HALF_L = 4.0 * (1.0 + 1e-3) / 2.0
_HALF_W = 2.0
_BASIS = (1.0, 5.0, 25.0, 125.0)

_B_TC = 3
_CTS = 128
_NW = 32




def _fsq_tc_kernel(w_ref, b_ref, basis_ref, x_ref, o_ref):
    xb = x_ref[0]
    w = w_ref[...]
    b = b_ref[...]
    z = jax.lax.dot_general(
        w.astype(jnp.bfloat16), xb.astype(jnp.bfloat16), (((1,), (0,)), ((), ())),
        preferred_element_type=jnp.float32,
    ) + b
    r0 = jnp.round(jnp.tanh(z) * _HALF_L)
    resid = z - r0 * (1.0 / _HALF_W)
    r1 = jnp.round(jnp.tanh(resid * 4.0) * _HALF_L)
    basis8 = basis_ref[...]
    w0 = (r0 + _HALF_W) * basis8
    w1 = (r1 + _HALF_W) * basis8
    row = [
        jnp.sum(w0[0:4], axis=0, keepdims=True),
        jnp.sum(w1[0:4], axis=0, keepdims=True),
        jnp.sum(w0[4:8], axis=0, keepdims=True),
        jnp.sum(w1[4:8], axis=0, keepdims=True),
    ]
    o_ref[0] = jnp.concatenate(row, axis=0).astype(jnp.int32)


def _tc_part(x, w8, b8, basis8):
    _, D, T = x.shape
    return pl.pallas_call(
        _fsq_tc_kernel,
        grid=(_B_TC,),
        in_specs=[
            pl.BlockSpec((_G * _CDIM, D), lambda bi: (0, 0)),
            pl.BlockSpec((_G * _CDIM, 1), lambda bi: (0, 0)),
            pl.BlockSpec((_G * _CDIM, 1), lambda bi: (0, 0)),
            pl.BlockSpec((1, D, T), lambda bi: (bi, 0, 0)),
        ],
        out_specs=pl.BlockSpec((1, _G * _R, T), lambda bi: (bi, 0, 0)),
        out_shape=jax.ShapeDtypeStruct((_B_TC, _G * _R, T), jnp.int32),
        compiler_params=pltpu.CompilerParams(
            dimension_semantics=("parallel",),
        ),
    )(w8, b8, basis8, x)




def _bf16_rtne(v):
    u = lax.bitcast_convert_type(v, jnp.int32)
    r = lax.shift_right_logical(u, 16) & 1
    u = u + (0x7FFF + r)
    u = u & jnp.int32(-65536)
    return lax.bitcast_convert_type(u, jnp.float32)


def _round_rtne(v):
    c = jnp.float32(1.5 * 2.0 ** 23)
    return (v + c) - c


def _tanh_sc(v):
    e = jnp.exp(jnp.minimum(2.0 * v, 60.0))
    return (e - 1.0) / (e + 1.0)


def _sc_body(x_hbm, w_hbm, b_hbm, out_hbm, x_v, w_v, b_v, o_v):
    wid = lax.axis_index("s") * 2 + lax.axis_index("c")
    g = wid // 16
    col0 = (wid % 16) * _CTS
    pltpu.sync_copy(w_hbm.at[g], w_v)
    pltpu.sync_copy(b_hbm.at[g], b_v)

    nstrip = _CTS // 16
    dh = _DPG // 2
    zero = jnp.zeros((16,), jnp.float32)

    accs = tuple([zero] * (nstrip * _CDIM))
    for h in range(_DPG // dh):

        def dstep(d, accs, h=h):
            new = list(accs)
            wv = w_v[h * dh + d]
            ws = [wv[c] for c in range(_CDIM)]
            for s in range(nstrip):
                xs = _bf16_rtne(x_v[d, pl.ds(16 * s, 16)])
                for c in range(_CDIM):
                    new[s * _CDIM + c] = new[s * _CDIM + c] + ws[c] * xs
            return tuple(new)

        pltpu.sync_copy(
            x_hbm.at[_B_TC, pl.ds(g * _DPG + h * dh, dh), pl.ds(col0, _CTS)], x_v
        )
        accs = lax.fori_loop(0, dh, dstep, accs)

    bv = b_v[...]
    for s in range(nstrip):
        idx0 = zero
        idx1 = zero
        for c in range(_CDIM):
            z = accs[s * _CDIM + c] + bv[c]
            r0 = _round_rtne(_tanh_sc(z) * _HALF_L)
            resid = z - r0 * (1.0 / _HALF_W)
            r1 = _round_rtne(_tanh_sc(resid * 4.0) * _HALF_L)
            idx0 = idx0 + (r0 + _HALF_W) * _BASIS[c]
            idx1 = idx1 + (r1 + _HALF_W) * _BASIS[c]
        o_v[0, pl.ds(16 * s, 16)] = idx0.astype(jnp.int32)
        o_v[1, pl.ds(16 * s, 16)] = idx1.astype(jnp.int32)

    pltpu.sync_copy(o_v, out_hbm.at[g, :, pl.ds(col0, _CTS)])


def _sc_part(x, wk, b16):
    T = x.shape[2]
    mesh = plsc.VectorSubcoreMesh(core_axis_name="c", subcore_axis_name="s")
    f = functools.partial(
        pl.kernel,
        out_type=jax.ShapeDtypeStruct((_G, _R, T), jnp.int32),
        mesh=mesh,
        scratch_types=[
            pltpu.VMEM((_DPG // 2, _CTS), jnp.float32),
            pltpu.VMEM((_DPG, 16), jnp.float32),
            pltpu.VMEM((16,), jnp.float32),
            pltpu.VMEM((_R, _CTS), jnp.int32),
        ],
    )(_sc_body)
    return f(x, wk, b16)




def kernel(x, Win, b_in, Wout, b_out):
    del Wout, b_out
    B, D, T = x.shape
    w8 = jnp.zeros((_G * _CDIM, D), dtype=jnp.float32)
    w8 = w8.at[0:4, 0:512].set(Win[0]).at[4:8, 512:1024].set(Win[1])
    b8 = jnp.concatenate([b_in[0], b_in[1]]).reshape(_G * _CDIM, 1)
    basis8 = jnp.asarray(_BASIS * _G, dtype=jnp.float32).reshape(_G * _CDIM, 1)
    wk = Win.astype(jnp.bfloat16).astype(jnp.float32)
    wk = jnp.concatenate(
        [jnp.transpose(wk, (0, 2, 1)), jnp.zeros((_G, _DPG, 12), jnp.float32)],
        axis=2,
    )
    b16 = jnp.concatenate([b_in, jnp.zeros((_G, 12), jnp.float32)], axis=1)

    out_tc = _tc_part(x, w8, b8, basis8)
    out_sc = _sc_part(x, wk, b16).reshape(1, _G * _R, T)
    return jnp.concatenate([out_tc, out_sc], axis=0)

# --- scband reference (transcript-rebuilt; emitter-appended) ---
"""Pipeline reference for scband-gfsq-33011118637856 (READ-ONLY COPY).

The authoritative reference and input builder live on the scoring server;
editing this copy changes nothing except your own understanding.
"""

import jax, jax.numpy as jnp
import numpy as np

G = 2
R = 2
LEVELS = [5, 5, 5, 5]
DIM = 1024
DPG = DIM // G
CDIM = len(LEVELS)


def setup_inputs(seed: int = 0) -> dict:
    key = jax.random.key(seed)
    ks = jax.random.split(key, 5)
    x = jax.random.normal(ks[0], (4, DIM, 2048), dtype=jnp.float32)
    # per-group ResidualFSQ projections (torch Linear weight layout [out, in])
    Win = jax.random.normal(ks[1], (G, CDIM, DPG), dtype=jnp.float32) / np.sqrt(DPG)
    b_in = jax.random.normal(ks[2], (G, CDIM), dtype=jnp.float32) * 0.01
    Wout = jax.random.normal(ks[3], (G, DPG, CDIM), dtype=jnp.float32) / np.sqrt(CDIM)
    b_out = jax.random.normal(ks[4], (G, DPG), dtype=jnp.float32) * 0.01
    return {"x": x, "Win": Win, "b_in": b_in, "Wout": Wout, "b_out": b_out}


def _bound(z, levels, eps=1e-3):
    half_l = (levels - 1.0) * (1.0 + eps) / 2.0
    offset = jnp.where(jnp.mod(levels, 2.0) == 0.0, 0.5, 0.0)
    shift = jnp.arctanh(offset / half_l)
    return jnp.tanh(z + shift) * half_l - offset


def _quantize(z, levels):
    bounded = _bound(z, levels)
    # round with straight-through estimator (round_ste)
    rounded = bounded + jax.lax.stop_gradient(jnp.round(bounded) - bounded)
    half_width = jnp.floor(levels / 2.0)
    return rounded / half_width


def _codes_to_indices(codes, levels, basis):
    half_width = jnp.floor(levels / 2.0)
    zhat = codes * half_width + half_width
    return jnp.sum(zhat * basis, axis=-1)


def reference(x, Win, b_in, Wout, b_out):
    levels = jnp.asarray(LEVELS, dtype=jnp.float32)
    basis = jnp.asarray(np.concatenate([[1.0], np.cumprod(np.asarray(LEVELS[:-1], dtype=np.float64))]).astype(np.float32))
    # GFSQ.forward: transpose (b, d, t) -> (b, t, d)
    xt = jnp.transpose(x, (0, 2, 1))
    B, T, _ = xt.shape
    # GroupedResidualFSQ: chunk last dim into G groups
    chunks = jnp.split(xt, G, axis=-1)
    group_indices = []
    for g in range(G):
        # ResidualFSQ.project_in: Linear(dim/G -> codebook_dim)
        z = chunks[g] @ Win[g].T + b_in[g]
        residual = z
        inds = []
        for q in range(R):
            scale = (levels - 1.0) ** (-float(q))
            codes = _quantize(residual / scale, levels)
            inds.append(_codes_to_indices(codes, levels, basis))
            quantized = codes * scale
            residual = residual - jax.lax.stop_gradient(quantized)
        group_indices.append(jnp.stack(inds, axis=-1))  # [B, T, R]
    ind = jnp.stack(group_indices, axis=0)  # [G, B, T, R]
    # rearrange 'g b t r -> b t (g r)'
    ind = jnp.transpose(ind, (1, 2, 0, 3)).reshape(B, T, G * R)
    # GFSQ returns ind.transpose_(1, 2) -> [B, G*R, T]
    ind = jnp.transpose(ind, (0, 2, 1))
    return ind.astype(jnp.int32)

if __name__ == "__main__":
    import jax
    _d = setup_inputs()
    print(jax.jit(kernel)(*tuple(_d.values())))

</pallas_src>

<mosaic_0001>
#map = affine_map<(d0, d1) -> (0, 0, 0)>
#map1 = affine_map<(d0, d1) -> (0, 0)>
module attributes {stable_mosaic.version = 14 : i64} {
  func.func @_sc_body(%arg0: i32, %arg1: i32, %arg2: memref<4x1024x2048xf32, #tpu.memory_space<hbm>>, %arg3: memref<2x512x16xf32, #tpu.memory_space<hbm>>, %arg4: memref<2x16xf32, #tpu.memory_space<hbm>>, %arg5: memref<2x2x2048xi32, #tpu.memory_space<hbm>>, %arg6: memref<256x128xf32, #tpu.memory_space<vmem>>, %arg7: memref<512x16xf32, #tpu.memory_space<vmem>>, %arg8: memref<16xf32, #tpu.memory_space<vmem>>, %arg9: memref<2x128xi32, #tpu.memory_space<vmem>>) attributes {dimension_semantics = [#tpu.dimension_semantics<core_parallel>, #tpu.dimension_semantics<subcore_parallel>], iteration_bounds = array<i64: 2, 16>, scalar_prefetch = 0 : i64, scratch_operands = 4 : i64, tpu.core_type = #tpu.core_type<sc_vector_subcore>, window_params = [{transform_indices = #map}, {transform_indices = #map}, {transform_indices = #map1}, {transform_indices = #map}]} {
    %mul3A = arith.constant 2 : i32
    %mul3A_0 = arith.muli %arg1, %mul3A : i32
    %add3A = arith.addi %mul3A_0, %arg0 : i32
    %jit3A = arith.constant 16 : i32
    %div3A = arith.divsi %add3A, %jit3A : i32
    %sign3A = arith.constant 0 : i32
    %sign3A_1 = arith.cmpi sgt, %add3A, %sign3A : i32
    %sign3A_2 = arith.extui %sign3A_1 : i1 to i32
    %sign3A_3 = arith.constant 0 : i32
    %sign3A_4 = arith.cmpi slt, %add3A, %sign3A_3 : i32
    %sign3A_5 = arith.extui %sign3A_4 : i1 to i32
    %sign3A_6 = arith.subi %sign3A_2, %sign3A_5 : i32
    %sign3A_7 = arith.constant 0 : i32
    %sign3A_8 = arith.cmpi sgt, %jit3A, %sign3A_7 : i32
    %sign3A_9 = arith.extui %sign3A_8 : i1 to i32
    %sign3A_10 = arith.constant 0 : i32
    %sign3A_11 = arith.cmpi slt, %jit3A, %sign3A_10 : i32
    %sign3A_12 = arith.extui %sign3A_11 : i1 to i32
    %sign3A_13 = arith.subi %sign3A_9, %sign3A_12 : i32
    %ne3A = arith.cmpi ne, %sign3A_6, %sign3A_13 : i32
    %rem3A = arith.remsi %add3A, %jit3A : i32
    %ne3A_14 = arith.constant 0 : i32
    %ne3A_15 = arith.cmpi ne, %rem3A, %ne3A_14 : i32
    %and3A = arith.andi %ne3A, %ne3A_15 : i1
    %sub3A = arith.constant 1 : i32
    %sub3A_16 = arith.subi %div3A, %sub3A : i32
    %select_n3A = arith.select %and3A, %sub3A_16, %div3A : i32
    %jit3A_17 = arith.constant 16 : i32
    %eq3A = arith.constant 0 : i32
    %eq3A_18 = arith.cmpi eq, %jit3A_17, %eq3A : i32
    %jit3A_19 = arith.constant 1 : i32
    %select_n3A_20 = arith.select %eq3A_18, %jit3A_19, %jit3A_17 : i32
    %rem3A_21 = arith.remsi %add3A, %select_n3A_20 : i32
    %ne3A_22 = arith.constant 0 : i32
    %ne3A_23 = arith.cmpi ne, %rem3A_21, %ne3A_22 : i32
    %lt3A = arith.constant 0 : i32
    %lt3A_24 = arith.cmpi slt, %rem3A_21, %lt3A : i32
    %lt3A_25 = arith.constant 0 : i32
    %lt3A_26 = arith.cmpi slt, %select_n3A_20, %lt3A_25 : i32
    %ne3A_27 = arith.xori %lt3A_24, %lt3A_26 : i1
    %and3A_28 = arith.andi %ne3A_27, %ne3A_23 : i1
    %add3A_29 = arith.addi %rem3A_21, %select_n3A_20 : i32
    %select_n3A_30 = arith.select %and3A_28, %add3A_29, %rem3A_21 : i32
    %mul3A_31 = arith.constant 128 : i32
    %mul3A_32 = arith.muli %select_n3A_30, %mul3A_31 : i32
    "tpu.region"() ({
      %run_scoped3A_2434 = tpu.sem_alloc : memref<!tpu.dma_semaphore, #tpu.memory_space<semaphore_mem>>
      %dma_start3A = arith.constant 0 : i32
      %dma_start3A_2435 = arith.constant 0 : i32
      %dma_start3A_2436 = tpu.memref_slice %arg3[%select_n3A, %dma_start3A, %dma_start3A_2435] : memref<2x512x16xf32, #tpu.memory_space<hbm>> -> memref<1x512x16xf32, #tpu.memory_space<hbm>>
      %dma_start3A_2437 = tpu.memref_squeeze %dma_start3A_2436 : memref<1x512x16xf32, #tpu.memory_space<hbm>> -> memref<512x16xf32, #tpu.memory_space<hbm>>
      %dma_start3A_2438 = arith.constant 0 : i32
      %dma_start3A_2439 = arith.constant 0 : i32
      %dma_start3A_2440 = tpu.memref_slice %arg3[%select_n3A, %dma_start3A_2438, %dma_start3A_2439] : memref<2x512x16xf32, #tpu.memory_space<hbm>> -> memref<1x512x16xf32, #tpu.memory_space<hbm>>
      %dma_start3A_2441 = tpu.memref_squeeze %dma_start3A_2440 : memref<1x512x16xf32, #tpu.memory_space<hbm>> -> memref<512x16xf32, #tpu.memory_space<hbm>>
      tpu.enqueue_dma source(%dma_start3A_2441 : memref<512x16xf32, #tpu.memory_space<hbm>>) target(%arg7 : memref<512x16xf32, #tpu.memory_space<vmem>>) target_semaphore(%run_scoped3A_2434 : memref<!tpu.dma_semaphore, #tpu.memory_space<semaphore_mem>>)
      %dma_wait3A = arith.constant 0 : i32
      %dma_wait3A_2442 = arith.constant 0 : i32
      %dma_wait3A_2443 = tpu.memref_slice %arg3[%select_n3A, %dma_wait3A, %dma_wait3A_2442] : memref<2x512x16xf32, #tpu.memory_space<hbm>> -> memref<1x512x16xf32, #tpu.memory_space<hbm>>
      %dma_wait3A_2444 = tpu.memref_squeeze %dma_wait3A_2443 : memref<1x512x16xf32, #tpu.memory_space<hbm>> -> memref<512x16xf32, #tpu.memory_space<hbm>>
      %dma_wait3A_2445 = arith.constant 0 : i32
      %dma_wait3A_2446 = arith.constant 0 : i32
      %dma_wait3A_2447 = tpu.memref_slice %arg3[%select_n3A, %dma_wait3A_2445, %dma_wait3A_2446] : memref<2x512x16xf32, #tpu.memory_space<hbm>> -> memref<1x512x16xf32, #tpu.memory_space<hbm>>
      %dma_wait3A_2448 = tpu.memref_squeeze %dma_wait3A_2447 : memref<1x512x16xf32, #tpu.memory_space<hbm>> -> memref<512x16xf32, #tpu.memory_space<hbm>>
      tpu.wait_dma2 semaphore(%run_scoped3A_2434 : memref<!tpu.dma_semaphore, #tpu.memory_space<semaphore_mem>>) src(%dma_wait3A_2448 : memref<512x16xf32, #tpu.memory_space<hbm>>) dst(%arg7 : memref<512x16xf32, #tpu.memory_space<vmem>>)
      tpu.yield
    }) : () -> ()
    "tpu.region"() ({
      %run_scoped3A_2434 = tpu.sem_alloc : memref<!tpu.dma_semaphore, #tpu.memory_space<semaphore_mem>>
      %dma_start3A = arith.constant 0 : i32
      %dma_start3A_2435 = tpu.memref_slice %arg4[%select_n3A, %dma_start3A] : memref<2x16xf32, #tpu.memory_space<hbm>> -> memref<1x16xf32, #tpu.memory_space<hbm>>
      %dma_start3A_2436 = tpu.memref_squeeze %dma_start3A_2435 : memref<1x16xf32, #tpu.memory_space<hbm>> -> memref<16xf32, #tpu.memory_space<hbm>>
      %dma_start3A_2437 = arith.constant 0 : i32
      %dma_start3A_2438 = tpu.memref_slice %arg4[%select_n3A, %dma_start3A_2437] : memref<2x16xf32, #tpu.memory_space<hbm>> -> memref<1x16xf32, #tpu.memory_space<hbm>>
      %dma_start3A_2439 = tpu.memref_squeeze %dma_start3A_2438 : memref<1x16xf32, #tpu.memory_space<hbm>> -> memref<16xf32, #tpu.memory_space<hbm>>
      tpu.enqueue_dma source(%dma_start3A_2439 : memref<16xf32, #tpu.memory_space<hbm>>) target(%arg8 : memref<16xf32, #tpu.memory_space<vmem>>) target_semaphore(%run_scoped3A_2434 : memref<!tpu.dma_semaphore, #tpu.memory_space<semaphore_mem>>)
      %dma_wait3A = arith.constant 0 : i32
      %dma_wait3A_2440 = tpu.memref_slice %arg4[%select_n3A, %dma_wait3A] : memref<2x16xf32, #tpu.memory_space<hbm>> -> memref<1x16xf32, #tpu.memory_space<hbm>>
      %dma_wait3A_2441 = tpu.memref_squeeze %dma_wait3A_2440 : memref<1x16xf32, #tpu.memory_space<hbm>> -> memref<16xf32, #tpu.memory_space<hbm>>
      %dma_wait3A_2442 = arith.constant 0 : i32
      %dma_wait3A_2443 = tpu.memref_slice %arg4[%select_n3A, %dma_wait3A_2442] : memref<2x16xf32, #tpu.memory_space<hbm>> -> memref<1x16xf32, #tpu.memory_space<hbm>>
      %dma_wait3A_2444 = tpu.memref_squeeze %dma_wait3A_2443 : memref<1x16xf32, #tpu.memory_space<hbm>> -> memref<16xf32, #tpu.memory_space<hbm>>
      tpu.wait_dma2 semaphore(%run_scoped3A_2434 : memref<!tpu.dma_semaphore, #tpu.memory_space<semaphore_mem>>) src(%dma_wait3A_2444 : memref<16xf32, #tpu.memory_space<hbm>>) dst(%arg8 : memref<16xf32, #tpu.memory_space<vmem>>)
      tpu.yield
    }) : () -> ()
    %broadcast_in_dim3A = arith.constant 0.000000e+00 : f32
    %broadcast_in_dim3A_33 = vector.broadcast %broadcast_in_dim3A : f32 to vector<16xf32>
    %mul3A_34 = arith.constant 512 : i32
    %mul3A_35 = arith.muli %select_n3A, %mul3A_34 : i32
    %add3A_36 = arith.constant 0 : i32
    %add3A_37 = arith.addi %mul3A_35, %add3A_36 : i32
    %run_scoped3A = arith.constant 3 : i32
    "tpu.region"() ({
      %run_scoped3A_2434 = tpu.sem_alloc : memref<!tpu.dma_semaphore, #tpu.memory_space<semaphore_mem>>
      %dma_start3A = tpu.memref_slice %arg2[%run_scoped3A, %add3A_37, %mul3A_32] : memref<4x1024x2048xf32, #tpu.memory_space<hbm>> -> memref<1x256x128xf32, #tpu.memory_space<hbm>>
      %dma_start3A_2435 = tpu.memref_squeeze %dma_start3A : memref<1x256x128xf32, #tpu.memory_space<hbm>> -> memref<256x128xf32, #tpu.memory_space<hbm>>
      %dma_start3A_2436 = tpu.memref_slice %arg2[%run_scoped3A, %add3A_37, %mul3A_32] : memref<4x1024x2048xf32, #tpu.memory_space<hbm>> -> memref<1x256x128xf32, #tpu.memory_space<hbm>>
      %dma_start3A_2437 = tpu.memref_squeeze %dma_start3A_2436 : memref<1x256x128xf32, #tpu.memory_space<hbm>> -> memref<256x128xf32, #tpu.memory_space<hbm>>
      tpu.enqueue_dma source(%dma_start3A_2437 : memref<256x128xf32, #tpu.memory_space<hbm>>) target(%arg6 : memref<256x128xf32, #tpu.memory_space<vmem>>) target_semaphore(%run_scoped3A_2434 : memref<!tpu.dma_semaphore, #tpu.memory_space<semaphore_mem>>)
      %dma_wait3A = tpu.memref_slice %arg2[%run_scoped3A, %add3A_37, %mul3A_32] : memref<4x1024x2048xf32, #tpu.memory_space<hbm>> -> memref<1x256x128xf32, #tpu.memory_space<hbm>>
      %dma_wait3A_2438 = tpu.memref_squeeze %dma_wait3A : memref<1x256x128xf32, #tpu.memory_space<hbm>> -> memref<256x128xf32, #tpu.memory_space<hbm>>
      %dma_wait3A_2439 = tpu.memref_slice %arg2[%run_scoped3A, %add3A_37, %mul3A_32] : memref<4x1024x2048xf32, #tpu.memory_space<hbm>> -> memref<1x256x128xf32, #tpu.memory_space<hbm>>
      %dma_wait3A_2440 = tpu.memref_squeeze %dma_wait3A_2439 : memref<1x256x128xf32, #tpu.memory_space<hbm>> -> memref<256x128xf32, #tpu.memory_space<hbm>>
      tpu.wait_dma2 semaphore(%run_scoped3A_2434 : memref<!tpu.dma_semaphore, #tpu.memory_space<semaphore_mem>>) src(%dma_wait3A_2440 : memref<256x128xf32, #tpu.memory_space<hbm>>) dst(%arg6 : memref<256x128xf32, #tpu.memory_space<vmem>>)
      tpu.yield
    }) : () -> ()
    %scan3A = arith.constant 0 : i32
    %scan3A_38 = arith.constant 256 : i32
    %scan3A_39 = arith.addi %scan3A, %scan3A_38 : i32
    %scan3A_40 = arith.constant 1 : i32
    %scan3A_41:32 = scf.for %scan3A_2434 = %scan3A to %scan3A_39 step %scan3A_40 iter_args(%scan3A_2435 = %broadcast_in_dim3A_33, %scan3A_2436 = %broadcast_in_dim3A_33, %scan3A_2437 = %broadcast_in_dim3A_33, %scan3A_2438 = %broadcast_in_dim3A_33, %scan3A_2439 = %broadcast_in_dim3A_33, %scan3A_2440 = %broadcast_in_dim3A_33, %scan3A_2441 = %broadcast_in_dim3A_33, %scan3A_2442 = %broadcast_in_dim3A_33, %scan3A_2443 = %broadcast_in_dim3A_33, %scan3A_2444 = %broadcast_in_dim3A_33, %scan3A_2445 = %broadcast_in_dim3A_33, %scan3A_2446 = %broadcast_in_dim3A_33, %scan3A_2447 = %broadcast_in_dim3A_33, %scan3A_2448 = %broadcast_in_dim3A_33, %scan3A_2449 = %broadcast_in_dim3A_33, %scan3A_2450 = %broadcast_in_dim3A_33, %scan3A_2451 = %broadcast_in_dim3A_33, %scan3A_2452 = %broadcast_in_dim3A_33, %scan3A_2453 = %broadcast_in_dim3A_33, %scan3A_2454 = %broadcast_in_dim3A_33, %scan3A_2455 = %broadcast_in_dim3A_33, %scan3A_2456 = %broadcast_in_dim3A_33, %scan3A_2457 = %broadcast_in_dim3A_33, %scan3A_2458 = %broadcast_in_dim3A_33, %scan3A_2459 = %broadcast_in_dim3A_33, %scan3A_2460 = %broadcast_in_dim3A_33, %scan3A_2461 = %broadcast_in_dim3A_33, %scan3A_2462 = %broadcast_in_dim3A_33, %scan3A_2463 = %broadcast_in_dim3A_33, %scan3A_2464 = %broadcast_in_dim3A_33, %scan3A_2465 = %broadcast_in_dim3A_33, %scan3A_2466 = %broadcast_in_dim3A_33) -> (vector<16xf32>, vector<16xf32>, vector<16xf32>, vector<16xf32>, vector<16xf32>, vector<16xf32>, vector<16xf32>, vector<16xf32>, vector<16xf32>, vector<16xf32>, vector<16xf32>, vector<16xf32>, vector<16xf32>, vector<16xf32>, vector<16xf32>, vector<16xf32>, vector<16xf32>, vector<16xf32>, vector<16xf32>, vector<16xf32>, vector<16xf32>, vector<16xf32>, vector<16xf32>, vector<16xf32>, vector<16xf32>, vector<16xf32>, vector<16xf32>, vector<16xf32>, vector<16xf32>, vector<16xf32>, vector<16xf32>, vector<16xf32>)  : i32 {
      %add3A_2467 = arith.constant 0 : i32
      %add3A_2468 = arith.addi %add3A_2467, %scan3A_2434 : i32
      %get3A_2469 = arith.index_cast %add3A_2468 : i32 to index
      %get3A_2470 = arith.constant 0 : index
      %get3A_2471 = tpu.vector_load %arg7[%get3A_2469, %get3A_2470] {strides = array<i32>} : memref<512x16xf32, #tpu.memory_space<vmem>>, vector<1x16xf32>,
      %get3A_2472 = vector.shape_cast %get3A_2471 : vector<1x16xf32> to vector<16xf32>
      %slice3A_2473 = vector.extract_strided_slice %get3A_2472 {offsets = [0], sizes = [1], strides = [1]} : vector<16xf32> to vector<1xf32>
      %squeeze3A_2474 = vector.extract %slice3A_2473[0] : f32 from vector<1xf32>
      %slice3A_2475 = vector.extract_strided_slice %get3A_2472 {offsets = [1], sizes = [1], strides = [1]} : vector<16xf32> to vector<1xf32>
      %squeeze3A_2476 = vector.extract %slice3A_2475[0] : f32 from vector<1xf32>
      %slice3A_2477 = vector.extract_strided_slice %get3A_2472 {offsets = [2], sizes = [1], strides = [1]} : vector<16xf32> to vector<1xf32>
      %squeeze3A_2478 = vector.extract %slice3A_2477[0] : f32 from vector<1xf32>
      %slice3A_2479 = vector.extract_strided_slice %get3A_2472 {offsets = [3], sizes = [1], strides = [1]} : vector<16xf32> to vector<1xf32>
      %squeeze3A_2480 = vector.extract %slice3A_2479[0] : f32 from vector<1xf32>
      %get3A_2481 = arith.index_cast %scan3A_2434 : i32 to index
      %get3A_2482 = arith.constant 0 : index
      %get3A_2483 = tpu.vector_load %arg6[%get3A_2481, %get3A_2482] {strides = array<i32>} : memref<256x128xf32, #tpu.memory_space<vmem>>, vector<1x16xf32>,
      %get3A_2484 = vector.shape_cast %get3A_2483 : vector<1x16xf32> to vector<16xf32>
      %bitcast_convert_type3A = tpu.bitcast %get3A_2484 : vector<16xf32> -> vector<16xi32>
      %shift_right_logical3A = arith.constant 16 : i32
      %shift_right_logical3A_2485 = vector.broadcast %shift_right_logical3A : i32 to vector<16xi32>
      %shift_right_logical3A_2486 = arith.shrui %bitcast_convert_type3A, %shift_right_logical3A_2485 : vector<16xi32>
      %and3A_2487 = arith.constant 1 : i32
      %and3A_2488 = vector.broadcast %and3A_2487 : i32 to vector<16xi32>
      %and3A_2489 = arith.andi %shift_right_logical3A_2486, %and3A_2488 : vector<16xi32>
      %add3A_2490 = arith.constant 32767 : i32
      %add3A_2491 = vector.broadcast %add3A_2490 : i32 to vector<16xi32>
      %add3A_2492 = arith.addi %add3A_2491, %and3A_2489 : vector<16xi32>
      %add3A_2493 = arith.addi %bitcast_convert_type3A, %add3A_2492 : vector<16xi32>
      %and3A_2494 = arith.constant -65536 : i32
      %and3A_2495 = vector.broadcast %and3A_2494 : i32 to vector<16xi32>
      %and3A_2496 = arith.andi %add3A_2493, %and3A_2495 : vector<16xi32>
      %bitcast_convert_type3A_2497 = tpu.bitcast %and3A_2496 : vector<16xi32> -> vector<16xf32>
      %mul3A_2498 = vector.broadcast %squeeze3A_2474 : f32 to vector<16xf32>
      %mul3A_2499 = arith.mulf %mul3A_2498, %bitcast_convert_type3A_2497 : vector<16xf32>
      %add3A_2500 = arith.addf %scan3A_2435, %mul3A_2499 : vector<16xf32>
      %mul3A_2501 = vector.broadcast %squeeze3A_2476 : f32 to vector<16xf32>
      %mul3A_2502 = arith.mulf %mul3A_2501, %bitcast_convert_type3A_2497 : vector<16xf32>
      %add3A_2503 = arith.addf %scan3A_2436, %mul3A_2502 : vector<16xf32>
      %mul3A_2504 = vector.broadcast %squeeze3A_2478 : f32 to vector<16xf32>
      %mul3A_2505 = arith.mulf %mul3A_2504, %bitcast_convert_type3A_2497 : vector<16xf32>
      %add3A_2506 = arith.addf %scan3A_2437, %mul3A_2505 : vector<16xf32>
      %mul3A_2507 = vector.broadcast %squeeze3A_2480 : f32 to vector<16xf32>
      %mul3A_2508 = arith.mulf %mul3A_2507, %bitcast_convert_type3A_2497 : vector<16xf32>
      %add3A_2509 = arith.addf %scan3A_2438, %mul3A_2508 : vector<16xf32>
      %get3A_2510 = arith.index_cast %scan3A_2434 : i32 to index
      %get3A_2511 = arith.constant 16 : index
      %get3A_2512 = tpu.vector_load %arg6[%get3A_2510, %get3A_2511] {strides = array<i32>} : memref<256x128xf32, #tpu.memory_space<vmem>>, vector<1x16xf32>,
      %get3A_2513 = vector.shape_cast %get3A_2512 : vector<1x16xf32> to vector<16xf32>
      %bitcast_convert_type3A_2514 = tpu.bitcast %get3A_2513 : vector<16xf32> -> vector<16xi32>
      %shift_right_logical3A_2515 = arith.constant 16 : i32
      %shift_right_logical3A_2516 = vector.broadcast %shift_right_logical3A_2515 : i32 to vector<16xi32>
      %shift_right_logical3A_2517 = arith.shrui %bitcast_convert_type3A_2514, %shift_right_logical3A_2516 : vector<16xi32>
      %and3A_2518 = arith.constant 1 : i32
      %and3A_2519 = vector.broadcast %and3A_2518 : i32 to vector<16xi32>
      %and3A_2520 = arith.andi %shift_right_logical3A_2517, %and3A_2519 : vector<16xi32>
      %add3A_2521 = arith.constant 32767 : i32
      %add3A_2522 = vector.broadcast %add3A_2521 : i32 to vector<16xi32>
      %add3A_2523 = arith.addi %add3A_2522, %and3A_2520 : vector<16xi32>
      %add3A_2524 = arith.addi %bitcast_convert_type3A_2514, %add3A_2523 : vector<16xi32>
      %and3A_2525 = arith.constant -65536 : i32
      %and3A_2526 = vector.broadcast %and3A_2525 : i32 to vector<16xi32>
      %and3A_2527 = arith.andi %add3A_2524, %and3A_2526 : vector<16xi32>
      %bitcast_convert_type3A_2528 = tpu.bitcast %and3A_2527 : vector<16xi32> -> vector<16xf32>
      %mul3A_2529 = vector.broadcast %squeeze3A_2474 : f32 to vector<16xf32>
      %mul3A_2530 = arith.mulf %mul3A_2529, %bitcast_convert_type3A_2528 : vector<16xf32>
      %add3A_2531 = arith.addf %scan3A_2439, %mul3A_2530 : vector<16xf32>
      %mul3A_2532 = vector.broadcast %squeeze3A_2476 : f32 to vector<16xf32>
      %mul3A_2533 = arith.mulf %mul3A_2532, %bitcast_convert_type3A_2528 : vector<16xf32>
      %add3A_2534 = arith.addf %scan3A_2440, %mul3A_2533 : vector<16xf32>
      %mul3A_2535 = vector.broadcast %squeeze3A_2478 : f32 to vector<16xf32>
      %mul3A_2536 = arith.mulf %mul3A_2535, %bitcast_convert_type3A_2528 : vector<16xf32>
      %add3A_2537 = arith.addf %scan3A_2441, %mul3A_2536 : vector<16xf32>
      %mul3A_2538 = vector.broadcast %squeeze3A_2480 : f32 to vector<16xf32>
      %mul3A_2539 = arith.mulf %mul3A_2538, %bitcast_convert_type3A_2528 : vector<16xf32>
      %add3A_2540 = arith.addf %scan3A_2442, %mul3A_2539 : vector<16xf32>
      %get3A_2541 = arith.index_cast %scan3A_2434 : i32 to index
      %get3A_2542 = arith.constant 32 : index
      %get3A_2543 = tpu.vector_load %arg6[%get3A_2541, %get3A_2542] {strides = array<i32>} : memref<256x128xf32, #tpu.memory_space<vmem>>, vector<1x16xf32>,
      %get3A_2544 = vector.shape_cast %get3A_2543 : vector<1x16xf32> to vector<16xf32>
      %bitcast_convert_type3A_2545 = tpu.bitcast %get3A_2544 : vector<16xf32> -> vector<16xi32>
      %shift_right_logical3A_2546 = arith.constant 16 : i32
      %shift_right_logical3A_2547 = vector.broadcast %shift_right_logical3A_2546 : i32 to vector<16xi32>
      %shift_right_logical3A_2548 = arith.shrui %bitcast_convert_type3A_2545, %shift_right_logical3A_2547 : vector<16xi32>
      %and3A_2549 = arith.constant 1 : i32
      %and3A_2550 = vector.broadcast %and3A_2549 : i32 to vector<16xi32>
      %and3A_2551 = arith.andi %shift_right_logical3A_2548, %and3A_2550 : vector<16xi32>
      %add3A_2552 = arith.constant 32767 : i32
      %add3A_2553 = vector.broadcast %add3A_2552 : i32 to vector<16xi32>
      %add3A_2554 = arith.addi %add3A_2553, %and3A_2551 : vector<16xi32>
      %add3A_2555 = arith.addi %bitcast_convert_type3A_2545, %add3A_2554 : vector<16xi32>
      %and3A_2556 = arith.constant -65536 : i32
      %and3A_2557 = vector.broadcast %and3A_2556 : i32 to vector<16xi32>
      %and3A_2558 = arith.andi %add3A_2555, %and3A_2557 : vector<16xi32>
      %bitcast_convert_type3A_2559 = tpu.bitcast %and3A_2558 : vector<16xi32> -> vector<16xf32>
      %mul3A_2560 = vector.broadcast %squeeze3A_2474 : f32 to vector<16xf32>
      %mul3A_2561 = arith.mulf %mul3A_2560, %bitcast_convert_type3A_2559 : vector<16xf32>
      %add3A_2562 = arith.addf %scan3A_2443, %mul3A_2561 : vector<16xf32>
      %mul3A_2563 = vector.broadcast %squeeze3A_2476 : f32 to vector<16xf32>
      %mul3A_2564 = arith.mulf %mul3A_2563, %bitcast_convert_type3A_2559 : vector<16xf32>
      %add3A_2565 = arith.addf %scan3A_2444, %mul3A_2564 : vector<16xf32>
      %mul3A_2566 = vector.broadcast %squeeze3A_2478 : f32 to vector<16xf32>
      %mul3A_2567 = arith.mulf %mul3A_2566, %bitcast_convert_type3A_2559 : vector<16xf32>
      %add3A_2568 = arith.addf %scan3A_2445, %mul3A_2567 : vector<16xf32>
      %mul3A_2569 = vector.broadcast %squeeze3A_2480 : f32 to vector<16xf32>
      %mul3A_2570 = arith.mulf %mul3A_2569, %bitcast_convert_type3A_2559 : vector<16xf32>
      %add3A_2571 = arith.addf %scan3A_2446, %mul3A_2570 : vector<16xf32>
      %get3A_2572 = arith.index_cast %scan3A_2434 : i32 to index
      %get3A_2573 = arith.constant 48 : index
      %get3A_2574 = tpu.vector_load %arg6[%get3A_2572, %get3A_2573] {strides = array<i32>} : memref<256x128xf32, #tpu.memory_space<vmem>>, vector<1x16xf32>,
      %get3A_2575 = vector.shape_cast %get3A_2574 : vector<1x16xf32> to vector<16xf32>
      %bitcast_convert_type3A_2576 = tpu.bitcast %get3A_2575 : vector<16xf32> -> vector<16xi32>
      %shift_right_logical3A_2577 = arith.constant 16 : i32
      %shift_right_logical3A_2578 = vector.broadcast %shift_right_logical3A_2577 : i32 to vector<16xi32>
      %shift_right_logical3A_2579 = arith.shrui %bitcast_convert_type3A_2576, %shift_right_logical3A_2578 : vector<16xi32>
      %and3A_2580 = arith.constant 1 : i32
      %and3A_2581 = vector.broadcast %and3A_2580 : i32 to vector<16xi32>
      %and3A_2582 = arith.andi %shift_right_logical3A_2579, %and3A_2581 : vector<16xi32>
      %add3A_2583 = arith.constant 32767 : i32
      %add3A_2584 = vector.broadcast %add3A_2583 : i32 to vector<16xi32>
      %add3A_2585 = arith.addi %add3A_2584, %and3A_2582 : vector<16xi32>
      %add3A_2586 = arith.addi %bitcast_convert_type3A_2576, %add3A_2585 : vector<16xi32>
      %and3A_2587 = arith.constant -65536 : i32
      %and3A_2588 = vector.broadcast %and3A_2587 : i32 to vector<16xi32>
      %and3A_2589 = arith.andi %add3A_2586, %and3A_2588 : vector<16xi32>
      %bitcast_convert_type3A_2590 = tpu.bitcast %and3A_2589 : vector<16xi32> -> vector<16xf32>
      %mul3A_2591 = vector.broadcast %squeeze3A_2474 : f32 to vector<16xf32>
      %mul3A_2592 = arith.mulf %mul3A_2591, %bitcast_convert_type3A_2590 : vector<16xf32>
      %add3A_2593 = arith.addf %scan3A_2447, %mul3A_2592 : vector<16xf32>
      %mul3A_2594 = vector.broadcast %squeeze3A_2476 : f32 to vector<16xf32>
      %mul3A_2595 = arith.mulf %mul3A_2594, %bitcast_convert_type3A_2590 : vector<16xf32>
      %add3A_2596 = arith.addf %scan3A_2448, %mul3A_2595 : vector<16xf32>
      %mul3A_2597 = vector.broadcast %squeeze3A_2478 : f32 to vector<16xf32>
      %mul3A_2598 = arith.mulf %mul3A_2597, %bitcast_convert_type3A_2590 : vector<16xf32>
      %add3A_2599 = arith.addf %scan3A_2449, %mul3A_2598 : vector<16xf32>
      %mul3A_2600 = vector.broadcast %squeeze3A_2480 : f32 to vector<16xf32>
      %mul3A_2601 = arith.mulf %mul3A_2600, %bitcast_convert_type3A_2590 : vector<16xf32>
      %add3A_2602 = arith.addf %scan3A_2450, %mul3A_2601 : vector<16xf32>
      %get3A_2603 = arith.index_cast %scan3A_2434 : i32 to index
      %get3A_2604 = arith.constant 64 : index
      %get3A_2605 = tpu.vector_load %arg6[%get3A_2603, %get3A_2604] {strides = array<i32>} : memref<256x128xf32, #tpu.memory_space<vmem>>, vector<1x16xf32>,
      %get3A_2606 = vector.shape_cast %get3A_2605 : vector<1x16xf32> to vector<16xf32>
      %bitcast_convert_type3A_2607 = tpu.bitcast %get3A_2606 : vector<16xf32> -> vector<16xi32>
      %shift_right_logical3A_2608 = arith.constant 16 : i32
      %shift_right_logical3A_2609 = vector.broadcast %shift_right_logical3A_2608 : i32 to vector<16xi32>
      %shift_right_logical3A_2610 = arith.shrui %bitcast_convert_type3A_2607, %shift_right_logical3A_2609 : vector<16xi32>
      %and3A_2611 = arith.constant 1 : i32
      %and3A_2612 = vector.broadcast %and3A_2611 : i32 to vector<16xi32>
      %and3A_2613 = arith.andi %shift_right_logical3A_2610, %and3A_2612 : vector<16xi32>
      %add3A_2614 = arith.constant 32767 : i32
      %add3A_2615 = vector.broadcast %add3A_2614 : i32 to vector<16xi32>
      %add3A_2616 = arith.addi %add3A_2615, %and3A_2613 : vector<16xi32>
      %add3A_2617 = arith.addi %bitcast_convert_type3A_2607, %add3A_2616 : vector<16xi32>
      %and3A_2618 = arith.constant -65536 : i32
      %and3A_2619 = vector.broadcast %and3A_2618 : i32 to vector<16xi32>
      %and3A_2620 = arith.andi %add3A_2617, %and3A_2619 : vector<16xi32>
      %bitcast_convert_type3A_2621 = tpu.bitcast %and3A_2620 : vector<16xi32> -> vector<16xf32>
      %mul3A_2622 = vector.broadcast %squeeze3A_2474 : f32 to vector<16xf32>
      %mul3A_2623 = arith.mulf %mul3A_2622, %bitcast_convert_type3A_2621 : vector<16xf32>
      %add3A_2624 = arith.addf %scan3A_2451, %mul3A_2623 : vector<16xf32>
      %mul3A_2625 = vector.broadcast %squeeze3A_2476 : f32 to vector<16xf32>
      %mul3A_2626 = arith.mulf %mul3A_2625, %bitcast_convert_type3A_2621 : vector<16xf32>
      %add3A_2627 = arith.addf %scan3A_2452, %mul3A_2626 : vector<16xf32>
      %mul3A_2628 = vector.broadcast %squeeze3A_2478 : f32 to vector<16xf32>
      %mul3A_2629 = arith.mulf %mul3A_2628, %bitcast_convert_type3A_2621 : vector<16xf32>
      %add3A_2630 = arith.addf %scan3A_2453, %mul3A_2629 : vector<16xf32>
      %mul3A_2631 = vector.broadcast %squeeze3A_2480 : f32 to vector<16xf32>
      %mul3A_2632 = arith.mulf %mul3A_2631, %bitcast_convert_type3A_2621 : vector<16xf32>
      %add3A_2633 = arith.addf %scan3A_2454, %mul3A_2632 : vector<16xf32>
      %get3A_2634 = arith.index_cast %scan3A_2434 : i32 to index
      %get3A_2635 = arith.constant 80 : index
      %get3A_2636 = tpu.vector_load %arg6[%get3A_2634, %get3A_2635] {strides = array<i32>} : memref<256x128xf32, #tpu.memory_space<vmem>>, vector<1x16xf32>,
      %get3A_2637 = vector.shape_cast %get3A_2636 : vector<1x16xf32> to vector<16xf32>
      %bitcast_convert_type3A_2638 = tpu.bitcast %get3A_2637 : vector<16xf32> -> vector<16xi32>
      %shift_right_logical3A_2639 = arith.constant 16 : i32
      %shift_right_logical3A_2640 = vector.broadcast %shift_right_logical3A_2639 : i32 to vector<16xi32>
      %shift_right_logical3A_2641 = arith.shrui %bitcast_convert_type3A_2638, %shift_right_logical3A_2640 : vector<16xi32>
      %and3A_2642 = arith.constant 1 : i32
      %and3A_2643 = vector.broadcast %and3A_2642 : i32 to vector<16xi32>
      %and3A_2644 = arith.andi %shift_right_logical3A_2641, %and3A_2643 : vector<16xi32>
      %add3A_2645 = arith.constant 32767 : i32
      %add3A_2646 = vector.broadcast %add3A_2645 : i32 to vector<16xi32>
      %add3A_2647 = arith.addi %add3A_2646, %and3A_2644 : vector<16xi32>
      %add3A_2648 = arith.addi %bitcast_convert_type3A_2638, %add3A_2647 : vector<16xi32>
      %and3A_2649 = arith.constant -65536 : i32
      %and3A_2650 = vector.broadcast %and3A_2649 : i32 to vector<16xi32>
      %and3A_2651 = arith.andi %add3A_2648, %and3A_2650 : vector<16xi32>
      %bitcast_convert_type3A_2652 = tpu.bitcast %and3A_2651 : vector<16xi32> -> vector<16xf32>
      %mul3A_2653 = vector.broadcast %squeeze3A_2474 : f32 to vector<16xf32>
      %mul3A_2654 = arith.mulf %mul3A_2653, %bitcast_convert_type3A_2652 : vector<16xf32>
      %add3A_2655 = arith.addf %scan3A_2455, %mul3A_2654 : vector<16xf32>
      %mul3A_2656 = vector.broadcast %squeeze3A_2476 : f32 to vector<16xf32>
      %mul3A_2657 = arith.mulf %mul3A_2656, %bitcast_convert_type3A_2652 : vector<16xf32>
      %add3A_2658 = arith.addf %scan3A_2456, %mul3A_2657 : vector<16xf32>
      %mul3A_2659 = vector.broadcast %squeeze3A_2478 : f32 to vector<16xf32>
      %mul3A_2660 = arith.mulf %mul3A_2659, %bitcast_convert_type3A_2652 : vector<16xf32>
      %add3A_2661 = arith.addf %scan3A_2457, %mul3A_2660 : vector<16xf32>
      %mul3A_2662 = vector.broadcast %squeeze3A_2480 : f32 to vector<16xf32>
      %mul3A_2663 = arith.mulf %mul3A_2662, %bitcast_convert_type3A_2652 : vector<16xf32>
      %add3A_2664 = arith.addf %scan3A_2458, %mul3A_2663 : vector<16xf32>
      %get3A_2665 = arith.index_cast %scan3A_2434 : i32 to index
      %get3A_2666 = arith.constant 96 : index
      %get3A_2667 = tpu.vector_load %arg6[%get3A_2665, %get3A_2666] {strides = array<i32>} : memref<256x128xf32, #tpu.memory_space<vmem>>, vector<1x16xf32>,
      %get3A_2668 = vector.shape_cast %get3A_2667 : vector<1x16xf32> to vector<16xf32>
      %bitcast_convert_type3A_2669 = tpu.bitcast %get3A_2668 : vector<16xf32> -> vector<16xi32>
      %shift_right_logical3A_2670 = arith.constant 16 : i32
      %shift_right_logical3A_2671 = vector.broadcast %shift_right_logical3A_2670 : i32 to vector<16xi32>
      %shift_right_logical3A_2672 = arith.shrui %bitcast_convert_type3A_2669, %shift_right_logical3A_2671 : vector<16xi32>
      %and3A_2673 = arith.constant 1 : i32
      %and3A_2674 = vector.broadcast %and3A_2673 : i32 to vector<16xi32>
      %and3A_2675 = arith.andi %shift_right_logical3A_2672, %and3A_2674 : vector<16xi32>
      %add3A_2676 = arith.constant 32767 : i32
      %add3A_2677 = vector.broadcast %add3A_2676 : i32 to vector<16xi32>
      %add3A_2678 = arith.addi %add3A_2677, %and3A_2675 : vector<16xi32>
      %add3A_2679 = arith.addi %bitcast_convert_type3A_2669, %add3A_2678 : vector<16xi32>
      %and3A_2680 = arith.constant -65536 : i32
      %and3A_2681 = vector.broadcast %and3A_2680 : i32 to vector<16xi32>
      %and3A_2682 = arith.andi %add3A_2679, %and3A_2681 : vector<16xi32>
      %bitcast_convert_type3A_2683 = tpu.bitcast %and3A_2682 : vector<16xi32> -> vector<16xf32>
      %mul3A_2684 = vector.broadcast %squeeze3A_2474 : f32 to vector<16xf32>
      %mul3A_2685 = arith.mulf %mul3A_2684, %bitcast_convert_type3A_2683 : vector<16xf32>
      %add3A_2686 = arith.addf %scan3A_2459, %mul3A_2685 : vector<16xf32>
      %mul3A_2687 = vector.broadcast %squeeze3A_2476 : f32 to vector<16xf32>
      %mul3A_2688 = arith.mulf %mul3A_2687, %bitcast_convert_type3A_2683 : vector<16xf32>
      %add3A_2689 = arith.addf %scan3A_2460, %mul3A_2688 : vector<16xf32>
      %mul3A_2690 = vector.broadcast %squeeze3A_2478 : f32 to vector<16xf32>
      %mul3A_2691 = arith.mulf %mul3A_2690, %bitcast_convert_type3A_2683 : vector<16xf32>
      %add3A_2692 = arith.addf %scan3A_2461, %mul3A_2691 : vector<16xf32>
      %mul3A_2693 = vector.broadcast %squeeze3A_2480 : f32 to vector<16xf32>
      %mul3A_2694 = arith.mulf %mul3A_2693, %bitcast_convert_type3A_2683 : vector<16xf32>
      %add3A_2695 = arith.addf %scan3A_2462, %mul3A_2694 : vector<16xf32>
      %get3A_2696 = arith.index_cast %scan3A_2434 : i32 to index
      %get3A_2697 = arith.constant 112 : index
      %get3A_2698 = tpu.vector_load %arg6[%get3A_2696, %get3A_2697] {strides = array<i32>} : memref<256x128xf32, #tpu.memory_space<vmem>>, vector<1x16xf32>,
      %get3A_2699 = vector.shape_cast %get3A_2698 : vector<1x16xf32> to vector<16xf32>
      %bitcast_convert_type3A_2700 = tpu.bitcast %get3A_2699 : vector<16xf32> -> vector<16xi32>
      %shift_right_logical3A_2701 = arith.constant 16 : i32
      %shift_right_logical3A_2702 = vector.broadcast %shift_right_logical3A_2701 : i32 to vector<16xi32>
      %shift_right_logical3A_2703 = arith.shrui %bitcast_convert_type3A_2700, %shift_right_logical3A_2702 : vector<16xi32>
      %and3A_2704 = arith.constant 1 : i32
      %and3A_2705 = vector.broadcast %and3A_2704 : i32 to vector<16xi32>
      %and3A_2706 = arith.andi %shift_right_logical3A_2703, %and3A_2705 : vector<16xi32>
      %add3A_2707 = arith.constant 32767 : i32
      %add3A_2708 = vector.broadcast %add3A_2707 : i32 to vector<16xi32>
      %add3A_2709 = arith.addi %add3A_2708, %and3A_2706 : vector<16xi32>
      %add3A_2710 = arith.addi %bitcast_convert_type3A_2700, %add3A_2709 : vector<16xi32>
      %and3A_2711 = arith.constant -65536 : i32
      %and3A_2712 = vector.broadcast %and3A_2711 : i32 to vector<16xi32>
      %and3A_2713 = arith.andi %add3A_2710, %and3A_2712 : vector<16xi32>
      %bitcast_convert_type3A_2714 = tpu.bitcast %and3A_2713 : vector<16xi32> -> vector<16xf32>
      %mul3A_2715 = vector.broadcast %squeeze3A_2474 : f32 to vector<16xf32>
      %mul3A_2716 = arith.mulf %mul3A_2715, %bitcast_convert_type3A_2714 : vector<16xf32>
      %add3A_2717 = arith.addf %scan3A_2463, %mul3A_2716 : vector<16xf32>
      %mul3A_2718 = vector.broadcast %squeeze3A_2476 : f32 to vector<16xf32>
      %mul3A_2719 = arith.mulf %mul3A_2718, %bitcast_convert_type3A_2714 : vector<16xf32>
      %add3A_2720 = arith.addf %scan3A_2464, %mul3A_2719 : vector<16xf32>
      %mul3A_2721 = vector.broadcast %squeeze3A_2478 : f32 to vector<16xf32>
      %mul3A_2722 = arith.mulf %mul3A_2721, %bitcast_convert_type3A_2714 : vector<16xf32>
      %add3A_2723 = arith.addf %scan3A_2465, %mul3A_2722 : vector<16xf32>
      %mul3A_2724 = vector.broadcast %squeeze3A_2480 : f32 to vector<16xf32>
      %mul3A_2725 = arith.mulf %mul3A_2724, %bitcast_convert_type3A_2714 : vector<16xf32>
      %add3A_2726 = arith.addf %scan3A_2466, %mul3A_2725 : vector<16xf32>
      scf.yield %add3A_2500, %add3A_2503, %add3A_2506, %add3A_2509, %add3A_2531, %add3A_2534, %add3A_2537, %add3A_2540, %add3A_2562, %add3A_2565, %add3A_2568, %add3A_2571, %add3A_2593, %add3A_2596, %add3A_2599, %add3A_2602, %add3A_2624, %add3A_2627, %add3A_2630, %add3A_2633, %add3A_2655, %add3A_2658, %add3A_2661, %add3A_2664, %add3A_2686, %add3A_2689, %add3A_2692, %add3A_2695, %add3A_2717, %add3A_2720, %add3A_2723, %add3A_2726 : vector<16xf32>, vector<16xf32>, vector<16xf32>, vector<16xf32>, vector<16xf32>, vector<16xf32>, vector<16xf32>, vector<16xf32>, vector<16xf32>, vector<16xf32>, vector<16xf32>, vector<16xf32>, vector<16xf32>, vector<16xf32>, vector<16xf32>, vector<16xf32>, vector<16xf32>, vector<16xf32>, vector<16xf32>, vector<16xf32>, vector<16xf32>, vector<16xf32>, vector<16xf32>, vector<16xf32>, vector<16xf32>, vector<16xf32>, vector<16xf32>, vector<16xf32>, vector<16xf32>, vector<16xf32>, vector<16xf32>, vector<16xf32>
    }
    %scan3A_42 = arith.constant 256 : i32
    %mul3A_43 = arith.constant 512 : i32
    %mul3A_44 = arith.muli %select_n3A, %mul3A_43 : i32
    %add3A_45 = arith.constant 256 : i32
    %add3A_46 = arith.addi %mul3A_44, %add3A_45 : i32
    %run_scoped3A_47 = arith.constant 3 : i32
    "tpu.region"() ({
      %run_scoped3A_2434 = tpu.sem_alloc : memref<!tpu.dma_semaphore, #tpu.memory_space<semaphore_mem>>
      %dma_start3A = tpu.memref_slice %arg2[%run_scoped3A_47, %add3A_46, %mul3A_32] : memref<4x1024x2048xf32, #tpu.memory_space<hbm>> -> memref<1x256x128xf32, #tpu.memory_space<hbm>>
      %dma_start3A_2435 = tpu.memref_squeeze %dma_start3A : memref<1x256x128xf32, #tpu.memory_space<hbm>> -> memref<256x128xf32, #tpu.memory_space<hbm>>
      %dma_start3A_2436 = tpu.memref_slice %arg2[%run_scoped3A_47, %add3A_46, %mul3A_32] : memref<4x1024x2048xf32, #tpu.memory_space<hbm>> -> memref<1x256x128xf32, #tpu.memory_space<hbm>>
      %dma_start3A_2437 = tpu.memref_squeeze %dma_start3A_2436 : memref<1x256x128xf32, #tpu.memory_space<hbm>> -> memref<256x128xf32, #tpu.memory_space<hbm>>
      tpu.enqueue_dma source(%dma_start3A_2437 : memref<256x128xf32, #tpu.memory_space<hbm>>) target(%arg6 : memref<256x128xf32, #tpu.memory_space<vmem>>) target_semaphore(%run_scoped3A_2434 : memref<!tpu.dma_semaphore, #tpu.memory_space<semaphore_mem>>)
      %dma_wait3A = tpu.memref_slice %arg2[%run_scoped3A_47, %add3A_46, %mul3A_32] : memref<4x1024x2048xf32, #tpu.memory_space<hbm>> -> memref<1x256x128xf32, #tpu.memory_space<hbm>>
      %dma_wait3A_2438 = tpu.memref_squeeze %dma_wait3A : memref<1x256x128xf32, #tpu.memory_space<hbm>> -> memref<256x128xf32, #tpu.memory_space<hbm>>
      %dma_wait3A_2439 = tpu.memref_slice %arg2[%run_scoped3A_47, %add3A_46, %mul3A_32] : memref<4x1024x2048xf32, #tpu.memory_space<hbm>> -> memref<1x256x128xf32, #tpu.memory_space<hbm>>
      %dma_wait3A_2440 = tpu.memref_squeeze %dma_wait3A_2439 : memref<1x256x128xf32, #tpu.memory_space<hbm>> -> memref<256x128xf32, #tpu.memory_space<hbm>>
      tpu.wait_dma2 semaphore(%run_scoped3A_2434 : memref<!tpu.dma_semaphore, #tpu.memory_space<semaphore_mem>>) src(%dma_wait3A_2440 : memref<256x128xf32, #tpu.memory_space<hbm>>) dst(%arg6 : memref<256x128xf32, #tpu.memory_space<vmem>>)
      tpu.yield
    }) : () -> ()
    %scan3A_48 = arith.constant 0 : i32
    %scan3A_49 = arith.constant 256 : i32
    %scan3A_50 = arith.addi %scan3A_48, %scan3A_49 : i32
    %scan3A_51 = arith.constant 1 : i32
    %scan3A_52:32 = scf.for %scan3A_2434 = %scan3A_48 to %scan3A_50 step %scan3A_51 iter_args(%scan3A_2435 = %scan3A_41#0, %scan3A_2436 = %scan3A_41#1, %scan3A_2437 = %scan3A_41#2, %scan3A_2438 = %scan3A_41#3, %scan3A_2439 = %scan3A_41#4, %scan3A_2440 = %scan3A_41#5, %scan3A_2441 = %scan3A_41#6, %scan3A_2442 = %scan3A_41#7, %scan3A_2443 = %scan3A_41#8, %scan3A_2444 = %scan3A_41#9, %scan3A_2445 = %scan3A_41#10, %scan3A_2446 = %scan3A_41#11, %scan3A_2447 = %scan3A_41#12, %scan3A_2448 = %scan3A_41#13, %scan3A_2449 = %scan3A_41#14, %scan3A_2450 = %scan3A_41#15, %scan3A_2451 = %scan3A_41#16, %scan3A_2452 = %scan3A_41#17, %scan3A_2453 = %scan3A_41#18, %scan3A_2454 = %scan3A_41#19, %scan3A_2455 = %scan3A_41#20, %scan3A_2456 = %scan3A_41#21, %scan3A_2457 = %scan3A_41#22, %scan3A_2458 = %scan3A_41#23, %scan3A_2459 = %scan3A_41#24, %scan3A_2460 = %scan3A_41#25, %scan3A_2461 = %scan3A_41#26, %scan3A_2462 = %scan3A_41#27, %scan3A_2463 = %scan3A_41#28, %scan3A_2464 = %scan3A_41#29, %scan3A_2465 = %scan3A_41#30, %scan3A_2466 = %scan3A_41#31) -> (vector<16xf32>, vector<16xf32>, vector<16xf32>, vector<16xf32>, vector<16xf32>, vector<16xf32>, vector<16xf32>, vector<16xf32>, vector<16xf32>, vector<16xf32>, vector<16xf32>, vector<16xf32>, vector<16xf32>, vector<16xf32>, vector<16xf32>, vector<16xf32>, vector<16xf32>, vector<16xf32>, vector<16xf32>, vector<16xf32>, vector<16xf32>, vector<16xf32>, vector<16xf32>, vector<16xf32>, vector<16xf32>, vector<16xf32>, vector<16xf32>, vector<16xf32>, vector<16xf32>, vector<16xf32>, vector<16xf32>, vector<16xf32>)  : i32 {
      %add3A_2467 = arith.constant 256 : i32
      %add3A_2468 = arith.addi %add3A_2467, %scan3A_2434 : i32
      %get3A_2469 = arith.index_cast %add3A_2468 : i32 to index
      %get3A_2470 = arith.constant 0 : index
      %get3A_2471 = tpu.vector_load %arg7[%get3A_2469, %get3A_2470] {strides = array<i32>} : memref<512x16xf32, #tpu.memory_space<vmem>>, vector<1x16xf32>,
      %get3A_2472 = vector.shape_cast %get3A_2471 : vector<1x16xf32> to vector<16xf32>
      %slice3A_2473 = vector.extract_strided_slice %get3A_2472 {offsets = [0], sizes = [1], strides = [1]} : vector<16xf32> to vector<1xf32>
      %squeeze3A_2474 = vector.extract %slice3A_2473[0] : f32 from vector<1xf32>
      %slice3A_2475 = vector.extract_strided_slice %get3A_2472 {offsets = [1], sizes = [1], strides = [1]} : vector<16xf32> to vector<1xf32>
      %squeeze3A_2476 = vector.extract %slice3A_2475[0] : f32 from vector<1xf32>
      %slice3A_2477 = vector.extract_strided_slice %get3A_2472 {offsets = [2], sizes = [1], strides = [1]} : vector<16xf32> to vector<1xf32>
      %squeeze3A_2478 = vector.extract %slice3A_2477[0] : f32 from vector<1xf32>
      %slice3A_2479 = vector.extract_strided_slice %get3A_2472 {offsets = [3], sizes = [1], strides = [1]} : vector<16xf32> to vector<1xf32>
      %squeeze3A_2480 = vector.extract %slice3A_2479[0] : f32 from vector<1xf32>
      %get3A_2481 = arith.index_cast %scan3A_2434 : i32 to index
      %get3A_2482 = arith.constant 0 : index
      %get3A_2483 = tpu.vector_load %arg6[%get3A_2481, %get3A_2482] {strides = array<i32>} : memref<256x128xf32, #tpu.memory_space<vmem>>, vector<1x16xf32>,
      %get3A_2484 = vector.shape_cast %get3A_2483 : vector<1x16xf32> to vector<16xf32>
      %bitcast_convert_type3A = tpu.bitcast %get3A_2484 : vector<16xf32> -> vector<16xi32>
      %shift_right_logical3A = arith.constant 16 : i32
      %shift_right_logical3A_2485 = vector.broadcast %shift_right_logical3A : i32 to vector<16xi32>
      %shift_right_logical3A_2486 = arith.shrui %bitcast_convert_type3A, %shift_right_logical3A_2485 : vector<16xi32>
      %and3A_2487 = arith.constant 1 : i32
      %and3A_2488 = vector.broadcast %and3A_2487 : i32 to vector<16xi32>
      %and3A_2489 = arith.andi %shift_right_logical3A_2486, %and3A_2488 : vector<16xi32>
      %add3A_2490 = arith.constant 32767 : i32
      %add3A_2491 = vector.broadcast %add3A_2490 : i32 to vector<16xi32>
      %add3A_2492 = arith.addi %add3A_2491, %and3A_2489 : vector<16xi32>
      %add3A_2493 = arith.addi %bitcast_convert_type3A, %add3A_2492 : vector<16xi32>
      %and3A_2494 = arith.constant -65536 : i32
      %and3A_2495 = vector.broadcast %and3A_2494 : i32 to vector<16xi32>
      %and3A_2496 = arith.andi %add3A_2493, %and3A_2495 : vector<16xi32>
      %bitcast_convert_type3A_2497 = tpu.bitcast %and3A_2496 : vector<16xi32> -> vector<16xf32>
      %mul3A_2498 = vector.broadcast %squeeze3A_2474 : f32 to vector<16xf32>
      %mul3A_2499 = arith.mulf %mul3A_2498, %bitcast_convert_type3A_2497 : vector<16xf32>
      %add3A_2500 = arith.addf %scan3A_2435, %mul3A_2499 : vector<16xf32>
      %mul3A_2501 = vector.broadcast %squeeze3A_2476 : f32 to vector<16xf32>
      %mul3A_2502 = arith.mulf %mul3A_2501, %bitcast_convert_type3A_2497 : vector<16xf32>
      %add3A_2503 = arith.addf %scan3A_2436, %mul3A_2502 : vector<16xf32>
      %mul3A_2504 = vector.broadcast %squeeze3A_2478 : f32 to vector<16xf32>
      %mul3A_2505 = arith.mulf %mul3A_2504, %bitcast_convert_type3A_2497 : vector<16xf32>
      %add3A_2506 = arith.addf %scan3A_2437, %mul3A_2505 : vector<16xf32>
      %mul3A_2507 = vector.broadcast %squeeze3A_2480 : f32 to vector<16xf32>
      %mul3A_2508 = arith.mulf %mul3A_2507, %bitcast_convert_type3A_2497 : vector<16xf32>
      %add3A_2509 = arith.addf %scan3A_2438, %mul3A_2508 : vector<16xf32>
      %get3A_2510 = arith.index_cast %scan3A_2434 : i32 to index
      %get3A_2511 = arith.constant 16 : index
      %get3A_2512 = tpu.vector_load %arg6[%get3A_2510, %get3A_2511] {strides = array<i32>} : memref<256x128xf32, #tpu.memory_space<vmem>>, vector<1x16xf32>,
      %get3A_2513 = vector.shape_cast %get3A_2512 : vector<1x16xf32> to vector<16xf32>
      %bitcast_convert_type3A_2514 = tpu.bitcast %get3A_2513 : vector<16xf32> -> vector<16xi32>
      %shift_right_logical3A_2515 = arith.constant 16 : i32
      %shift_right_logical3A_2516 = vector.broadcast %shift_right_logical3A_2515 : i32 to vector<16xi32>
      %shift_right_logical3A_2517 = arith.shrui %bitcast_convert_type3A_2514, %shift_right_logical3A_2516 : vector<16xi32>
      %and3A_2518 = arith.constant 1 : i32
      %and3A_2519 = vector.broadcast %and3A_2518 : i32 to vector<16xi32>
      %and3A_2520 = arith.andi %shift_right_logical3A_2517, %and3A_2519 : vector<16xi32>
      %add3A_2521 = arith.constant 32767 : i32
      %add3A_2522 = vector.broadcast %add3A_2521 : i32 to vector<16xi32>
      %add3A_2523 = arith.addi %add3A_2522, %and3A_2520 : vector<16xi32>
      %add3A_2524 = arith.addi %bitcast_convert_type3A_2514, %add3A_2523 : vector<16xi32>
      %and3A_2525 = arith.constant -65536 : i32
      %and3A_2526 = vector.broadcast %and3A_2525 : i32 to vector<16xi32>
      %and3A_2527 = arith.andi %add3A_2524, %and3A_2526 : vector<16xi32>
      %bitcast_convert_type3A_2528 = tpu.bitcast %and3A_2527 : vector<16xi32> -> vector<16xf32>
      %mul3A_2529 = vector.broadcast %squeeze3A_2474 : f32 to vector<16xf32>
      %mul3A_2530 = arith.mulf %mul3A_2529, %bitcast_convert_type3A_2528 : vector<16xf32>
      %add3A_2531 = arith.addf %scan3A_2439, %mul3A_2530 : vector<16xf32>
      %mul3A_2532 = vector.broadcast %squeeze3A_2476 : f32 to vector<16xf32>
      %mul3A_2533 = arith.mulf %mul3A_2532, %bitcast_convert_type3A_2528 : vector<16xf32>
      %add3A_2534 = arith.addf %scan3A_2440, %mul3A_2533 : vector<16xf32>
      %mul3A_2535 = vector.broadcast %squeeze3A_2478 : f32 to vector<16xf32>
      %mul3A_2536 = arith.mulf %mul3A_2535, %bitcast_convert_type3A_2528 : vector<16xf32>
      %add3A_2537 = arith.addf %scan3A_2441, %mul3A_2536 : vector<16xf32>
      %mul3A_2538 = vector.broadcast %squeeze3A_2480 : f32 to vector<16xf32>
      %mul3A_2539 = arith.mulf %mul3A_2538, %bitcast_convert_type3A_2528 : vector<16xf32>
      %add3A_2540 = arith.addf %scan3A_2442, %mul3A_2539 : vector<16xf32>
      %get3A_2541 = arith.index_cast %scan3A_2434 : i32 to index
      %get3A_2542 = arith.constant 32 : index
      %get3A_2543 = tpu.vector_load %arg6[%get3A_2541, %get3A_2542] {strides = array<i32>} : memref<256x128xf32, #tpu.memory_space<vmem>>, vector<1x16xf32>,
      %get3A_2544 = vector.shape_cast %get3A_2543 : vector<1x16xf32> to vector<16xf32>
      %bitcast_convert_type3A_2545 = tpu.bitcast %get3A_2544 : vector<16xf32> -> vector<16xi32>
      %shift_right_logical3A_2546 = arith.constant 16 : i32
      %shift_right_logical3A_2547 = vector.broadcast %shift_right_logical3A_2546 : i32 to vector<16xi32>
      %shift_right_logical3A_2548 = arith.shrui %bitcast_convert_type3A_2545, %shift_right_logical3A_2547 : vector<16xi32>
      %and3A_2549 = arith.constant 1 : i32
      %and3A_2550 = vector.broadcast %and3A_2549 : i32 to vector<16xi32>
      %and3A_2551 = arith.andi %shift_right_logical3A_2548, %and3A_2550 : vector<16xi32>
      %add3A_2552 = arith.constant 32767 : i32
      %add3A_2553 = vector.broadcast %add3A_2552 : i32 to vector<16xi32>
      %add3A_2554 = arith.addi %add3A_2553, %and3A_2551 : vector<16xi32>
      %add3A_2555 = arith.addi %bitcast_convert_type3A_2545, %add3A_2554 : vector<16xi32>
      %and3A_2556 = arith.constant -65536 : i32
      %and3A_2557 = vector.broadcast %and3A_2556 : i32 to vector<16xi32>
      %and3A_2558 = arith.andi %add3A_2555, %and3A_2557 : vector<16xi32>
      %bitcast_convert_type3A_2559 = tpu.bitcast %and3A_2558 : vector<16xi32> -> vector<16xf32>
      %mul3A_2560 = vector.broadcast %squeeze3A_2474 : f32 to vector<16xf32>
      %mul3A_2561 = arith.mulf %mul3A_2560, %bitcast_convert_type3A_2559 : vector<16xf32>
      %add3A_2562 = arith.addf %scan3A_2443, %mul3A_2561 : vector<16xf32>
      %mul3A_2563 = vector.broadcast %squeeze3A_2476 : f32 to vector<16xf32>
      %mul3A_2564 = arith.mulf %mul3A_2563, %bitcast_convert_type3A_2559 : vector<16xf32>
      %add3A_2565 = arith.addf %scan3A_2444, %mul3A_2564 : vector<16xf32>
      %mul3A_2566 = vector.broadcast %squeeze3A_2478 : f32 to vector<16xf32>
      %mul3A_2567 = arith.mulf %mul3A_2566, %bitcast_convert_type3A_2559 : vector<16xf32>
      %add3A_2568 = arith.addf %scan3A_2445, %mul3A_2567 : vector<16xf32>
      %mul3A_2569 = vector.broadcast %squeeze3A_2480 : f32 to vector<16xf32>
      %mul3A_2570 = arith.mulf %mul3A_2569, %bitcast_convert_type3A_2559 : vector<16xf32>
      %add3A_2571 = arith.addf %scan3A_2446, %mul3A_2570 : vector<16xf32>
      %get3A_2572 = arith.index_cast %scan3A_2434 : i32 to index
      %get3A_2573 = arith.constant 48 : index
      %get3A_2574 = tpu.vector_load %arg6[%get3A_2572, %get3A_2573] {strides = array<i32>} : memref<256x128xf32, #tpu.memory_space<vmem>>, vector<1x16xf32>,
      %get3A_2575 = vector.shape_cast %get3A_2574 : vector<1x16xf32> to vector<16xf32>
      %bitcast_convert_type3A_2576 = tpu.bitcast %get3A_2575 : vector<16xf32> -> vector<16xi32>
      %shift_right_logical3A_2577 = arith.constant 16 : i32
      %shift_right_logical3A_2578 = vector.broadcast %shift_right_logical3A_2577 : i32 to vector<16xi32>
      %shift_right_logical3A_2579 = arith.shrui %bitcast_convert_type3A_2576, %shift_right_logical3A_2578 : vector<16xi32>
      %and3A_2580 = arith.constant 1 : i32
      %and3A_2581 = vector.broadcast %and3A_2580 : i32 to vector<16xi32>
      %and3A_2582 = arith.andi %shift_right_logical3A_2579, %and3A_2581 : vector<16xi32>
      %add3A_2583 = arith.constant 32767 : i32
      %add3A_2584 = vector.broadcast %add3A_2583 : i32 to vector<16xi32>
      %add3A_2585 = arith.addi %add3A_2584, %and3A_2582 : vector<16xi32>
      %add3A_2586 = arith.addi %bitcast_convert_type3A_2576, %add3A_2585 : vector<16xi32>
      %and3A_2587 = arith.constant -65536 : i32
      %and3A_2588 = vector.broadcast %and3A_2587 : i32 to vector<16xi32>
      %and3A_2589 = arith.andi %add3A_2586, %and3A_2588 : vector<16xi32>
      %bitcast_convert_type3A_2590 = tpu.bitcast %and3A_2589 : vector<16xi32> -> vector<16xf32>
      %mul3A_2591 = vector.broadcast %squeeze3A_2474 : f32 to vector<16xf32>
      %mul3A_2592 = arith.mulf %mul3A_2591, %bitcast_convert_type3A_2590 : vector<16xf32>
      %add3A_2593 = arith.addf %scan3A_2447, %mul3A_2592 : vector<16xf32>
      %mul3A_2594 = vector.broadcast %squeeze3A_2476 : f32 to vector<16xf32>
      %mul3A_2595 = arith.mulf %mul3A_2594, %bitcast_convert_type3A_2590 : vector<16xf32>
      %add3A_2596 = arith.addf %scan3A_2448, %mul3A_2595 : vector<16xf32>
      %mul3A_2597 = vector.broadcast %squeeze3A_2478 : f32 to vector<16xf32>
      %mul3A_2598 = arith.mulf %mul3A_2597, %bitcast_convert_type3A_2590 : vector<16xf32>
      %add3A_2599 = arith.addf %scan3A_2449, %mul3A_2598 : vector<16xf32>
      %mul3A_2600 = vector.broadcast %squeeze3A_2480 : f32 to vector<16xf32>
      %mul3A_2601 = arith.mulf %mul3A_2600, %bitcast_convert_type3A_2590 : vector<16xf32>
      %add3A_2602 = arith.addf %scan3A_2450, %mul3A_2601 : vector<16xf32>
      %get3A_2603 = arith.index_cast %scan3A_2434 : i32 to index
      %get3A_2604 = arith.constant 64 : index
      %get3A_2605 = tpu.vector_load %arg6[%get3A_2603, %get3A_2604] {strides = array<i32>} : memref<256x128xf32, #tpu.memory_space<vmem>>, vector<1x16xf32>,
      %get3A_2606 = vector.shape_cast %get3A_2605 : vector<1x16xf32> to vector<16xf32>
      %bitcast_convert_type3A_2607 = tpu.bitcast %get3A_2606 : vector<16xf32> -> vector<16xi32>
      %shift_right_logical3A_2608 = arith.constant 16 : i32
      %shift_right_logical3A_2609 = vector.broadcast %shift_right_logical3A_2608 : i32 to vector<16xi32>
      %shift_right_logical3A_2610 = arith.shrui %bitcast_convert_type3A_2607, %shift_right_logical3A_2609 : vector<16xi32>
      %and3A_2611 = arith.constant 1 : i32
      %and3A_2612 = vector.broadcast %and3A_2611 : i32 to vector<16xi32>
      %and3A_2613 = arith.andi %shift_right_logical3A_2610, %and3A_2612 : vector<16xi32>
      %add3A_2614 = arith.constant 32767 : i32
      %add3A_2615 = vector.broadcast %add3A_2614 : i32 to vector<16xi32>
      %add3A_2616 = arith.addi %add3A_2615, %and3A_2613 : vector<16xi32>
      %add3A_2617 = arith.addi %bitcast_convert_type3A_2607, %add3A_2616 : vector<16xi32>
      %and3A_2618 = arith.constant -65536 : i32
      %and3A_2619 = vector.broadcast %and3A_2618 : i32 to vector<16xi32>
      %and3A_2620 = arith.andi %add3A_2617, %and3A_2619 : vector<16xi32>
      %bitcast_convert_type3A_2621 = tpu.bitcast %and3A_2620 : vector<16xi32> -> vector<16xf32>
      %mul3A_2622 = vector.broadcast %squeeze3A_2474 : f32 to vector<16xf32>
      %mul3A_2623 = arith.mulf %mul3A_2622, %bitcast_convert_type3A_2621 : vector<16xf32>
      %add3A_2624 = arith.addf %scan3A_2451, %mul3A_2623 : vector<16xf32>
      %mul3A_2625 = vector.broadcast %squeeze3A_2476 : f32 to vector<16xf32>
      %mul3A_2626 = arith.mulf %mul3A_2625, %bitcast_convert_type3A_2621 : vector<16xf32>
      %add3A_2627 = arith.addf %scan3A_2452, %mul3A_2626 : vector<16xf32>
      %mul3A_2628 = vector.broadcast %squeeze3A_2478 : f32 to vector<16xf32>
      %mul3A_2629 = arith.mulf %mul3A_2628, %bitcast_convert_type3A_2621 : vector<16xf32>
      %add3A_2630 = arith.addf %scan3A_2453, %mul3A_2629 : vector<16xf32>
      %mul3A_2631 = vector.broadcast %squeeze3A_2480 : f32 to vector<16xf32>
      %mul3A_2632 = arith.mulf %mul3A_2631, %bitcast_convert_type3A_2621 : vector<16xf32>
      %add3A_2633 = arith.addf %scan3A_2454, %mul3A_2632 : vector<16xf32>
      %get3A_2634 = arith.index_cast %scan3A_2434 : i32 to index
      %get3A_2635 = arith.constant 80 : index
      %get3A_2636 = tpu.vector_load %arg6[%get3A_2634, %get3A_2635] {strides = array<i32>} : memref<256x128xf32, #tpu.memory_space<vmem>>, vector<1x16xf32>,
      %get3A_2637 = vector.shape_cast %get3A_2636 : vector<1x16xf32> to vector<16xf32>
      %bitcast_convert_type3A_2638 = tpu.bitcast %get3A_2637 : vector<16xf32> -> vector<16xi32>
      %shift_right_logical3A_2639 = arith.constant 16 : i32
      %shift_right_logical3A_2640 = vector.broadcast %shift_right_logical3A_2639 : i32 to vector<16xi32>
      %shift_right_logical3A_2641 = arith.shrui %bitcast_convert_type3A_2638, %shift_right_logical3A_2640 : vector<16xi32>
      %and3A_2642 = arith.constant 1 : i32
      %and3A_2643 = vector.broadcast %and3A_2642 : i32 to vector<16xi32>
      %and3A_2644 = arith.andi %shift_right_logical3A_2641, %and3A_2643 : vector<16xi32>
      %add3A_2645 = arith.constant 32767 : i32
      %add3A_2646 = vector.broadcast %add3A_2645 : i32 to vector<16xi32>
      %add3A_2647 = arith.addi %add3A_2646, %and3A_2644 : vector<16xi32>
      %add3A_2648 = arith.addi %bitcast_convert_type3A_2638, %add3A_2647 : vector<16xi32>
      %and3A_2649 = arith.constant -65536 : i32
      %and3A_2650 = vector.broadcast %and3A_2649 : i32 to vector<16xi32>
      %and3A_2651 = arith.andi %add3A_2648, %and3A_2650 : vector<16xi32>
      %bitcast_convert_type3A_2652 = tpu.bitcast %and3A_2651 : vector<16xi32> -> vector<16xf32>
      %mul3A_2653 = vector.broadcast %squeeze3A_2474 : f32 to vector<16xf32>
      %mul3A_2654 = arith.mulf %mul3A_2653, %bitcast_convert_type3A_2652 : vector<16xf32>
      %add3A_2655 = arith.addf %scan3A_2455, %mul3A_2654 : vector<16xf32>
      %mul3A_2656 = vector.broadcast %squeeze3A_2476 : f32 to vector<16xf32>
      %mul3A_2657 = arith.mulf %mul3A_2656, %bitcast_convert_type3A_2652 : vector<16xf32>
      %add3A_2658 = arith.addf %scan3A_2456, %mul3A_2657 : vector<16xf32>
      %mul3A_2659 = vector.broadcast %squeeze3A_2478 : f32 to vector<16xf32>
      %mul3A_2660 = arith.mulf %mul3A_2659, %bitcast_convert_type3A_2652 : vector<16xf32>
      %add3A_2661 = arith.addf %scan3A_2457, %mul3A_2660 : vector<16xf32>
      %mul3A_2662 = vector.broadcast %squeeze3A_2480 : f32 to vector<16xf32>
      %mul3A_2663 = arith.mulf %mul3A_2662, %bitcast_convert_type3A_2652 : vector<16xf32>
      %add3A_2664 = arith.addf %scan3A_2458, %mul3A_2663 : vector<16xf32>
      %get3A_2665 = arith.index_cast %scan3A_2434 : i32 to index
      %get3A_2666 = arith.constant 96 : index
      %get3A_2667 = tpu.vector_load %arg6[%get3A_2665, %get3A_2666] {strides = array<i32>} : memref<256x128xf32, #tpu.memory_space<vmem>>, vector<1x16xf32>,
      %get3A_2668 = vector.shape_cast %get3A_2667 : vector<1x16xf32> to vector<16xf32>
      %bitcast_convert_type3A_2669 = tpu.bitcast %get3A_2668 : vector<16xf32> -> vector<16xi32>
      %shift_right_logical3A_2670 = arith.constant 16 : i32
      %shift_right_logical3A_2671 = vector.broadcast %shift_right_logical3A_2670 : i32 to vector<16xi32>
      %shift_right_logical3A_2672 = arith.shrui %bitcast_convert_type3A_2669, %shift_right_logical3A_2671 : vector<16xi32>
      %and3A_2673 = arith.constant 1 : i32
      %and3A_2674 = vector.broadcast %and3A_2673 : i32 to vector<16xi32>
      %and3A_2675 = arith.andi %shift_right_logical3A_2672, %and3A_2674 : vector<16xi32>
      %add3A_2676 = arith.constant 32767 : i32
      %add3A_2677 = vector.broadcast %add3A_2676 : i32 to vector<16xi32>
      %add3A_2678 = arith.addi %add3A_2677, %and3A_2675 : vector<16xi32>
      %add3A_2679 = arith.addi %bitcast_convert_type3A_2669, %add3A_2678 : vector<16xi32>
      %and3A_2680 = arith.constant -65536 : i32
      %and3A_2681 = vector.broadcast %and3A_2680 : i32 to vector<16xi32>
      %and3A_2682 = arith.andi %add3A_2679, %and3A_2681 : vector<16xi32>
      %bitcast_convert_type3A_2683 = tpu.bitcast %and3A_2682 : vector<16xi32> -> vector<16xf32>
      %mul3A_2684 = vector.broadcast %squeeze3A_2474 : f32 to vector<16xf32>
      %mul3A_2685 = arith.mulf %mul3A_2684, %bitcast_convert_type3A_2683 : vector<16xf32>
      %add3A_2686 = arith.addf %scan3A_2459, %mul3A_2685 : vector<16xf32>
      %mul3A_2687 = vector.broadcast %squeeze3A_2476 : f32 to vector<16xf32>
      %mul3A_2688 = arith.mulf %mul3A_2687, %bitcast_convert_type3A_2683 : vector<16xf32>
      %add3A_2689 = arith.addf %scan3A_2460, %mul3A_2688 : vector<16xf32>
      %mul3A_2690 = vector.broadcast %squeeze3A_2478 : f32 to vector<16xf32>
      %mul3A_2691 = arith.mulf %mul3A_2690, %bitcast_convert_type3A_2683 : vector<16xf32>
      %add3A_2692 = arith.addf %scan3A_2461, %mul3A_2691 : vector<16xf32>
      %mul3A_2693 = vector.broadcast %squeeze3A_2480 : f32 to vector<16xf32>
      %mul3A_2694 = arith.mulf %mul3A_2693, %bitcast_convert_type3A_2683 : vector<16xf32>
      %add3A_2695 = arith.addf %scan3A_2462, %mul3A_2694 : vector<16xf32>
      %get3A_2696 = arith.index_cast %scan3A_2434 : i32 to index
      %get3A_2697 = arith.constant 112 : index
      %get3A_2698 = tpu.vector_load %arg6[%get3A_2696, %get3A_2697] {strides = array<i32>} : memref<256x128xf32, #tpu.memory_space<vmem>>, vector<1x16xf32>,
      %get3A_2699 = vector.shape_cast %get3A_2698 : vector<1x16xf32> to vector<16xf32>
      %bitcast_convert_type3A_2700 = tpu.bitcast %get3A_2699 : vector<16xf32> -> vector<16xi32>
      %shift_right_logical3A_2701 = arith.constant 16 : i32
      %shift_right_logical3A_2702 = vector.broadcast %shift_right_logical3A_2701 : i32 to vector<16xi32>
      %shift_right_logical3A_2703 = arith.shrui %bitcast_convert_type3A_2700, %shift_right_logical3A_2702 : vector<16xi32>
      %and3A_2704 = arith.constant 1 : i32
      %and3A_2705 = vector.broadcast %and3A_2704 : i32 to vector<16xi32>
      %and3A_2706 = arith.andi %shift_right_logical3A_2703, %and3A_2705 : vector<16xi32>
      %add3A_2707 = arith.constant 32767 : i32
      %add3A_2708 = vector.broadcast %add3A_2707 : i32 to vector<16xi32>
      %add3A_2709 = arith.addi %add3A_2708, %and3A_2706 : vector<16xi32>
      %add3A_2710 = arith.addi %bitcast_convert_type3A_2700, %add3A_2709 : vector<16xi32>
      %and3A_2711 = arith.constant -65536 : i32
      %and3A_2712 = vector.broadcast %and3A_2711 : i32 to vector<16xi32>
      %and3A_2713 = arith.andi %add3A_2710, %and3A_2712 : vector<16xi32>
      %bitcast_convert_type3A_2714 = tpu.bitcast %and3A_2713 : vector<16xi32> -> vector<16xf32>
      %mul3A_2715 = vector.broadcast %squeeze3A_2474 : f32 to vector<16xf32>
      %mul3A_2716 = arith.mulf %mul3A_2715, %bitcast_convert_type3A_2714 : vector<16xf32>
      %add3A_2717 = arith.addf %scan3A_2463, %mul3A_2716 : vector<16xf32>
      %mul3A_2718 = vector.broadcast %squeeze3A_2476 : f32 to vector<16xf32>
      %mul3A_2719 = arith.mulf %mul3A_2718, %bitcast_convert_type3A_2714 : vector<16xf32>
      %add3A_2720 = arith.addf %scan3A_2464, %mul3A_2719 : vector<16xf32>
      %mul3A_2721 = vector.broadcast %squeeze3A_2478 : f32 to vector<16xf32>
      %mul3A_2722 = arith.mulf %mul3A_2721, %bitcast_convert_type3A_2714 : vector<16xf32>
      %add3A_2723 = arith.addf %scan3A_2465, %mul3A_2722 : vector<16xf32>
      %mul3A_2724 = vector.broadcast %squeeze3A_2480 : f32 to vector<16xf32>
      %mul3A_2725 = arith.mulf %mul3A_2724, %bitcast_convert_type3A_2714 : vector<16xf32>
      %add3A_2726 = arith.addf %scan3A_2466, %mul3A_2725 : vector<16xf32>
      scf.yield %add3A_2500, %add3A_2503, %add3A_2506, %add3A_2509, %add3A_2531, %add3A_2534, %add3A_2537, %add3A_2540, %add3A_2562, %add3A_2565, %add3A_2568, %add3A_2571, %add3A_2593, %add3A_2596, %add3A_2599, %add3A_2602, %add3A_2624, %add3A_2627, %add3A_2630, %add3A_2633, %add3A_2655, %add3A_2658, %add3A_2661, %add3A_2664, %add3A_2686, %add3A_2689, %add3A_2692, %add3A_2695, %add3A_2717, %add3A_2720, %add3A_2723, %add3A_2726 : vector<16xf32>, vector<16xf32>, vector<16xf32>, vector<16xf32>, vector<16xf32>, vector<16xf32>, vector<16xf32>, vector<16xf32>, vector<16xf32>, vector<16xf32>, vector<16xf32>, vector<16xf32>, vector<16xf32>, vector<16xf32>, vector<16xf32>, vector<16xf32>, vector<16xf32>, vector<16xf32>, vector<16xf32>, vector<16xf32>, vector<16xf32>, vector<16xf32>, vector<16xf32>, vector<16xf32>, vector<16xf32>, vector<16xf32>, vector<16xf32>, vector<16xf32>, vector<16xf32>, vector<16xf32>, vector<16xf32>, vector<16xf32>
    }
    %scan3A_53 = arith.constant 256 : i32
    %get3A = arith.constant 0 : index
    %get3A_54 = tpu.vector_load %arg8[%get3A] {strides = array<i32>} : memref<16xf32, #tpu.memory_space<vmem>>, vector<16xf32>,
    %get3A_55 = vector.shape_cast %get3A_54 : vector<16xf32> to vector<16xf32>
    %slice3A = vector.extract_strided_slice %get3A_55 {offsets = [0], sizes = [1], strides = [1]} : vector<16xf32> to vector<1xf32>
    %squeeze3A = vector.extract %slice3A[0] : f32 from vector<1xf32>
    %add3A_56 = vector.broadcast %squeeze3A : f32 to vector<16xf32>
    %add3A_57 = arith.addf %scan3A_52#0, %add3A_56 : vector<16xf32>
    %mul3A_58 = arith.constant 2.000000e+00 : f32
    %mul3A_59 = vector.broadcast %mul3A_58 : f32 to vector<16xf32>
    %mul3A_60 = arith.mulf %mul3A_59, %add3A_57 : vector<16xf32>
    %min3A = arith.constant 6.000000e+01 : f32
    %min3A_61 = vector.broadcast %min3A : f32 to vector<16xf32>
    %min3A_62 = arith.minimumf %mul3A_60, %min3A_61 : vector<16xf32>
    %exp3A = math.exp %min3A_62 : vector<16xf32>
    %sub3A_63 = arith.constant 1.000000e+00 : f32
    %sub3A_64 = vector.broadcast %sub3A_63 : f32 to vector<16xf32>
    %sub3A_65 = arith.subf %exp3A, %sub3A_64 : vector<16xf32>
    %add3A_66 = arith.constant 1.000000e+00 : f32
    %add3A_67 = vector.broadcast %add3A_66 : f32 to vector<16xf32>
    %add3A_68 = arith.addf %exp3A, %add3A_67 : vector<16xf32>
    %div3A_69 = arith.divf %sub3A_65, %add3A_68 : vector<16xf32>
    %mul3A_70 = arith.constant 2.002000e+00 : f32
    %mul3A_71 = vector.broadcast %mul3A_70 : f32 to vector<16xf32>
    %mul3A_72 = arith.mulf %div3A_69, %mul3A_71 : vector<16xf32>
    %add3A_73 = arith.constant 0x4B400000 : f32
    %add3A_74 = vector.broadcast %add3A_73 : f32 to vector<16xf32>
    %add3A_75 = arith.addf %mul3A_72, %add3A_74 : vector<16xf32>
    %sub3A_76 = arith.constant 0x4B400000 : f32
    %sub3A_77 = vector.broadcast %sub3A_76 : f32 to vector<16xf32>
    %sub3A_78 = arith.subf %add3A_75, %sub3A_77 : vector<16xf32>
    %mul3A_79 = arith.constant 5.000000e-01 : f32
    %mul3A_80 = vector.broadcast %mul3A_79 : f32 to vector<16xf32>
    %mul3A_81 = arith.mulf %sub3A_78, %mul3A_80 : vector<16xf32>
    %sub3A_82 = arith.subf %add3A_57, %mul3A_81 : vector<16xf32>
    %mul3A_83 = arith.constant 4.000000e+00 : f32
    %mul3A_84 = vector.broadcast %mul3A_83 : f32 to vector<16xf32>
    %mul3A_85 = arith.mulf %sub3A_82, %mul3A_84 : vector<16xf32>
    %mul3A_86 = arith.constant 2.000000e+00 : f32
    %mul3A_87 = vector.broadcast %mul3A_86 : f32 to vector<16xf32>
    %mul3A_88 = arith.mulf %mul3A_87, %mul3A_85 : vector<16xf32>
    %min3A_89 = arith.constant 6.000000e+01 : f32
    %min3A_90 = vector.broadcast %min3A_89 : f32 to vector<16xf32>
    %min3A_91 = arith.minimumf %mul3A_88, %min3A_90 : vector<16xf32>
    %exp3A_92 = math.exp %min3A_91 : vector<16xf32>
    %sub3A_93 = arith.constant 1.000000e+00 : f32
    %sub3A_94 = vector.broadcast %sub3A_93 : f32 to vector<16xf32>
    %sub3A_95 = arith.subf %exp3A_92, %sub3A_94 : vector<16xf32>
    %add3A_96 = arith.constant 1.000000e+00 : f32
    %add3A_97 = vector.broadcast %add3A_96 : f32 to vector<16xf32>
    %add3A_98 = arith.addf %exp3A_92, %add3A_97 : vector<16xf32>
    %div3A_99 = arith.divf %sub3A_95, %add3A_98 : vector<16xf32>
    %mul3A_100 = arith.constant 2.002000e+00 : f32
    %mul3A_101 = vector.broadcast %mul3A_100 : f32 to vector<16xf32>
    %mul3A_102 = arith.mulf %div3A_99, %mul3A_101 : vector<16xf32>
    %add3A_103 = arith.constant 0x4B400000 : f32
    %add3A_104 = vector.broadcast %add3A_103 : f32 to vector<16xf32>
    %add3A_105 = arith.addf %mul3A_102, %add3A_104 : vector<16xf32>
    %sub3A_106 = arith.constant 0x4B400000 : f32
    %sub3A_107 = vector.broadcast %sub3A_106 : f32 to vector<16xf32>
    %sub3A_108 = arith.subf %add3A_105, %sub3A_107 : vector<16xf32>
    %add3A_109 = arith.constant 2.000000e+00 : f32
    %add3A_110 = vector.broadcast %add3A_109 : f32 to vector<16xf32>
    %add3A_111 = arith.addf %sub3A_78, %add3A_110 : vector<16xf32>
    %mul3A_112 = arith.constant 1.000000e+00 : f32
    %mul3A_113 = vector.broadcast %mul3A_112 : f32 to vector<16xf32>
    %mul3A_114 = arith.mulf %add3A_111, %mul3A_113 : vector<16xf32>
    %add3A_115 = arith.addf %broadcast_in_dim3A_33, %mul3A_114 : vector<16xf32>
    %add3A_116 = arith.constant 2.000000e+00 : f32
    %add3A_117 = vector.broadcast %add3A_116 : f32 to vector<16xf32>
    %add3A_118 = arith.addf %sub3A_108, %add3A_117 : vector<16xf32>
    %mul3A_119 = arith.constant 1.000000e+00 : f32
    %mul3A_120 = vector.broadcast %mul3A_119 : f32 to vector<16xf32>
    %mul3A_121 = arith.mulf %add3A_118, %mul3A_120 : vector<16xf32>
    %add3A_122 = arith.addf %broadcast_in_dim3A_33, %mul3A_121 : vector<16xf32>
    %slice3A_123 = vector.extract_strided_slice %get3A_55 {offsets = [1], sizes = [1], strides = [1]} : vector<16xf32> to vector<1xf32>
    %squeeze3A_124 = vector.extract %slice3A_123[0] : f32 from vector<1xf32>
    %add3A_125 = vector.broadcast %squeeze3A_124 : f32 to vector<16xf32>
    %add3A_126 = arith.addf %scan3A_52#1, %add3A_125 : vector<16xf32>
    %mul3A_127 = arith.constant 2.000000e+00 : f32
    %mul3A_128 = vector.broadcast %mul3A_127 : f32 to vector<16xf32>
    %mul3A_129 = arith.mulf %mul3A_128, %add3A_126 : vector<16xf32>
    %min3A_130 = arith.constant 6.000000e+01 : f32
    %min3A_131 = vector.broadcast %min3A_130 : f32 to vector<16xf32>
    %min3A_132 = arith.minimumf %mul3A_129, %min3A_131 : vector<16xf32>
    %exp3A_133 = math.exp %min3A_132 : vector<16xf32>
    %sub3A_134 = arith.constant 1.000000e+00 : f32
    %sub3A_135 = vector.broadcast %sub3A_134 : f32 to vector<16xf32>
    %sub3A_136 = arith.subf %exp3A_133, %sub3A_135 : vector<16xf32>
    %add3A_137 = arith.constant 1.000000e+00 : f32
    %add3A_138 = vector.broadcast %add3A_137 : f32 to vector<16xf32>
    %add3A_139 = arith.addf %exp3A_133, %add3A_138 : vector<16xf32>
    %div3A_140 = arith.divf %sub3A_136, %add3A_139 : vector<16xf32>
    %mul3A_141 = arith.constant 2.002000e+00 : f32
    %mul3A_142 = vector.broadcast %mul3A_141 : f32 to vector<16xf32>
    %mul3A_143 = arith.mulf %div3A_140, %mul3A_142 : vector<16xf32>
    %add3A_144 = arith.constant 0x4B400000 : f32
    %add3A_145 = vector.broadcast %add3A_144 : f32 to vector<16xf32>
    %add3A_146 = arith.addf %mul3A_143, %add3A_145 : vector<16xf32>
    %sub3A_147 = arith.constant 0x4B400000 : f32
    %sub3A_148 = vector.broadcast %sub3A_147 : f32 to vector<16xf32>
    %sub3A_149 = arith.subf %add3A_146, %sub3A_148 : vector<16xf32>
    %mul3A_150 = arith.constant 5.000000e-01 : f32
    %mul3A_151 = vector.broadcast %mul3A_150 : f32 to vector<16xf32>
    %mul3A_152 = arith.mulf %sub3A_149, %mul3A_151 : vector<16xf32>
    %sub3A_153 = arith.subf %add3A_126, %mul3A_152 : vector<16xf32>
    %mul3A_154 = arith.constant 4.000000e+00 : f32
    %mul3A_155 = vector.broadcast %mul3A_154 : f32 to vector<16xf32>
    %mul3A_156 = arith.mulf %sub3A_153, %mul3A_155 : vector<16xf32>
    %mul3A_157 = arith.constant 2.000000e+00 : f32
    %mul3A_158 = vector.broadcast %mul3A_157 : f32 to vector<16xf32>
    %mul3A_159 = arith.mulf %mul3A_158, %mul3A_156 : vector<16xf32>
    %min3A_160 = arith.constant 6.000000e+01 : f32
    %min3A_161 = vector.broadcast %min3A_160 : f32 to vector<16xf32>
    %min3A_162 = arith.minimumf %mul3A_159, %min3A_161 : vector<16xf32>
    %exp3A_163 = math.exp %min3A_162 : vector<16xf32>
    %sub3A_164 = arith.constant 1.000000e+00 : f32
    %sub3A_165 = vector.broadcast %sub3A_164 : f32 to vector<16xf32>
    %sub3A_166 = arith.subf %exp3A_163, %sub3A_165 : vector<16xf32>
    %add3A_167 = arith.constant 1.000000e+00 : f32
    %add3A_168 = vector.broadcast %add3A_167 : f32 to vector<16xf32>
    %add3A_169 = arith.addf %exp3A_163, %add3A_168 : vector<16xf32>
    %div3A_170 = arith.divf %sub3A_166, %add3A_169 : vector<16xf32>
    %mul3A_171 = arith.constant 2.002000e+00 : f32
    %mul3A_172 = vector.broadcast %mul3A_171 : f32 to vector<16xf32>
    %mul3A_173 = arith.mulf %div3A_170, %mul3A_172 : vector<16xf32>
    %add3A_174 = arith.constant 0x4B400000 : f32
    %add3A_175 = vector.broadcast %add3A_174 : f32 to vector<16xf32>
    %add3A_176 = arith.addf %mul3A_173, %add3A_175 : vector<16xf32>
    %sub3A_177 = arith.constant 0x4B400000 : f32
    %sub3A_178 = vector.broadcast %sub3A_177 : f32 to vector<16xf32>
    %sub3A_179 = arith.subf %add3A_176, %sub3A_178 : vector<16xf32>
    %add3A_180 = arith.constant 2.000000e+00 : f32
    %add3A_181 = vector.broadcast %add3A_180 : f32 to vector<16xf32>
    %add3A_182 = arith.addf %sub3A_149, %add3A_181 : vector<16xf32>
    %mul3A_183 = arith.constant 5.000000e+00 : f32
    %mul3A_184 = vector.broadcast %mul3A_183 : f32 to vector<16xf32>
    %mul3A_185 = arith.mulf %add3A_182, %mul3A_184 : vector<16xf32>
    %add3A_186 = arith.addf %add3A_115, %mul3A_185 : vector<16xf32>
    %add3A_187 = arith.constant 2.000000e+00 : f32
    %add3A_188 = vector.broadcast %add3A_187 : f32 to vector<16xf32>
    %add3A_189 = arith.addf %sub3A_179, %add3A_188 : vector<16xf32>
    %mul3A_190 = arith.constant 5.000000e+00 : f32
    %mul3A_191 = vector.broadcast %mul3A_190 : f32 to vector<16xf32>
    %mul3A_192 = arith.mulf %add3A_189, %mul3A_191 : vector<16xf32>
    %add3A_193 = arith.addf %add3A_122, %mul3A_192 : vector<16xf32>
    %slice3A_194 = vector.extract_strided_slice %get3A_55 {offsets = [2], sizes = [1], strides = [1]} : vector<16xf32> to vector<1xf32>
    %squeeze3A_195 = vector.extract %slice3A_194[0] : f32 from vector<1xf32>
    %add3A_196 = vector.broadcast %squeeze3A_195 : f32 to vector<16xf32>
    %add3A_197 = arith.addf %scan3A_52#2, %add3A_196 : vector<16xf32>
    %mul3A_198 = arith.constant 2.000000e+00 : f32
    %mul3A_199 = vector.broadcast %mul3A_198 : f32 to vector<16xf32>
    %mul3A_200 = arith.mulf %mul3A_199, %add3A_197 : vector<16xf32>
    %min3A_201 = arith.constant 6.000000e+01 : f32
    %min3A_202 = vector.broadcast %min3A_201 : f32 to vector<16xf32>
    %min3A_203 = arith.minimumf %mul3A_200, %min3A_202 : vector<16xf32>
    %exp3A_204 = math.exp %min3A_203 : vector<16xf32>
    %sub3A_205 = arith.constant 1.000000e+00 : f32
    %sub3A_206 = vector.broadcast %sub3A_205 : f32 to vector<16xf32>
    %sub3A_207 = arith.subf %exp3A_204, %sub3A_206 : vector<16xf32>
    %add3A_208 = arith.constant 1.000000e+00 : f32
    %add3A_209 = vector.broadcast %add3A_208 : f32 to vector<16xf32>
    %add3A_210 = arith.addf %exp3A_204, %add3A_209 : vector<16xf32>
    %div3A_211 = arith.divf %sub3A_207, %add3A_210 : vector<16xf32>
    %mul3A_212 = arith.constant 2.002000e+00 : f32
    %mul3A_213 = vector.broadcast %mul3A_212 : f32 to vector<16xf32>
    %mul3A_214 = arith.mulf %div3A_211, %mul3A_213 : vector<16xf32>
    %add3A_215 = arith.constant 0x4B400000 : f32
    %add3A_216 = vector.broadcast %add3A_215 : f32 to vector<16xf32>
    %add3A_217 = arith.addf %mul3A_214, %add3A_216 : vector<16xf32>
    %sub3A_218 = arith.constant 0x4B400000 : f32
    %sub3A_219 = vector.broadcast %sub3A_218 : f32 to vector<16xf32>
    %sub3A_220 = arith.subf %add3A_217, %sub3A_219 : vector<16xf32>
    %mul3A_221 = arith.constant 5.000000e-01 : f32
    %mul3A_222 = vector.broadcast %mul3A_221 : f32 to vector<16xf32>
    %mul3A_223 = arith.mulf %sub3A_220, %mul3A_222 : vector<16xf32>
    %sub3A_224 = arith.subf %add3A_197, %mul3A_223 : vector<16xf32>
    %mul3A_225 = arith.constant 4.000000e+00 : f32
    %mul3A_226 = vector.broadcast %mul3A_225 : f32 to vector<16xf32>
    %mul3A_227 = arith.mulf %sub3A_224, %mul3A_226 : vector<16xf32>
    %mul3A_228 = arith.constant 2.000000e+00 : f32
    %mul3A_229 = vector.broadcast %mul3A_228 : f32 to vector<16xf32>
    %mul3A_230 = arith.mulf %mul3A_229, %mul3A_227 : vector<16xf32>
    %min3A_231 = arith.constant 6.000000e+01 : f32
    %min3A_232 = vector.broadcast %min3A_231 : f32 to vector<16xf32>
    %min3A_233 = arith.minimumf %mul3A_230, %min3A_232 : vector<16xf32>
    %exp3A_234 = math.exp %min3A_233 : vector<16xf32>
    %sub3A_235 = arith.constant 1.000000e+00 : f32
    %sub3A_236 = vector.broadcast %sub3A_235 : f32 to vector<16xf32>
    %sub3A_237 = arith.subf %exp3A_234, %sub3A_236 : vector<16xf32>
    %add3A_238 = arith.constant 1.000000e+00 : f32
    %add3A_239 = vector.broadcast %add3A_238 : f32 to vector<16xf32>
    %add3A_240 = arith.addf %exp3A_234, %add3A_239 : vector<16xf32>
    %div3A_241 = arith.divf %sub3A_237, %add3A_240 : vector<16xf32>
    %mul3A_242 = arith.constant 2.002000e+00 : f32
    %mul3A_243 = vector.broadcast %mul3A_242 : f32 to vector<16xf32>
    %mul3A_244 = arith.mulf %div3A_241, %mul3A_243 : vector<16xf32>
    %add3A_245 = arith.constant 0x4B400000 : f32
    %add3A_246 = vector.broadcast %add3A_245 : f32 to vector<16xf32>
    %add3A_247 = arith.addf %mul3A_244, %add3A_246 : vector<16xf32>
    %sub3A_248 = arith.constant 0x4B400000 : f32
    %sub3A_249 = vector.broadcast %sub3A_248 : f32 to vector<16xf32>
    %sub3A_250 = arith.subf %add3A_247, %sub3A_249 : vector<16xf32>
    %add3A_251 = arith.constant 2.000000e+00 : f32
    %add3A_252 = vector.broadcast %add3A_251 : f32 to vector<16xf32>
    %add3A_253 = arith.addf %sub3A_220, %add3A_252 : vector<16xf32>
    %mul3A_254 = arith.constant 2.500000e+01 : f32
    %mul3A_255 = vector.broadcast %mul3A_254 : f32 to vector<16xf32>
    %mul3A_256 = arith.mulf %add3A_253, %mul3A_255 : vector<16xf32>
    %add3A_257 = arith.addf %add3A_186, %mul3A_256 : vector<16xf32>
    %add3A_258 = arith.constant 2.000000e+00 : f32
    %add3A_259 = vector.broadcast %add3A_258 : f32 to vector<16xf32>
    %add3A_260 = arith.addf %sub3A_250, %add3A_259 : vector<16xf32>
    %mul3A_261 = arith.constant 2.500000e+01 : f32
    %mul3A_262 = vector.broadcast %mul3A_261 : f32 to vector<16xf32>
    %mul3A_263 = arith.mulf %add3A_260, %mul3A_262 : vector<16xf32>
    %add3A_264 = arith.addf %add3A_193, %mul3A_263 : vector<16xf32>
    %slice3A_265 = vector.extract_strided_slice %get3A_55 {offsets = [3], sizes = [1], strides = [1]} : vector<16xf32> to vector<1xf32>
    %squeeze3A_266 = vector.extract %slice3A_265[0] : f32 from vector<1xf32>
    %add3A_267 = vector.broadcast %squeeze3A_266 : f32 to vector<16xf32>
    %add3A_268 = arith.addf %scan3A_52#3, %add3A_267 : vector<16xf32>
    %mul3A_269 = arith.constant 2.000000e+00 : f32
    %mul3A_270 = vector.broadcast %mul3A_269 : f32 to vector<16xf32>
    %mul3A_271 = arith.mulf %mul3A_270, %add3A_268 : vector<16xf32>
    %min3A_272 = arith.constant 6.000000e+01 : f32
    %min3A_273 = vector.broadcast %min3A_272 : f32 to vector<16xf32>
    %min3A_274 = arith.minimumf %mul3A_271, %min3A_273 : vector<16xf32>
    %exp3A_275 = math.exp %min3A_274 : vector<16xf32>
    %sub3A_276 = arith.constant 1.000000e+00 : f32
    %sub3A_277 = vector.broadcast %sub3A_276 : f32 to vector<16xf32>
    %sub3A_278 = arith.subf %exp3A_275, %sub3A_277 : vector<16xf32>
    %add3A_279 = arith.constant 1.000000e+00 : f32
    %add3A_280 = vector.broadcast %add3A_279 : f32 to vector<16xf32>
    %add3A_281 = arith.addf %exp3A_275, %add3A_280 : vector<16xf32>
    %div3A_282 = arith.divf %sub3A_278, %add3A_281 : vector<16xf32>
    %mul3A_283 = arith.constant 2.002000e+00 : f32
    %mul3A_284 = vector.broadcast %mul3A_283 : f32 to vector<16xf32>
    %mul3A_285 = arith.mulf %div3A_282, %mul3A_284 : vector<16xf32>
    %add3A_286 = arith.constant 0x4B400000 : f32
    %add3A_287 = vector.broadcast %add3A_286 : f32 to vector<16xf32>
    %add3A_288 = arith.addf %mul3A_285, %add3A_287 : vector<16xf32>
    %sub3A_289 = arith.constant 0x4B400000 : f32
    %sub3A_290 = vector.broadcast %sub3A_289 : f32 to vector<16xf32>
    %sub3A_291 = arith.subf %add3A_288, %sub3A_290 : vector<16xf32>
    %mul3A_292 = arith.constant 5.000000e-01 : f32
    %mul3A_293 = vector.broadcast %mul3A_292 : f32 to vector<16xf32>
    %mul3A_294 = arith.mulf %sub3A_291, %mul3A_293 : vector<16xf32>
    %sub3A_295 = arith.subf %add3A_268, %mul3A_294 : vector<16xf32>
    %mul3A_296 = arith.constant 4.000000e+00 : f32
    %mul3A_297 = vector.broadcast %mul3A_296 : f32 to vector<16xf32>
    %mul3A_298 = arith.mulf %sub3A_295, %mul3A_297 : vector<16xf32>
    %mul3A_299 = arith.constant 2.000000e+00 : f32
    %mul3A_300 = vector.broadcast %mul3A_299 : f32 to vector<16xf32>
    %mul3A_301 = arith.mulf %mul3A_300, %mul3A_298 : vector<16xf32>
    %min3A_302 = arith.constant 6.000000e+01 : f32
    %min3A_303 = vector.broadcast %min3A_302 : f32 to vector<16xf32>
    %min3A_304 = arith.minimumf %mul3A_301, %min3A_303 : vector<16xf32>
    %exp3A_305 = math.exp %min3A_304 : vector<16xf32>
    %sub3A_306 = arith.constant 1.000000e+00 : f32
    %sub3A_307 = vector.broadcast %sub3A_306 : f32 to vector<16xf32>
    %sub3A_308 = arith.subf %exp3A_305, %sub3A_307 : vector<16xf32>
    %add3A_309 = arith.constant 1.000000e+00 : f32
    %add3A_310 = vector.broadcast %add3A_309 : f32 to vector<16xf32>
    %add3A_311 = arith.addf %exp3A_305, %add3A_310 : vector<16xf32>
    %div3A_312 = arith.divf %sub3A_308, %add3A_311 : vector<16xf32>
    %mul3A_313 = arith.constant 2.002000e+00 : f32
    %mul3A_314 = vector.broadcast %mul3A_313 : f32 to vector<16xf32>
    %mul3A_315 = arith.mulf %div3A_312, %mul3A_314 : vector<16xf32>
    %add3A_316 = arith.constant 0x4B400000 : f32
    %add3A_317 = vector.broadcast %add3A_316 : f32 to vector<16xf32>
    %add3A_318 = arith.addf %mul3A_315, %add3A_317 : vector<16xf32>
    %sub3A_319 = arith.constant 0x4B400000 : f32
    %sub3A_320 = vector.broadcast %sub3A_319 : f32 to vector<16xf32>
    %sub3A_321 = arith.subf %add3A_318, %sub3A_320 : vector<16xf32>
    %add3A_322 = arith.constant 2.000000e+00 : f32
    %add3A_323 = vector.broadcast %add3A_322 : f32 to vector<16xf32>
    %add3A_324 = arith.addf %sub3A_291, %add3A_323 : vector<16xf32>
    %mul3A_325 = arith.constant 1.250000e+02 : f32
    %mul3A_326 = vector.broadcast %mul3A_325 : f32 to vector<16xf32>
    %mul3A_327 = arith.mulf %add3A_324, %mul3A_326 : vector<16xf32>
    %add3A_328 = arith.addf %add3A_257, %mul3A_327 : vector<16xf32>
    %add3A_329 = arith.constant 2.000000e+00 : f32
    %add3A_330 = vector.broadcast %add3A_329 : f32 to vector<16xf32>
    %add3A_331 = arith.addf %sub3A_321, %add3A_330 : vector<16xf32>
    %mul3A_332 = arith.constant 1.250000e+02 : f32
    %mul3A_333 = vector.broadcast %mul3A_332 : f32 to vector<16xf32>
    %mul3A_334 = arith.mulf %add3A_331, %mul3A_333 : vector<16xf32>
    %add3A_335 = arith.addf %add3A_264, %mul3A_334 : vector<16xf32>
    %convert_element_type3A = arith.fptosi %add3A_328 : vector<16xf32> to vector<16xi32>
    %swap3A = arith.constant 0 : i32
    %swap3A_336 = arith.index_cast %swap3A : i32 to index
    %swap3A_337 = arith.constant 0 : index
    %swap3A_338 = tpu.vector_load %arg9[%swap3A_336, %swap3A_337] {strides = array<i32>} : memref<2x128xi32, #tpu.memory_space<vmem>>, vector<1x16xi32>,
    %swap3A_339 = vector.shape_cast %swap3A_338 : vector<1x16xi32> to vector<16xi32>
    %swap3A_340 = vector.shape_cast %convert_element_type3A : vector<16xi32> to vector<1x16xi32>
    tpu.vector_store %arg9[%swap3A_336, %swap3A_337], %swap3A_340 {strides = array<i32>} : memref<2x128xi32, #tpu.memory_space<vmem>>, vector<1x16xi32>,
    %convert_element_type3A_341 = arith.fptosi %add3A_335 : vector<16xf32> to vector<16xi32>
    %swap3A_342 = arith.constant 1 : i32
    %swap3A_343 = arith.index_cast %swap3A_342 : i32 to index
    %swap3A_344 = arith.constant 0 : index
    %swap3A_345 = tpu.vector_load %arg9[%swap3A_343, %swap3A_344] {strides = array<i32>} : memref<2x128xi32, #tpu.memory_space<vmem>>, vector<1x16xi32>,
    %swap3A_346 = vector.shape_cast %swap3A_345 : vector<1x16xi32> to vector<16xi32>
    %swap3A_347 = vector.shape_cast %convert_element_type3A_341 : vector<16xi32> to vector<1x16xi32>
    tpu.vector_store %arg9[%swap3A_343, %swap3A_344], %swap3A_347 {strides = array<i32>} : memref<2x128xi32, #tpu.memory_space<vmem>>, vector<1x16xi32>,
    %slice3A_348 = vector.extract_strided_slice %get3A_55 {offsets = [0], sizes = [1], strides = [1]} : vector<16xf32> to vector<1xf32>
    %squeeze3A_349 = vector.extract %slice3A_348[0] : f32 from vector<1xf32>
    %add3A_350 = vector.broadcast %squeeze3A_349 : f32 to vector<16xf32>
    %add3A_351 = arith.addf %scan3A_52#4, %add3A_350 : vector<16xf32>
    %mul3A_352 = arith.constant 2.000000e+00 : f32
    %mul3A_353 = vector.broadcast %mul3A_352 : f32 to vector<16xf32>
    %mul3A_354 = arith.mulf %mul3A_353, %add3A_351 : vector<16xf32>
    %min3A_355 = arith.constant 6.000000e+01 : f32
    %min3A_356 = vector.broadcast %min3A_355 : f32 to vector<16xf32>
    %min3A_357 = arith.minimumf %mul3A_354, %min3A_356 : vector<16xf32>
    %exp3A_358 = math.exp %min3A_357 : vector<16xf32>
    %sub3A_359 = arith.constant 1.000000e+00 : f32
    %sub3A_360 = vector.broadcast %sub3A_359 : f32 to vector<16xf32>
    %sub3A_361 = arith.subf %exp3A_358, %sub3A_360 : vector<16xf32>
    %add3A_362 = arith.constant 1.000000e+00 : f32
    %add3A_363 = vector.broadcast %add3A_362 : f32 to vector<16xf32>
    %add3A_364 = arith.addf %exp3A_358, %add3A_363 : vector<16xf32>
    %div3A_365 = arith.divf %sub3A_361, %add3A_364 : vector<16xf32>
    %mul3A_366 = arith.constant 2.002000e+00 : f32
    %mul3A_367 = vector.broadcast %mul3A_366 : f32 to vector<16xf32>
    %mul3A_368 = arith.mulf %div3A_365, %mul3A_367 : vector<16xf32>
    %add3A_369 = arith.constant 0x4B400000 : f32
    %add3A_370 = vector.broadcast %add3A_369 : f32 to vector<16xf32>
    %add3A_371 = arith.addf %mul3A_368, %add3A_370 : vector<16xf32>
    %sub3A_372 = arith.constant 0x4B400000 : f32
    %sub3A_373 = vector.broadcast %sub3A_372 : f32 to vector<16xf32>
    %sub3A_374 = arith.subf %add3A_371, %sub3A_373 : vector<16xf32>
    %mul3A_375 = arith.constant 5.000000e-01 : f32
    %mul3A_376 = vector.broadcast %mul3A_375 : f32 to vector<16xf32>
    %mul3A_377 = arith.mulf %sub3A_374, %mul3A_376 : vector<16xf32>
    %sub3A_378 = arith.subf %add3A_351, %mul3A_377 : vector<16xf32>
    %mul3A_379 = arith.constant 4.000000e+00 : f32
    %mul3A_380 = vector.broadcast %mul3A_379 : f32 to vector<16xf32>
    %mul3A_381 = arith.mulf %sub3A_378, %mul3A_380 : vector<16xf32>
    %mul3A_382 = arith.constant 2.000000e+00 : f32
    %mul3A_383 = vector.broadcast %mul3A_382 : f32 to vector<16xf32>
    %mul3A_384 = arith.mulf %mul3A_383, %mul3A_381 : vector<16xf32>
    %min3A_385 = arith.constant 6.000000e+01 : f32
    %min3A_386 = vector.broadcast %min3A_385 : f32 to vector<16xf32>
    %min3A_387 = arith.minimumf %mul3A_384, %min3A_386 : vector<16xf32>
    %exp3A_388 = math.exp %min3A_387 : vector<16xf32>
    %sub3A_389 = arith.constant 1.000000e+00 : f32
    %sub3A_390 = vector.broadcast %sub3A_389 : f32 to vector<16xf32>
    %sub3A_391 = arith.subf %exp3A_388, %sub3A_390 : vector<16xf32>
    %add3A_392 = arith.constant 1.000000e+00 : f32
    %add3A_393 = vector.broadcast %add3A_392 : f32 to vector<16xf32>
    %add3A_394 = arith.addf %exp3A_388, %add3A_393 : vector<16xf32>
    %div3A_395 = arith.divf %sub3A_391, %add3A_394 : vector<16xf32>
    %mul3A_396 = arith.constant 2.002000e+00 : f32
    %mul3A_397 = vector.broadcast %mul3A_396 : f32 to vector<16xf32>
    %mul3A_398 = arith.mulf %div3A_395, %mul3A_397 : vector<16xf32>
    %add3A_399 = arith.constant 0x4B400000 : f32
    %add3A_400 = vector.broadcast %add3A_399 : f32 to vector<16xf32>
    %add3A_401 = arith.addf %mul3A_398, %add3A_400 : vector<16xf32>
    %sub3A_402 = arith.constant 0x4B400000 : f32
    %sub3A_403 = vector.broadcast %sub3A_402 : f32 to vector<16xf32>
    %sub3A_404 = arith.subf %add3A_401, %sub3A_403 : vector<16xf32>
    %add3A_405 = arith.constant 2.000000e+00 : f32
    %add3A_406 = vector.broadcast %add3A_405 : f32 to vector<16xf32>
    %add3A_407 = arith.addf %sub3A_374, %add3A_406 : vector<16xf32>
    %mul3A_408 = arith.constant 1.000000e+00 : f32
    %mul3A_409 = vector.broadcast %mul3A_408 : f32 to vector<16xf32>
    %mul3A_410 = arith.mulf %add3A_407, %mul3A_409 : vector<16xf32>
    %add3A_411 = arith.addf %broadcast_in_dim3A_33, %mul3A_410 : vector<16xf32>
    %add3A_412 = arith.constant 2.000000e+00 : f32
    %add3A_413 = vector.broadcast %add3A_412 : f32 to vector<16xf32>
    %add3A_414 = arith.addf %sub3A_404, %add3A_413 : vector<16xf32>
    %mul3A_415 = arith.constant 1.000000e+00 : f32
    %mul3A_416 = vector.broadcast %mul3A_415 : f32 to vector<16xf32>
    %mul3A_417 = arith.mulf %add3A_414, %mul3A_416 : vector<16xf32>
    %add3A_418 = arith.addf %broadcast_in_dim3A_33, %mul3A_417 : vector<16xf32>
    %slice3A_419 = vector.extract_strided_slice %get3A_55 {offsets = [1], sizes = [1], strides = [1]} : vector<16xf32> to vector<1xf32>
    %squeeze3A_420 = vector.extract %slice3A_419[0] : f32 from vector<1xf32>
    %add3A_421 = vector.broadcast %squeeze3A_420 : f32 to vector<16xf32>
    %add3A_422 = arith.addf %scan3A_52#5, %add3A_421 : vector<16xf32>
    %mul3A_423 = arith.constant 2.000000e+00 : f32
    %mul3A_424 = vector.broadcast %mul3A_423 : f32 to vector<16xf32>
    %mul3A_425 = arith.mulf %mul3A_424, %add3A_422 : vector<16xf32>
    %min3A_426 = arith.constant 6.000000e+01 : f32
    %min3A_427 = vector.broadcast %min3A_426 : f32 to vector<16xf32>
    %min3A_428 = arith.minimumf %mul3A_425, %min3A_427 : vector<16xf32>
    %exp3A_429 = math.exp %min3A_428 : vector<16xf32>
    %sub3A_430 = arith.constant 1.000000e+00 : f32
    %sub3A_431 = vector.broadcast %sub3A_430 : f32 to vector<16xf32>
    %sub3A_432 = arith.subf %exp3A_429, %sub3A_431 : vector<16xf32>
    %add3A_433 = arith.constant 1.000000e+00 : f32
    %add3A_434 = vector.broadcast %add3A_433 : f32 to vector<16xf32>
    %add3A_435 = arith.addf %exp3A_429, %add3A_434 : vector<16xf32>
    %div3A_436 = arith.divf %sub3A_432, %add3A_435 : vector<16xf32>
    %mul3A_437 = arith.constant 2.002000e+00 : f32
    %mul3A_438 = vector.broadcast %mul3A_437 : f32 to vector<16xf32>
    %mul3A_439 = arith.mulf %div3A_436, %mul3A_438 : vector<16xf32>
    %add3A_440 = arith.constant 0x4B400000 : f32
    %add3A_441 = vector.broadcast %add3A_440 : f32 to vector<16xf32>
    %add3A_442 = arith.addf %mul3A_439, %add3A_441 : vector<16xf32>
    %sub3A_443 = arith.constant 0x4B400000 : f32
    %sub3A_444 = vector.broadcast %sub3A_443 : f32 to vector<16xf32>
    %sub3A_445 = arith.subf %add3A_442, %sub3A_444 : vector<16xf32>
    %mul3A_446 = arith.constant 5.000000e-01 : f32
    %mul3A_447 = vector.broadcast %mul3A_446 : f32 to vector<16xf32>
    %mul3A_448 = arith.mulf %sub3A_445, %mul3A_447 : vector<16xf32>
    %sub3A_449 = arith.subf %add3A_422, %mul3A_448 : vector<16xf32>
    %mul3A_450 = arith.constant 4.000000e+00 : f32
    %mul3A_451 = vector.broadcast %mul3A_450 : f32 to vector<16xf32>
    %mul3A_452 = arith.mulf %sub3A_449, %mul3A_451 : vector<16xf32>
    %mul3A_453 = arith.constant 2.000000e+00 : f32
    %mul3A_454 = vector.broadcast %mul3A_453 : f32 to vector<16xf32>
    %mul3A_455 = arith.mulf %mul3A_454, %mul3A_452 : vector<16xf32>
    %min3A_456 = arith.constant 6.000000e+01 : f32
    %min3A_457 = vector.broadcast %min3A_456 : f32 to vector<16xf32>
    %min3A_458 = arith.minimumf %mul3A_455, %min3A_457 : vector<16xf32>
    %exp3A_459 = math.exp %min3A_458 : vector<16xf32>
    %sub3A_460 = arith.constant 1.000000e+00 : f32
    %sub3A_461 = vector.broadcast %sub3A_460 : f32 to vector<16xf32>
    %sub3A_462 = arith.subf %exp3A_459, %sub3A_461 : vector<16xf32>
    %add3A_463 = arith.constant 1.000000e+00 : f32
    %add3A_464 = vector.broadcast %add3A_463 : f32 to vector<16xf32>
    %add3A_465 = arith.addf %exp3A_459, %add3A_464 : vector<16xf32>
    %div3A_466 = arith.divf %sub3A_462, %add3A_465 : vector<16xf32>
    %mul3A_467 = arith.constant 2.002000e+00 : f32
    %mul3A_468 = vector.broadcast %mul3A_467 : f32 to vector<16xf32>
    %mul3A_469 = arith.mulf %div3A_466, %mul3A_468 : vector<16xf32>
    %add3A_470 = arith.constant 0x4B400000 : f32
    %add3A_471 = vector.broadcast %add3A_470 : f32 to vector<16xf32>
    %add3A_472 = arith.addf %mul3A_469, %add3A_471 : vector<16xf32>
    %sub3A_473 = arith.constant 0x4B400000 : f32
    %sub3A_474 = vector.broadcast %sub3A_473 : f32 to vector<16xf32>
    %sub3A_475 = arith.subf %add3A_472, %sub3A_474 : vector<16xf32>
    %add3A_476 = arith.constant 2.000000e+00 : f32
    %add3A_477 = vector.broadcast %add3A_476 : f32 to vector<16xf32>
    %add3A_478 = arith.addf %sub3A_445, %add3A_477 : vector<16xf32>
    %mul3A_479 = arith.constant 5.000000e+00 : f32
    %mul3A_480 = vector.broadcast %mul3A_479 : f32 to vector<16xf32>
    %mul3A_481 = arith.mulf %add3A_478, %mul3A_480 : vector<16xf32>
    %add3A_482 = arith.addf %add3A_411, %mul3A_481 : vector<16xf32>
    %add3A_483 = arith.constant 2.000000e+00 : f32
    %add3A_484 = vector.broadcast %add3A_483 : f32 to vector<16xf32>
    %add3A_485 = arith.addf %sub3A_475, %add3A_484 : vector<16xf32>
    %mul3A_486 = arith.constant 5.000000e+00 : f32
    %mul3A_487 = vector.broadcast %mul3A_486 : f32 to vector<16xf32>
    %mul3A_488 = arith.mulf %add3A_485, %mul3A_487 : vector<16xf32>
    %add3A_489 = arith.addf %add3A_418, %mul3A_488 : vector<16xf32>
    %slice3A_490 = vector.extract_strided_slice %get3A_55 {offsets = [2], sizes = [1], strides = [1]} : vector<16xf32> to vector<1xf32>
    %squeeze3A_491 = vector.extract %slice3A_490[0] : f32 from vector<1xf32>
    %add3A_492 = vector.broadcast %squeeze3A_491 : f32 to vector<16xf32>
    %add3A_493 = arith.addf %scan3A_52#6, %add3A_492 : vector<16xf32>
    %mul3A_494 = arith.constant 2.000000e+00 : f32
    %mul3A_495 = vector.broadcast %mul3A_494 : f32 to vector<16xf32>
    %mul3A_496 = arith.mulf %mul3A_495, %add3A_493 : vector<16xf32>
    %min3A_497 = arith.constant 6.000000e+01 : f32
    %min3A_498 = vector.broadcast %min3A_497 : f32 to vector<16xf32>
    %min3A_499 = arith.minimumf %mul3A_496, %min3A_498 : vector<16xf32>
    %exp3A_500 = math.exp %min3A_499 : vector<16xf32>
    %sub3A_501 = arith.constant 1.000000e+00 : f32
    %sub3A_502 = vector.broadcast %sub3A_501 : f32 to vector<16xf32>
    %sub3A_503 = arith.subf %exp3A_500, %sub3A_502 : vector<16xf32>
    %add3A_504 = arith.constant 1.000000e+00 : f32
    %add3A_505 = vector.broadcast %add3A_504 : f32 to vector<16xf32>
    %add3A_506 = arith.addf %exp3A_500, %add3A_505 : vector<16xf32>
    %div3A_507 = arith.divf %sub3A_503, %add3A_506 : vector<16xf32>
    %mul3A_508 = arith.constant 2.002000e+00 : f32
    %mul3A_509 = vector.broadcast %mul3A_508 : f32 to vector<16xf32>
    %mul3A_510 = arith.mulf %div3A_507, %mul3A_509 : vector<16xf32>
    %add3A_511 = arith.constant 0x4B400000 : f32
    %add3A_512 = vector.broadcast %add3A_511 : f32 to vector<16xf32>
    %add3A_513 = arith.addf %mul3A_510, %add3A_512 : vector<16xf32>
    %sub3A_514 = arith.constant 0x4B400000 : f32
    %sub3A_515 = vector.broadcast %sub3A_514 : f32 to vector<16xf32>
    %sub3A_516 = arith.subf %add3A_513, %sub3A_515 : vector<16xf32>
    %mul3A_517 = arith.constant 5.000000e-01 : f32
    %mul3A_518 = vector.broadcast %mul3A_517 : f32 to vector<16xf32>
    %mul3A_519 = arith.mulf %sub3A_516, %mul3A_518 : vector<16xf32>
    %sub3A_520 = arith.subf %add3A_493, %mul3A_519 : vector<16xf32>
    %mul3A_521 = arith.constant 4.000000e+00 : f32
    %mul3A_522 = vector.broadcast %mul3A_521 : f32 to vector<16xf32>
    %mul3A_523 = arith.mulf %sub3A_520, %mul3A_522 : vector<16xf32>
    %mul3A_524 = arith.constant 2.000000e+00 : f32
    %mul3A_525 = vector.broadcast %mul3A_524 : f32 to vector<16xf32>
    %mul3A_526 = arith.mulf %mul3A_525, %mul3A_523 : vector<16xf32>
    %min3A_527 = arith.constant 6.000000e+01 : f32
    %min3A_528 = vector.broadcast %min3A_527 : f32 to vector<16xf32>
    %min3A_529 = arith.minimumf %mul3A_526, %min3A_528 : vector<16xf32>
    %exp3A_530 = math.exp %min3A_529 : vector<16xf32>
    %sub3A_531 = arith.constant 1.000000e+00 : f32
    %sub3A_532 = vector.broadcast %sub3A_531 : f32 to vector<16xf32>
    %sub3A_533 = arith.subf %exp3A_530, %sub3A_532 : vector<16xf32>
    %add3A_534 = arith.constant 1.000000e+00 : f32
    %add3A_535 = vector.broadcast %add3A_534 : f32 to vector<16xf32>
    %add3A_536 = arith.addf %exp3A_530, %add3A_535 : vector<16xf32>
    %div3A_537 = arith.divf %sub3A_533, %add3A_536 : vector<16xf32>
    %mul3A_538 = arith.constant 2.002000e+00 : f32
    %mul3A_539 = vector.broadcast %mul3A_538 : f32 to vector<16xf32>
    %mul3A_540 = arith.mulf %div3A_537, %mul3A_539 : vector<16xf32>
    %add3A_541 = arith.constant 0x4B400000 : f32
    %add3A_542 = vector.broadcast %add3A_541 : f32 to vector<16xf32>
    %add3A_543 = arith.addf %mul3A_540, %add3A_542 : vector<16xf32>
    %sub3A_544 = arith.constant 0x4B400000 : f32
    %sub3A_545 = vector.broadcast %sub3A_544 : f32 to vector<16xf32>
    %sub3A_546 = arith.subf %add3A_543, %sub3A_545 : vector<16xf32>
    %add3A_547 = arith.constant 2.000000e+00 : f32
    %add3A_548 = vector.broadcast %add3A_547 : f32 to vector<16xf32>
    %add3A_549 = arith.addf %sub3A_516, %add3A_548 : vector<16xf32>
    %mul3A_550 = arith.constant 2.500000e+01 : f32
    %mul3A_551 = vector.broadcast %mul3A_550 : f32 to vector<16xf32>
    %mul3A_552 = arith.mulf %add3A_549, %mul3A_551 : vector<16xf32>
    %add3A_553 = arith.addf %add3A_482, %mul3A_552 : vector<16xf32>
    %add3A_554 = arith.constant 2.000000e+00 : f32
    %add3A_555 = vector.broadcast %add3A_554 : f32 to vector<16xf32>
    %add3A_556 = arith.addf %sub3A_546, %add3A_555 : vector<16xf32>
    %mul3A_557 = arith.constant 2.500000e+01 : f32
    %mul3A_558 = vector.broadcast %mul3A_557 : f32 to vector<16xf32>
    %mul3A_559 = arith.mulf %add3A_556, %mul3A_558 : vector<16xf32>
    %add3A_560 = arith.addf %add3A_489, %mul3A_559 : vector<16xf32>
    %slice3A_561 = vector.extract_strided_slice %get3A_55 {offsets = [3], sizes = [1], strides = [1]} : vector<16xf32> to vector<1xf32>
    %squeeze3A_562 = vector.extract %slice3A_561[0] : f32 from vector<1xf32>
    %add3A_563 = vector.broadcast %squeeze3A_562 : f32 to vector<16xf32>
    %add3A_564 = arith.addf %scan3A_52#7, %add3A_563 : vector<16xf32>
    %mul3A_565 = arith.constant 2.000000e+00 : f32
    %mul3A_566 = vector.broadcast %mul3A_565 : f32 to vector<16xf32>
    %mul3A_567 = arith.mulf %mul3A_566, %add3A_564 : vector<16xf32>
    %min3A_568 = arith.constant 6.000000e+01 : f32
    %min3A_569 = vector.broadcast %min3A_568 : f32 to vector<16xf32>
    %min3A_570 = arith.minimumf %mul3A_567, %min3A_569 : vector<16xf32>
    %exp3A_571 = math.exp %min3A_570 : vector<16xf32>
    %sub3A_572 = arith.constant 1.000000e+00 : f32
    %sub3A_573 = vector.broadcast %sub3A_572 : f32 to vector<16xf32>
    %sub3A_574 = arith.subf %exp3A_571, %sub3A_573 : vector<16xf32>
    %add3A_575 = arith.constant 1.000000e+00 : f32
    %add3A_576 = vector.broadcast %add3A_575 : f32 to vector<16xf32>
    %add3A_577 = arith.addf %exp3A_571, %add3A_576 : vector<16xf32>
    %div3A_578 = arith.divf %sub3A_574, %add3A_577 : vector<16xf32>
    %mul3A_579 = arith.constant 2.002000e+00 : f32
    %mul3A_580 = vector.broadcast %mul3A_579 : f32 to vector<16xf32>
    %mul3A_581 = arith.mulf %div3A_578, %mul3A_580 : vector<16xf32>
    %add3A_582 = arith.constant 0x4B400000 : f32
    %add3A_583 = vector.broadcast %add3A_582 : f32 to vector<16xf32>
    %add3A_584 = arith.addf %mul3A_581, %add3A_583 : vector<16xf32>
    %sub3A_585 = arith.constant 0x4B400000 : f32
    %sub3A_586 = vector.broadcast %sub3A_585 : f32 to vector<16xf32>
    %sub3A_587 = arith.subf %add3A_584, %sub3A_586 : vector<16xf32>
    %mul3A_588 = arith.constant 5.000000e-01 : f32
    %mul3A_589 = vector.broadcast %mul3A_588 : f32 to vector<16xf32>
    %mul3A_590 = arith.mulf %sub3A_587, %mul3A_589 : vector<16xf32>
    %sub3A_591 = arith.subf %add3A_564, %mul3A_590 : vector<16xf32>
    %mul3A_592 = arith.constant 4.000000e+00 : f32
    %mul3A_593 = vector.broadcast %mul3A_592 : f32 to vector<16xf32>
    %mul3A_594 = arith.mulf %sub3A_591, %mul3A_593 : vector<16xf32>
    %mul3A_595 = arith.constant 2.000000e+00 : f32
    %mul3A_596 = vector.broadcast %mul3A_595 : f32 to vector<16xf32>
    %mul3A_597 = arith.mulf %mul3A_596, %mul3A_594 : vector<16xf32>
    %min3A_598 = arith.constant 6.000000e+01 : f32
    %min3A_599 = vector.broadcast %min3A_598 : f32 to vector<16xf32>
    %min3A_600 = arith.minimumf %mul3A_597, %min3A_599 : vector<16xf32>
    %exp3A_601 = math.exp %min3A_600 : vector<16xf32>
    %sub3A_602 = arith.constant 1.000000e+00 : f32
    %sub3A_603 = vector.broadcast %sub3A_602 : f32 to vector<16xf32>
    %sub3A_604 = arith.subf %exp3A_601, %sub3A_603 : vector<16xf32>
    %add3A_605 = arith.constant 1.000000e+00 : f32
    %add3A_606 = vector.broadcast %add3A_605 : f32 to vector<16xf32>
    %add3A_607 = arith.addf %exp3A_601, %add3A_606 : vector<16xf32>
    %div3A_608 = arith.divf %sub3A_604, %add3A_607 : vector<16xf32>
    %mul3A_609 = arith.constant 2.002000e+00 : f32
    %mul3A_610 = vector.broadcast %mul3A_609 : f32 to vector<16xf32>
    %mul3A_611 = arith.mulf %div3A_608, %mul3A_610 : vector<16xf32>
    %add3A_612 = arith.constant 0x4B400000 : f32
    %add3A_613 = vector.broadcast %add3A_612 : f32 to vector<16xf32>
    %add3A_614 = arith.addf %mul3A_611, %add3A_613 : vector<16xf32>
    %sub3A_615 = arith.constant 0x4B400000 : f32
    %sub3A_616 = vector.broadcast %sub3A_615 : f32 to vector<16xf32>
    %sub3A_617 = arith.subf %add3A_614, %sub3A_616 : vector<16xf32>
    %add3A_618 = arith.constant 2.000000e+00 : f32
    %add3A_619 = vector.broadcast %add3A_618 : f32 to vector<16xf32>
    %add3A_620 = arith.addf %sub3A_587, %add3A_619 : vector<16xf32>
    %mul3A_621 = arith.constant 1.250000e+02 : f32
    %mul3A_622 = vector.broadcast %mul3A_621 : f32 to vector<16xf32>
    %mul3A_623 = arith.mulf %add3A_620, %mul3A_622 : vector<16xf32>
    %add3A_624 = arith.addf %add3A_553, %mul3A_623 : vector<16xf32>
    %add3A_625 = arith.constant 2.000000e+00 : f32
    %add3A_626 = vector.broadcast %add3A_625 : f32 to vector<16xf32>
    %add3A_627 = arith.addf %sub3A_617, %add3A_626 : vector<16xf32>
    %mul3A_628 = arith.constant 1.250000e+02 : f32
    %mul3A_629 = vector.broadcast %mul3A_628 : f32 to vector<16xf32>
    %mul3A_630 = arith.mulf %add3A_627, %mul3A_629 : vector<16xf32>
    %add3A_631 = arith.addf %add3A_560, %mul3A_630 : vector<16xf32>
    %convert_element_type3A_632 = arith.fptosi %add3A_624 : vector<16xf32> to vector<16xi32>
    %swap3A_633 = arith.constant 0 : i32
    %swap3A_634 = arith.index_cast %swap3A_633 : i32 to index
    %swap3A_635 = arith.constant 16 : index
    %swap3A_636 = tpu.vector_load %arg9[%swap3A_634, %swap3A_635] {strides = array<i32>} : memref<2x128xi32, #tpu.memory_space<vmem>>, vector<1x16xi32>,
    %swap3A_637 = vector.shape_cast %swap3A_636 : vector<1x16xi32> to vector<16xi32>
    %swap3A_638 = vector.shape_cast %convert_element_type3A_632 : vector<16xi32> to vector<1x16xi32>
    tpu.vector_store %arg9[%swap3A_634, %swap3A_635], %swap3A_638 {strides = array<i32>} : memref<2x128xi32, #tpu.memory_space<vmem>>, vector<1x16xi32>,
    %convert_element_type3A_639 = arith.fptosi %add3A_631 : vector<16xf32> to vector<16xi32>
    %swap3A_640 = arith.constant 1 : i32
    %swap3A_641 = arith.index_cast %swap3A_640 : i32 to index
    %swap3A_642 = arith.constant 16 : index
    %swap3A_643 = tpu.vector_load %arg9[%swap3A_641, %swap3A_642] {strides = array<i32>} : memref<2x128xi32, #tpu.memory_space<vmem>>, vector<1x16xi32>,
    %swap3A_644 = vector.shape_cast %swap3A_643 : vector<1x16xi32> to vector<16xi32>
    %swap3A_645 = vector.shape_cast %convert_element_type3A_639 : vector<16xi32> to vector<1x16xi32>
    tpu.vector_store %arg9[%swap3A_641, %swap3A_642], %swap3A_645 {strides = array<i32>} : memref<2x128xi32, #tpu.memory_space<vmem>>, vector<1x16xi32>,
    %slice3A_646 = vector.extract_strided_slice %get3A_55 {offsets = [0], sizes = [1], strides = [1]} : vector<16xf32> to vector<1xf32>
    %squeeze3A_647 = vector.extract %slice3A_646[0] : f32 from vector<1xf32>
    %add3A_648 = vector.broadcast %squeeze3A_647 : f32 to vector<16xf32>
    %add3A_649 = arith.addf %scan3A_52#8, %add3A_648 : vector<16xf32>
    %mul3A_650 = arith.constant 2.000000e+00 : f32
    %mul3A_651 = vector.broadcast %mul3A_650 : f32 to vector<16xf32>
    %mul3A_652 = arith.mulf %mul3A_651, %add3A_649 : vector<16xf32>
    %min3A_653 = arith.constant 6.000000e+01 : f32
    %min3A_654 = vector.broadcast %min3A_653 : f32 to vector<16xf32>
    %min3A_655 = arith.minimumf %mul3A_652, %min3A_654 : vector<16xf32>
    %exp3A_656 = math.exp %min3A_655 : vector<16xf32>
    %sub3A_657 = arith.constant 1.000000e+00 : f32
    %sub3A_658 = vector.broadcast %sub3A_657 : f32 to vector<16xf32>
    %sub3A_659 = arith.subf %exp3A_656, %sub3A_658 : vector<16xf32>
    %add3A_660 = arith.constant 1.000000e+00 : f32
    %add3A_661 = vector.broadcast %add3A_660 : f32 to vector<16xf32>
    %add3A_662 = arith.addf %exp3A_656, %add3A_661 : vector<16xf32>
    %div3A_663 = arith.divf %sub3A_659, %add3A_662 : vector<16xf32>
    %mul3A_664 = arith.constant 2.002000e+00 : f32
    %mul3A_665 = vector.broadcast %mul3A_664 : f32 to vector<16xf32>
    %mul3A_666 = arith.mulf %div3A_663, %mul3A_665 : vector<16xf32>
    %add3A_667 = arith.constant 0x4B400000 : f32
    %add3A_668 = vector.broadcast %add3A_667 : f32 to vector<16xf32>
    %add3A_669 = arith.addf %mul3A_666, %add3A_668 : vector<16xf32>
    %sub3A_670 = arith.constant 0x4B400000 : f32
    %sub3A_671 = vector.broadcast %sub3A_670 : f32 to vector<16xf32>
    %sub3A_672 = arith.subf %add3A_669, %sub3A_671 : vector<16xf32>
    %mul3A_673 = arith.constant 5.000000e-01 : f32
    %mul3A_674 = vector.broadcast %mul3A_673 : f32 to vector<16xf32>
    %mul3A_675 = arith.mulf %sub3A_672, %mul3A_674 : vector<16xf32>
    %sub3A_676 = arith.subf %add3A_649, %mul3A_675 : vector<16xf32>
    %mul3A_677 = arith.constant 4.000000e+00 : f32
    %mul3A_678 = vector.broadcast %mul3A_677 : f32 to vector<16xf32>
    %mul3A_679 = arith.mulf %sub3A_676, %mul3A_678 : vector<16xf32>
    %mul3A_680 = arith.constant 2.000000e+00 : f32
    %mul3A_681 = vector.broadcast %mul3A_680 : f32 to vector<16xf32>
    %mul3A_682 = arith.mulf %mul3A_681, %mul3A_679 : vector<16xf32>
    %min3A_683 = arith.constant 6.000000e+01 : f32
    %min3A_684 = vector.broadcast %min3A_683 : f32 to vector<16xf32>
    %min3A_685 = arith.minimumf %mul3A_682, %min3A_684 : vector<16xf32>
    %exp3A_686 = math.exp %min3A_685 : vector<16xf32>
    %sub3A_687 = arith.constant 1.000000e+00 : f32
    %sub3A_688 = vector.broadcast %sub3A_687 : f32 to vector<16xf32>
    %sub3A_689 = arith.subf %exp3A_686, %sub3A_688 : vector<16xf32>
    %add3A_690 = arith.constant 1.000000e+00 : f32
    %add3A_691 = vector.broadcast %add3A_690 : f32 to vector<16xf32>
    %add3A_692 = arith.addf %exp3A_686, %add3A_691 : vector<16xf32>
    %div3A_693 = arith.divf %sub3A_689, %add3A_692 : vector<16xf32>
    %mul3A_694 = arith.constant 2.002000e+00 : f32
    %mul3A_695 = vector.broadcast %mul3A_694 : f32 to vector<16xf32>
    %mul3A_696 = arith.mulf %div3A_693, %mul3A_695 : vector<16xf32>
    %add3A_697 = arith.constant 0x4B400000 : f32
    %add3A_698 = vector.broadcast %add3A_697 : f32 to vector<16xf32>
    %add3A_699 = arith.addf %mul3A_696, %add3A_698 : vector<16xf32>
    %sub3A_700 = arith.constant 0x4B400000 : f32
    %sub3A_701 = vector.broadcast %sub3A_700 : f32 to vector<16xf32>
    %sub3A_702 = arith.subf %add3A_699, %sub3A_701 : vector<16xf32>
    %add3A_703 = arith.constant 2.000000e+00 : f32
    %add3A_704 = vector.broadcast %add3A_703 : f32 to vector<16xf32>
    %add3A_705 = arith.addf %sub3A_672, %add3A_704 : vector<16xf32>
    %mul3A_706 = arith.constant 1.000000e+00 : f32
    %mul3A_707 = vector.broadcast %mul3A_706 : f32 to vector<16xf32>
    %mul3A_708 = arith.mulf %add3A_705, %mul3A_707 : vector<16xf32>
    %add3A_709 = arith.addf %broadcast_in_dim3A_33, %mul3A_708 : vector<16xf32>
    %add3A_710 = arith.constant 2.000000e+00 : f32
    %add3A_711 = vector.broadcast %add3A_710 : f32 to vector<16xf32>
    %add3A_712 = arith.addf %sub3A_702, %add3A_711 : vector<16xf32>
    %mul3A_713 = arith.constant 1.000000e+00 : f32
    %mul3A_714 = vector.broadcast %mul3A_713 : f32 to vector<16xf32>
    %mul3A_715 = arith.mulf %add3A_712, %mul3A_714 : vector<16xf32>
    %add3A_716 = arith.addf %broadcast_in_dim3A_33, %mul3A_715 : vector<16xf32>
    %slice3A_717 = vector.extract_strided_slice %get3A_55 {offsets = [1], sizes = [1], strides = [1]} : vector<16xf32> to vector<1xf32>
    %squeeze3A_718 = vector.extract %slice3A_717[0] : f32 from vector<1xf32>
    %add3A_719 = vector.broadcast %squeeze3A_718 : f32 to vector<16xf32>
    %add3A_720 = arith.addf %scan3A_52#9, %add3A_719 : vector<16xf32>
    %mul3A_721 = arith.constant 2.000000e+00 : f32
    %mul3A_722 = vector.broadcast %mul3A_721 : f32 to vector<16xf32>
    %mul3A_723 = arith.mulf %mul3A_722, %add3A_720 : vector<16xf32>
    %min3A_724 = arith.constant 6.000000e+01 : f32
    %min3A_725 = vector.broadcast %min3A_724 : f32 to vector<16xf32>
    %min3A_726 = arith.minimumf %mul3A_723, %min3A_725 : vector<16xf32>
    %exp3A_727 = math.exp %min3A_726 : vector<16xf32>
    %sub3A_728 = arith.constant 1.000000e+00 : f32
    %sub3A_729 = vector.broadcast %sub3A_728 : f32 to vector<16xf32>
    %sub3A_730 = arith.subf %exp3A_727, %sub3A_729 : vector<16xf32>
    %add3A_731 = arith.constant 1.000000e+00 : f32
    %add3A_732 = vector.broadcast %add3A_731 : f32 to vector<16xf32>
    %add3A_733 = arith.addf %exp3A_727, %add3A_732 : vector<16xf32>
    %div3A_734 = arith.divf %sub3A_730, %add3A_733 : vector<16xf32>
    %mul3A_735 = arith.constant 2.002000e+00 : f32
    %mul3A_736 = vector.broadcast %mul3A_735 : f32 to vector<16xf32>
    %mul3A_737 = arith.mulf %div3A_734, %mul3A_736 : vector<16xf32>
    %add3A_738 = arith.constant 0x4B400000 : f32
    %add3A_739 = vector.broadcast %add3A_738 : f32 to vector<16xf32>
    %add3A_740 = arith.addf %mul3A_737, %add3A_739 : vector<16xf32>
    %sub3A_741 = arith.constant 0x4B400000 : f32
    %sub3A_742 = vector.broadcast %sub3A_741 : f32 to vector<16xf32>
    %sub3A_743 = arith.subf %add3A_740, %sub3A_742 : vector<16xf32>
    %mul3A_744 = arith.constant 5.000000e-01 : f32
    %mul3A_745 = vector.broadcast %mul3A_744 : f32 to vector<16xf32>
    %mul3A_746 = arith.mulf %sub3A_743, %mul3A_745 : vector<16xf32>
    %sub3A_747 = arith.subf %add3A_720, %mul3A_746 : vector<16xf32>
    %mul3A_748 = arith.constant 4.000000e+00 : f32
    %mul3A_749 = vector.broadcast %mul3A_748 : f32 to vector<16xf32>
    %mul3A_750 = arith.mulf %sub3A_747, %mul3A_749 : vector<16xf32>
    %mul3A_751 = arith.constant 2.000000e+00 : f32
    %mul3A_752 = vector.broadcast %mul3A_751 : f32 to vector<16xf32>
    %mul3A_753 = arith.mulf %mul3A_752, %mul3A_750 : vector<16xf32>
    %min3A_754 = arith.constant 6.000000e+01 : f32
    %min3A_755 = vector.broadcast %min3A_754 : f32 to vector<16xf32>
    %min3A_756 = arith.minimumf %mul3A_753, %min3A_755 : vector<16xf32>
    %exp3A_757 = math.exp %min3A_756 : vector<16xf32>
    %sub3A_758 = arith.constant 1.000000e+00 : f32
    %sub3A_759 = vector.broadcast %sub3A_758 : f32 to vector<16xf32>
    %sub3A_760 = arith.subf %exp3A_757, %sub3A_759 : vector<16xf32>
    %add3A_761 = arith.constant 1.000000e+00 : f32
    %add3A_762 = vector.broadcast %add3A_761 : f32 to vector<16xf32>
    %add3A_763 = arith.addf %exp3A_757, %add3A_762 : vector<16xf32>
    %div3A_764 = arith.divf %sub3A_760, %add3A_763 : vector<16xf32>
    %mul3A_765 = arith.constant 2.002000e+00 : f32
    %mul3A_766 = vector.broadcast %mul3A_765 : f32 to vector<16xf32>
    %mul3A_767 = arith.mulf %div3A_764, %mul3A_766 : vector<16xf32>
    %add3A_768 = arith.constant 0x4B400000 : f32
    %add3A_769 = vector.broadcast %add3A_768 : f32 to vector<16xf32>
    %add3A_770 = arith.addf %mul3A_767, %add3A_769 : vector<16xf32>
    %sub3A_771 = arith.constant 0x4B400000 : f32
    %sub3A_772 = vector.broadcast %sub3A_771 : f32 to vector<16xf32>
    %sub3A_773 = arith.subf %add3A_770, %sub3A_772 : vector<16xf32>
    %add3A_774 = arith.constant 2.000000e+00 : f32
    %add3A_775 = vector.broadcast %add3A_774 : f32 to vector<16xf32>
    %add3A_776 = arith.addf %sub3A_743, %add3A_775 : vector<16xf32>
    %mul3A_777 = arith.constant 5.000000e+00 : f32
    %mul3A_778 = vector.broadcast %mul3A_777 : f32 to vector<16xf32>
    %mul3A_779 = arith.mulf %add3A_776, %mul3A_778 : vector<16xf32>
    %add3A_780 = arith.addf %add3A_709, %mul3A_779 : vector<16xf32>
    %add3A_781 = arith.constant 2.000000e+00 : f32
    %add3A_782 = vector.broadcast %add3A_781 : f32 to vector<16xf32>
    %add3A_783 = arith.addf %sub3A_773, %add3A_782 : vector<16xf32>
    %mul3A_784 = arith.constant 5.000000e+00 : f32
    %mul3A_785 = vector.broadcast %mul3A_784 : f32 to vector<16xf32>
    %mul3A_786 = arith.mulf %add3A_783, %mul3A_785 : vector<16xf32>
    %add3A_787 = arith.addf %add3A_716, %mul3A_786 : vector<16xf32>
    %slice3A_788 = vector.extract_strided_slice %get3A_55 {offsets = [2], sizes = [1], strides = [1]} : vector<16xf32> to vector<1xf32>
    %squeeze3A_789 = vector.extract %slice3A_788[0] : f32 from vector<1xf32>
    %add3A_790 = vector.broadcast %squeeze3A_789 : f32 to vector<16xf32>
    %add3A_791 = arith.addf %scan3A_52#10, %add3A_790 : vector<16xf32>
    %mul3A_792 = arith.constant 2.000000e+00 : f32
    %mul3A_793 = vector.broadcast %mul3A_792 : f32 to vector<16xf32>
    %mul3A_794 = arith.mulf %mul3A_793, %add3A_791 : vector<16xf32>
    %min3A_795 = arith.constant 6.000000e+01 : f32
    %min3A_796 = vector.broadcast %min3A_795 : f32 to vector<16xf32>
    %min3A_797 = arith.minimumf %mul3A_794, %min3A_796 : vector<16xf32>
    %exp3A_798 = math.exp %min3A_797 : vector<16xf32>
    %sub3A_799 = arith.constant 1.000000e+00 : f32
    %sub3A_800 = vector.broadcast %sub3A_799 : f32 to vector<16xf32>
    %sub3A_801 = arith.subf %exp3A_798, %sub3A_800 : vector<16xf32>
    %add3A_802 = arith.constant 1.000000e+00 : f32
    %add3A_803 = vector.broadcast %add3A_802 : f32 to vector<16xf32>
    %add3A_804 = arith.addf %exp3A_798, %add3A_803 : vector<16xf32>
    %div3A_805 = arith.divf %sub3A_801, %add3A_804 : vector<16xf32>
    %mul3A_806 = arith.constant 2.002000e+00 : f32
    %mul3A_807 = vector.broadcast %mul3A_806 : f32 to vector<16xf32>
    %mul3A_808 = arith.mulf %div3A_805, %mul3A_807 : vector<16xf32>
    %add3A_809 = arith.constant 0x4B400000 : f32
    %add3A_810 = vector.broadcast %add3A_809 : f32 to vector<16xf32>
    %add3A_811 = arith.addf %mul3A_808, %add3A_810 : vector<16xf32>
    %sub3A_812 = arith.constant 0x4B400000 : f32
    %sub3A_813 = vector.broadcast %sub3A_812 : f32 to vector<16xf32>
    %sub3A_814 = arith.subf %add3A_811, %sub3A_813 : vector<16xf32>
    %mul3A_815 = arith.constant 5.000000e-01 : f32
    %mul3A_816 = vector.broadcast %mul3A_815 : f32 to vector<16xf32>
    %mul3A_817 = arith.mulf %sub3A_814, %mul3A_816 : vector<16xf32>
    %sub3A_818 = arith.subf %add3A_791, %mul3A_817 : vector<16xf32>
    %mul3A_819 = arith.constant 4.000000e+00 : f32
    %mul3A_820 = vector.broadcast %mul3A_819 : f32 to vector<16xf32>
    %mul3A_821 = arith.mulf %sub3A_818, %mul3A_820 : vector<16xf32>
    %mul3A_822 = arith.constant 2.000000e+00 : f32
    %mul3A_823 = vector.broadcast %mul3A_822 : f32 to vector<16xf32>
    %mul3A_824 = arith.mulf %mul3A_823, %mul3A_821 : vector<16xf32>
    %min3A_825 = arith.constant 6.000000e+01 : f32
    %min3A_826 = vector.broadcast %min3A_825 : f32 to vector<16xf32>
    %min3A_827 = arith.minimumf %mul3A_824, %min3A_826 : vector<16xf32>
    %exp3A_828 = math.exp %min3A_827 : vector<16xf32>
    %sub3A_829 = arith.constant 1.000000e+00 : f32
    %sub3A_830 = vector.broadcast %sub3A_829 : f32 to vector<16xf32>
    %sub3A_831 = arith.subf %exp3A_828, %sub3A_830 : vector<16xf32>
    %add3A_832 = arith.constant 1.000000e+00 : f32
    %add3A_833 = vector.broadcast %add3A_832 : f32 to vector<16xf32>
    %add3A_834 = arith.addf %exp3A_828, %add3A_833 : vector<16xf32>
    %div3A_835 = arith.divf %sub3A_831, %add3A_834 : vector<16xf32>
    %mul3A_836 = arith.constant 2.002000e+00 : f32
    %mul3A_837 = vector.broadcast %mul3A_836 : f32 to vector<16xf32>
    %mul3A_838 = arith.mulf %div3A_835, %mul3A_837 : vector<16xf32>
    %add3A_839 = arith.constant 0x4B400000 : f32
    %add3A_840 = vector.broadcast %add3A_839 : f32 to vector<16xf32>
    %add3A_841 = arith.addf %mul3A_838, %add3A_840 : vector<16xf32>
    %sub3A_842 = arith.constant 0x4B400000 : f32
    %sub3A_843 = vector.broadcast %sub3A_842 : f32 to vector<16xf32>
    %sub3A_844 = arith.subf %add3A_841, %sub3A_843 : vector<16xf32>
    %add3A_845 = arith.constant 2.000000e+00 : f32
    %add3A_846 = vector.broadcast %add3A_845 : f32 to vector<16xf32>
    %add3A_847 = arith.addf %sub3A_814, %add3A_846 : vector<16xf32>
    %mul3A_848 = arith.constant 2.500000e+01 : f32
    %mul3A_849 = vector.broadcast %mul3A_848 : f32 to vector<16xf32>
    %mul3A_850 = arith.mulf %add3A_847, %mul3A_849 : vector<16xf32>
    %add3A_851 = arith.addf %add3A_780, %mul3A_850 : vector<16xf32>
    %add3A_852 = arith.constant 2.000000e+00 : f32
    %add3A_853 = vector.broadcast %add3A_852 : f32 to vector<16xf32>
    %add3A_854 = arith.addf %sub3A_844, %add3A_853 : vector<16xf32>
    %mul3A_855 = arith.constant 2.500000e+01 : f32
    %mul3A_856 = vector.broadcast %mul3A_855 : f32 to vector<16xf32>
    %mul3A_857 = arith.mulf %add3A_854, %mul3A_856 : vector<16xf32>
    %add3A_858 = arith.addf %add3A_787, %mul3A_857 : vector<16xf32>
    %slice3A_859 = vector.extract_strided_slice %get3A_55 {offsets = [3], sizes = [1], strides = [1]} : vector<16xf32> to vector<1xf32>
    %squeeze3A_860 = vector.extract %slice3A_859[0] : f32 from vector<1xf32>
    %add3A_861 = vector.broadcast %squeeze3A_860 : f32 to vector<16xf32>
    %add3A_862 = arith.addf %scan3A_52#11, %add3A_861 : vector<16xf32>
    %mul3A_863 = arith.constant 2.000000e+00 : f32
    %mul3A_864 = vector.broadcast %mul3A_863 : f32 to vector<16xf32>
    %mul3A_865 = arith.mulf %mul3A_864, %add3A_862 : vector<16xf32>
    %min3A_866 = arith.constant 6.000000e+01 : f32
    %min3A_867 = vector.broadcast %min3A_866 : f32 to vector<16xf32>
    %min3A_868 = arith.minimumf %mul3A_865, %min3A_867 : vector<16xf32>
    %exp3A_869 = math.exp %min3A_868 : vector<16xf32>
    %sub3A_870 = arith.constant 1.000000e+00 : f32
    %sub3A_871 = vector.broadcast %sub3A_870 : f32 to vector<16xf32>
    %sub3A_872 = arith.subf %exp3A_869, %sub3A_871 : vector<16xf32>
    %add3A_873 = arith.constant 1.000000e+00 : f32
    %add3A_874 = vector.broadcast %add3A_873 : f32 to vector<16xf32>
    %add3A_875 = arith.addf %exp3A_869, %add3A_874 : vector<16xf32>
    %div3A_876 = arith.divf %sub3A_872, %add3A_875 : vector<16xf32>
    %mul3A_877 = arith.constant 2.002000e+00 : f32
    %mul3A_878 = vector.broadcast %mul3A_877 : f32 to vector<16xf32>
    %mul3A_879 = arith.mulf %div3A_876, %mul3A_878 : vector<16xf32>
    %add3A_880 = arith.constant 0x4B400000 : f32
    %add3A_881 = vector.broadcast %add3A_880 : f32 to vector<16xf32>
    %add3A_882 = arith.addf %mul3A_879, %add3A_881 : vector<16xf32>
    %sub3A_883 = arith.constant 0x4B400000 : f32
    %sub3A_884 = vector.broadcast %sub3A_883 : f32 to vector<16xf32>
    %sub3A_885 = arith.subf %add3A_882, %sub3A_884 : vector<16xf32>
    %mul3A_886 = arith.constant 5.000000e-01 : f32
    %mul3A_887 = vector.broadcast %mul3A_886 : f32 to vector<16xf32>
    %mul3A_888 = arith.mulf %sub3A_885, %mul3A_887 : vector<16xf32>
    %sub3A_889 = arith.subf %add3A_862, %mul3A_888 : vector<16xf32>
    %mul3A_890 = arith.constant 4.000000e+00 : f32
    %mul3A_891 = vector.broadcast %mul3A_890 : f32 to vector<16xf32>
    %mul3A_892 = arith.mulf %sub3A_889, %mul3A_891 : vector<16xf32>
    %mul3A_893 = arith.constant 2.000000e+00 : f32
    %mul3A_894 = vector.broadcast %mul3A_893 : f32 to vector<16xf32>
    %mul3A_895 = arith.mulf %mul3A_894, %mul3A_892 : vector<16xf32>
    %min3A_896 = arith.constant 6.000000e+01 : f32
    %min3A_897 = vector.broadcast %min3A_896 : f32 to vector<16xf32>
    %min3A_898 = arith.minimumf %mul3A_895, %min3A_897 : vector<16xf32>
    %exp3A_899 = math.exp %min3A_898 : vector<16xf32>
    %sub3A_900 = arith.constant 1.000000e+00 : f32
    %sub3A_901 = vector.broadcast %sub3A_900 : f32 to vector<16xf32>
    %sub3A_902 = arith.subf %exp3A_899, %sub3A_901 : vector<16xf32>
    %add3A_903 = arith.constant 1.000000e+00 : f32
    %add3A_904 = vector.broadcast %add3A_903 : f32 to vector<16xf32>
    %add3A_905 = arith.addf %exp3A_899, %add3A_904 : vector<16xf32>
    %div3A_906 = arith.divf %sub3A_902, %add3A_905 : vector<16xf32>
    %mul3A_907 = arith.constant 2.002000e+00 : f32
    %mul3A_908 = vector.broadcast %mul3A_907 : f32 to vector<16xf32>
    %mul3A_909 = arith.mulf %div3A_906, %mul3A_908 : vector<16xf32>
    %add3A_910 = arith.constant 0x4B400000 : f32
    %add3A_911 = vector.broadcast %add3A_910 : f32 to vector<16xf32>
    %add3A_912 = arith.addf %mul3A_909, %add3A_911 : vector<16xf32>
    %sub3A_913 = arith.constant 0x4B400000 : f32
    %sub3A_914 = vector.broadcast %sub3A_913 : f32 to vector<16xf32>
    %sub3A_915 = arith.subf %add3A_912, %sub3A_914 : vector<16xf32>
    %add3A_916 = arith.constant 2.000000e+00 : f32
    %add3A_917 = vector.broadcast %add3A_916 : f32 to vector<16xf32>
    %add3A_918 = arith.addf %sub3A_885, %add3A_917 : vector<16xf32>
    %mul3A_919 = arith.constant 1.250000e+02 : f32
    %mul3A_920 = vector.broadcast %mul3A_919 : f32 to vector<16xf32>
    %mul3A_921 = arith.mulf %add3A_918, %mul3A_920 : vector<16xf32>
    %add3A_922 = arith.addf %add3A_851, %mul3A_921 : vector<16xf32>
    %add3A_923 = arith.constant 2.000000e+00 : f32
    %add3A_924 = vector.broadcast %add3A_923 : f32 to vector<16xf32>
    %add3A_925 = arith.addf %sub3A_915, %add3A_924 : vector<16xf32>
    %mul3A_926 = arith.constant 1.250000e+02 : f32
    %mul3A_927 = vector.broadcast %mul3A_926 : f32 to vector<16xf32>
    %mul3A_928 = arith.mulf %add3A_925, %mul3A_927 : vector<16xf32>
    %add3A_929 = arith.addf %add3A_858, %mul3A_928 : vector<16xf32>
    %convert_element_type3A_930 = arith.fptosi %add3A_922 : vector<16xf32> to vector<16xi32>
    %swap3A_931 = arith.constant 0 : i32
    %swap3A_932 = arith.index_cast %swap3A_931 : i32 to index
    %swap3A_933 = arith.constant 32 : index
    %swap3A_934 = tpu.vector_load %arg9[%swap3A_932, %swap3A_933] {strides = array<i32>} : memref<2x128xi32, #tpu.memory_space<vmem>>, vector<1x16xi32>,
    %swap3A_935 = vector.shape_cast %swap3A_934 : vector<1x16xi32> to vector<16xi32>
    %swap3A_936 = vector.shape_cast %convert_element_type3A_930 : vector<16xi32> to vector<1x16xi32>
    tpu.vector_store %arg9[%swap3A_932, %swap3A_933], %swap3A_936 {strides = array<i32>} : memref<2x128xi32, #tpu.memory_space<vmem>>, vector<1x16xi32>,
    %convert_element_type3A_937 = arith.fptosi %add3A_929 : vector<16xf32> to vector<16xi32>
    %swap3A_938 = arith.constant 1 : i32
    %swap3A_939 = arith.index_cast %swap3A_938 : i32 to index
    %swap3A_940 = arith.constant 32 : index
    %swap3A_941 = tpu.vector_load %arg9[%swap3A_939, %swap3A_940] {strides = array<i32>} : memref<2x128xi32, #tpu.memory_space<vmem>>, vector<1x16xi32>,
    %swap3A_942 = vector.shape_cast %swap3A_941 : vector<1x16xi32> to vector<16xi32>
    %swap3A_943 = vector.shape_cast %convert_element_type3A_937 : vector<16xi32> to vector<1x16xi32>
    tpu.vector_store %arg9[%swap3A_939, %swap3A_940], %swap3A_943 {strides = array<i32>} : memref<2x128xi32, #tpu.memory_space<vmem>>, vector<1x16xi32>,
    %slice3A_944 = vector.extract_strided_slice %get3A_55 {offsets = [0], sizes = [1], strides = [1]} : vector<16xf32> to vector<1xf32>
    %squeeze3A_945 = vector.extract %slice3A_944[0] : f32 from vector<1xf32>
    %add3A_946 = vector.broadcast %squeeze3A_945 : f32 to vector<16xf32>
    %add3A_947 = arith.addf %scan3A_52#12, %add3A_946 : vector<16xf32>
    %mul3A_948 = arith.constant 2.000000e+00 : f32
    %mul3A_949 = vector.broadcast %mul3A_948 : f32 to vector<16xf32>
    %mul3A_950 = arith.mulf %mul3A_949, %add3A_947 : vector<16xf32>
    %min3A_951 = arith.constant 6.000000e+01 : f32
    %min3A_952 = vector.broadcast %min3A_951 : f32 to vector<16xf32>
    %min3A_953 = arith.minimumf %mul3A_950, %min3A_952 : vector<16xf32>
    %exp3A_954 = math.exp %min3A_953 : vector<16xf32>
    %sub3A_955 = arith.constant 1.000000e+00 : f32
    %sub3A_956 = vector.broadcast %sub3A_955 : f32 to vector<16xf32>
    %sub3A_957 = arith.subf %exp3A_954, %sub3A_956 : vector<16xf32>
    %add3A_958 = arith.constant 1.000000e+00 : f32
    %add3A_959 = vector.broadcast %add3A_958 : f32 to vector<16xf32>
    %add3A_960 = arith.addf %exp3A_954, %add3A_959 : vector<16xf32>
    %div3A_961 = arith.divf %sub3A_957, %add3A_960 : vector<16xf32>
    %mul3A_962 = arith.constant 2.002000e+00 : f32
    %mul3A_963 = vector.broadcast %mul3A_962 : f32 to vector<16xf32>
    %mul3A_964 = arith.mulf %div3A_961, %mul3A_963 : vector<16xf32>
    %add3A_965 = arith.constant 0x4B400000 : f32
    %add3A_966 = vector.broadcast %add3A_965 : f32 to vector<16xf32>
    %add3A_967 = arith.addf %mul3A_964, %add3A_966 : vector<16xf32>
    %sub3A_968 = arith.constant 0x4B400000 : f32
    %sub3A_969 = vector.broadcast %sub3A_968 : f32 to vector<16xf32>
    %sub3A_970 = arith.subf %add3A_967, %sub3A_969 : vector<16xf32>
    %mul3A_971 = arith.constant 5.000000e-01 : f32
    %mul3A_972 = vector.broadcast %mul3A_971 : f32 to vector<16xf32>
    %mul3A_973 = arith.mulf %sub3A_970, %mul3A_972 : vector<16xf32>
    %sub3A_974 = arith.subf %add3A_947, %mul3A_973 : vector<16xf32>
    %mul3A_975 = arith.constant 4.000000e+00 : f32
    %mul3A_976 = vector.broadcast %mul3A_975 : f32 to vector<16xf32>
    %mul3A_977 = arith.mulf %sub3A_974, %mul3A_976 : vector<16xf32>
    %mul3A_978 = arith.constant 2.000000e+00 : f32
    %mul3A_979 = vector.broadcast %mul3A_978 : f32 to vector<16xf32>
    %mul3A_980 = arith.mulf %mul3A_979, %mul3A_977 : vector<16xf32>
    %min3A_981 = arith.constant 6.000000e+01 : f32
    %min3A_982 = vector.broadcast %min3A_981 : f32 to vector<16xf32>
    %min3A_983 = arith.minimumf %mul3A_980, %min3A_982 : vector<16xf32>
    %exp3A_984 = math.exp %min3A_983 : vector<16xf32>
    %sub3A_985 = arith.constant 1.000000e+00 : f32
    %sub3A_986 = vector.broadcast %sub3A_985 : f32 to vector<16xf32>
    %sub3A_987 = arith.subf %exp3A_984, %sub3A_986 : vector<16xf32>
    %add3A_988 = arith.constant 1.000000e+00 : f32
    %add3A_989 = vector.broadcast %add3A_988 : f32 to vector<16xf32>
    %add3A_990 = arith.addf %exp3A_984, %add3A_989 : vector<16xf32>
    %div3A_991 = arith.divf %sub3A_987, %add3A_990 : vector<16xf32>
    %mul3A_992 = arith.constant 2.002000e+00 : f32
    %mul3A_993 = vector.broadcast %mul3A_992 : f32 to vector<16xf32>
    %mul3A_994 = arith.mulf %div3A_991, %mul3A_993 : vector<16xf32>
    %add3A_995 = arith.constant 0x4B400000 : f32
    %add3A_996 = vector.broadcast %add3A_995 : f32 to vector<16xf32>
    %add3A_997 = arith.addf %mul3A_994, %add3A_996 : vector<16xf32>
    %sub3A_998 = arith.constant 0x4B400000 : f32
    %sub3A_999 = vector.broadcast %sub3A_998 : f32 to vector<16xf32>
    %sub3A_1000 = arith.subf %add3A_997, %sub3A_999 : vector<16xf32>
    %add3A_1001 = arith.constant 2.000000e+00 : f32
    %add3A_1002 = vector.broadcast %add3A_1001 : f32 to vector<16xf32>
    %add3A_1003 = arith.addf %sub3A_970, %add3A_1002 : vector<16xf32>
    %mul3A_1004 = arith.constant 1.000000e+00 : f32
    %mul3A_1005 = vector.broadcast %mul3A_1004 : f32 to vector<16xf32>
    %mul3A_1006 = arith.mulf %add3A_1003, %mul3A_1005 : vector<16xf32>
    %add3A_1007 = arith.addf %broadcast_in_dim3A_33, %mul3A_1006 : vector<16xf32>
    %add3A_1008 = arith.constant 2.000000e+00 : f32
    %add3A_1009 = vector.broadcast %add3A_1008 : f32 to vector<16xf32>
    %add3A_1010 = arith.addf %sub3A_1000, %add3A_1009 : vector<16xf32>
    %mul3A_1011 = arith.constant 1.000000e+00 : f32
    %mul3A_1012 = vector.broadcast %mul3A_1011 : f32 to vector<16xf32>
    %mul3A_1013 = arith.mulf %add3A_1010, %mul3A_1012 : vector<16xf32>
    %add3A_1014 = arith.addf %broadcast_in_dim3A_33, %mul3A_1013 : vector<16xf32>
    %slice3A_1015 = vector.extract_strided_slice %get3A_55 {offsets = [1], sizes = [1], strides = [1]} : vector<16xf32> to vector<1xf32>
    %squeeze3A_1016 = vector.extract %slice3A_1015[0] : f32 from vector<1xf32>
    %add3A_1017 = vector.broadcast %squeeze3A_1016 : f32 to vector<16xf32>
    %add3A_1018 = arith.addf %scan3A_52#13, %add3A_1017 : vector<16xf32>
    %mul3A_1019 = arith.constant 2.000000e+00 : f32
    %mul3A_1020 = vector.broadcast %mul3A_1019 : f32 to vector<16xf32>
    %mul3A_1021 = arith.mulf %mul3A_1020, %add3A_1018 : vector<16xf32>
    %min3A_1022 = arith.constant 6.000000e+01 : f32
    %min3A_1023 = vector.broadcast %min3A_1022 : f32 to vector<16xf32>
    %min3A_1024 = arith.minimumf %mul3A_1021, %min3A_1023 : vector<16xf32>
    %exp3A_1025 = math.exp %min3A_1024 : vector<16xf32>
    %sub3A_1026 = arith.constant 1.000000e+00 : f32
    %sub3A_1027 = vector.broadcast %sub3A_1026 : f32 to vector<16xf32>
    %sub3A_1028 = arith.subf %exp3A_1025, %sub3A_1027 : vector<16xf32>
    %add3A_1029 = arith.constant 1.000000e+00 : f32
    %add3A_1030 = vector.broadcast %add3A_1029 : f32 to vector<16xf32>
    %add3A_1031 = arith.addf %exp3A_1025, %add3A_1030 : vector<16xf32>
    %div3A_1032 = arith.divf %sub3A_1028, %add3A_1031 : vector<16xf32>
    %mul3A_1033 = arith.constant 2.002000e+00 : f32
    %mul3A_1034 = vector.broadcast %mul3A_1033 : f32 to vector<16xf32>
    %mul3A_1035 = arith.mulf %div3A_1032, %mul3A_1034 : vector<16xf32>
    %add3A_1036 = arith.constant 0x4B400000 : f32
    %add3A_1037 = vector.broadcast %add3A_1036 : f32 to vector<16xf32>
    %add3A_1038 = arith.addf %mul3A_1035, %add3A_1037 : vector<16xf32>
    %sub3A_1039 = arith.constant 0x4B400000 : f32
    %sub3A_1040 = vector.broadcast %sub3A_1039 : f32 to vector<16xf32>
    %sub3A_1041 = arith.subf %add3A_1038, %sub3A_1040 : vector<16xf32>
    %mul3A_1042 = arith.constant 5.000000e-01 : f32
    %mul3A_1043 = vector.broadcast %mul3A_1042 : f32 to vector<16xf32>
    %mul3A_1044 = arith.mulf %sub3A_1041, %mul3A_1043 : vector<16xf32>
    %sub3A_1045 = arith.subf %add3A_1018, %mul3A_1044 : vector<16xf32>
    %mul3A_1046 = arith.constant 4.000000e+00 : f32
    %mul3A_1047 = vector.broadcast %mul3A_1046 : f32 to vector<16xf32>
    %mul3A_1048 = arith.mulf %sub3A_1045, %mul3A_1047 : vector<16xf32>
    %mul3A_1049 = arith.constant 2.000000e+00 : f32
    %mul3A_1050 = vector.broadcast %mul3A_1049 : f32 to vector<16xf32>
    %mul3A_1051 = arith.mulf %mul3A_1050, %mul3A_1048 : vector<16xf32>
    %min3A_1052 = arith.constant 6.000000e+01 : f32
    %min3A_1053 = vector.broadcast %min3A_1052 : f32 to vector<16xf32>
    %min3A_1054 = arith.minimumf %mul3A_1051, %min3A_1053 : vector<16xf32>
    %exp3A_1055 = math.exp %min3A_1054 : vector<16xf32>
    %sub3A_1056 = arith.constant 1.000000e+00 : f32
    %sub3A_1057 = vector.broadcast %sub3A_1056 : f32 to vector<16xf32>
    %sub3A_1058 = arith.subf %exp3A_1055, %sub3A_1057 : vector<16xf32>
    %add3A_1059 = arith.constant 1.000000e+00 : f32
    %add3A_1060 = vector.broadcast %add3A_1059 : f32 to vector<16xf32>
    %add3A_1061 = arith.addf %exp3A_1055, %add3A_1060 : vector<16xf32>
    %div3A_1062 = arith.divf %sub3A_1058, %add3A_1061 : vector<16xf32>
    %mul3A_1063 = arith.constant 2.002000e+00 : f32
    %mul3A_1064 = vector.broadcast %mul3A_1063 : f32 to vector<16xf32>
    %mul3A_1065 = arith.mulf %div3A_1062, %mul3A_1064 : vector<16xf32>
    %add3A_1066 = arith.constant 0x4B400000 : f32
    %add3A_1067 = vector.broadcast %add3A_1066 : f32 to vector<16xf32>
    %add3A_1068 = arith.addf %mul3A_1065, %add3A_1067 : vector<16xf32>
    %sub3A_1069 = arith.constant 0x4B400000 : f32
    %sub3A_1070 = vector.broadcast %sub3A_1069 : f32 to vector<16xf32>
    %sub3A_1071 = arith.subf %add3A_1068, %sub3A_1070 : vector<16xf32>
    %add3A_1072 = arith.constant 2.000000e+00 : f32
    %add3A_1073 = vector.broadcast %add3A_1072 : f32 to vector<16xf32>
    %add3A_1074 = arith.addf %sub3A_1041, %add3A_1073 : vector<16xf32>
    %mul3A_1075 = arith.constant 5.000000e+00 : f32
    %mul3A_1076 = vector.broadcast %mul3A_1075 : f32 to vector<16xf32>
    %mul3A_1077 = arith.mulf %add3A_1074, %mul3A_1076 : vector<16xf32>
    %add3A_1078 = arith.addf %add3A_1007, %mul3A_1077 : vector<16xf32>
    %add3A_1079 = arith.constant 2.000000e+00 : f32
    %add3A_1080 = vector.broadcast %add3A_1079 : f32 to vector<16xf32>
    %add3A_1081 = arith.addf %sub3A_1071, %add3A_1080 : vector<16xf32>
    %mul3A_1082 = arith.constant 5.000000e+00 : f32
    %mul3A_1083 = vector.broadcast %mul3A_1082 : f32 to vector<16xf32>
    %mul3A_1084 = arith.mulf %add3A_1081, %mul3A_1083 : vector<16xf32>
    %add3A_1085 = arith.addf %add3A_1014, %mul3A_1084 : vector<16xf32>
    %slice3A_1086 = vector.extract_strided_slice %get3A_55 {offsets = [2], sizes = [1], strides = [1]} : vector<16xf32> to vector<1xf32>
    %squeeze3A_1087 = vector.extract %slice3A_1086[0] : f32 from vector<1xf32>
    %add3A_1088 = vector.broadcast %squeeze3A_1087 : f32 to vector<16xf32>
    %add3A_1089 = arith.addf %scan3A_52#14, %add3A_1088 : vector<16xf32>
    %mul3A_1090 = arith.constant 2.000000e+00 : f32
    %mul3A_1091 = vector.broadcast %mul3A_1090 : f32 to vector<16xf32>
    %mul3A_1092 = arith.mulf %mul3A_1091, %add3A_1089 : vector<16xf32>
    %min3A_1093 = arith.constant 6.000000e+01 : f32
    %min3A_1094 = vector.broadcast %min3A_1093 : f32 to vector<16xf32>
    %min3A_1095 = arith.minimumf %mul3A_1092, %min3A_1094 : vector<16xf32>
    %exp3A_1096 = math.exp %min3A_1095 : vector<16xf32>
    %sub3A_1097 = arith.constant 1.000000e+00 : f32
    %sub3A_1098 = vector.broadcast %sub3A_1097 : f32 to vector<16xf32>
    %sub3A_1099 = arith.subf %exp3A_1096, %sub3A_1098 : vector<16xf32>
    %add3A_1100 = arith.constant 1.000000e+00 : f32
    %add3A_1101 = vector.broadcast %add3A_1100 : f32 to vector<16xf32>
    %add3A_1102 = arith.addf %exp3A_1096, %add3A_1101 : vector<16xf32>
    %div3A_1103 = arith.divf %sub3A_1099, %add3A_1102 : vector<16xf32>
    %mul3A_1104 = arith.constant 2.002000e+00 : f32
    %mul3A_1105 = vector.broadcast %mul3A_1104 : f32 to vector<16xf32>
    %mul3A_1106 = arith.mulf %div3A_1103, %mul3A_1105 : vector<16xf32>
    %add3A_1107 = arith.constant 0x4B400000 : f32
    %add3A_1108 = vector.broadcast %add3A_1107 : f32 to vector<16xf32>
    %add3A_1109 = arith.addf %mul3A_1106, %add3A_1108 : vector<16xf32>
    %sub3A_1110 = arith.constant 0x4B400000 : f32
    %sub3A_1111 = vector.broadcast %sub3A_1110 : f32 to vector<16xf32>
    %sub3A_1112 = arith.subf %add3A_1109, %sub3A_1111 : vector<16xf32>
    %mul3A_1113 = arith.constant 5.000000e-01 : f32
    %mul3A_1114 = vector.broadcast %mul3A_1113 : f32 to vector<16xf32>
    %mul3A_1115 = arith.mulf %sub3A_1112, %mul3A_1114 : vector<16xf32>
    %sub3A_1116 = arith.subf %add3A_1089, %mul3A_1115 : vector<16xf32>
    %mul3A_1117 = arith.constant 4.000000e+00 : f32
    %mul3A_1118 = vector.broadcast %mul3A_1117 : f32 to vector<16xf32>
    %mul3A_1119 = arith.mulf %sub3A_1116, %mul3A_1118 : vector<16xf32>
    %mul3A_1120 = arith.constant 2.000000e+00 : f32
    %mul3A_1121 = vector.broadcast %mul3A_1120 : f32 to vector<16xf32>
    %mul3A_1122 = arith.mulf %mul3A_1121, %mul3A_1119 : vector<16xf32>
    %min3A_1123 = arith.constant 6.000000e+01 : f32
    %min3A_1124 = vector.broadcast %min3A_1123 : f32 to vector<16xf32>
    %min3A_1125 = arith.minimumf %mul3A_1122, %min3A_1124 : vector<16xf32>
    %exp3A_1126 = math.exp %min3A_1125 : vector<16xf32>
    %sub3A_1127 = arith.constant 1.000000e+00 : f32
    %sub3A_1128 = vector.broadcast %sub3A_1127 : f32 to vector<16xf32>
    %sub3A_1129 = arith.subf %exp3A_1126, %sub3A_1128 : vector<16xf32>
    %add3A_1130 = arith.constant 1.000000e+00 : f32
    %add3A_1131 = vector.broadcast %add3A_1130 : f32 to vector<16xf32>
    %add3A_1132 = arith.addf %exp3A_1126, %add3A_1131 : vector<16xf32>
    %div3A_1133 = arith.divf %sub3A_1129, %add3A_1132 : vector<16xf32>
    %mul3A_1134 = arith.constant 2.002000e+00 : f32
    %mul3A_1135 = vector.broadcast %mul3A_1134 : f32 to vector<16xf32>
    %mul3A_1136 = arith.mulf %div3A_1133, %mul3A_1135 : vector<16xf32>
    %add3A_1137 = arith.constant 0x4B400000 : f32
    %add3A_1138 = vector.broadcast %add3A_1137 : f32 to vector<16xf32>
    %add3A_1139 = arith.addf %mul3A_1136, %add3A_1138 : vector<16xf32>
    %sub3A_1140 = arith.constant 0x4B400000 : f32
    %sub3A_1141 = vector.broadcast %sub3A_1140 : f32 to vector<16xf32>
    %sub3A_1142 = arith.subf %add3A_1139, %sub3A_1141 : vector<16xf32>
    %add3A_1143 = arith.constant 2.000000e+00 : f32
    %add3A_1144 = vector.broadcast %add3A_1143 : f32 to vector<16xf32>
    %add3A_1145 = arith.addf %sub3A_1112, %add3A_1144 : vector<16xf32>
    %mul3A_1146 = arith.constant 2.500000e+01 : f32
    %mul3A_1147 = vector.broadcast %mul3A_1146 : f32 to vector<16xf32>
    %mul3A_1148 = arith.mulf %add3A_1145, %mul3A_1147 : vector<16xf32>
    %add3A_1149 = arith.addf %add3A_1078, %mul3A_1148 : vector<16xf32>
    %add3A_1150 = arith.constant 2.000000e+00 : f32
    %add3A_1151 = vector.broadcast %add3A_1150 : f32 to vector<16xf32>
    %add3A_1152 = arith.addf %sub3A_1142, %add3A_1151 : vector<16xf32>
    %mul3A_1153 = arith.constant 2.500000e+01 : f32
    %mul3A_1154 = vector.broadcast %mul3A_1153 : f32 to vector<16xf32>
    %mul3A_1155 = arith.mulf %add3A_1152, %mul3A_1154 : vector<16xf32>
    %add3A_1156 = arith.addf %add3A_1085, %mul3A_1155 : vector<16xf32>
    %slice3A_1157 = vector.extract_strided_slice %get3A_55 {offsets = [3], sizes = [1], strides = [1]} : vector<16xf32> to vector<1xf32>
    %squeeze3A_1158 = vector.extract %slice3A_1157[0] : f32 from vector<1xf32>
    %add3A_1159 = vector.broadcast %squeeze3A_1158 : f32 to vector<16xf32>
    %add3A_1160 = arith.addf %scan3A_52#15, %add3A_1159 : vector<16xf32>
    %mul3A_1161 = arith.constant 2.000000e+00 : f32
    %mul3A_1162 = vector.broadcast %mul3A_1161 : f32 to vector<16xf32>
    %mul3A_1163 = arith.mulf %mul3A_1162, %add3A_1160 : vector<16xf32>
    %min3A_1164 = arith.constant 6.000000e+01 : f32
    %min3A_1165 = vector.broadcast %min3A_1164 : f32 to vector<16xf32>
    %min3A_1166 = arith.minimumf %mul3A_1163, %min3A_1165 : vector<16xf32>
    %exp3A_1167 = math.exp %min3A_1166 : vector<16xf32>
    %sub3A_1168 = arith.constant 1.000000e+00 : f32
    %sub3A_1169 = vector.broadcast %sub3A_1168 : f32 to vector<16xf32>
    %sub3A_1170 = arith.subf %exp3A_1167, %sub3A_1169 : vector<16xf32>
    %add3A_1171 = arith.constant 1.000000e+00 : f32
    %add3A_1172 = vector.broadcast %add3A_1171 : f32 to vector<16xf32>
    %add3A_1173 = arith.addf %exp3A_1167, %add3A_1172 : vector<16xf32>
    %div3A_1174 = arith.divf %sub3A_1170, %add3A_1173 : vector<16xf32>
    %mul3A_1175 = arith.constant 2.002000e+00 : f32
    %mul3A_1176 = vector.broadcast %mul3A_1175 : f32 to vector<16xf32>
    %mul3A_1177 = arith.mulf %div3A_1174, %mul3A_1176 : vector<16xf32>
    %add3A_1178 = arith.constant 0x4B400000 : f32
    %add3A_1179 = vector.broadcast %add3A_1178 : f32 to vector<16xf32>
    %add3A_1180 = arith.addf %mul3A_1177, %add3A_1179 : vector<16xf32>
    %sub3A_1181 = arith.constant 0x4B400000 : f32
    %sub3A_1182 = vector.broadcast %sub3A_1181 : f32 to vector<16xf32>
    %sub3A_1183 = arith.subf %add3A_1180, %sub3A_1182 : vector<16xf32>
    %mul3A_1184 = arith.constant 5.000000e-01 : f32
    %mul3A_1185 = vector.broadcast %mul3A_1184 : f32 to vector<16xf32>
    %mul3A_1186 = arith.mulf %sub3A_1183, %mul3A_1185 : vector<16xf32>
    %sub3A_1187 = arith.subf %add3A_1160, %mul3A_1186 : vector<16xf32>
    %mul3A_1188 = arith.constant 4.000000e+00 : f32
    %mul3A_1189 = vector.broadcast %mul3A_1188 : f32 to vector<16xf32>
    %mul3A_1190 = arith.mulf %sub3A_1187, %mul3A_1189 : vector<16xf32>
    %mul3A_1191 = arith.constant 2.000000e+00 : f32
    %mul3A_1192 = vector.broadcast %mul3A_1191 : f32 to vector<16xf32>
    %mul3A_1193 = arith.mulf %mul3A_1192, %mul3A_1190 : vector<16xf32>
    %min3A_1194 = arith.constant 6.000000e+01 : f32
    %min3A_1195 = vector.broadcast %min3A_1194 : f32 to vector<16xf32>
    %min3A_1196 = arith.minimumf %mul3A_1193, %min3A_1195 : vector<16xf32>
    %exp3A_1197 = math.exp %min3A_1196 : vector<16xf32>
    %sub3A_1198 = arith.constant 1.000000e+00 : f32
    %sub3A_1199 = vector.broadcast %sub3A_1198 : f32 to vector<16xf32>
    %sub3A_1200 = arith.subf %exp3A_1197, %sub3A_1199 : vector<16xf32>
    %add3A_1201 = arith.constant 1.000000e+00 : f32
    %add3A_1202 = vector.broadcast %add3A_1201 : f32 to vector<16xf32>
    %add3A_1203 = arith.addf %exp3A_1197, %add3A_1202 : vector<16xf32>
    %div3A_1204 = arith.divf %sub3A_1200, %add3A_1203 : vector<16xf32>
    %mul3A_1205 = arith.constant 2.002000e+00 : f32
    %mul3A_1206 = vector.broadcast %mul3A_1205 : f32 to vector<16xf32>
    %mul3A_1207 = arith.mulf %div3A_1204, %mul3A_1206 : vector<16xf32>
    %add3A_1208 = arith.constant 0x4B400000 : f32
    %add3A_1209 = vector.broadcast %add3A_1208 : f32 to vector<16xf32>
    %add3A_1210 = arith.addf %mul3A_1207, %add3A_1209 : vector<16xf32>
    %sub3A_1211 = arith.constant 0x4B400000 : f32
    %sub3A_1212 = vector.broadcast %sub3A_1211 : f32 to vector<16xf32>
    %sub3A_1213 = arith.subf %add3A_1210, %sub3A_1212 : vector<16xf32>
    %add3A_1214 = arith.constant 2.000000e+00 : f32
    %add3A_1215 = vector.broadcast %add3A_1214 : f32 to vector<16xf32>
    %add3A_1216 = arith.addf %sub3A_1183, %add3A_1215 : vector<16xf32>
    %mul3A_1217 = arith.constant 1.250000e+02 : f32
    %mul3A_1218 = vector.broadcast %mul3A_1217 : f32 to vector<16xf32>
    %mul3A_1219 = arith.mulf %add3A_1216, %mul3A_1218 : vector<16xf32>
    %add3A_1220 = arith.addf %add3A_1149, %mul3A_1219 : vector<16xf32>
    %add3A_1221 = arith.constant 2.000000e+00 : f32
    %add3A_1222 = vector.broadcast %add3A_1221 : f32 to vector<16xf32>
    %add3A_1223 = arith.addf %sub3A_1213, %add3A_1222 : vector<16xf32>
    %mul3A_1224 = arith.constant 1.250000e+02 : f32
    %mul3A_1225 = vector.broadcast %mul3A_1224 : f32 to vector<16xf32>
    %mul3A_1226 = arith.mulf %add3A_1223, %mul3A_1225 : vector<16xf32>
    %add3A_1227 = arith.addf %add3A_1156, %mul3A_1226 : vector<16xf32>
    %convert_element_type3A_1228 = arith.fptosi %add3A_1220 : vector<16xf32> to vector<16xi32>
    %swap3A_1229 = arith.constant 0 : i32
    %swap3A_1230 = arith.index_cast %swap3A_1229 : i32 to index
    %swap3A_1231 = arith.constant 48 : index
    %swap3A_1232 = tpu.vector_load %arg9[%swap3A_1230, %swap3A_1231] {strides = array<i32>} : memref<2x128xi32, #tpu.memory_space<vmem>>, vector<1x16xi32>,
    %swap3A_1233 = vector.shape_cast %swap3A_1232 : vector<1x16xi32> to vector<16xi32>
    %swap3A_1234 = vector.shape_cast %convert_element_type3A_1228 : vector<16xi32> to vector<1x16xi32>
    tpu.vector_store %arg9[%swap3A_1230, %swap3A_1231], %swap3A_1234 {strides = array<i32>} : memref<2x128xi32, #tpu.memory_space<vmem>>, vector<1x16xi32>,
    %convert_element_type3A_1235 = arith.fptosi %add3A_1227 : vector<16xf32> to vector<16xi32>
    %swap3A_1236 = arith.constant 1 : i32
    %swap3A_1237 = arith.index_cast %swap3A_1236 : i32 to index
    %swap3A_1238 = arith.constant 48 : index
    %swap3A_1239 = tpu.vector_load %arg9[%swap3A_1237, %swap3A_1238] {strides = array<i32>} : memref<2x128xi32, #tpu.memory_space<vmem>>, vector<1x16xi32>,
    %swap3A_1240 = vector.shape_cast %swap3A_1239 : vector<1x16xi32> to vector<16xi32>
    %swap3A_1241 = vector.shape_cast %convert_element_type3A_1235 : vector<16xi32> to vector<1x16xi32>
    tpu.vector_store %arg9[%swap3A_1237, %swap3A_1238], %swap3A_1241 {strides = array<i32>} : memref<2x128xi32, #tpu.memory_space<vmem>>, vector<1x16xi32>,
    %slice3A_1242 = vector.extract_strided_slice %get3A_55 {offsets = [0], sizes = [1], strides = [1]} : vector<16xf32> to vector<1xf32>
    %squeeze3A_1243 = vector.extract %slice3A_1242[0] : f32 from vector<1xf32>
    %add3A_1244 = vector.broadcast %squeeze3A_1243 : f32 to vector<16xf32>
    %add3A_1245 = arith.addf %scan3A_52#16, %add3A_1244 : vector<16xf32>
    %mul3A_1246 = arith.constant 2.000000e+00 : f32
    %mul3A_1247 = vector.broadcast %mul3A_1246 : f32 to vector<16xf32>
    %mul3A_1248 = arith.mulf %mul3A_1247, %add3A_1245 : vector<16xf32>
    %min3A_1249 = arith.constant 6.000000e+01 : f32
    %min3A_1250 = vector.broadcast %min3A_1249 : f32 to vector<16xf32>
    %min3A_1251 = arith.minimumf %mul3A_1248, %min3A_1250 : vector<16xf32>
    %exp3A_1252 = math.exp %min3A_1251 : vector<16xf32>
    %sub3A_1253 = arith.constant 1.000000e+00 : f32
    %sub3A_1254 = vector.broadcast %sub3A_1253 : f32 to vector<16xf32>
    %sub3A_1255 = arith.subf %exp3A_1252, %sub3A_1254 : vector<16xf32>
    %add3A_1256 = arith.constant 1.000000e+00 : f32
    %add3A_1257 = vector.broadcast %add3A_1256 : f32 to vector<16xf32>
    %add3A_1258 = arith.addf %exp3A_1252, %add3A_1257 : vector<16xf32>
    %div3A_1259 = arith.divf %sub3A_1255, %add3A_1258 : vector<16xf32>
    %mul3A_1260 = arith.constant 2.002000e+00 : f32
    %mul3A_1261 = vector.broadcast %mul3A_1260 : f32 to vector<16xf32>
    %mul3A_1262 = arith.mulf %div3A_1259, %mul3A_1261 : vector<16xf32>
    %add3A_1263 = arith.constant 0x4B400000 : f32
    %add3A_1264 = vector.broadcast %add3A_1263 : f32 to vector<16xf32>
    %add3A_1265 = arith.addf %mul3A_1262, %add3A_1264 : vector<16xf32>
    %sub3A_1266 = arith.constant 0x4B400000 : f32
    %sub3A_1267 = vector.broadcast %sub3A_1266 : f32 to vector<16xf32>
    %sub3A_1268 = arith.subf %add3A_1265, %sub3A_1267 : vector<16xf32>
    %mul3A_1269 = arith.constant 5.000000e-01 : f32
    %mul3A_1270 = vector.broadcast %mul3A_1269 : f32 to vector<16xf32>
    %mul3A_1271 = arith.mulf %sub3A_1268, %mul3A_1270 : vector<16xf32>
    %sub3A_1272 = arith.subf %add3A_1245, %mul3A_1271 : vector<16xf32>
    %mul3A_1273 = arith.constant 4.000000e+00 : f32
    %mul3A_1274 = vector.broadcast %mul3A_1273 : f32 to vector<16xf32>
    %mul3A_1275 = arith.mulf %sub3A_1272, %mul3A_1274 : vector<16xf32>
    %mul3A_1276 = arith.constant 2.000000e+00 : f32
    %mul3A_1277 = vector.broadcast %mul3A_1276 : f32 to vector<16xf32>
    %mul3A_1278 = arith.mulf %mul3A_1277, %mul3A_1275 : vector<16xf32>
    %min3A_1279 = arith.constant 6.000000e+01 : f32
    %min3A_1280 = vector.broadcast %min3A_1279 : f32 to vector<16xf32>
    %min3A_1281 = arith.minimumf %mul3A_1278, %min3A_1280 : vector<16xf32>
    %exp3A_1282 = math.exp %min3A_1281 : vector<16xf32>
    %sub3A_1283 = arith.constant 1.000000e+00 : f32
    %sub3A_1284 = vector.broadcast %sub3A_1283 : f32 to vector<16xf32>
    %sub3A_1285 = arith.subf %exp3A_1282, %sub3A_1284 : vector<16xf32>
    %add3A_1286 = arith.constant 1.000000e+00 : f32
    %add3A_1287 = vector.broadcast %add3A_1286 : f32 to vector<16xf32>
    %add3A_1288 = arith.addf %exp3A_1282, %add3A_1287 : vector<16xf32>
    %div3A_1289 = arith.divf %sub3A_1285, %add3A_1288 : vector<16xf32>
    %mul3A_1290 = arith.constant 2.002000e+00 : f32
    %mul3A_1291 = vector.broadcast %mul3A_1290 : f32 to vector<16xf32>
    %mul3A_1292 = arith.mulf %div3A_1289, %mul3A_1291 : vector<16xf32>
    %add3A_1293 = arith.constant 0x4B400000 : f32
    %add3A_1294 = vector.broadcast %add3A_1293 : f32 to vector<16xf32>
    %add3A_1295 = arith.addf %mul3A_1292, %add3A_1294 : vector<16xf32>
    %sub3A_1296 = arith.constant 0x4B400000 : f32
    %sub3A_1297 = vector.broadcast %sub3A_1296 : f32 to vector<16xf32>
    %sub3A_1298 = arith.subf %add3A_1295, %sub3A_1297 : vector<16xf32>
    %add3A_1299 = arith.constant 2.000000e+00 : f32
    %add3A_1300 = vector.broadcast %add3A_1299 : f32 to vector<16xf32>
    %add3A_1301 = arith.addf %sub3A_1268, %add3A_1300 : vector<16xf32>
    %mul3A_1302 = arith.constant 1.000000e+00 : f32
    %mul3A_1303 = vector.broadcast %mul3A_1302 : f32 to vector<16xf32>
    %mul3A_1304 = arith.mulf %add3A_1301, %mul3A_1303 : vector<16xf32>
    %add3A_1305 = arith.addf %broadcast_in_dim3A_33, %mul3A_1304 : vector<16xf32>
    %add3A_1306 = arith.constant 2.000000e+00 : f32
    %add3A_1307 = vector.broadcast %add3A_1306 : f32 to vector<16xf32>
    %add3A_1308 = arith.addf %sub3A_1298, %add3A_1307 : vector<16xf32>
    %mul3A_1309 = arith.constant 1.000000e+00 : f32
    %mul3A_1310 = vector.broadcast %mul3A_1309 : f32 to vector<16xf32>
    %mul3A_1311 = arith.mulf %add3A_1308, %mul3A_1310 : vector<16xf32>
    %add3A_1312 = arith.addf %broadcast_in_dim3A_33, %mul3A_1311 : vector<16xf32>
    %slice3A_1313 = vector.extract_strided_slice %get3A_55 {offsets = [1], sizes = [1], strides = [1]} : vector<16xf32> to vector<1xf32>
    %squeeze3A_1314 = vector.extract %slice3A_1313[0] : f32 from vector<1xf32>
    %add3A_1315 = vector.broadcast %squeeze3A_1314 : f32 to vector<16xf32>
    %add3A_1316 = arith.addf %scan3A_52#17, %add3A_1315 : vector<16xf32>
    %mul3A_1317 = arith.constant 2.000000e+00 : f32
    %mul3A_1318 = vector.broadcast %mul3A_1317 : f32 to vector<16xf32>
    %mul3A_1319 = arith.mulf %mul3A_1318, %add3A_1316 : vector<16xf32>
    %min3A_1320 = arith.constant 6.000000e+01 : f32
    %min3A_1321 = vector.broadcast %min3A_1320 : f32 to vector<16xf32>
    %min3A_1322 = arith.minimumf %mul3A_1319, %min3A_1321 : vector<16xf32>
    %exp3A_1323 = math.exp %min3A_1322 : vector<16xf32>
    %sub3A_1324 = arith.constant 1.000000e+00 : f32
    %sub3A_1325 = vector.broadcast %sub3A_1324 : f32 to vector<16xf32>
    %sub3A_1326 = arith.subf %exp3A_1323, %sub3A_1325 : vector<16xf32>
    %add3A_1327 = arith.constant 1.000000e+00 : f32
    %add3A_1328 = vector.broadcast %add3A_1327 : f32 to vector<16xf32>
    %add3A_1329 = arith.addf %exp3A_1323, %add3A_1328 : vector<16xf32>
    %div3A_1330 = arith.divf %sub3A_1326, %add3A_1329 : vector<16xf32>
    %mul3A_1331 = arith.constant 2.002000e+00 : f32
    %mul3A_1332 = vector.broadcast %mul3A_1331 : f32 to vector<16xf32>
    %mul3A_1333 = arith.mulf %div3A_1330, %mul3A_1332 : vector<16xf32>
    %add3A_1334 = arith.constant 0x4B400000 : f32
    %add3A_1335 = vector.broadcast %add3A_1334 : f32 to vector<16xf32>
    %add3A_1336 = arith.addf %mul3A_1333, %add3A_1335 : vector<16xf32>
    %sub3A_1337 = arith.constant 0x4B400000 : f32
    %sub3A_1338 = vector.broadcast %sub3A_1337 : f32 to vector<16xf32>
    %sub3A_1339 = arith.subf %add3A_1336, %sub3A_1338 : vector<16xf32>
    %mul3A_1340 = arith.constant 5.000000e-01 : f32
    %mul3A_1341 = vector.broadcast %mul3A_1340 : f32 to vector<16xf32>
    %mul3A_1342 = arith.mulf %sub3A_1339, %mul3A_1341 : vector<16xf32>
    %sub3A_1343 = arith.subf %add3A_1316, %mul3A_1342 : vector<16xf32>
    %mul3A_1344 = arith.constant 4.000000e+00 : f32
    %mul3A_1345 = vector.broadcast %mul3A_1344 : f32 to vector<16xf32>
    %mul3A_1346 = arith.mulf %sub3A_1343, %mul3A_1345 : vector<16xf32>
    %mul3A_1347 = arith.constant 2.000000e+00 : f32
    %mul3A_1348 = vector.broadcast %mul3A_1347 : f32 to vector<16xf32>
    %mul3A_1349 = arith.mulf %mul3A_1348, %mul3A_1346 : vector<16xf32>
    %min3A_1350 = arith.constant 6.000000e+01 : f32
    %min3A_1351 = vector.broadcast %min3A_1350 : f32 to vector<16xf32>
    %min3A_1352 = arith.minimumf %mul3A_1349, %min3A_1351 : vector<16xf32>
    %exp3A_1353 = math.exp %min3A_1352 : vector<16xf32>
    %sub3A_1354 = arith.constant 1.000000e+00 : f32
    %sub3A_1355 = vector.broadcast %sub3A_1354 : f32 to vector<16xf32>
    %sub3A_1356 = arith.subf %exp3A_1353, %sub3A_1355 : vector<16xf32>
    %add3A_1357 = arith.constant 1.000000e+00 : f32
    %add3A_1358 = vector.broadcast %add3A_1357 : f32 to vector<16xf32>
    %add3A_1359 = arith.addf %exp3A_1353, %add3A_1358 : vector<16xf32>
    %div3A_1360 = arith.divf %sub3A_1356, %add3A_1359 : vector<16xf32>
    %mul3A_1361 = arith.constant 2.002000e+00 : f32
    %mul3A_1362 = vector.broadcast %mul3A_1361 : f32 to vector<16xf32>
    %mul3A_1363 = arith.mulf %div3A_1360, %mul3A_1362 : vector<16xf32>
    %add3A_1364 = arith.constant 0x4B400000 : f32
    %add3A_1365 = vector.broadcast %add3A_1364 : f32 to vector<16xf32>
    %add3A_1366 = arith.addf %mul3A_1363, %add3A_1365 : vector<16xf32>
    %sub3A_1367 = arith.constant 0x4B400000 : f32
    %sub3A_1368 = vector.broadcast %sub3A_1367 : f32 to vector<16xf32>
    %sub3A_1369 = arith.subf %add3A_1366, %sub3A_1368 : vector<16xf32>
    %add3A_1370 = arith.constant 2.000000e+00 : f32
    %add3A_1371 = vector.broadcast %add3A_1370 : f32 to vector<16xf32>
    %add3A_1372 = arith.addf %sub3A_1339, %add3A_1371 : vector<16xf32>
    %mul3A_1373 = arith.constant 5.000000e+00 : f32
    %mul3A_1374 = vector.broadcast %mul3A_1373 : f32 to vector<16xf32>
    %mul3A_1375 = arith.mulf %add3A_1372, %mul3A_1374 : vector<16xf32>
    %add3A_1376 = arith.addf %add3A_1305, %mul3A_1375 : vector<16xf32>
    %add3A_1377 = arith.constant 2.000000e+00 : f32
    %add3A_1378 = vector.broadcast %add3A_1377 : f32 to vector<16xf32>
    %add3A_1379 = arith.addf %sub3A_1369, %add3A_1378 : vector<16xf32>
    %mul3A_1380 = arith.constant 5.000000e+00 : f32
    %mul3A_1381 = vector.broadcast %mul3A_1380 : f32 to vector<16xf32>
    %mul3A_1382 = arith.mulf %add3A_1379, %mul3A_1381 : vector<16xf32>
    %add3A_1383 = arith.addf %add3A_1312, %mul3A_1382 : vector<16xf32>
    %slice3A_1384 = vector.extract_strided_slice %get3A_55 {offsets = [2], sizes = [1], strides = [1]} : vector<16xf32> to vector<1xf32>
    %squeeze3A_1385 = vector.extract %slice3A_1384[0] : f32 from vector<1xf32>
    %add3A_1386 = vector.broadcast %squeeze3A_1385 : f32 to vector<16xf32>
    %add3A_1387 = arith.addf %scan3A_52#18, %add3A_1386 : vector<16xf32>
    %mul3A_1388 = arith.constant 2.000000e+00 : f32
    %mul3A_1389 = vector.broadcast %mul3A_1388 : f32 to vector<16xf32>
    %mul3A_1390 = arith.mulf %mul3A_1389, %add3A_1387 : vector<16xf32>
    %min3A_1391 = arith.constant 6.000000e+01 : f32
    %min3A_1392 = vector.broadcast %min3A_1391 : f32 to vector<16xf32>
    %min3A_1393 = arith.minimumf %mul3A_1390, %min3A_1392 : vector<16xf32>
    %exp3A_1394 = math.exp %min3A_1393 : vector<16xf32>
    %sub3A_1395 = arith.constant 1.000000e+00 : f32
    %sub3A_1396 = vector.broadcast %sub3A_1395 : f32 to vector<16xf32>
    %sub3A_1397 = arith.subf %exp3A_1394, %sub3A_1396 : vector<16xf32>
    %add3A_1398 = arith.constant 1.000000e+00 : f32
    %add3A_1399 = vector.broadcast %add3A_1398 : f32 to vector<16xf32>
    %add3A_1400 = arith.addf %exp3A_1394, %add3A_1399 : vector<16xf32>
    %div3A_1401 = arith.divf %sub3A_1397, %add3A_1400 : vector<16xf32>
    %mul3A_1402 = arith.constant 2.002000e+00 : f32
    %mul3A_1403 = vector.broadcast %mul3A_1402 : f32 to vector<16xf32>
    %mul3A_1404 = arith.mulf %div3A_1401, %mul3A_1403 : vector<16xf32>
    %add3A_1405 = arith.constant 0x4B400000 : f32
    %add3A_1406 = vector.broadcast %add3A_1405 : f32 to vector<16xf32>
    %add3A_1407 = arith.addf %mul3A_1404, %add3A_1406 : vector<16xf32>
    %sub3A_1408 = arith.constant 0x4B400000 : f32
    %sub3A_1409 = vector.broadcast %sub3A_1408 : f32 to vector<16xf32>
    %sub3A_1410 = arith.subf %add3A_1407, %sub3A_1409 : vector<16xf32>
    %mul3A_1411 = arith.constant 5.000000e-01 : f32
    %mul3A_1412 = vector.broadcast %mul3A_1411 : f32 to vector<16xf32>
    %mul3A_1413 = arith.mulf %sub3A_1410, %mul3A_1412 : vector<16xf32>
    %sub3A_1414 = arith.subf %add3A_1387, %mul3A_1413 : vector<16xf32>
    %mul3A_1415 = arith.constant 4.000000e+00 : f32
    %mul3A_1416 = vector.broadcast %mul3A_1415 : f32 to vector<16xf32>
    %mul3A_1417 = arith.mulf %sub3A_1414, %mul3A_1416 : vector<16xf32>
    %mul3A_1418 = arith.constant 2.000000e+00 : f32
    %mul3A_1419 = vector.broadcast %mul3A_1418 : f32 to vector<16xf32>
    %mul3A_1420 = arith.mulf %mul3A_1419, %mul3A_1417 : vector<16xf32>
    %min3A_1421 = arith.constant 6.000000e+01 : f32
    %min3A_1422 = vector.broadcast %min3A_1421 : f32 to vector<16xf32>
    %min3A_1423 = arith.minimumf %mul3A_1420, %min3A_1422 : vector<16xf32>
    %exp3A_1424 = math.exp %min3A_1423 : vector<16xf32>
    %sub3A_1425 = arith.constant 1.000000e+00 : f32
    %sub3A_1426 = vector.broadcast %sub3A_1425 : f32 to vector<16xf32>
    %sub3A_1427 = arith.subf %exp3A_1424, %sub3A_1426 : vector<16xf32>
    %add3A_1428 = arith.constant 1.000000e+00 : f32
    %add3A_1429 = vector.broadcast %add3A_1428 : f32 to vector<16xf32>
    %add3A_1430 = arith.addf %exp3A_1424, %add3A_1429 : vector<16xf32>
    %div3A_1431 = arith.divf %sub3A_1427, %add3A_1430 : vector<16xf32>
    %mul3A_1432 = arith.constant 2.002000e+00 : f32
    %mul3A_1433 = vector.broadcast %mul3A_1432 : f32 to vector<16xf32>
    %mul3A_1434 = arith.mulf %div3A_1431, %mul3A_1433 : vector<16xf32>
    %add3A_1435 = arith.constant 0x4B400000 : f32
    %add3A_1436 = vector.broadcast %add3A_1435 : f32 to vector<16xf32>
    %add3A_1437 = arith.addf %mul3A_1434, %add3A_1436 : vector<16xf32>
    %sub3A_1438 = arith.constant 0x4B400000 : f32
    %sub3A_1439 = vector.broadcast %sub3A_1438 : f32 to vector<16xf32>
    %sub3A_1440 = arith.subf %add3A_1437, %sub3A_1439 : vector<16xf32>
    %add3A_1441 = arith.constant 2.000000e+00 : f32
    %add3A_1442 = vector.broadcast %add3A_1441 : f32 to vector<16xf32>
    %add3A_1443 = arith.addf %sub3A_1410, %add3A_1442 : vector<16xf32>
    %mul3A_1444 = arith.constant 2.500000e+01 : f32
    %mul3A_1445 = vector.broadcast %mul3A_1444 : f32 to vector<16xf32>
    %mul3A_1446 = arith.mulf %add3A_1443, %mul3A_1445 : vector<16xf32>
    %add3A_1447 = arith.addf %add3A_1376, %mul3A_1446 : vector<16xf32>
    %add3A_1448 = arith.constant 2.000000e+00 : f32
    %add3A_1449 = vector.broadcast %add3A_1448 : f32 to vector<16xf32>
    %add3A_1450 = arith.addf %sub3A_1440, %add3A_1449 : vector<16xf32>
    %mul3A_1451 = arith.constant 2.500000e+01 : f32
    %mul3A_1452 = vector.broadcast %mul3A_1451 : f32 to vector<16xf32>
    %mul3A_1453 = arith.mulf %add3A_1450, %mul3A_1452 : vector<16xf32>
    %add3A_1454 = arith.addf %add3A_1383, %mul3A_1453 : vector<16xf32>
    %slice3A_1455 = vector.extract_strided_slice %get3A_55 {offsets = [3], sizes = [1], strides = [1]} : vector<16xf32> to vector<1xf32>
    %squeeze3A_1456 = vector.extract %slice3A_1455[0] : f32 from vector<1xf32>
    %add3A_1457 = vector.broadcast %squeeze3A_1456 : f32 to vector<16xf32>
    %add3A_1458 = arith.addf %scan3A_52#19, %add3A_1457 : vector<16xf32>
    %mul3A_1459 = arith.constant 2.000000e+00 : f32
    %mul3A_1460 = vector.broadcast %mul3A_1459 : f32 to vector<16xf32>
    %mul3A_1461 = arith.mulf %mul3A_1460, %add3A_1458 : vector<16xf32>
    %min3A_1462 = arith.constant 6.000000e+01 : f32
    %min3A_1463 = vector.broadcast %min3A_1462 : f32 to vector<16xf32>
    %min3A_1464 = arith.minimumf %mul3A_1461, %min3A_1463 : vector<16xf32>
    %exp3A_1465 = math.exp %min3A_1464 : vector<16xf32>
    %sub3A_1466 = arith.constant 1.000000e+00 : f32
    %sub3A_1467 = vector.broadcast %sub3A_1466 : f32 to vector<16xf32>
    %sub3A_1468 = arith.subf %exp3A_1465, %sub3A_1467 : vector<16xf32>
    %add3A_1469 = arith.constant 1.000000e+00 : f32
    %add3A_1470 = vector.broadcast %add3A_1469 : f32 to vector<16xf32>
    %add3A_1471 = arith.addf %exp3A_1465, %add3A_1470 : vector<16xf32>
    %div3A_1472 = arith.divf %sub3A_1468, %add3A_1471 : vector<16xf32>
    %mul3A_1473 = arith.constant 2.002000e+00 : f32
    %mul3A_1474 = vector.broadcast %mul3A_1473 : f32 to vector<16xf32>
    %mul3A_1475 = arith.mulf %div3A_1472, %mul3A_1474 : vector<16xf32>
    %add3A_1476 = arith.constant 0x4B400000 : f32
    %add3A_1477 = vector.broadcast %add3A_1476 : f32 to vector<16xf32>
    %add3A_1478 = arith.addf %mul3A_1475, %add3A_1477 : vector<16xf32>
    %sub3A_1479 = arith.constant 0x4B400000 : f32
    %sub3A_1480 = vector.broadcast %sub3A_1479 : f32 to vector<16xf32>
    %sub3A_1481 = arith.subf %add3A_1478, %sub3A_1480 : vector<16xf32>
    %mul3A_1482 = arith.constant 5.000000e-01 : f32
    %mul3A_1483 = vector.broadcast %mul3A_1482 : f32 to vector<16xf32>
    %mul3A_1484 = arith.mulf %sub3A_1481, %mul3A_1483 : vector<16xf32>
    %sub3A_1485 = arith.subf %add3A_1458, %mul3A_1484 : vector<16xf32>
    %mul3A_1486 = arith.constant 4.000000e+00 : f32
    %mul3A_1487 = vector.broadcast %mul3A_1486 : f32 to vector<16xf32>
    %mul3A_1488 = arith.mulf %sub3A_1485, %mul3A_1487 : vector<16xf32>
    %mul3A_1489 = arith.constant 2.000000e+00 : f32
    %mul3A_1490 = vector.broadcast %mul3A_1489 : f32 to vector<16xf32>
    %mul3A_1491 = arith.mulf %mul3A_1490, %mul3A_1488 : vector<16xf32>
    %min3A_1492 = arith.constant 6.000000e+01 : f32
    %min3A_1493 = vector.broadcast %min3A_1492 : f32 to vector<16xf32>
    %min3A_1494 = arith.minimumf %mul3A_1491, %min3A_1493 : vector<16xf32>
    %exp3A_1495 = math.exp %min3A_1494 : vector<16xf32>
    %sub3A_1496 = arith.constant 1.000000e+00 : f32
    %sub3A_1497 = vector.broadcast %sub3A_1496 : f32 to vector<16xf32>
    %sub3A_1498 = arith.subf %exp3A_1495, %sub3A_1497 : vector<16xf32>
    %add3A_1499 = arith.constant 1.000000e+00 : f32
    %add3A_1500 = vector.broadcast %add3A_1499 : f32 to vector<16xf32>
    %add3A_1501 = arith.addf %exp3A_1495, %add3A_1500 : vector<16xf32>
    %div3A_1502 = arith.divf %sub3A_1498, %add3A_1501 : vector<16xf32>
    %mul3A_1503 = arith.constant 2.002000e+00 : f32
    %mul3A_1504 = vector.broadcast %mul3A_1503 : f32 to vector<16xf32>
    %mul3A_1505 = arith.mulf %div3A_1502, %mul3A_1504 : vector<16xf32>
    %add3A_1506 = arith.constant 0x4B400000 : f32
    %add3A_1507 = vector.broadcast %add3A_1506 : f32 to vector<16xf32>
    %add3A_1508 = arith.addf %mul3A_1505, %add3A_1507 : vector<16xf32>
    %sub3A_1509 = arith.constant 0x4B400000 : f32
    %sub3A_1510 = vector.broadcast %sub3A_1509 : f32 to vector<16xf32>
    %sub3A_1511 = arith.subf %add3A_1508, %sub3A_1510 : vector<16xf32>
    %add3A_1512 = arith.constant 2.000000e+00 : f32
    %add3A_1513 = vector.broadcast %add3A_1512 : f32 to vector<16xf32>
    %add3A_1514 = arith.addf %sub3A_1481, %add3A_1513 : vector<16xf32>
    %mul3A_1515 = arith.constant 1.250000e+02 : f32
    %mul3A_1516 = vector.broadcast %mul3A_1515 : f32 to vector<16xf32>
    %mul3A_1517 = arith.mulf %add3A_1514, %mul3A_1516 : vector<16xf32>
    %add3A_1518 = arith.addf %add3A_1447, %mul3A_1517 : vector<16xf32>
    %add3A_1519 = arith.constant 2.000000e+00 : f32
    %add3A_1520 = vector.broadcast %add3A_1519 : f32 to vector<16xf32>
    %add3A_1521 = arith.addf %sub3A_1511, %add3A_1520 : vector<16xf32>
    %mul3A_1522 = arith.constant 1.250000e+02 : f32
    %mul3A_1523 = vector.broadcast %mul3A_1522 : f32 to vector<16xf32>
    %mul3A_1524 = arith.mulf %add3A_1521, %mul3A_1523 : vector<16xf32>
    %add3A_1525 = arith.addf %add3A_1454, %mul3A_1524 : vector<16xf32>
    %convert_element_type3A_1526 = arith.fptosi %add3A_1518 : vector<16xf32> to vector<16xi32>
    %swap3A_1527 = arith.constant 0 : i32
    %swap3A_1528 = arith.index_cast %swap3A_1527 : i32 to index
    %swap3A_1529 = arith.constant 64 : index
    %swap3A_1530 = tpu.vector_load %arg9[%swap3A_1528, %swap3A_1529] {strides = array<i32>} : memref<2x128xi32, #tpu.memory_space<vmem>>, vector<1x16xi32>,
    %swap3A_1531 = vector.shape_cast %swap3A_1530 : vector<1x16xi32> to vector<16xi32>
    %swap3A_1532 = vector.shape_cast %convert_element_type3A_1526 : vector<16xi32> to vector<1x16xi32>
    tpu.vector_store %arg9[%swap3A_1528, %swap3A_1529], %swap3A_1532 {strides = array<i32>} : memref<2x128xi32, #tpu.memory_space<vmem>>, vector<1x16xi32>,
    %convert_element_type3A_1533 = arith.fptosi %add3A_1525 : vector<16xf32> to vector<16xi32>
    %swap3A_1534 = arith.constant 1 : i32
    %swap3A_1535 = arith.index_cast %swap3A_1534 : i32 to index
    %swap3A_1536 = arith.constant 64 : index
    %swap3A_1537 = tpu.vector_load %arg9[%swap3A_1535, %swap3A_1536] {strides = array<i32>} : memref<2x128xi32, #tpu.memory_space<vmem>>, vector<1x16xi32>,
    %swap3A_1538 = vector.shape_cast %swap3A_1537 : vector<1x16xi32> to vector<16xi32>
    %swap3A_1539 = vector.shape_cast %convert_element_type3A_1533 : vector<16xi32> to vector<1x16xi32>
    tpu.vector_store %arg9[%swap3A_1535, %swap3A_1536], %swap3A_1539 {strides = array<i32>} : memref<2x128xi32, #tpu.memory_space<vmem>>, vector<1x16xi32>,
    %slice3A_1540 = vector.extract_strided_slice %get3A_55 {offsets = [0], sizes = [1], strides = [1]} : vector<16xf32> to vector<1xf32>
    %squeeze3A_1541 = vector.extract %slice3A_1540[0] : f32 from vector<1xf32>
    %add3A_1542 = vector.broadcast %squeeze3A_1541 : f32 to vector<16xf32>
    %add3A_1543 = arith.addf %scan3A_52#20, %add3A_1542 : vector<16xf32>
    %mul3A_1544 = arith.constant 2.000000e+00 : f32
    %mul3A_1545 = vector.broadcast %mul3A_1544 : f32 to vector<16xf32>
    %mul3A_1546 = arith.mulf %mul3A_1545, %add3A_1543 : vector<16xf32>
    %min3A_1547 = arith.constant 6.000000e+01 : f32
    %min3A_1548 = vector.broadcast %min3A_1547 : f32 to vector<16xf32>
    %min3A_1549 = arith.minimumf %mul3A_1546, %min3A_1548 : vector<16xf32>
    %exp3A_1550 = math.exp %min3A_1549 : vector<16xf32>
    %sub3A_1551 = arith.constant 1.000000e+00 : f32
    %sub3A_1552 = vector.broadcast %sub3A_1551 : f32 to vector<16xf32>
    %sub3A_1553 = arith.subf %exp3A_1550, %sub3A_1552 : vector<16xf32>
    %add3A_1554 = arith.constant 1.000000e+00 : f32
    %add3A_1555 = vector.broadcast %add3A_1554 : f32 to vector<16xf32>
    %add3A_1556 = arith.addf %exp3A_1550, %add3A_1555 : vector<16xf32>
    %div3A_1557 = arith.divf %sub3A_1553, %add3A_1556 : vector<16xf32>
    %mul3A_1558 = arith.constant 2.002000e+00 : f32
    %mul3A_1559 = vector.broadcast %mul3A_1558 : f32 to vector<16xf32>
    %mul3A_1560 = arith.mulf %div3A_1557, %mul3A_1559 : vector<16xf32>
    %add3A_1561 = arith.constant 0x4B400000 : f32
    %add3A_1562 = vector.broadcast %add3A_1561 : f32 to vector<16xf32>
    %add3A_1563 = arith.addf %mul3A_1560, %add3A_1562 : vector<16xf32>
    %sub3A_1564 = arith.constant 0x4B400000 : f32
    %sub3A_1565 = vector.broadcast %sub3A_1564 : f32 to vector<16xf32>
    %sub3A_1566 = arith.subf %add3A_1563, %sub3A_1565 : vector<16xf32>
    %mul3A_1567 = arith.constant 5.000000e-01 : f32
    %mul3A_1568 = vector.broadcast %mul3A_1567 : f32 to vector<16xf32>
    %mul3A_1569 = arith.mulf %sub3A_1566, %mul3A_1568 : vector<16xf32>
    %sub3A_1570 = arith.subf %add3A_1543, %mul3A_1569 : vector<16xf32>
    %mul3A_1571 = arith.constant 4.000000e+00 : f32
    %mul3A_1572 = vector.broadcast %mul3A_1571 : f32 to vector<16xf32>
    %mul3A_1573 = arith.mulf %sub3A_1570, %mul3A_1572 : vector<16xf32>
    %mul3A_1574 = arith.constant 2.000000e+00 : f32
    %mul3A_1575 = vector.broadcast %mul3A_1574 : f32 to vector<16xf32>
    %mul3A_1576 = arith.mulf %mul3A_1575, %mul3A_1573 : vector<16xf32>
    %min3A_1577 = arith.constant 6.000000e+01 : f32
    %min3A_1578 = vector.broadcast %min3A_1577 : f32 to vector<16xf32>
    %min3A_1579 = arith.minimumf %mul3A_1576, %min3A_1578 : vector<16xf32>
    %exp3A_1580 = math.exp %min3A_1579 : vector<16xf32>
    %sub3A_1581 = arith.constant 1.000000e+00 : f32
    %sub3A_1582 = vector.broadcast %sub3A_1581 : f32 to vector<16xf32>
    %sub3A_1583 = arith.subf %exp3A_1580, %sub3A_1582 : vector<16xf32>
    %add3A_1584 = arith.constant 1.000000e+00 : f32
    %add3A_1585 = vector.broadcast %add3A_1584 : f32 to vector<16xf32>
    %add3A_1586 = arith.addf %exp3A_1580, %add3A_1585 : vector<16xf32>
    %div3A_1587 = arith.divf %sub3A_1583, %add3A_1586 : vector<16xf32>
    %mul3A_1588 = arith.constant 2.002000e+00 : f32
    %mul3A_1589 = vector.broadcast %mul3A_1588 : f32 to vector<16xf32>
    %mul3A_1590 = arith.mulf %div3A_1587, %mul3A_1589 : vector<16xf32>
    %add3A_1591 = arith.constant 0x4B400000 : f32
    %add3A_1592 = vector.broadcast %add3A_1591 : f32 to vector<16xf32>
    %add3A_1593 = arith.addf %mul3A_1590, %add3A_1592 : vector<16xf32>
    %sub3A_1594 = arith.constant 0x4B400000 : f32
    %sub3A_1595 = vector.broadcast %sub3A_1594 : f32 to vector<16xf32>
    %sub3A_1596 = arith.subf %add3A_1593, %sub3A_1595 : vector<16xf32>
    %add3A_1597 = arith.constant 2.000000e+00 : f32
    %add3A_1598 = vector.broadcast %add3A_1597 : f32 to vector<16xf32>
    %add3A_1599 = arith.addf %sub3A_1566, %add3A_1598 : vector<16xf32>
    %mul3A_1600 = arith.constant 1.000000e+00 : f32
    %mul3A_1601 = vector.broadcast %mul3A_1600 : f32 to vector<16xf32>
    %mul3A_1602 = arith.mulf %add3A_1599, %mul3A_1601 : vector<16xf32>
    %add3A_1603 = arith.addf %broadcast_in_dim3A_33, %mul3A_1602 : vector<16xf32>
    %add3A_1604 = arith.constant 2.000000e+00 : f32
    %add3A_1605 = vector.broadcast %add3A_1604 : f32 to vector<16xf32>
    %add3A_1606 = arith.addf %sub3A_1596, %add3A_1605 : vector<16xf32>
    %mul3A_1607 = arith.constant 1.000000e+00 : f32
    %mul3A_1608 = vector.broadcast %mul3A_1607 : f32 to vector<16xf32>
    %mul3A_1609 = arith.mulf %add3A_1606, %mul3A_1608 : vector<16xf32>
    %add3A_1610 = arith.addf %broadcast_in_dim3A_33, %mul3A_1609 : vector<16xf32>
    %slice3A_1611 = vector.extract_strided_slice %get3A_55 {offsets = [1], sizes = [1], strides = [1]} : vector<16xf32> to vector<1xf32>
    %squeeze3A_1612 = vector.extract %slice3A_1611[0] : f32 from vector<1xf32>
    %add3A_1613 = vector.broadcast %squeeze3A_1612 : f32 to vector<16xf32>
    %add3A_1614 = arith.addf %scan3A_52#21, %add3A_1613 : vector<16xf32>
    %mul3A_1615 = arith.constant 2.000000e+00 : f32
    %mul3A_1616 = vector.broadcast %mul3A_1615 : f32 to vector<16xf32>
    %mul3A_1617 = arith.mulf %mul3A_1616, %add3A_1614 : vector<16xf32>
    %min3A_1618 = arith.constant 6.000000e+01 : f32
    %min3A_1619 = vector.broadcast %min3A_1618 : f32 to vector<16xf32>
    %min3A_1620 = arith.minimumf %mul3A_1617, %min3A_1619 : vector<16xf32>
    %exp3A_1621 = math.exp %min3A_1620 : vector<16xf32>
    %sub3A_1622 = arith.constant 1.000000e+00 : f32
    %sub3A_1623 = vector.broadcast %sub3A_1622 : f32 to vector<16xf32>
    %sub3A_1624 = arith.subf %exp3A_1621, %sub3A_1623 : vector<16xf32>
    %add3A_1625 = arith.constant 1.000000e+00 : f32
    %add3A_1626 = vector.broadcast %add3A_1625 : f32 to vector<16xf32>
    %add3A_1627 = arith.addf %exp3A_1621, %add3A_1626 : vector<16xf32>
    %div3A_1628 = arith.divf %sub3A_1624, %add3A_1627 : vector<16xf32>
    %mul3A_1629 = arith.constant 2.002000e+00 : f32
    %mul3A_1630 = vector.broadcast %mul3A_1629 : f32 to vector<16xf32>
    %mul3A_1631 = arith.mulf %div3A_1628, %mul3A_1630 : vector<16xf32>
    %add3A_1632 = arith.constant 0x4B400000 : f32
    %add3A_1633 = vector.broadcast %add3A_1632 : f32 to vector<16xf32>
    %add3A_1634 = arith.addf %mul3A_1631, %add3A_1633 : vector<16xf32>
    %sub3A_1635 = arith.constant 0x4B400000 : f32
    %sub3A_1636 = vector.broadcast %sub3A_1635 : f32 to vector<16xf32>
    %sub3A_1637 = arith.subf %add3A_1634, %sub3A_1636 : vector<16xf32>
    %mul3A_1638 = arith.constant 5.000000e-01 : f32
    %mul3A_1639 = vector.broadcast %mul3A_1638 : f32 to vector<16xf32>
    %mul3A_1640 = arith.mulf %sub3A_1637, %mul3A_1639 : vector<16xf32>
    %sub3A_1641 = arith.subf %add3A_1614, %mul3A_1640 : vector<16xf32>
    %mul3A_1642 = arith.constant 4.000000e+00 : f32
    %mul3A_1643 = vector.broadcast %mul3A_1642 : f32 to vector<16xf32>
    %mul3A_1644 = arith.mulf %sub3A_1641, %mul3A_1643 : vector<16xf32>
    %mul3A_1645 = arith.constant 2.000000e+00 : f32
    %mul3A_1646 = vector.broadcast %mul3A_1645 : f32 to vector<16xf32>
    %mul3A_1647 = arith.mulf %mul3A_1646, %mul3A_1644 : vector<16xf32>
    %min3A_1648 = arith.constant 6.000000e+01 : f32
    %min3A_1649 = vector.broadcast %min3A_1648 : f32 to vector<16xf32>
    %min3A_1650 = arith.minimumf %mul3A_1647, %min3A_1649 : vector<16xf32>
    %exp3A_1651 = math.exp %min3A_1650 : vector<16xf32>
    %sub3A_1652 = arith.constant 1.000000e+00 : f32
    %sub3A_1653 = vector.broadcast %sub3A_1652 : f32 to vector<16xf32>
    %sub3A_1654 = arith.subf %exp3A_1651, %sub3A_1653 : vector<16xf32>
    %add3A_1655 = arith.constant 1.000000e+00 : f32
    %add3A_1656 = vector.broadcast %add3A_1655 : f32 to vector<16xf32>
    %add3A_1657 = arith.addf %exp3A_1651, %add3A_1656 : vector<16xf32>
    %div3A_1658 = arith.divf %sub3A_1654, %add3A_1657 : vector<16xf32>
    %mul3A_1659 = arith.constant 2.002000e+00 : f32
    %mul3A_1660 = vector.broadcast %mul3A_1659 : f32 to vector<16xf32>
    %mul3A_1661 = arith.mulf %div3A_1658, %mul3A_1660 : vector<16xf32>
    %add3A_1662 = arith.constant 0x4B400000 : f32
    %add3A_1663 = vector.broadcast %add3A_1662 : f32 to vector<16xf32>
    %add3A_1664 = arith.addf %mul3A_1661, %add3A_1663 : vector<16xf32>
    %sub3A_1665 = arith.constant 0x4B400000 : f32
    %sub3A_1666 = vector.broadcast %sub3A_1665 : f32 to vector<16xf32>
    %sub3A_1667 = arith.subf %add3A_1664, %sub3A_1666 : vector<16xf32>
    %add3A_1668 = arith.constant 2.000000e+00 : f32
    %add3A_1669 = vector.broadcast %add3A_1668 : f32 to vector<16xf32>
    %add3A_1670 = arith.addf %sub3A_1637, %add3A_1669 : vector<16xf32>
    %mul3A_1671 = arith.constant 5.000000e+00 : f32
    %mul3A_1672 = vector.broadcast %mul3A_1671 : f32 to vector<16xf32>
    %mul3A_1673 = arith.mulf %add3A_1670, %mul3A_1672 : vector<16xf32>
    %add3A_1674 = arith.addf %add3A_1603, %mul3A_1673 : vector<16xf32>
    %add3A_1675 = arith.constant 2.000000e+00 : f32
    %add3A_1676 = vector.broadcast %add3A_1675 : f32 to vector<16xf32>
    %add3A_1677 = arith.addf %sub3A_1667, %add3A_1676 : vector<16xf32>
    %mul3A_1678 = arith.constant 5.000000e+00 : f32
    %mul3A_1679 = vector.broadcast %mul3A_1678 : f32 to vector<16xf32>
    %mul3A_1680 = arith.mulf %add3A_1677, %mul3A_1679 : vector<16xf32>
    %add3A_1681 = arith.addf %add3A_1610, %mul3A_1680 : vector<16xf32>
    %slice3A_1682 = vector.extract_strided_slice %get3A_55 {offsets = [2], sizes = [1], strides = [1]} : vector<16xf32> to vector<1xf32>
    %squeeze3A_1683 = vector.extract %slice3A_1682[0] : f32 from vector<1xf32>
    %add3A_1684 = vector.broadcast %squeeze3A_1683 : f32 to vector<16xf32>
    %add3A_1685 = arith.addf %scan3A_52#22, %add3A_1684 : vector<16xf32>
    %mul3A_1686 = arith.constant 2.000000e+00 : f32
    %mul3A_1687 = vector.broadcast %mul3A_1686 : f32 to vector<16xf32>
    %mul3A_1688 = arith.mulf %mul3A_1687, %add3A_1685 : vector<16xf32>
    %min3A_1689 = arith.constant 6.000000e+01 : f32
    %min3A_1690 = vector.broadcast %min3A_1689 : f32 to vector<16xf32>
    %min3A_1691 = arith.minimumf %mul3A_1688, %min3A_1690 : vector<16xf32>
    %exp3A_1692 = math.exp %min3A_1691 : vector<16xf32>
    %sub3A_1693 = arith.constant 1.000000e+00 : f32
    %sub3A_1694 = vector.broadcast %sub3A_1693 : f32 to vector<16xf32>
    %sub3A_1695 = arith.subf %exp3A_1692, %sub3A_1694 : vector<16xf32>
    %add3A_1696 = arith.constant 1.000000e+00 : f32
    %add3A_1697 = vector.broadcast %add3A_1696 : f32 to vector<16xf32>
    %add3A_1698 = arith.addf %exp3A_1692, %add3A_1697 : vector<16xf32>
    %div3A_1699 = arith.divf %sub3A_1695, %add3A_1698 : vector<16xf32>
    %mul3A_1700 = arith.constant 2.002000e+00 : f32
    %mul3A_1701 = vector.broadcast %mul3A_1700 : f32 to vector<16xf32>
    %mul3A_1702 = arith.mulf %div3A_1699, %mul3A_1701 : vector<16xf32>
    %add3A_1703 = arith.constant 0x4B400000 : f32
    %add3A_1704 = vector.broadcast %add3A_1703 : f32 to vector<16xf32>
    %add3A_1705 = arith.addf %mul3A_1702, %add3A_1704 : vector<16xf32>
    %sub3A_1706 = arith.constant 0x4B400000 : f32
    %sub3A_1707 = vector.broadcast %sub3A_1706 : f32 to vector<16xf32>
    %sub3A_1708 = arith.subf %add3A_1705, %sub3A_1707 : vector<16xf32>
    %mul3A_1709 = arith.constant 5.000000e-01 : f32
    %mul3A_1710 = vector.broadcast %mul3A_1709 : f32 to vector<16xf32>
    %mul3A_1711 = arith.mulf %sub3A_1708, %mul3A_1710 : vector<16xf32>
    %sub3A_1712 = arith.subf %add3A_1685, %mul3A_1711 : vector<16xf32>
    %mul3A_1713 = arith.constant 4.000000e+00 : f32
    %mul3A_1714 = vector.broadcast %mul3A_1713 : f32 to vector<16xf32>
    %mul3A_1715 = arith.mulf %sub3A_1712, %mul3A_1714 : vector<16xf32>
    %mul3A_1716 = arith.constant 2.000000e+00 : f32
    %mul3A_1717 = vector.broadcast %mul3A_1716 : f32 to vector<16xf32>
    %mul3A_1718 = arith.mulf %mul3A_1717, %mul3A_1715 : vector<16xf32>
    %min3A_1719 = arith.constant 6.000000e+01 : f32
    %min3A_1720 = vector.broadcast %min3A_1719 : f32 to vector<16xf32>
    %min3A_1721 = arith.minimumf %mul3A_1718, %min3A_1720 : vector<16xf32>
    %exp3A_1722 = math.exp %min3A_1721 : vector<16xf32>
    %sub3A_1723 = arith.constant 1.000000e+00 : f32
    %sub3A_1724 = vector.broadcast %sub3A_1723 : f32 to vector<16xf32>
    %sub3A_1725 = arith.subf %exp3A_1722, %sub3A_1724 : vector<16xf32>
    %add3A_1726 = arith.constant 1.000000e+00 : f32
    %add3A_1727 = vector.broadcast %add3A_1726 : f32 to vector<16xf32>
    %add3A_1728 = arith.addf %exp3A_1722, %add3A_1727 : vector<16xf32>
    %div3A_1729 = arith.divf %sub3A_1725, %add3A_1728 : vector<16xf32>
    %mul3A_1730 = arith.constant 2.002000e+00 : f32
    %mul3A_1731 = vector.broadcast %mul3A_1730 : f32 to vector<16xf32>
    %mul3A_1732 = arith.mulf %div3A_1729, %mul3A_1731 : vector<16xf32>
    %add3A_1733 = arith.constant 0x4B400000 : f32
    %add3A_1734 = vector.broadcast %add3A_1733 : f32 to vector<16xf32>
    %add3A_1735 = arith.addf %mul3A_1732, %add3A_1734 : vector<16xf32>
    %sub3A_1736 = arith.constant 0x4B400000 : f32
    %sub3A_1737 = vector.broadcast %sub3A_1736 : f32 to vector<16xf32>
    %sub3A_1738 = arith.subf %add3A_1735, %sub3A_1737 : vector<16xf32>
    %add3A_1739 = arith.constant 2.000000e+00 : f32
    %add3A_1740 = vector.broadcast %add3A_1739 : f32 to vector<16xf32>
    %add3A_1741 = arith.addf %sub3A_1708, %add3A_1740 : vector<16xf32>
    %mul3A_1742 = arith.constant 2.500000e+01 : f32
    %mul3A_1743 = vector.broadcast %mul3A_1742 : f32 to vector<16xf32>
    %mul3A_1744 = arith.mulf %add3A_1741, %mul3A_1743 : vector<16xf32>
    %add3A_1745 = arith.addf %add3A_1674, %mul3A_1744 : vector<16xf32>
    %add3A_1746 = arith.constant 2.000000e+00 : f32
    %add3A_1747 = vector.broadcast %add3A_1746 : f32 to vector<16xf32>
    %add3A_1748 = arith.addf %sub3A_1738, %add3A_1747 : vector<16xf32>
    %mul3A_1749 = arith.constant 2.500000e+01 : f32
    %mul3A_1750 = vector.broadcast %mul3A_1749 : f32 to vector<16xf32>
    %mul3A_1751 = arith.mulf %add3A_1748, %mul3A_1750 : vector<16xf32>
    %add3A_1752 = arith.addf %add3A_1681, %mul3A_1751 : vector<16xf32>
    %slice3A_1753 = vector.extract_strided_slice %get3A_55 {offsets = [3], sizes = [1], strides = [1]} : vector<16xf32> to vector<1xf32>
    %squeeze3A_1754 = vector.extract %slice3A_1753[0] : f32 from vector<1xf32>
    %add3A_1755 = vector.broadcast %squeeze3A_1754 : f32 to vector<16xf32>
    %add3A_1756 = arith.addf %scan3A_52#23, %add3A_1755 : vector<16xf32>
    %mul3A_1757 = arith.constant 2.000000e+00 : f32
    %mul3A_1758 = vector.broadcast %mul3A_1757 : f32 to vector<16xf32>
    %mul3A_1759 = arith.mulf %mul3A_1758, %add3A_1756 : vector<16xf32>
    %min3A_1760 = arith.constant 6.000000e+01 : f32
    %min3A_1761 = vector.broadcast %min3A_1760 : f32 to vector<16xf32>
    %min3A_1762 = arith.minimumf %mul3A_1759, %min3A_1761 : vector<16xf32>
    %exp3A_1763 = math.exp %min3A_1762 : vector<16xf32>
    %sub3A_1764 = arith.constant 1.000000e+00 : f32
    %sub3A_1765 = vector.broadcast %sub3A_1764 : f32 to vector<16xf32>
    %sub3A_1766 = arith.subf %exp3A_1763, %sub3A_1765 : vector<16xf32>
    %add3A_1767 = arith.constant 1.000000e+00 : f32
    %add3A_1768 = vector.broadcast %add3A_1767 : f32 to vector<16xf32>
    %add3A_1769 = arith.addf %exp3A_1763, %add3A_1768 : vector<16xf32>
    %div3A_1770 = arith.divf %sub3A_1766, %add3A_1769 : vector<16xf32>
    %mul3A_1771 = arith.constant 2.002000e+00 : f32
    %mul3A_1772 = vector.broadcast %mul3A_1771 : f32 to vector<16xf32>
    %mul3A_1773 = arith.mulf %div3A_1770, %mul3A_1772 : vector<16xf32>
    %add3A_1774 = arith.constant 0x4B400000 : f32
    %add3A_1775 = vector.broadcast %add3A_1774 : f32 to vector<16xf32>
    %add3A_1776 = arith.addf %mul3A_1773, %add3A_1775 : vector<16xf32>
    %sub3A_1777 = arith.constant 0x4B400000 : f32
    %sub3A_1778 = vector.broadcast %sub3A_1777 : f32 to vector<16xf32>
    %sub3A_1779 = arith.subf %add3A_1776, %sub3A_1778 : vector<16xf32>
    %mul3A_1780 = arith.constant 5.000000e-01 : f32
    %mul3A_1781 = vector.broadcast %mul3A_1780 : f32 to vector<16xf32>
    %mul3A_1782 = arith.mulf %sub3A_1779, %mul3A_1781 : vector<16xf32>
    %sub3A_1783 = arith.subf %add3A_1756, %mul3A_1782 : vector<16xf32>
    %mul3A_1784 = arith.constant 4.000000e+00 : f32
    %mul3A_1785 = vector.broadcast %mul3A_1784 : f32 to vector<16xf32>
    %mul3A_1786 = arith.mulf %sub3A_1783, %mul3A_1785 : vector<16xf32>
    %mul3A_1787 = arith.constant 2.000000e+00 : f32
    %mul3A_1788 = vector.broadcast %mul3A_1787 : f32 to vector<16xf32>
    %mul3A_1789 = arith.mulf %mul3A_1788, %mul3A_1786 : vector<16xf32>
    %min3A_1790 = arith.constant 6.000000e+01 : f32
    %min3A_1791 = vector.broadcast %min3A_1790 : f32 to vector<16xf32>
    %min3A_1792 = arith.minimumf %mul3A_1789, %min3A_1791 : vector<16xf32>
    %exp3A_1793 = math.exp %min3A_1792 : vector<16xf32>
    %sub3A_1794 = arith.constant 1.000000e+00 : f32
    %sub3A_1795 = vector.broadcast %sub3A_1794 : f32 to vector<16xf32>
    %sub3A_1796 = arith.subf %exp3A_1793, %sub3A_1795 : vector<16xf32>
    %add3A_1797 = arith.constant 1.000000e+00 : f32
    %add3A_1798 = vector.broadcast %add3A_1797 : f32 to vector<16xf32>
    %add3A_1799 = arith.addf %exp3A_1793, %add3A_1798 : vector<16xf32>
    %div3A_1800 = arith.divf %sub3A_1796, %add3A_1799 : vector<16xf32>
    %mul3A_1801 = arith.constant 2.002000e+00 : f32
    %mul3A_1802 = vector.broadcast %mul3A_1801 : f32 to vector<16xf32>
    %mul3A_1803 = arith.mulf %div3A_1800, %mul3A_1802 : vector<16xf32>
    %add3A_1804 = arith.constant 0x4B400000 : f32
    %add3A_1805 = vector.broadcast %add3A_1804 : f32 to vector<16xf32>
    %add3A_1806 = arith.addf %mul3A_1803, %add3A_1805 : vector<16xf32>
    %sub3A_1807 = arith.constant 0x4B400000 : f32
    %sub3A_1808 = vector.broadcast %sub3A_1807 : f32 to vector<16xf32>
    %sub3A_1809 = arith.subf %add3A_1806, %sub3A_1808 : vector<16xf32>
    %add3A_1810 = arith.constant 2.000000e+00 : f32
    %add3A_1811 = vector.broadcast %add3A_1810 : f32 to vector<16xf32>
    %add3A_1812 = arith.addf %sub3A_1779, %add3A_1811 : vector<16xf32>
    %mul3A_1813 = arith.constant 1.250000e+02 : f32
    %mul3A_1814 = vector.broadcast %mul3A_1813 : f32 to vector<16xf32>
    %mul3A_1815 = arith.mulf %add3A_1812, %mul3A_1814 : vector<16xf32>
    %add3A_1816 = arith.addf %add3A_1745, %mul3A_1815 : vector<16xf32>
    %add3A_1817 = arith.constant 2.000000e+00 : f32
    %add3A_1818 = vector.broadcast %add3A_1817 : f32 to vector<16xf32>
    %add3A_1819 = arith.addf %sub3A_1809, %add3A_1818 : vector<16xf32>
    %mul3A_1820 = arith.constant 1.250000e+02 : f32
    %mul3A_1821 = vector.broadcast %mul3A_1820 : f32 to vector<16xf32>
    %mul3A_1822 = arith.mulf %add3A_1819, %mul3A_1821 : vector<16xf32>
    %add3A_1823 = arith.addf %add3A_1752, %mul3A_1822 : vector<16xf32>
    %convert_element_type3A_1824 = arith.fptosi %add3A_1816 : vector<16xf32> to vector<16xi32>
    %swap3A_1825 = arith.constant 0 : i32
    %swap3A_1826 = arith.index_cast %swap3A_1825 : i32 to index
    %swap3A_1827 = arith.constant 80 : index
    %swap3A_1828 = tpu.vector_load %arg9[%swap3A_1826, %swap3A_1827] {strides = array<i32>} : memref<2x128xi32, #tpu.memory_space<vmem>>, vector<1x16xi32>,
    %swap3A_1829 = vector.shape_cast %swap3A_1828 : vector<1x16xi32> to vector<16xi32>
    %swap3A_1830 = vector.shape_cast %convert_element_type3A_1824 : vector<16xi32> to vector<1x16xi32>
    tpu.vector_store %arg9[%swap3A_1826, %swap3A_1827], %swap3A_1830 {strides = array<i32>} : memref<2x128xi32, #tpu.memory_space<vmem>>, vector<1x16xi32>,
    %convert_element_type3A_1831 = arith.fptosi %add3A_1823 : vector<16xf32> to vector<16xi32>
    %swap3A_1832 = arith.constant 1 : i32
    %swap3A_1833 = arith.index_cast %swap3A_1832 : i32 to index
    %swap3A_1834 = arith.constant 80 : index
    %swap3A_1835 = tpu.vector_load %arg9[%swap3A_1833, %swap3A_1834] {strides = array<i32>} : memref<2x128xi32, #tpu.memory_space<vmem>>, vector<1x16xi32>,
    %swap3A_1836 = vector.shape_cast %swap3A_1835 : vector<1x16xi32> to vector<16xi32>
    %swap3A_1837 = vector.shape_cast %convert_element_type3A_1831 : vector<16xi32> to vector<1x16xi32>
    tpu.vector_store %arg9[%swap3A_1833, %swap3A_1834], %swap3A_1837 {strides = array<i32>} : memref<2x128xi32, #tpu.memory_space<vmem>>, vector<1x16xi32>,
    %slice3A_1838 = vector.extract_strided_slice %get3A_55 {offsets = [0], sizes = [1], strides = [1]} : vector<16xf32> to vector<1xf32>
    %squeeze3A_1839 = vector.extract %slice3A_1838[0] : f32 from vector<1xf32>
    %add3A_1840 = vector.broadcast %squeeze3A_1839 : f32 to vector<16xf32>
    %add3A_1841 = arith.addf %scan3A_52#24, %add3A_1840 : vector<16xf32>
    %mul3A_1842 = arith.constant 2.000000e+00 : f32
    %mul3A_1843 = vector.broadcast %mul3A_1842 : f32 to vector<16xf32>
    %mul3A_1844 = arith.mulf %mul3A_1843, %add3A_1841 : vector<16xf32>
    %min3A_1845 = arith.constant 6.000000e+01 : f32
    %min3A_1846 = vector.broadcast %min3A_1845 : f32 to vector<16xf32>
    %min3A_1847 = arith.minimumf %mul3A_1844, %min3A_1846 : vector<16xf32>
    %exp3A_1848 = math.exp %min3A_1847 : vector<16xf32>
    %sub3A_1849 = arith.constant 1.000000e+00 : f32
    %sub3A_1850 = vector.broadcast %sub3A_1849 : f32 to vector<16xf32>
    %sub3A_1851 = arith.subf %exp3A_1848, %sub3A_1850 : vector<16xf32>
    %add3A_1852 = arith.constant 1.000000e+00 : f32
    %add3A_1853 = vector.broadcast %add3A_1852 : f32 to vector<16xf32>
    %add3A_1854 = arith.addf %exp3A_1848, %add3A_1853 : vector<16xf32>
    %div3A_1855 = arith.divf %sub3A_1851, %add3A_1854 : vector<16xf32>
    %mul3A_1856 = arith.constant 2.002000e+00 : f32
    %mul3A_1857 = vector.broadcast %mul3A_1856 : f32 to vector<16xf32>
    %mul3A_1858 = arith.mulf %div3A_1855, %mul3A_1857 : vector<16xf32>
    %add3A_1859 = arith.constant 0x4B400000 : f32
    %add3A_1860 = vector.broadcast %add3A_1859 : f32 to vector<16xf32>
    %add3A_1861 = arith.addf %mul3A_1858, %add3A_1860 : vector<16xf32>
    %sub3A_1862 = arith.constant 0x4B400000 : f32
    %sub3A_1863 = vector.broadcast %sub3A_1862 : f32 to vector<16xf32>
    %sub3A_1864 = arith.subf %add3A_1861, %sub3A_1863 : vector<16xf32>
    %mul3A_1865 = arith.constant 5.000000e-01 : f32
    %mul3A_1866 = vector.broadcast %mul3A_1865 : f32 to vector<16xf32>
    %mul3A_1867 = arith.mulf %sub3A_1864, %mul3A_1866 : vector<16xf32>
    %sub3A_1868 = arith.subf %add3A_1841, %mul3A_1867 : vector<16xf32>
    %mul3A_1869 = arith.constant 4.000000e+00 : f32
    %mul3A_1870 = vector.broadcast %mul3A_1869 : f32 to vector<16xf32>
    %mul3A_1871 = arith.mulf %sub3A_1868, %mul3A_1870 : vector<16xf32>
    %mul3A_1872 = arith.constant 2.000000e+00 : f32
    %mul3A_1873 = vector.broadcast %mul3A_1872 : f32 to vector<16xf32>
    %mul3A_1874 = arith.mulf %mul3A_1873, %mul3A_1871 : vector<16xf32>
    %min3A_1875 = arith.constant 6.000000e+01 : f32
    %min3A_1876 = vector.broadcast %min3A_1875 : f32 to vector<16xf32>
    %min3A_1877 = arith.minimumf %mul3A_1874, %min3A_1876 : vector<16xf32>
    %exp3A_1878 = math.exp %min3A_1877 : vector<16xf32>
    %sub3A_1879 = arith.constant 1.000000e+00 : f32
    %sub3A_1880 = vector.broadcast %sub3A_1879 : f32 to vector<16xf32>
    %sub3A_1881 = arith.subf %exp3A_1878, %sub3A_1880 : vector<16xf32>
    %add3A_1882 = arith.constant 1.000000e+00 : f32
    %add3A_1883 = vector.broadcast %add3A_1882 : f32 to vector<16xf32>
    %add3A_1884 = arith.addf %exp3A_1878, %add3A_1883 : vector<16xf32>
    %div3A_1885 = arith.divf %sub3A_1881, %add3A_1884 : vector<16xf32>
    %mul3A_1886 = arith.constant 2.002000e+00 : f32
    %mul3A_1887 = vector.broadcast %mul3A_1886 : f32 to vector<16xf32>
    %mul3A_1888 = arith.mulf %div3A_1885, %mul3A_1887 : vector<16xf32>
    %add3A_1889 = arith.constant 0x4B400000 : f32
    %add3A_1890 = vector.broadcast %add3A_1889 : f32 to vector<16xf32>
    %add3A_1891 = arith.addf %mul3A_1888, %add3A_1890 : vector<16xf32>
    %sub3A_1892 = arith.constant 0x4B400000 : f32
    %sub3A_1893 = vector.broadcast %sub3A_1892 : f32 to vector<16xf32>
    %sub3A_1894 = arith.subf %add3A_1891, %sub3A_1893 : vector<16xf32>
    %add3A_1895 = arith.constant 2.000000e+00 : f32
    %add3A_1896 = vector.broadcast %add3A_1895 : f32 to vector<16xf32>
    %add3A_1897 = arith.addf %sub3A_1864, %add3A_1896 : vector<16xf32>
    %mul3A_1898 = arith.constant 1.000000e+00 : f32
    %mul3A_1899 = vector.broadcast %mul3A_1898 : f32 to vector<16xf32>
    %mul3A_1900 = arith.mulf %add3A_1897, %mul3A_1899 : vector<16xf32>
    %add3A_1901 = arith.addf %broadcast_in_dim3A_33, %mul3A_1900 : vector<16xf32>
    %add3A_1902 = arith.constant 2.000000e+00 : f32
    %add3A_1903 = vector.broadcast %add3A_1902 : f32 to vector<16xf32>
    %add3A_1904 = arith.addf %sub3A_1894, %add3A_1903 : vector<16xf32>
    %mul3A_1905 = arith.constant 1.000000e+00 : f32
    %mul3A_1906 = vector.broadcast %mul3A_1905 : f32 to vector<16xf32>
    %mul3A_1907 = arith.mulf %add3A_1904, %mul3A_1906 : vector<16xf32>
    %add3A_1908 = arith.addf %broadcast_in_dim3A_33, %mul3A_1907 : vector<16xf32>
    %slice3A_1909 = vector.extract_strided_slice %get3A_55 {offsets = [1], sizes = [1], strides = [1]} : vector<16xf32> to vector<1xf32>
    %squeeze3A_1910 = vector.extract %slice3A_1909[0] : f32 from vector<1xf32>
    %add3A_1911 = vector.broadcast %squeeze3A_1910 : f32 to vector<16xf32>
    %add3A_1912 = arith.addf %scan3A_52#25, %add3A_1911 : vector<16xf32>
    %mul3A_1913 = arith.constant 2.000000e+00 : f32
    %mul3A_1914 = vector.broadcast %mul3A_1913 : f32 to vector<16xf32>
    %mul3A_1915 = arith.mulf %mul3A_1914, %add3A_1912 : vector<16xf32>
    %min3A_1916 = arith.constant 6.000000e+01 : f32
    %min3A_1917 = vector.broadcast %min3A_1916 : f32 to vector<16xf32>
    %min3A_1918 = arith.minimumf %mul3A_1915, %min3A_1917 : vector<16xf32>
    %exp3A_1919 = math.exp %min3A_1918 : vector<16xf32>
    %sub3A_1920 = arith.constant 1.000000e+00 : f32
    %sub3A_1921 = vector.broadcast %sub3A_1920 : f32 to vector<16xf32>
    %sub3A_1922 = arith.subf %exp3A_1919, %sub3A_1921 : vector<16xf32>
    %add3A_1923 = arith.constant 1.000000e+00 : f32
    %add3A_1924 = vector.broadcast %add3A_1923 : f32 to vector<16xf32>
    %add3A_1925 = arith.addf %exp3A_1919, %add3A_1924 : vector<16xf32>
    %div3A_1926 = arith.divf %sub3A_1922, %add3A_1925 : vector<16xf32>
    %mul3A_1927 = arith.constant 2.002000e+00 : f32
    %mul3A_1928 = vector.broadcast %mul3A_1927 : f32 to vector<16xf32>
    %mul3A_1929 = arith.mulf %div3A_1926, %mul3A_1928 : vector<16xf32>
    %add3A_1930 = arith.constant 0x4B400000 : f32
    %add3A_1931 = vector.broadcast %add3A_1930 : f32 to vector<16xf32>
    %add3A_1932 = arith.addf %mul3A_1929, %add3A_1931 : vector<16xf32>
    %sub3A_1933 = arith.constant 0x4B400000 : f32
    %sub3A_1934 = vector.broadcast %sub3A_1933 : f32 to vector<16xf32>
    %sub3A_1935 = arith.subf %add3A_1932, %sub3A_1934 : vector<16xf32>
    %mul3A_1936 = arith.constant 5.000000e-01 : f32
    %mul3A_1937 = vector.broadcast %mul3A_1936 : f32 to vector<16xf32>
    %mul3A_1938 = arith.mulf %sub3A_1935, %mul3A_1937 : vector<16xf32>
    %sub3A_1939 = arith.subf %add3A_1912, %mul3A_1938 : vector<16xf32>
    %mul3A_1940 = arith.constant 4.000000e+00 : f32
    %mul3A_1941 = vector.broadcast %mul3A_1940 : f32 to vector<16xf32>
    %mul3A_1942 = arith.mulf %sub3A_1939, %mul3A_1941 : vector<16xf32>
    %mul3A_1943 = arith.constant 2.000000e+00 : f32
    %mul3A_1944 = vector.broadcast %mul3A_1943 : f32 to vector<16xf32>
    %mul3A_1945 = arith.mulf %mul3A_1944, %mul3A_1942 : vector<16xf32>
    %min3A_1946 = arith.constant 6.000000e+01 : f32
    %min3A_1947 = vector.broadcast %min3A_1946 : f32 to vector<16xf32>
    %min3A_1948 = arith.minimumf %mul3A_1945, %min3A_1947 : vector<16xf32>
    %exp3A_1949 = math.exp %min3A_1948 : vector<16xf32>
    %sub3A_1950 = arith.constant 1.000000e+00 : f32
    %sub3A_1951 = vector.broadcast %sub3A_1950 : f32 to vector<16xf32>
    %sub3A_1952 = arith.subf %exp3A_1949, %sub3A_1951 : vector<16xf32>
    %add3A_1953 = arith.constant 1.000000e+00 : f32
    %add3A_1954 = vector.broadcast %add3A_1953 : f32 to vector<16xf32>
    %add3A_1955 = arith.addf %exp3A_1949, %add3A_1954 : vector<16xf32>
    %div3A_1956 = arith.divf %sub3A_1952, %add3A_1955 : vector<16xf32>
    %mul3A_1957 = arith.constant 2.002000e+00 : f32
    %mul3A_1958 = vector.broadcast %mul3A_1957 : f32 to vector<16xf32>
    %mul3A_1959 = arith.mulf %div3A_1956, %mul3A_1958 : vector<16xf32>
    %add3A_1960 = arith.constant 0x4B400000 : f32
    %add3A_1961 = vector.broadcast %add3A_1960 : f32 to vector<16xf32>
    %add3A_1962 = arith.addf %mul3A_1959, %add3A_1961 : vector<16xf32>
    %sub3A_1963 = arith.constant 0x4B400000 : f32
    %sub3A_1964 = vector.broadcast %sub3A_1963 : f32 to vector<16xf32>
    %sub3A_1965 = arith.subf %add3A_1962, %sub3A_1964 : vector<16xf32>
    %add3A_1966 = arith.constant 2.000000e+00 : f32
    %add3A_1967 = vector.broadcast %add3A_1966 : f32 to vector<16xf32>
    %add3A_1968 = arith.addf %sub3A_1935, %add3A_1967 : vector<16xf32>
    %mul3A_1969 = arith.constant 5.000000e+00 : f32
    %mul3A_1970 = vector.broadcast %mul3A_1969 : f32 to vector<16xf32>
    %mul3A_1971 = arith.mulf %add3A_1968, %mul3A_1970 : vector<16xf32>
    %add3A_1972 = arith.addf %add3A_1901, %mul3A_1971 : vector<16xf32>
    %add3A_1973 = arith.constant 2.000000e+00 : f32
    %add3A_1974 = vector.broadcast %add3A_1973 : f32 to vector<16xf32>
    %add3A_1975 = arith.addf %sub3A_1965, %add3A_1974 : vector<16xf32>
    %mul3A_1976 = arith.constant 5.000000e+00 : f32
    %mul3A_1977 = vector.broadcast %mul3A_1976 : f32 to vector<16xf32>
    %mul3A_1978 = arith.mulf %add3A_1975, %mul3A_1977 : vector<16xf32>
    %add3A_1979 = arith.addf %add3A_1908, %mul3A_1978 : vector<16xf32>
    %slice3A_1980 = vector.extract_strided_slice %get3A_55 {offsets = [2], sizes = [1], strides = [1]} : vector<16xf32> to vector<1xf32>
    %squeeze3A_1981 = vector.extract %slice3A_1980[0] : f32 from vector<1xf32>
    %add3A_1982 = vector.broadcast %squeeze3A_1981 : f32 to vector<16xf32>
    %add3A_1983 = arith.addf %scan3A_52#26, %add3A_1982 : vector<16xf32>
    %mul3A_1984 = arith.constant 2.000000e+00 : f32
    %mul3A_1985 = vector.broadcast %mul3A_1984 : f32 to vector<16xf32>
    %mul3A_1986 = arith.mulf %mul3A_1985, %add3A_1983 : vector<16xf32>
    %min3A_1987 = arith.constant 6.000000e+01 : f32
    %min3A_1988 = vector.broadcast %min3A_1987 : f32 to vector<16xf32>
    %min3A_1989 = arith.minimumf %mul3A_1986, %min3A_1988 : vector<16xf32>
    %exp3A_1990 = math.exp %min3A_1989 : vector<16xf32>
    %sub3A_1991 = arith.constant 1.000000e+00 : f32
    %sub3A_1992 = vector.broadcast %sub3A_1991 : f32 to vector<16xf32>
    %sub3A_1993 = arith.subf %exp3A_1990, %sub3A_1992 : vector<16xf32>
    %add3A_1994 = arith.constant 1.000000e+00 : f32
    %add3A_1995 = vector.broadcast %add3A_1994 : f32 to vector<16xf32>
    %add3A_1996 = arith.addf %exp3A_1990, %add3A_1995 : vector<16xf32>
    %div3A_1997 = arith.divf %sub3A_1993, %add3A_1996 : vector<16xf32>
    %mul3A_1998 = arith.constant 2.002000e+00 : f32
    %mul3A_1999 = vector.broadcast %mul3A_1998 : f32 to vector<16xf32>
    %mul3A_2000 = arith.mulf %div3A_1997, %mul3A_1999 : vector<16xf32>
    %add3A_2001 = arith.constant 0x4B400000 : f32
    %add3A_2002 = vector.broadcast %add3A_2001 : f32 to vector<16xf32>
    %add3A_2003 = arith.addf %mul3A_2000, %add3A_2002 : vector<16xf32>
    %sub3A_2004 = arith.constant 0x4B400000 : f32
    %sub3A_2005 = vector.broadcast %sub3A_2004 : f32 to vector<16xf32>
    %sub3A_2006 = arith.subf %add3A_2003, %sub3A_2005 : vector<16xf32>
    %mul3A_2007 = arith.constant 5.000000e-01 : f32
    %mul3A_2008 = vector.broadcast %mul3A_2007 : f32 to vector<16xf32>
    %mul3A_2009 = arith.mulf %sub3A_2006, %mul3A_2008 : vector<16xf32>
    %sub3A_2010 = arith.subf %add3A_1983, %mul3A_2009 : vector<16xf32>
    %mul3A_2011 = arith.constant 4.000000e+00 : f32
    %mul3A_2012 = vector.broadcast %mul3A_2011 : f32 to vector<16xf32>
    %mul3A_2013 = arith.mulf %sub3A_2010, %mul3A_2012 : vector<16xf32>
    %mul3A_2014 = arith.constant 2.000000e+00 : f32
    %mul3A_2015 = vector.broadcast %mul3A_2014 : f32 to vector<16xf32>
    %mul3A_2016 = arith.mulf %mul3A_2015, %mul3A_2013 : vector<16xf32>
    %min3A_2017 = arith.constant 6.000000e+01 : f32
    %min3A_2018 = vector.broadcast %min3A_2017 : f32 to vector<16xf32>
    %min3A_2019 = arith.minimumf %mul3A_2016, %min3A_2018 : vector<16xf32>
    %exp3A_2020 = math.exp %min3A_2019 : vector<16xf32>
    %sub3A_2021 = arith.constant 1.000000e+00 : f32
    %sub3A_2022 = vector.broadcast %sub3A_2021 : f32 to vector<16xf32>
    %sub3A_2023 = arith.subf %exp3A_2020, %sub3A_2022 : vector<16xf32>
    %add3A_2024 = arith.constant 1.000000e+00 : f32
    %add3A_2025 = vector.broadcast %add3A_2024 : f32 to vector<16xf32>
    %add3A_2026 = arith.addf %exp3A_2020, %add3A_2025 : vector<16xf32>
    %div3A_2027 = arith.divf %sub3A_2023, %add3A_2026 : vector<16xf32>
    %mul3A_2028 = arith.constant 2.002000e+00 : f32
    %mul3A_2029 = vector.broadcast %mul3A_2028 : f32 to vector<16xf32>
    %mul3A_2030 = arith.mulf %div3A_2027, %mul3A_2029 : vector<16xf32>
    %add3A_2031 = arith.constant 0x4B400000 : f32
    %add3A_2032 = vector.broadcast %add3A_2031 : f32 to vector<16xf32>
    %add3A_2033 = arith.addf %mul3A_2030, %add3A_2032 : vector<16xf32>
    %sub3A_2034 = arith.constant 0x4B400000 : f32
    %sub3A_2035 = vector.broadcast %sub3A_2034 : f32 to vector<16xf32>
    %sub3A_2036 = arith.subf %add3A_2033, %sub3A_2035 : vector<16xf32>
    %add3A_2037 = arith.constant 2.000000e+00 : f32
    %add3A_2038 = vector.broadcast %add3A_2037 : f32 to vector<16xf32>
    %add3A_2039 = arith.addf %sub3A_2006, %add3A_2038 : vector<16xf32>
    %mul3A_2040 = arith.constant 2.500000e+01 : f32
    %mul3A_2041 = vector.broadcast %mul3A_2040 : f32 to vector<16xf32>
    %mul3A_2042 = arith.mulf %add3A_2039, %mul3A_2041 : vector<16xf32>
    %add3A_2043 = arith.addf %add3A_1972, %mul3A_2042 : vector<16xf32>
    %add3A_2044 = arith.constant 2.000000e+00 : f32
    %add3A_2045 = vector.broadcast %add3A_2044 : f32 to vector<16xf32>
    %add3A_2046 = arith.addf %sub3A_2036, %add3A_2045 : vector<16xf32>
    %mul3A_2047 = arith.constant 2.500000e+01 : f32
    %mul3A_2048 = vector.broadcast %mul3A_2047 : f32 to vector<16xf32>
    %mul3A_2049 = arith.mulf %add3A_2046, %mul3A_2048 : vector<16xf32>
    %add3A_2050 = arith.addf %add3A_1979, %mul3A_2049 : vector<16xf32>
    %slice3A_2051 = vector.extract_strided_slice %get3A_55 {offsets = [3], sizes = [1], strides = [1]} : vector<16xf32> to vector<1xf32>
    %squeeze3A_2052 = vector.extract %slice3A_2051[0] : f32 from vector<1xf32>
    %add3A_2053 = vector.broadcast %squeeze3A_2052 : f32 to vector<16xf32>
    %add3A_2054 = arith.addf %scan3A_52#27, %add3A_2053 : vector<16xf32>
    %mul3A_2055 = arith.constant 2.000000e+00 : f32
    %mul3A_2056 = vector.broadcast %mul3A_2055 : f32 to vector<16xf32>
    %mul3A_2057 = arith.mulf %mul3A_2056, %add3A_2054 : vector<16xf32>
    %min3A_2058 = arith.constant 6.000000e+01 : f32
    %min3A_2059 = vector.broadcast %min3A_2058 : f32 to vector<16xf32>
    %min3A_2060 = arith.minimumf %mul3A_2057, %min3A_2059 : vector<16xf32>
    %exp3A_2061 = math.exp %min3A_2060 : vector<16xf32>
    %sub3A_2062 = arith.constant 1.000000e+00 : f32
    %sub3A_2063 = vector.broadcast %sub3A_2062 : f32 to vector<16xf32>
    %sub3A_2064 = arith.subf %exp3A_2061, %sub3A_2063 : vector<16xf32>
    %add3A_2065 = arith.constant 1.000000e+00 : f32
    %add3A_2066 = vector.broadcast %add3A_2065 : f32 to vector<16xf32>
    %add3A_2067 = arith.addf %exp3A_2061, %add3A_2066 : vector<16xf32>
    %div3A_2068 = arith.divf %sub3A_2064, %add3A_2067 : vector<16xf32>
    %mul3A_2069 = arith.constant 2.002000e+00 : f32
    %mul3A_2070 = vector.broadcast %mul3A_2069 : f32 to vector<16xf32>
    %mul3A_2071 = arith.mulf %div3A_2068, %mul3A_2070 : vector<16xf32>
    %add3A_2072 = arith.constant 0x4B400000 : f32
    %add3A_2073 = vector.broadcast %add3A_2072 : f32 to vector<16xf32>
    %add3A_2074 = arith.addf %mul3A_2071, %add3A_2073 : vector<16xf32>
    %sub3A_2075 = arith.constant 0x4B400000 : f32
    %sub3A_2076 = vector.broadcast %sub3A_2075 : f32 to vector<16xf32>
    %sub3A_2077 = arith.subf %add3A_2074, %sub3A_2076 : vector<16xf32>
    %mul3A_2078 = arith.constant 5.000000e-01 : f32
    %mul3A_2079 = vector.broadcast %mul3A_2078 : f32 to vector<16xf32>
    %mul3A_2080 = arith.mulf %sub3A_2077, %mul3A_2079 : vector<16xf32>
    %sub3A_2081 = arith.subf %add3A_2054, %mul3A_2080 : vector<16xf32>
    %mul3A_2082 = arith.constant 4.000000e+00 : f32
    %mul3A_2083 = vector.broadcast %mul3A_2082 : f32 to vector<16xf32>
    %mul3A_2084 = arith.mulf %sub3A_2081, %mul3A_2083 : vector<16xf32>
    %mul3A_2085 = arith.constant 2.000000e+00 : f32
    %mul3A_2086 = vector.broadcast %mul3A_2085 : f32 to vector<16xf32>
    %mul3A_2087 = arith.mulf %mul3A_2086, %mul3A_2084 : vector<16xf32>
    %min3A_2088 = arith.constant 6.000000e+01 : f32
    %min3A_2089 = vector.broadcast %min3A_2088 : f32 to vector<16xf32>
    %min3A_2090 = arith.minimumf %mul3A_2087, %min3A_2089 : vector<16xf32>
    %exp3A_2091 = math.exp %min3A_2090 : vector<16xf32>
    %sub3A_2092 = arith.constant 1.000000e+00 : f32
    %sub3A_2093 = vector.broadcast %sub3A_2092 : f32 to vector<16xf32>
    %sub3A_2094 = arith.subf %exp3A_2091, %sub3A_2093 : vector<16xf32>
    %add3A_2095 = arith.constant 1.000000e+00 : f32
    %add3A_2096 = vector.broadcast %add3A_2095 : f32 to vector<16xf32>
    %add3A_2097 = arith.addf %exp3A_2091, %add3A_2096 : vector<16xf32>
    %div3A_2098 = arith.divf %sub3A_2094, %add3A_2097 : vector<16xf32>
    %mul3A_2099 = arith.constant 2.002000e+00 : f32
    %mul3A_2100 = vector.broadcast %mul3A_2099 : f32 to vector<16xf32>
    %mul3A_2101 = arith.mulf %div3A_2098, %mul3A_2100 : vector<16xf32>
    %add3A_2102 = arith.constant 0x4B400000 : f32
    %add3A_2103 = vector.broadcast %add3A_2102 : f32 to vector<16xf32>
    %add3A_2104 = arith.addf %mul3A_2101, %add3A_2103 : vector<16xf32>
    %sub3A_2105 = arith.constant 0x4B400000 : f32
    %sub3A_2106 = vector.broadcast %sub3A_2105 : f32 to vector<16xf32>
    %sub3A_2107 = arith.subf %add3A_2104, %sub3A_2106 : vector<16xf32>
    %add3A_2108 = arith.constant 2.000000e+00 : f32
    %add3A_2109 = vector.broadcast %add3A_2108 : f32 to vector<16xf32>
    %add3A_2110 = arith.addf %sub3A_2077, %add3A_2109 : vector<16xf32>
    %mul3A_2111 = arith.constant 1.250000e+02 : f32
    %mul3A_2112 = vector.broadcast %mul3A_2111 : f32 to vector<16xf32>
    %mul3A_2113 = arith.mulf %add3A_2110, %mul3A_2112 : vector<16xf32>
    %add3A_2114 = arith.addf %add3A_2043, %mul3A_2113 : vector<16xf32>
    %add3A_2115 = arith.constant 2.000000e+00 : f32
    %add3A_2116 = vector.broadcast %add3A_2115 : f32 to vector<16xf32>
    %add3A_2117 = arith.addf %sub3A_2107, %add3A_2116 : vector<16xf32>
    %mul3A_2118 = arith.constant 1.250000e+02 : f32
    %mul3A_2119 = vector.broadcast %mul3A_2118 : f32 to vector<16xf32>
    %mul3A_2120 = arith.mulf %add3A_2117, %mul3A_2119 : vector<16xf32>
    %add3A_2121 = arith.addf %add3A_2050, %mul3A_2120 : vector<16xf32>
    %convert_element_type3A_2122 = arith.fptosi %add3A_2114 : vector<16xf32> to vector<16xi32>
    %swap3A_2123 = arith.constant 0 : i32
    %swap3A_2124 = arith.index_cast %swap3A_2123 : i32 to index
    %swap3A_2125 = arith.constant 96 : index
    %swap3A_2126 = tpu.vector_load %arg9[%swap3A_2124, %swap3A_2125] {strides = array<i32>} : memref<2x128xi32, #tpu.memory_space<vmem>>, vector<1x16xi32>,
    %swap3A_2127 = vector.shape_cast %swap3A_2126 : vector<1x16xi32> to vector<16xi32>
    %swap3A_2128 = vector.shape_cast %convert_element_type3A_2122 : vector<16xi32> to vector<1x16xi32>
    tpu.vector_store %arg9[%swap3A_2124, %swap3A_2125], %swap3A_2128 {strides = array<i32>} : memref<2x128xi32, #tpu.memory_space<vmem>>, vector<1x16xi32>,
    %convert_element_type3A_2129 = arith.fptosi %add3A_2121 : vector<16xf32> to vector<16xi32>
    %swap3A_2130 = arith.constant 1 : i32
    %swap3A_2131 = arith.index_cast %swap3A_2130 : i32 to index
    %swap3A_2132 = arith.constant 96 : index
    %swap3A_2133 = tpu.vector_load %arg9[%swap3A_2131, %swap3A_2132] {strides = array<i32>} : memref<2x128xi32, #tpu.memory_space<vmem>>, vector<1x16xi32>,
    %swap3A_2134 = vector.shape_cast %swap3A_2133 : vector<1x16xi32> to vector<16xi32>
    %swap3A_2135 = vector.shape_cast %convert_element_type3A_2129 : vector<16xi32> to vector<1x16xi32>
    tpu.vector_store %arg9[%swap3A_2131, %swap3A_2132], %swap3A_2135 {strides = array<i32>} : memref<2x128xi32, #tpu.memory_space<vmem>>, vector<1x16xi32>,
    %slice3A_2136 = vector.extract_strided_slice %get3A_55 {offsets = [0], sizes = [1], strides = [1]} : vector<16xf32> to vector<1xf32>
    %squeeze3A_2137 = vector.extract %slice3A_2136[0] : f32 from vector<1xf32>
    %add3A_2138 = vector.broadcast %squeeze3A_2137 : f32 to vector<16xf32>
    %add3A_2139 = arith.addf %scan3A_52#28, %add3A_2138 : vector<16xf32>
    %mul3A_2140 = arith.constant 2.000000e+00 : f32
    %mul3A_2141 = vector.broadcast %mul3A_2140 : f32 to vector<16xf32>
    %mul3A_2142 = arith.mulf %mul3A_2141, %add3A_2139 : vector<16xf32>
    %min3A_2143 = arith.constant 6.000000e+01 : f32
    %min3A_2144 = vector.broadcast %min3A_2143 : f32 to vector<16xf32>
    %min3A_2145 = arith.minimumf %mul3A_2142, %min3A_2144 : vector<16xf32>
    %exp3A_2146 = math.exp %min3A_2145 : vector<16xf32>
    %sub3A_2147 = arith.constant 1.000000e+00 : f32
    %sub3A_2148 = vector.broadcast %sub3A_2147 : f32 to vector<16xf32>
    %sub3A_2149 = arith.subf %exp3A_2146, %sub3A_2148 : vector<16xf32>
    %add3A_2150 = arith.constant 1.000000e+00 : f32
    %add3A_2151 = vector.broadcast %add3A_2150 : f32 to vector<16xf32>
    %add3A_2152 = arith.addf %exp3A_2146, %add3A_2151 : vector<16xf32>
    %div3A_2153 = arith.divf %sub3A_2149, %add3A_2152 : vector<16xf32>
    %mul3A_2154 = arith.constant 2.002000e+00 : f32
    %mul3A_2155 = vector.broadcast %mul3A_2154 : f32 to vector<16xf32>
    %mul3A_2156 = arith.mulf %div3A_2153, %mul3A_2155 : vector<16xf32>
    %add3A_2157 = arith.constant 0x4B400000 : f32
    %add3A_2158 = vector.broadcast %add3A_2157 : f32 to vector<16xf32>
    %add3A_2159 = arith.addf %mul3A_2156, %add3A_2158 : vector<16xf32>
    %sub3A_2160 = arith.constant 0x4B400000 : f32
    %sub3A_2161 = vector.broadcast %sub3A_2160 : f32 to vector<16xf32>
    %sub3A_2162 = arith.subf %add3A_2159, %sub3A_2161 : vector<16xf32>
    %mul3A_2163 = arith.constant 5.000000e-01 : f32
    %mul3A_2164 = vector.broadcast %mul3A_2163 : f32 to vector<16xf32>
    %mul3A_2165 = arith.mulf %sub3A_2162, %mul3A_2164 : vector<16xf32>
    %sub3A_2166 = arith.subf %add3A_2139, %mul3A_2165 : vector<16xf32>
    %mul3A_2167 = arith.constant 4.000000e+00 : f32
    %mul3A_2168 = vector.broadcast %mul3A_2167 : f32 to vector<16xf32>
    %mul3A_2169 = arith.mulf %sub3A_2166, %mul3A_2168 : vector<16xf32>
    %mul3A_2170 = arith.constant 2.000000e+00 : f32
    %mul3A_2171 = vector.broadcast %mul3A_2170 : f32 to vector<16xf32>
    %mul3A_2172 = arith.mulf %mul3A_2171, %mul3A_2169 : vector<16xf32>
    %min3A_2173 = arith.constant 6.000000e+01 : f32
    %min3A_2174 = vector.broadcast %min3A_2173 : f32 to vector<16xf32>
    %min3A_2175 = arith.minimumf %mul3A_2172, %min3A_2174 : vector<16xf32>
    %exp3A_2176 = math.exp %min3A_2175 : vector<16xf32>
    %sub3A_2177 = arith.constant 1.000000e+00 : f32
    %sub3A_2178 = vector.broadcast %sub3A_2177 : f32 to vector<16xf32>
    %sub3A_2179 = arith.subf %exp3A_2176, %sub3A_2178 : vector<16xf32>
    %add3A_2180 = arith.constant 1.000000e+00 : f32
    %add3A_2181 = vector.broadcast %add3A_2180 : f32 to vector<16xf32>
    %add3A_2182 = arith.addf %exp3A_2176, %add3A_2181 : vector<16xf32>
    %div3A_2183 = arith.divf %sub3A_2179, %add3A_2182 : vector<16xf32>
    %mul3A_2184 = arith.constant 2.002000e+00 : f32
    %mul3A_2185 = vector.broadcast %mul3A_2184 : f32 to vector<16xf32>
    %mul3A_2186 = arith.mulf %div3A_2183, %mul3A_2185 : vector<16xf32>
    %add3A_2187 = arith.constant 0x4B400000 : f32
    %add3A_2188 = vector.broadcast %add3A_2187 : f32 to vector<16xf32>
    %add3A_2189 = arith.addf %mul3A_2186, %add3A_2188 : vector<16xf32>
    %sub3A_2190 = arith.constant 0x4B400000 : f32
    %sub3A_2191 = vector.broadcast %sub3A_2190 : f32 to vector<16xf32>
    %sub3A_2192 = arith.subf %add3A_2189, %sub3A_2191 : vector<16xf32>
    %add3A_2193 = arith.constant 2.000000e+00 : f32
    %add3A_2194 = vector.broadcast %add3A_2193 : f32 to vector<16xf32>
    %add3A_2195 = arith.addf %sub3A_2162, %add3A_2194 : vector<16xf32>
    %mul3A_2196 = arith.constant 1.000000e+00 : f32
    %mul3A_2197 = vector.broadcast %mul3A_2196 : f32 to vector<16xf32>
    %mul3A_2198 = arith.mulf %add3A_2195, %mul3A_2197 : vector<16xf32>
    %add3A_2199 = arith.addf %broadcast_in_dim3A_33, %mul3A_2198 : vector<16xf32>
    %add3A_2200 = arith.constant 2.000000e+00 : f32
    %add3A_2201 = vector.broadcast %add3A_2200 : f32 to vector<16xf32>
    %add3A_2202 = arith.addf %sub3A_2192, %add3A_2201 : vector<16xf32>
    %mul3A_2203 = arith.constant 1.000000e+00 : f32
    %mul3A_2204 = vector.broadcast %mul3A_2203 : f32 to vector<16xf32>
    %mul3A_2205 = arith.mulf %add3A_2202, %mul3A_2204 : vector<16xf32>
    %add3A_2206 = arith.addf %broadcast_in_dim3A_33, %mul3A_2205 : vector<16xf32>
    %slice3A_2207 = vector.extract_strided_slice %get3A_55 {offsets = [1], sizes = [1], strides = [1]} : vector<16xf32> to vector<1xf32>
    %squeeze3A_2208 = vector.extract %slice3A_2207[0] : f32 from vector<1xf32>
    %add3A_2209 = vector.broadcast %squeeze3A_2208 : f32 to vector<16xf32>
    %add3A_2210 = arith.addf %scan3A_52#29, %add3A_2209 : vector<16xf32>
    %mul3A_2211 = arith.constant 2.000000e+00 : f32
    %mul3A_2212 = vector.broadcast %mul3A_2211 : f32 to vector<16xf32>
    %mul3A_2213 = arith.mulf %mul3A_2212, %add3A_2210 : vector<16xf32>
    %min3A_2214 = arith.constant 6.000000e+01 : f32
    %min3A_2215 = vector.broadcast %min3A_2214 : f32 to vector<16xf32>
    %min3A_2216 = arith.minimumf %mul3A_2213, %min3A_2215 : vector<16xf32>
    %exp3A_2217 = math.exp %min3A_2216 : vector<16xf32>
    %sub3A_2218 = arith.constant 1.000000e+00 : f32
    %sub3A_2219 = vector.broadcast %sub3A_2218 : f32 to vector<16xf32>
    %sub3A_2220 = arith.subf %exp3A_2217, %sub3A_2219 : vector<16xf32>
    %add3A_2221 = arith.constant 1.000000e+00 : f32
    %add3A_2222 = vector.broadcast %add3A_2221 : f32 to vector<16xf32>
    %add3A_2223 = arith.addf %exp3A_2217, %add3A_2222 : vector<16xf32>
    %div3A_2224 = arith.divf %sub3A_2220, %add3A_2223 : vector<16xf32>
    %mul3A_2225 = arith.constant 2.002000e+00 : f32
    %mul3A_2226 = vector.broadcast %mul3A_2225 : f32 to vector<16xf32>
    %mul3A_2227 = arith.mulf %div3A_2224, %mul3A_2226 : vector<16xf32>
    %add3A_2228 = arith.constant 0x4B400000 : f32
    %add3A_2229 = vector.broadcast %add3A_2228 : f32 to vector<16xf32>
    %add3A_2230 = arith.addf %mul3A_2227, %add3A_2229 : vector<16xf32>
    %sub3A_2231 = arith.constant 0x4B400000 : f32
    %sub3A_2232 = vector.broadcast %sub3A_2231 : f32 to vector<16xf32>
    %sub3A_2233 = arith.subf %add3A_2230, %sub3A_2232 : vector<16xf32>
    %mul3A_2234 = arith.constant 5.000000e-01 : f32
    %mul3A_2235 = vector.broadcast %mul3A_2234 : f32 to vector<16xf32>
    %mul3A_2236 = arith.mulf %sub3A_2233, %mul3A_2235 : vector<16xf32>
    %sub3A_2237 = arith.subf %add3A_2210, %mul3A_2236 : vector<16xf32>
    %mul3A_2238 = arith.constant 4.000000e+00 : f32
    %mul3A_2239 = vector.broadcast %mul3A_2238 : f32 to vector<16xf32>
    %mul3A_2240 = arith.mulf %sub3A_2237, %mul3A_2239 : vector<16xf32>
    %mul3A_2241 = arith.constant 2.000000e+00 : f32
    %mul3A_2242 = vector.broadcast %mul3A_2241 : f32 to vector<16xf32>
    %mul3A_2243 = arith.mulf %mul3A_2242, %mul3A_2240 : vector<16xf32>
    %min3A_2244 = arith.constant 6.000000e+01 : f32
    %min3A_2245 = vector.broadcast %min3A_2244 : f32 to vector<16xf32>
    %min3A_2246 = arith.minimumf %mul3A_2243, %min3A_2245 : vector<16xf32>
    %exp3A_2247 = math.exp %min3A_2246 : vector<16xf32>
    %sub3A_2248 = arith.constant 1.000000e+00 : f32
    %sub3A_2249 = vector.broadcast %sub3A_2248 : f32 to vector<16xf32>
    %sub3A_2250 = arith.subf %exp3A_2247, %sub3A_2249 : vector<16xf32>
    %add3A_2251 = arith.constant 1.000000e+00 : f32
    %add3A_2252 = vector.broadcast %add3A_2251 : f32 to vector<16xf32>
    %add3A_2253 = arith.addf %exp3A_2247, %add3A_2252 : vector<16xf32>
    %div3A_2254 = arith.divf %sub3A_2250, %add3A_2253 : vector<16xf32>
    %mul3A_2255 = arith.constant 2.002000e+00 : f32
    %mul3A_2256 = vector.broadcast %mul3A_2255 : f32 to vector<16xf32>
    %mul3A_2257 = arith.mulf %div3A_2254, %mul3A_2256 : vector<16xf32>
    %add3A_2258 = arith.constant 0x4B400000 : f32
    %add3A_2259 = vector.broadcast %add3A_2258 : f32 to vector<16xf32>
    %add3A_2260 = arith.addf %mul3A_2257, %add3A_2259 : vector<16xf32>
    %sub3A_2261 = arith.constant 0x4B400000 : f32
    %sub3A_2262 = vector.broadcast %sub3A_2261 : f32 to vector<16xf32>
    %sub3A_2263 = arith.subf %add3A_2260, %sub3A_2262 : vector<16xf32>
    %add3A_2264 = arith.constant 2.000000e+00 : f32
    %add3A_2265 = vector.broadcast %add3A_2264 : f32 to vector<16xf32>
    %add3A_2266 = arith.addf %sub3A_2233, %add3A_2265 : vector<16xf32>
    %mul3A_2267 = arith.constant 5.000000e+00 : f32
    %mul3A_2268 = vector.broadcast %mul3A_2267 : f32 to vector<16xf32>
    %mul3A_2269 = arith.mulf %add3A_2266, %mul3A_2268 : vector<16xf32>
    %add3A_2270 = arith.addf %add3A_2199, %mul3A_2269 : vector<16xf32>
    %add3A_2271 = arith.constant 2.000000e+00 : f32
    %add3A_2272 = vector.broadcast %add3A_2271 : f32 to vector<16xf32>
    %add3A_2273 = arith.addf %sub3A_2263, %add3A_2272 : vector<16xf32>
    %mul3A_2274 = arith.constant 5.000000e+00 : f32
    %mul3A_2275 = vector.broadcast %mul3A_2274 : f32 to vector<16xf32>
    %mul3A_2276 = arith.mulf %add3A_2273, %mul3A_2275 : vector<16xf32>
    %add3A_2277 = arith.addf %add3A_2206, %mul3A_2276 : vector<16xf32>
    %slice3A_2278 = vector.extract_strided_slice %get3A_55 {offsets = [2], sizes = [1], strides = [1]} : vector<16xf32> to vector<1xf32>
    %squeeze3A_2279 = vector.extract %slice3A_2278[0] : f32 from vector<1xf32>
    %add3A_2280 = vector.broadcast %squeeze3A_2279 : f32 to vector<16xf32>
    %add3A_2281 = arith.addf %scan3A_52#30, %add3A_2280 : vector<16xf32>
    %mul3A_2282 = arith.constant 2.000000e+00 : f32
    %mul3A_2283 = vector.broadcast %mul3A_2282 : f32 to vector<16xf32>
    %mul3A_2284 = arith.mulf %mul3A_2283, %add3A_2281 : vector<16xf32>
    %min3A_2285 = arith.constant 6.000000e+01 : f32
    %min3A_2286 = vector.broadcast %min3A_2285 : f32 to vector<16xf32>
    %min3A_2287 = arith.minimumf %mul3A_2284, %min3A_2286 : vector<16xf32>
    %exp3A_2288 = math.exp %min3A_2287 : vector<16xf32>
    %sub3A_2289 = arith.constant 1.000000e+00 : f32
    %sub3A_2290 = vector.broadcast %sub3A_2289 : f32 to vector<16xf32>
    %sub3A_2291 = arith.subf %exp3A_2288, %sub3A_2290 : vector<16xf32>
    %add3A_2292 = arith.constant 1.000000e+00 : f32
    %add3A_2293 = vector.broadcast %add3A_2292 : f32 to vector<16xf32>
    %add3A_2294 = arith.addf %exp3A_2288, %add3A_2293 : vector<16xf32>
    %div3A_2295 = arith.divf %sub3A_2291, %add3A_2294 : vector<16xf32>
    %mul3A_2296 = arith.constant 2.002000e+00 : f32
    %mul3A_2297 = vector.broadcast %mul3A_2296 : f32 to vector<16xf32>
    %mul3A_2298 = arith.mulf %div3A_2295, %mul3A_2297 : vector<16xf32>
    %add3A_2299 = arith.constant 0x4B400000 : f32
    %add3A_2300 = vector.broadcast %add3A_2299 : f32 to vector<16xf32>
    %add3A_2301 = arith.addf %mul3A_2298, %add3A_2300 : vector<16xf32>
    %sub3A_2302 = arith.constant 0x4B400000 : f32
    %sub3A_2303 = vector.broadcast %sub3A_2302 : f32 to vector<16xf32>
    %sub3A_2304 = arith.subf %add3A_2301, %sub3A_2303 : vector<16xf32>
    %mul3A_2305 = arith.constant 5.000000e-01 : f32
    %mul3A_2306 = vector.broadcast %mul3A_2305 : f32 to vector<16xf32>
    %mul3A_2307 = arith.mulf %sub3A_2304, %mul3A_2306 : vector<16xf32>
    %sub3A_2308 = arith.subf %add3A_2281, %mul3A_2307 : vector<16xf32>
    %mul3A_2309 = arith.constant 4.000000e+00 : f32
    %mul3A_2310 = vector.broadcast %mul3A_2309 : f32 to vector<16xf32>
    %mul3A_2311 = arith.mulf %sub3A_2308, %mul3A_2310 : vector<16xf32>
    %mul3A_2312 = arith.constant 2.000000e+00 : f32
    %mul3A_2313 = vector.broadcast %mul3A_2312 : f32 to vector<16xf32>
    %mul3A_2314 = arith.mulf %mul3A_2313, %mul3A_2311 : vector<16xf32>
    %min3A_2315 = arith.constant 6.000000e+01 : f32
    %min3A_2316 = vector.broadcast %min3A_2315 : f32 to vector<16xf32>
    %min3A_2317 = arith.minimumf %mul3A_2314, %min3A_2316 : vector<16xf32>
    %exp3A_2318 = math.exp %min3A_2317 : vector<16xf32>
    %sub3A_2319 = arith.constant 1.000000e+00 : f32
    %sub3A_2320 = vector.broadcast %sub3A_2319 : f32 to vector<16xf32>
    %sub3A_2321 = arith.subf %exp3A_2318, %sub3A_2320 : vector<16xf32>
    %add3A_2322 = arith.constant 1.000000e+00 : f32
    %add3A_2323 = vector.broadcast %add3A_2322 : f32 to vector<16xf32>
    %add3A_2324 = arith.addf %exp3A_2318, %add3A_2323 : vector<16xf32>
    %div3A_2325 = arith.divf %sub3A_2321, %add3A_2324 : vector<16xf32>
    %mul3A_2326 = arith.constant 2.002000e+00 : f32
    %mul3A_2327 = vector.broadcast %mul3A_2326 : f32 to vector<16xf32>
    %mul3A_2328 = arith.mulf %div3A_2325, %mul3A_2327 : vector<16xf32>
    %add3A_2329 = arith.constant 0x4B400000 : f32
    %add3A_2330 = vector.broadcast %add3A_2329 : f32 to vector<16xf32>
    %add3A_2331 = arith.addf %mul3A_2328, %add3A_2330 : vector<16xf32>
    %sub3A_2332 = arith.constant 0x4B400000 : f32
    %sub3A_2333 = vector.broadcast %sub3A_2332 : f32 to vector<16xf32>
    %sub3A_2334 = arith.subf %add3A_2331, %sub3A_2333 : vector<16xf32>
    %add3A_2335 = arith.constant 2.000000e+00 : f32
    %add3A_2336 = vector.broadcast %add3A_2335 : f32 to vector<16xf32>
    %add3A_2337 = arith.addf %sub3A_2304, %add3A_2336 : vector<16xf32>
    %mul3A_2338 = arith.constant 2.500000e+01 : f32
    %mul3A_2339 = vector.broadcast %mul3A_2338 : f32 to vector<16xf32>
    %mul3A_2340 = arith.mulf %add3A_2337, %mul3A_2339 : vector<16xf32>
    %add3A_2341 = arith.addf %add3A_2270, %mul3A_2340 : vector<16xf32>
    %add3A_2342 = arith.constant 2.000000e+00 : f32
    %add3A_2343 = vector.broadcast %add3A_2342 : f32 to vector<16xf32>
    %add3A_2344 = arith.addf %sub3A_2334, %add3A_2343 : vector<16xf32>
    %mul3A_2345 = arith.constant 2.500000e+01 : f32
    %mul3A_2346 = vector.broadcast %mul3A_2345 : f32 to vector<16xf32>
    %mul3A_2347 = arith.mulf %add3A_2344, %mul3A_2346 : vector<16xf32>
    %add3A_2348 = arith.addf %add3A_2277, %mul3A_2347 : vector<16xf32>
    %slice3A_2349 = vector.extract_strided_slice %get3A_55 {offsets = [3], sizes = [1], strides = [1]} : vector<16xf32> to vector<1xf32>
    %squeeze3A_2350 = vector.extract %slice3A_2349[0] : f32 from vector<1xf32>
    %add3A_2351 = vector.broadcast %squeeze3A_2350 : f32 to vector<16xf32>
    %add3A_2352 = arith.addf %scan3A_52#31, %add3A_2351 : vector<16xf32>
    %mul3A_2353 = arith.constant 2.000000e+00 : f32
    %mul3A_2354 = vector.broadcast %mul3A_2353 : f32 to vector<16xf32>
    %mul3A_2355 = arith.mulf %mul3A_2354, %add3A_2352 : vector<16xf32>
    %min3A_2356 = arith.constant 6.000000e+01 : f32
    %min3A_2357 = vector.broadcast %min3A_2356 : f32 to vector<16xf32>
    %min3A_2358 = arith.minimumf %mul3A_2355, %min3A_2357 : vector<16xf32>
    %exp3A_2359 = math.exp %min3A_2358 : vector<16xf32>
    %sub3A_2360 = arith.constant 1.000000e+00 : f32
    %sub3A_2361 = vector.broadcast %sub3A_2360 : f32 to vector<16xf32>
    %sub3A_2362 = arith.subf %exp3A_2359, %sub3A_2361 : vector<16xf32>
    %add3A_2363 = arith.constant 1.000000e+00 : f32
    %add3A_2364 = vector.broadcast %add3A_2363 : f32 to vector<16xf32>
    %add3A_2365 = arith.addf %exp3A_2359, %add3A_2364 : vector<16xf32>
    %div3A_2366 = arith.divf %sub3A_2362, %add3A_2365 : vector<16xf32>
    %mul3A_2367 = arith.constant 2.002000e+00 : f32
    %mul3A_2368 = vector.broadcast %mul3A_2367 : f32 to vector<16xf32>
    %mul3A_2369 = arith.mulf %div3A_2366, %mul3A_2368 : vector<16xf32>
    %add3A_2370 = arith.constant 0x4B400000 : f32
    %add3A_2371 = vector.broadcast %add3A_2370 : f32 to vector<16xf32>
    %add3A_2372 = arith.addf %mul3A_2369, %add3A_2371 : vector<16xf32>
    %sub3A_2373 = arith.constant 0x4B400000 : f32
    %sub3A_2374 = vector.broadcast %sub3A_2373 : f32 to vector<16xf32>
    %sub3A_2375 = arith.subf %add3A_2372, %sub3A_2374 : vector<16xf32>
    %mul3A_2376 = arith.constant 5.000000e-01 : f32
    %mul3A_2377 = vector.broadcast %mul3A_2376 : f32 to vector<16xf32>
    %mul3A_2378 = arith.mulf %sub3A_2375, %mul3A_2377 : vector<16xf32>
    %sub3A_2379 = arith.subf %add3A_2352, %mul3A_2378 : vector<16xf32>
    %mul3A_2380 = arith.constant 4.000000e+00 : f32
    %mul3A_2381 = vector.broadcast %mul3A_2380 : f32 to vector<16xf32>
    %mul3A_2382 = arith.mulf %sub3A_2379, %mul3A_2381 : vector<16xf32>
    %mul3A_2383 = arith.constant 2.000000e+00 : f32
    %mul3A_2384 = vector.broadcast %mul3A_2383 : f32 to vector<16xf32>
    %mul3A_2385 = arith.mulf %mul3A_2384, %mul3A_2382 : vector<16xf32>
    %min3A_2386 = arith.constant 6.000000e+01 : f32
    %min3A_2387 = vector.broadcast %min3A_2386 : f32 to vector<16xf32>
    %min3A_2388 = arith.minimumf %mul3A_2385, %min3A_2387 : vector<16xf32>
    %exp3A_2389 = math.exp %min3A_2388 : vector<16xf32>
    %sub3A_2390 = arith.constant 1.000000e+00 : f32
    %sub3A_2391 = vector.broadcast %sub3A_2390 : f32 to vector<16xf32>
    %sub3A_2392 = arith.subf %exp3A_2389, %sub3A_2391 : vector<16xf32>
    %add3A_2393 = arith.constant 1.000000e+00 : f32
    %add3A_2394 = vector.broadcast %add3A_2393 : f32 to vector<16xf32>
    %add3A_2395 = arith.addf %exp3A_2389, %add3A_2394 : vector<16xf32>
    %div3A_2396 = arith.divf %sub3A_2392, %add3A_2395 : vector<16xf32>
    %mul3A_2397 = arith.constant 2.002000e+00 : f32
    %mul3A_2398 = vector.broadcast %mul3A_2397 : f32 to vector<16xf32>
    %mul3A_2399 = arith.mulf %div3A_2396, %mul3A_2398 : vector<16xf32>
    %add3A_2400 = arith.constant 0x4B400000 : f32
    %add3A_2401 = vector.broadcast %add3A_2400 : f32 to vector<16xf32>
    %add3A_2402 = arith.addf %mul3A_2399, %add3A_2401 : vector<16xf32>
    %sub3A_2403 = arith.constant 0x4B400000 : f32
    %sub3A_2404 = vector.broadcast %sub3A_2403 : f32 to vector<16xf32>
    %sub3A_2405 = arith.subf %add3A_2402, %sub3A_2404 : vector<16xf32>
    %add3A_2406 = arith.constant 2.000000e+00 : f32
    %add3A_2407 = vector.broadcast %add3A_2406 : f32 to vector<16xf32>
    %add3A_2408 = arith.addf %sub3A_2375, %add3A_2407 : vector<16xf32>
    %mul3A_2409 = arith.constant 1.250000e+02 : f32
    %mul3A_2410 = vector.broadcast %mul3A_2409 : f32 to vector<16xf32>
    %mul3A_2411 = arith.mulf %add3A_2408, %mul3A_2410 : vector<16xf32>
    %add3A_2412 = arith.addf %add3A_2341, %mul3A_2411 : vector<16xf32>
    %add3A_2413 = arith.constant 2.000000e+00 : f32
    %add3A_2414 = vector.broadcast %add3A_2413 : f32 to vector<16xf32>
    %add3A_2415 = arith.addf %sub3A_2405, %add3A_2414 : vector<16xf32>
    %mul3A_2416 = arith.constant 1.250000e+02 : f32
    %mul3A_2417 = vector.broadcast %mul3A_2416 : f32 to vector<16xf32>
    %mul3A_2418 = arith.mulf %add3A_2415, %mul3A_2417 : vector<16xf32>
    %add3A_2419 = arith.addf %add3A_2348, %mul3A_2418 : vector<16xf32>
    %convert_element_type3A_2420 = arith.fptosi %add3A_2412 : vector<16xf32> to vector<16xi32>
    %swap3A_2421 = arith.constant 0 : i32
    %swap3A_2422 = arith.index_cast %swap3A_2421 : i32 to index
    %swap3A_2423 = arith.constant 112 : index
    %swap3A_2424 = tpu.vector_load %arg9[%swap3A_2422, %swap3A_2423] {strides = array<i32>} : memref<2x128xi32, #tpu.memory_space<vmem>>, vector<1x16xi32>,
    %swap3A_2425 = vector.shape_cast %swap3A_2424 : vector<1x16xi32> to vector<16xi32>
    %swap3A_2426 = vector.shape_cast %convert_element_type3A_2420 : vector<16xi32> to vector<1x16xi32>
    tpu.vector_store %arg9[%swap3A_2422, %swap3A_2423], %swap3A_2426 {strides = array<i32>} : memref<2x128xi32, #tpu.memory_space<vmem>>, vector<1x16xi32>,
    %convert_element_type3A_2427 = arith.fptosi %add3A_2419 : vector<16xf32> to vector<16xi32>
    %swap3A_2428 = arith.constant 1 : i32
    %swap3A_2429 = arith.index_cast %swap3A_2428 : i32 to index
    %swap3A_2430 = arith.constant 112 : index
    %swap3A_2431 = tpu.vector_load %arg9[%swap3A_2429, %swap3A_2430] {strides = array<i32>} : memref<2x128xi32, #tpu.memory_space<vmem>>, vector<1x16xi32>,
    %swap3A_2432 = vector.shape_cast %swap3A_2431 : vector<1x16xi32> to vector<16xi32>
    %swap3A_2433 = vector.shape_cast %convert_element_type3A_2427 : vector<16xi32> to vector<1x16xi32>
    tpu.vector_store %arg9[%swap3A_2429, %swap3A_2430], %swap3A_2433 {strides = array<i32>} : memref<2x128xi32, #tpu.memory_space<vmem>>, vector<1x16xi32>,
    "tpu.region"() ({
      %run_scoped3A_2434 = tpu.sem_alloc : memref<!tpu.dma_semaphore, #tpu.memory_space<semaphore_mem>>
      %dma_start3A = arith.constant 0 : i32
      %dma_start3A_2435 = tpu.memref_slice %arg5[%select_n3A, %dma_start3A, %mul3A_32] : memref<2x2x2048xi32, #tpu.memory_space<hbm>> -> memref<1x2x128xi32, #tpu.memory_space<hbm>>
      %dma_start3A_2436 = tpu.memref_squeeze %dma_start3A_2435 : memref<1x2x128xi32, #tpu.memory_space<hbm>> -> memref<2x128xi32, #tpu.memory_space<hbm>>
      %dma_start3A_2437 = arith.constant 0 : i32
      %dma_start3A_2438 = tpu.memref_slice %arg5[%select_n3A, %dma_start3A_2437, %mul3A_32] : memref<2x2x2048xi32, #tpu.memory_space<hbm>> -> memref<1x2x128xi32, #tpu.memory_space<hbm>>
      %dma_start3A_2439 = tpu.memref_squeeze %dma_start3A_2438 : memref<1x2x128xi32, #tpu.memory_space<hbm>> -> memref<2x128xi32, #tpu.memory_space<hbm>>
      tpu.enqueue_dma source(%arg9 : memref<2x128xi32, #tpu.memory_space<vmem>>) target(%dma_start3A_2439 : memref<2x128xi32, #tpu.memory_space<hbm>>) target_semaphore(%run_scoped3A_2434 : memref<!tpu.dma_semaphore, #tpu.memory_space<semaphore_mem>>)
      %dma_wait3A = arith.constant 0 : i32
      %dma_wait3A_2440 = tpu.memref_slice %arg5[%select_n3A, %dma_wait3A, %mul3A_32] : memref<2x2x2048xi32, #tpu.memory_space<hbm>> -> memref<1x2x128xi32, #tpu.memory_space<hbm>>
      %dma_wait3A_2441 = tpu.memref_squeeze %dma_wait3A_2440 : memref<1x2x128xi32, #tpu.memory_space<hbm>> -> memref<2x128xi32, #tpu.memory_space<hbm>>
      %dma_wait3A_2442 = arith.constant 0 : i32
      %dma_wait3A_2443 = tpu.memref_slice %arg5[%select_n3A, %dma_wait3A_2442, %mul3A_32] : memref<2x2x2048xi32, #tpu.memory_space<hbm>> -> memref<1x2x128xi32, #tpu.memory_space<hbm>>
      %dma_wait3A_2444 = tpu.memref_squeeze %dma_wait3A_2443 : memref<1x2x128xi32, #tpu.memory_space<hbm>> -> memref<2x128xi32, #tpu.memory_space<hbm>>
      tpu.wait_dma2 semaphore(%run_scoped3A_2434 : memref<!tpu.dma_semaphore, #tpu.memory_space<semaphore_mem>>) src(%arg9 : memref<2x128xi32, #tpu.memory_space<vmem>>) dst(%dma_wait3A_2444 : memref<2x128xi32, #tpu.memory_space<hbm>>)
      tpu.yield
    }) : () -> ()
    return
  }
}

module attributes {stable_mosaic.version = 14 : i64} {
  func.func @_fsq_tc_kernel(%arg0: i32, %arg1: memref<8x1024xf32, #tpu.memory_space<vmem>>, %arg2: memref<8x1xf32, #tpu.memory_space<vmem>>, %arg3: memref<8x1xf32, #tpu.memory_space<vmem>>, %arg4: memref<1x1024x2048xf32, #tpu.memory_space<vmem>>, %arg5: memref<1x4x2048xi32, #tpu.memory_space<vmem>>) attributes {dimension_semantics = [#tpu.dimension_semantics<parallel>], iteration_bounds = array<i64: 3>, scalar_prefetch = 0 : i64, scratch_operands = 0 : i64, tpu.core_type = #tpu.core_type<tc>, window_params = [{pipeline_mode = #tpu.pipeline_mode<synchronous>, transform_indices = @transform_0, window_bounds = array<i64: 8, 1024>}, {pipeline_mode = #tpu.pipeline_mode<synchronous>, transform_indices = @transform_1, window_bounds = array<i64: 8, 1>}, {pipeline_mode = #tpu.pipeline_mode<synchronous>, transform_indices = @transform_2, window_bounds = array<i64: 8, 1>}, {transform_indices = @transform_3, window_bounds = array<i64: 1, 1024, 2048>}, {transform_indices = @transform_4, window_bounds = array<i64: 1, 4, 2048>}]} {
    %get3A = arith.constant 0 : index
    %get3A_0 = arith.constant 0 : index
    %get3A_1 = arith.constant 0 : index
    %get3A_2 = vector.load %arg4[%get3A, %get3A_0, %get3A_1] : memref<1x1024x2048xf32, #tpu.memory_space<vmem>>, vector<1x1024x2048xf32>
    %get3A_3 = vector.shape_cast %get3A_2 : vector<1x1024x2048xf32> to vector<1024x2048xf32>
    %get3A_4 = arith.constant 0 : index
    %get3A_5 = arith.constant 0 : index
    %get3A_6 = vector.load %arg1[%get3A_4, %get3A_5] : memref<8x1024xf32, #tpu.memory_space<vmem>>, vector<8x1024xf32>
    %get3A_7 = arith.constant 0 : index
    %get3A_8 = arith.constant 0 : index
    %get3A_9 = vector.load %arg2[%get3A_7, %get3A_8] : memref<8x1xf32, #tpu.memory_space<vmem>>, vector<8x1xf32>
    %convert_element_type3A = arith.truncf %get3A_6 : vector<8x1024xf32> to vector<8x1024xbf16>
    %convert_element_type3A_10 = arith.truncf %get3A_3 : vector<1024x2048xf32> to vector<1024x2048xbf16>
    %dot_general3A = arith.constant dense<0.000000e+00> : vector<8x2048xf32>
    %dot_general3A_11 = tpu.matmul %convert_element_type3A, %convert_element_type3A_10, %dot_general3A {dimension_numbers = #tpu.dot_dimension_numbers<[1], [0], [0], [1], [0, 0, 1, 1], [], []>, transpose_lhs_hint = false} : vector<8x1024xbf16>, vector<1024x2048xbf16>, vector<8x2048xf32> -> vector<8x2048xf32>
    %add3A = vector.broadcast %get3A_9 : vector<8x1xf32> to vector<8x2048xf32>
    %add3A_12 = arith.addf %dot_general3A_11, %add3A : vector<8x2048xf32>
    %tanh3A = math.tanh %add3A_12 : vector<8x2048xf32>
    %mul3A = arith.constant 2.002000e+00 : f32
    %mul3A_13 = vector.broadcast %mul3A : f32 to vector<8x2048xf32>
    %mul3A_14 = arith.mulf %tanh3A, %mul3A_13 : vector<8x2048xf32>
    %round3A = math.roundeven %mul3A_14 : vector<8x2048xf32>
    %mul3A_15 = arith.constant 5.000000e-01 : f32
    %mul3A_16 = vector.broadcast %mul3A_15 : f32 to vector<8x2048xf32>
    %mul3A_17 = arith.mulf %round3A, %mul3A_16 : vector<8x2048xf32>
    %sub3A = arith.subf %add3A_12, %mul3A_17 : vector<8x2048xf32>
    %mul3A_18 = arith.constant 4.000000e+00 : f32
    %mul3A_19 = vector.broadcast %mul3A_18 : f32 to vector<8x2048xf32>
    %mul3A_20 = arith.mulf %sub3A, %mul3A_19 : vector<8x2048xf32>
    %tanh3A_21 = math.tanh %mul3A_20 : vector<8x2048xf32>
    %mul3A_22 = arith.constant 2.002000e+00 : f32
    %mul3A_23 = vector.broadcast %mul3A_22 : f32 to vector<8x2048xf32>
    %mul3A_24 = arith.mulf %tanh3A_21, %mul3A_23 : vector<8x2048xf32>
    %round3A_25 = math.roundeven %mul3A_24 : vector<8x2048xf32>
    %get3A_26 = arith.constant 0 : index
    %get3A_27 = arith.constant 0 : index
    %get3A_28 = vector.load %arg3[%get3A_26, %get3A_27] : memref<8x1xf32, #tpu.memory_space<vmem>>, vector<8x1xf32>
    %add3A_29 = arith.constant 2.000000e+00 : f32
    %add3A_30 = vector.broadcast %add3A_29 : f32 to vector<8x2048xf32>
    %add3A_31 = arith.addf %round3A, %add3A_30 : vector<8x2048xf32>
    %mul3A_32 = vector.broadcast %get3A_28 : vector<8x1xf32> to vector<8x2048xf32>
    %mul3A_33 = arith.mulf %add3A_31, %mul3A_32 : vector<8x2048xf32>
    %add3A_34 = arith.constant 2.000000e+00 : f32
    %add3A_35 = vector.broadcast %add3A_34 : f32 to vector<8x2048xf32>
    %add3A_36 = arith.addf %round3A_25, %add3A_35 : vector<8x2048xf32>
    %mul3A_37 = vector.broadcast %get3A_28 : vector<8x1xf32> to vector<8x2048xf32>
    %mul3A_38 = arith.mulf %add3A_36, %mul3A_37 : vector<8x2048xf32>
    %slice3A = vector.extract_strided_slice %mul3A_33 {offsets = [0, 0], sizes = [4, 2048], strides = [1, 1]} : vector<8x2048xf32> to vector<4x2048xf32>
    %reduce_sum3A = arith.constant dense<0.000000e+00> : vector<2048xf32>
    %reduce_sum3A_39 = vector.multi_reduction <add>, %slice3A, %reduce_sum3A [0] : vector<4x2048xf32> to vector<2048xf32>
    %broadcast_in_dim3A = vector.shape_cast %reduce_sum3A_39 : vector<2048xf32> to vector<1x2048xf32>
    %slice3A_40 = vector.extract_strided_slice %mul3A_38 {offsets = [0, 0], sizes = [4, 2048], strides = [1, 1]} : vector<8x2048xf32> to vector<4x2048xf32>
    %reduce_sum3A_41 = arith.constant dense<0.000000e+00> : vector<2048xf32>
    %reduce_sum3A_42 = vector.multi_reduction <add>, %slice3A_40, %reduce_sum3A_41 [0] : vector<4x2048xf32> to vector<2048xf32>
    %broadcast_in_dim3A_43 = vector.shape_cast %reduce_sum3A_42 : vector<2048xf32> to vector<1x2048xf32>
    %slice3A_44 = vector.extract_strided_slice %mul3A_33 {offsets = [4, 0], sizes = [4, 2048], strides = [1, 1]} : vector<8x2048xf32> to vector<4x2048xf32>
    %reduce_sum3A_45 = arith.constant dense<0.000000e+00> : vector<2048xf32>
    %reduce_sum3A_46 = vector.multi_reduction <add>, %slice3A_44, %reduce_sum3A_45 [0] : vector<4x2048xf32> to vector<2048xf32>
    %broadcast_in_dim3A_47 = vector.shape_cast %reduce_sum3A_46 : vector<2048xf32> to vector<1x2048xf32>
    %slice3A_48 = vector.extract_strided_slice %mul3A_38 {offsets = [4, 0], sizes = [4, 2048], strides = [1, 1]} : vector<8x2048xf32> to vector<4x2048xf32>
    %reduce_sum3A_49 = arith.constant dense<0.000000e+00> : vector<2048xf32>
    %reduce_sum3A_50 = vector.multi_reduction <add>, %slice3A_48, %reduce_sum3A_49 [0] : vector<4x2048xf32> to vector<2048xf32>
    %broadcast_in_dim3A_51 = vector.shape_cast %reduce_sum3A_50 : vector<2048xf32> to vector<1x2048xf32>
    %concatenate3A = tpu.concatenate %broadcast_in_dim3A, %broadcast_in_dim3A_43, %broadcast_in_dim3A_47, %broadcast_in_dim3A_51 in 0 : vector<1x2048xf32>, vector<1x2048xf32>, vector<1x2048xf32>, vector<1x2048xf32> -> vector<4x2048xf32>
    %convert_element_type3A_52 = arith.fptosi %concatenate3A : vector<4x2048xf32> to vector<4x2048xi32>
    %swap3A = arith.constant 0 : index
    %swap3A_53 = arith.constant 0 : index
    %swap3A_54 = arith.constant 0 : index
    %swap3A_55 = vector.load %arg5[%swap3A, %swap3A_53, %swap3A_54] : memref<1x4x2048xi32, #tpu.memory_space<vmem>>, vector<1x4x2048xi32>
    %swap3A_56 = vector.shape_cast %swap3A_55 : vector<1x4x2048xi32> to vector<4x2048xi32>
    %swap3A_57 = vector.shape_cast %convert_element_type3A_52 : vector<4x2048xi32> to vector<1x4x2048xi32>
    tpu.vector_store %arg5[%swap3A, %swap3A_53, %swap3A_54], %swap3A_57 {strides = array<i32>} : memref<1x4x2048xi32, #tpu.memory_space<vmem>>, vector<1x4x2048xi32>,
    return
  }
  func.func @transform_0(%arg0: i32) -> (i32, i32) {
    %c0_i32 = arith.constant 0 : i32
    %c0_i32_0 = arith.constant 0 : i32
    %c0_i32_1 = arith.constant 0 : i32
    return %c0_i32, %c0_i32_0 : i32, i32
  }
  func.func @transform_1(%arg0: i32) -> (i32, i32) {
    %c0_i32 = arith.constant 0 : i32
    %c0_i32_0 = arith.constant 0 : i32
    %c0_i32_1 = arith.constant 0 : i32
    return %c0_i32, %c0_i32_0 : i32, i32
  }
  func.func @transform_2(%arg0: i32) -> (i32, i32) {
    %c0_i32 = arith.constant 0 : i32
    %c0_i32_0 = arith.constant 0 : i32
    %c0_i32_1 = arith.constant 0 : i32
    return %c0_i32, %c0_i32_0 : i32, i32
  }
  func.func @transform_3(%arg0: i32) -> (i32, i32, i32) {
    %c0_i32 = arith.constant 0 : i32
    %c0_i32_0 = arith.constant 0 : i32
    %c0_i32_1 = arith.constant 0 : i32
    return %arg0, %c0_i32, %c0_i32_0 : i32, i32, i32
  }
  func.func @transform_4(%arg0: i32) -> (i32, i32, i32) {
    %c0_i32 = arith.constant 0 : i32
    %c0_i32_0 = arith.constant 0 : i32
    %c0_i32_1 = arith.constant 0 : i32
    return %arg0, %c0_i32, %c0_i32_0 : i32, i32, i32
  }
}

</mosaic_0001>

<sc_bundles>
// kernel: kernel.4.cloned.1.call-start
scs
__scs_entry_jumppad:
0x0: {  	(pc) =	sbr.rel $0x88, $3  }
0x1: {  	(tag) =	ssettag $0x0;
	lr =	simm.s32 $0x1  }
0x2: {  	[smem:$0x3F9E] =	sst lr;
	_ =	strace $0xD0000000  }
0x3: {  	_ = 	snop  }
0x4: {  	_ = 	snop  }
0x5: {  	_ = 	snop  }
0x6: {  	_ = 	snop  }
0x7: {  	_ = 	snop  }
__scs_overlays_trampoline_lowered:
0x8: {  	[smem:$0x3FAD] =	sst s0  }
0x9: {  	[smem:$0x3FAE] =	sst s1  }
0xa: {  	[smem:$0x3FAF] =	sst s2  }
0xb: {  	[smem:$0x3FB0] =	sst s3  }
0xc: {  	[smem:$0x3FB1] =	sst s4  }
0xd: {  	[smem:$0x3FB2] =	sst s5  }
0xe: {  	[smem:$0x3FB3] =	sst s6  }
0xf: {  	[smem:$0x3FB4] =	sst s7  }
0x10: {  	[smem:$0x3FB5] =	sst s8  }
0x11: {  	[smem:$0x3FB6] =	sst s9;
	s0 =	simm.s32 @!p0 $0x0  }
0x12: {  	s1 =	sld [smem:$0x3F9C];
	s0 =	simm.s32 @p0 $0x1  }
0x13: {  	[smem:$0x3FB7] =	sst s0;
	s0 =	simm.s32 @!p1 $0x0  }
0x14: {  	s2 =	sld [smem:$0x3F9B];
	s0 =	simm.s32 @p1 $0x1  }
0x15: {  	[smem:$0x3FB8] =	sst s0;
	s0 =	simm.s32 @!p2 $0x0  }
0x16: {  	s3 =	sld [smem:$0x3FDB];
	s0 =	simm.s32 @p2 $0x1  }
0x17: {  	s4 =	simm.s32 $0x1BF5;
	[smem:$0x3FBA] =	sst s0  }
0x18: {  	s0 =	sld [smem:$0x3F9D];
	_ =	swait.ge [sflag:s4], $0x0  }
0x19: {  	s7 =	sld [smem:$0x3F9E]  }
0x1a: {  	s8 =	sadd.s32 $0xFFFFE003, lr  }
0x1b: {  	s9 =	sadd.s32 $0xFFFFFEF7, lr;
	s5 =	simm.s32 $0xFFFFFFFF;
	p2 =	slt.u32 s8, $0xFFFFF086  }
0x1c: {  	p1 =	slt.u32 s9, $0xF7A;
	s5 =	simm.s32 @!p2 $0x0  }
0x1d: {  	s5 =	simm.s32 @p1 $0x1;
	p0 =	seq.s32 s7, s2  }
0x1e: {  	s7 =	smul.u32 @!p0 $0xF7A, s2;
	p2 =	seq.s32 @!p0 s5, $0x0  }
0x1f: {  	s9 =	smul.u32 $0xF7A, s1;
	s8 =	simm.s32 @!p0 $0x1BF5;
	p2 =	por !p2, p0  }
0x20: {  	[sflag:s8] =	ssyncset.s32 @!p0 $0xFFFFF086;
	s6 =	sadd.s32 @!p0 s3, s7;
	s7 =	simm.s32 @!p0 $0x108  }
0x21: {  	s3 =	sadd.s32 s3, s9;
	s6 =	sadd.s32 @!p0 $0x88, s6;
	s7 =	simm.s32 @p2 $0x1082  }
0x22: {  	[simem:s7], [sflag:s8] =	dma.local @!p0 [hbm:s6], $0xF7A  }
0x23: {  	s9 =	sor.u32 $0xD0000000, s2;
	s6 =	simm.s32 $0x108;
	_ =	swait.ge @!p0 [sflag:s8], $0x0  }
0x24: {  	s3 =	sadd.s32 $0x88, s3;
	s6 =	simm.s32 @!p1 $0x1082;
	[sflag:s4] =	ssyncset.s32 $0xFFFFF086  }
0x25: {  	[simem:s6], [sflag:s4] =	dma.local [hbm:s3], $0xF7A  }
0x26: {  	[smem:$0x3F9E] =	sst s1;
	(tag) =	ssettag s2;
	_ =	strace s9  }
0x27: {  	s1 =	sld [smem:$0x3FAE]  }
0x28: {  	s2 =	sld [smem:$0x3FAF]  }
0x29: {  	s4 =	sld [smem:$0x3FB1]  }
0x2a: {  	p0 =	seq.s32 s5, $0x0;
	s5 =	sld [smem:$0x3FB2]  }
0x2b: {  	s6 =	sld [smem:$0x3FB3]  }
0x2c: {  	s7 =	sld [smem:$0x3FB4]  }
0x2d: {  	s3 =	simm.s32 $0x108;
	s8 =	sld [smem:$0x3FB5]  }
0x2e: {  	s3 =	simm.s32 @!p0 $0x1082;
	s9 =	sld [smem:$0x3FB6]  }
0x2f: {  	lr =	sadd.s32 s0, s3;
	s0 =	sld [smem:$0x3FAD]  }
0x30: {  	s3 =	sld [smem:$0x3FB0]  }
0x31: {  	[smem:$0x3FB9] =	sst s10  }
0x32: {  	s10 =	sld [smem:$0x3FB7];
	_ =	sdelay $0x3  }
0x33: {  	p0 =	seq.s32 s10, $0x1;
	s10 =	sld [smem:$0x3FB9];
	_ =	sdelay $0x3  }
0x34: {  	[smem:$0x3FB9] =	sst s10  }
0x35: {  	s10 =	sld [smem:$0x3FB8];
	_ =	sdelay $0x3  }
0x36: {  	p1 =	seq.s32 s10, $0x1;
	s10 =	sld [smem:$0x3FB9];
	_ =	sdelay $0x3  }
0x37: {  	[smem:$0x3FB9] =	sst s10  }
0x38: {  	s10 =	sld [smem:$0x3FBA]  }
0x39: {  	_ = 	snop;
	(pc) =	sbr.ind lr, $3  }
0x3a: {  	_ = 	snop  }
0x3b: {  	_ = 	snop  }
0x3c: {  	p2 =	seq.s32 s10, $0x1;
	s10 =	sld [smem:$0x3FB9]  }
0x3d: {  	_ =	shalt  }
0x3e: {  	_ =	shalt  }
0x3f: {  	_ =	shalt  }
0x40: {  	_ =	shalt  }
0x41: {  	_ =	shalt  }
0x42: {  	_ =	shalt  }
0x43: {  	_ =	shalt  }
0x44: {  	_ =	shalt  }
0x45: {  	_ =	shalt  }
0x46: {  	_ =	shalt  }
0x47: {  	_ =	shalt  }
0x48: {  	_ =	shalt  }
0x49: {  	_ =	shalt  }
0x4a: {  	_ =	shalt  }
0x4b: {  	_ =	shalt  }
0x4c: {  	_ =	shalt  }
0x4d: {  	_ =	shalt  }
0x4e: {  	_ =	shalt  }
0x4f: {  	_ =	shalt  }
0x50: {  	_ =	shalt  }
0x51: {  	_ =	shalt  }
0x52: {  	_ =	shalt  }
0x53: {  	_ =	shalt  }
0x54: {  	_ =	shalt  }
0x55: {  	_ =	shalt  }
0x56: {  	_ =	shalt  }
0x57: {  	_ =	shalt  }
0x58: {  	_ =	shalt  }
0x59: {  	_ =	shalt  }
0x5a: {  	_ =	shalt  }
0x5b: {  	_ =	shalt  }
0x5c: {  	_ =	shalt  }
0x5d: {  	_ =	shalt  }
0x5e: {  	_ =	shalt  }
0x5f: {  	_ =	shalt  }
0x60: {  	_ =	shalt  }
0x61: {  	_ =	shalt  }
0x62: {  	_ =	shalt  }
0x63: {  	_ =	shalt  }
0x64: {  	_ =	shalt  }
0x65: {  	_ =	shalt  }
0x66: {  	_ =	shalt  }
0x67: {  	_ =	shalt  }
0x68: {  	_ =	shalt  }
0x69: {  	_ =	shalt  }
0x6a: {  	_ =	shalt  }
0x6b: {  	_ =	shalt  }
0x6c: {  	_ =	shalt  }
0x6d: {  	_ =	shalt  }
0x6e: {  	_ =	shalt  }
0x6f: {  	_ =	shalt  }
0x70: {  	_ =	shalt  }
0x71: {  	_ =	shalt  }
0x72: {  	_ =	shalt  }
0x73: {  	_ =	shalt  }
0x74: {  	_ =	shalt  }
0x75: {  	_ =	shalt  }
0x76: {  	_ =	shalt  }
0x77: {  	_ =	shalt  }
0x78: {  	_ =	shalt  }
0x79: {  	_ =	shalt  }
0x7a: {  	_ =	shalt  }
0x7b: {  	_ =	shalt  }
0x7c: {  	_ =	shalt  }
0x7d: {  	_ =	shalt  }
0x7e: {  	_ =	shalt  }
0x7f: {  	_ =	shalt  }
0x80: {  	_ =	shalt  }
0x81: {  	_ =	shalt  }
0x82: {  	_ =	shalt  }
0x83: {  	_ =	shalt  }
0x84: {  	_ =	shalt  }
0x85: {  	_ =	shalt  }
0x86: {  	_ =	shalt  }
0x87: {  	_ =	shalt  }
.Lfunc_end0:
.L_simem_size_0:
called_computation_lowered:
.L_overlay_start_0:
0x88: {  	s2 =	sld [smem:$0x3FD9]  }
0x89: {  	s3 =	sld [smem:$0x3FFE];
	_ =	sdelay $0x1  }
0x8a: {  	s1 =	srdreg.scid  }
0x8b: {  	s0 =	sand.u32 $0x1, s1  }
0x8c: {  	s17 =	sshll.u32 s0, $0xA;
	s2 =	sadd.s32 s3, s2  }
0x8d: {  	s2 =	sadd.s32 s2, s17  }
0x8e: {  	[smem:$0x3FC5] =	sst s2  }
0x8f: {  	_ = 	snop  }
0x90: {  	s2 =	sld [smem:$0x3FC9]  }
0x91: {  	s18 =	sld [smem:$0x3FD0];
	(tm) =	ssettm $0x1  }
0x92: {  	s4 =	sld [smem:$0x3FFB];
	_ =	sdelay $0x3  }
0x93: {  	_ =	strace s4  }
0x94: {  	s4 =	sld [smem:$0x3FFC];
	_ =	sdelay $0x3  }
0x95: {  	_ =	strace s4  }
0x96: {  	s4 =	sld [smem:$0x3FFD];
	_ =	sdelay $0x3  }
0x97: {  	_ =	strace s4  }
0x98: {  	_ =	strace $0x8FFFFFFF  }
0x99: {  	s19 =	sld [smem:$0x3FDB];
	_ =	sdelay $0x1  }
0x9a: {  	s5 =	simm.s32 $_scs_section_size  }
0x9b: {  	s6 =	simm.s32 $_size__tile_overlayer_lowered;
	s7 =	simm.s32 $_tile_overlayer_lowered  }
0x9c: {  	s22 =	simm.s32 $0x1BFF;
	s21 =	sshll.u32 s7, $0x1;
	s4 =	sadd.s32 s5, s19  }
0x9d: {  	s8 =	simm.s32 $0x0;
	s20 =	sshll.u32 s6, $0x1;
	s6 =	sadd.s32 s21, s4  }
0x9e: {  	[timem:s8], [sflag:s22] =	dma.local [hbm:s6], s20  }
0x9f: {  	_ =	swait.ge [sflag:s22], s20  }
0xa0: {  	s5 =	ssub.s32 $0x0, s20;
	[sflag:s22] =	ssyncset.done $0x0  }
0xa1: {  	[sflag:s22] =	ssyncadd.s32 s5;
	_ =	sdelay $0x1  }
0xa2: {  	s23 =	simm.s32 $0x1B8B  }
0xa3: {  	_ =	swait.ge [sflag:s23], $0x1  }
0xa4: {  	[sflag:s23] =	ssyncset.done $0x0  }
0xa5: {  	s25 =	simm.s32 $0x1B8E;
	s24 =	sld [smem:$0x3FFE];
	[sflag:s23] =	ssyncadd.s32 $0xFFFFFFFF  }
0xa6: {  	s26 =	simm.s32 $execute0_lowered;
	[smem:$0x3FD2] =	sst s25  }
0xa7: {  	s6 =	sshll.u32 s26, $0x1;
	_ =	strace $0x80000046;
	[dreg:$0x1] =	wrdreg $0xFFFFFFFF  }
0xa8: {  	s28 =	simm.s32 $_size_execute0_lowered;
	s4 =	sadd.s32 s4, s6;
	[dreg:$0x0] =	wrdreg $0x0  }
0xa9: {  	s6 =	sshll.u32 s28, $0x1;
	[dreg:$0x2] =	wrdreg s4  }
0xaa: {  	[dreg:$0x3] =	wrdreg s6  }
0xab: {  	[dreg:$0x4] =	wrdreg $0xC0  }
0xac: {  	_ =	task [dreg:s8], $0x5FFFF  }
0xad: {  	[dreg:$0x1] =	wrdreg $0xFFFFFFFF  }
0xae: {  	[dreg:$0x0] =	wrdreg $0x60  }
0xaf: {  	[dreg:$0x2] =	wrdreg s2  }
0xb0: {  	[dreg:$0x3] =	wrdreg s24  }
0xb1: {  	[dreg:$0x4] =	wrdreg s18  }
0xb2: {  	[dreg:$0x5] =	wrdreg $0x9  }
0xb3: {  	_ =	task.clear_ibuf [dreg:s8], $0x6FFFF;
	_ =	strace $0x90000046  }
0xb4: {  	s29 =	simm.s32 $0x9;
	_ =	strace $0x80000048  }
0xb5: {  	_ =	swait.ge [sflag:s29], $0x1  }
0xb6: {  	[sflag:s29] =	ssyncadd.s32 $0xFFFFFFFF  }
0xb7: {  	_ =	strace $0x90000048  }
0xb8: {  	_ =	sfence  }
0xb9: {  	s30 =	sld [smem:$0x0];
	_ =	sdelay $0x2  }
0xba: {  	s31 =	sshll.u32 s1, $0xD;
	s1 =	sshrl.u32 s1, $0x2  }
0xbb: {  	s3 =	sand.u32 $0x4000, s31;
	s1 =	sadd.s32 s1, s30  }
0xbc: {  	s0 =	sor.u32 s3, s0;
	s1 =	sshll.u32 s1, $0x11  }
0xbd: {  	s0 =	sor.u32 s1, s0  }
0xbe: {  	s0 =	sadd.s32 $0x8F2B, s0  }
0xbf: {  	[sflag:s0] =	ssyncadd.remote.s32 $0x1  }
0xc0: {  	_ =	sfence.sel $0xFFFF  }
0xc1: {  	[dreg:$0x0] =	wrdreg $0xFFFFFFFF;
	(pc) =	sbr.abs _section_cstart, $3  }
0xc2: {  	[dreg:$0x1] =	wrdreg $0xFFFFFFFF  }
0xc3: {  	_ =	task.clear_ibuf [dreg:s8], $0x2FFFF;
	_ =	strace $0x9FFFFFFF  }
0xc4: {  	(tm) =	ssettm $0x7FFFFFFF  }
0xc5: {  	_ =	shalt  }
tec
execute0_lowered:
.L_overlay_start_1:
0x0: {  	(tag) =	ssettag $0x1  }
0x1: {  	s4 =	rddreg [dreg:$0x0]  }
0x2: {  	s3 =	rddreg [dreg:$0x1]  }
0x3: {  	s7 =	rddreg [dreg:$0x2]  }
0x4: {  	s0 =	rddreg [dreg:$0x3];
	s2 =	simm.s32 $0x0  }
0x5: {  	s1 =	stileid.u32;
	s5 =	srdreg.scid;
	s13 =	simm.s32 $0x4000  }
0x6: {  	s14 =	simm.s32 $0x18080;
	s15 =	simm.s32 $0x0;
	[smem:$0x7FF] =	sst s2  }
0x7: {  	s6 =	sshrl.u32 s1, $0x3;
	s8 =	sshll.u32 s1, $0x1;
	s5 =	sand.u32 $0x1, s5  }
0x8: {  	_ =	strace $0x80000047;
	s9 =	sshll.u32 s6, $0xD;
	s8 =	sand.u32 $0xE, s8  }
0x9: {  	s10 =	sshll.u32 s6, $0x4;
	s12 =	sshll.u32 s6, $0x11;
	s31 =	sshll.u32 s6, $0x9  }
0xa: {  	s9 =	sadd.s32 s9, s3;
	s8 =	sor.u32 s5, s8;
	s5 =	ssub.s32 $0x2, s5  }
0xb: {  	s10 =	sadd.s32 s10, s3;
	s7 =	sadd.s32 s7, s31;
	s11 =	sshll.u32 s8, $0x7  }
0xc: {  	s28 =	sshrl.u32 s5, $0x1;
	s3 =	sadd.s32 $0xC00, s9;
	s8 =	sshll.u32 s8, $0x5  }
0xd: {  	s9 =	simm.s32 $0x8000;
	s11 =	sor.u32 s12, s11;
	s29 =	ssub.s32 s5, s28  }
0xe: {  	s7 =	sadd.s32 s8, s7;
	s12 =	simm.s32 $0x400;
	s30 =	sadd.s32 s11, s4  }
0xf: {  	s4 =	sadd.s32 $0x4C00, s10;
	s8 =	smax.u32 s29, $0x1;
	s10 =	simm.s32 $0x1  }
0x10: {  	s11 =	simm.s32 $0x18000;
	s5 =	sadd.s32 $0xC0000, s30;
	s6 =	sadd.s32 $0xD0000, s30  }
.LBB2_1:
0x11: {  	[tilespmem:s9], [sflag:$0x1] =	stream.linear.gather [hbm4b:s3+s2], $0x10000, $0x38;
	[tilespmem:$0x18180] =	vst v63  }
0x12: {  	_ =	swait.ge [sflag:s10], $0x10000  }
0x13: {  	[sflag:s10] =	ssyncset.done $0x0  }
0x14: {  	[sflag:s10] =	ssyncadd.s32 $0xFFFF0000  }
0x15: {  	[tilespmem:s11], [sflag:$0x1] =	stream.linear.gather [hbm4b:s4+s2], $0x80, $0x38;
	[tilespmem:$0x18180] =	vst v63  }
0x16: {  	_ =	swait.ge [sflag:s10], $0x80  }
0x17: {  	[sflag:s10] =	ssyncset.done $0x0  }
0x18: {  	[sflag:s10] =	ssyncadd.s32 $0xFFFFFF80  }
0x19: {  	[tilespmem:s2], [sflag:$0x1] =	stream.strided.gather [hbm4b:s5+s12], $0x8000, s13, s12, $0x38;
	[tilespmem:$0x18180] =	vst v63  }
0x1a: {  	_ =	swait.ge [sflag:s10], $0x8000  }
0x1b: {  	[sflag:s10] =	ssyncset.done $0x0  }
0x1c: {  	s16 =	simm.s32 $0x0;
	[sflag:s10] =	ssyncadd.s32 $0xFFFF8000  }
0x1d: {  	v0 =	vld [tilespmem:s16+$0x70]  }
0x1e: {  	v1 =	vld [tilespmem:s16+$0x60]  }
0x1f: {  	v10 =	vld [tilespmem:s16+$0x0]  }
0x20: {  	v7 =	vld [tilespmem:s16+$0x50]  }
0x21: {  	v11 =	vld [tilespmem:s16+$0x10]  }
0x22: {  	v12 =	vld [tilespmem:s16+$0x20]  }
0x23: {  	v39 =	vimm.f32 $0.0e+00  }
0x24: {  	v38 =	vimm.f32 $0.0e+00;
	v36 =	vimm.f32 $0.0e+00;
	v31 =	vimm.f32 $0.0e+00;
	v5 =	vld [tilespmem:s16+$0x8000]  }
0x25: {  	v30 =	vimm.f32 $0.0e+00;
	v29 =	vimm.f32 $0.0e+00;
	v2 =	vshrl.u32 v1, $0x10  }
0x26: {  	v3 =	vshrl.u32 v0, $0x10;
	v13 =	vshrl.u32 v10, $0x10;
	v6 =	vshrl.u32 v7, $0x10  }
0x27: {  	v14 =	vshrl.u32 v12, $0x10;
	v15 =	vshrl.u32 v11, $0x10;
	v4 =	vand.u32 $0x1, v2  }
0x28: {  	v3 =	vand.u32 $0x1, v3;
	v2 =	vimm.f32 $0.0e+00;
	v16 =	vand.u32 $0x1, v6  }
0x29: {  	v6 =	vbroadcast v5, $0x3;
	v13 =	vand.u32 $0x1, v13;
	v14 =	vand.u32 $0x1, v14  }
0x2a: {  	v15 =	vand.u32 $0x1, v15;
	v1 =	vadd.s32 v4, v1;
	v0 =	vadd.s32 v3, v0  }
0x2b: {  	v4 =	vbroadcast v5, $0x2;
	v16 =	vadd.s32 v16, v7;
	v7 =	vbroadcast v5, $0x1  }
0x2c: {  	v12 =	vadd.s32 v14, v12;
	v10 =	vadd.s32 v13, v10;
	v11 =	vadd.s32 v15, v11  }
0x2d: {  	v9 =	vadd.s32 $0x7FFF, v1;
	v0 =	vadd.s32 $0x7FFF, v0;
	v1 =	vbroadcast v5, $0x0  }
0x2e: {  	v8 =	vld [tilespmem:s16+$0x40];
	v5 =	vadd.s32 $0x7FFF, v16;
	v12 =	vadd.s32 $0x7FFF, v12;
	v11 =	vadd.s32 $0x7FFF, v11  }
0x2f: {  	v43 =	vadd.s32 $0x7FFF, v10;
	v3 =	vand.u32 $0xFFFF0000, v0;
	v9 =	vand.u32 $0xFFFF0000, v9  }
0x30: {  	v16 =	vand.u32 $0xFFFF0000, v5;
	v5 =	vmul.f32 v9, v4;
	v17 =	vmul.f32 v9, v7  }
0x31: {  	v12 =	vand.u32 $0xFFFF0000, v12;
	v19 =	vmul.f32 v16, v1;
	v20 =	vmul.f32 v3, v7  }
0x32: {  	v14 =	vld [tilespmem:s16+$0x30];
	v11 =	vand.u32 $0xFFFF0000, v11;
	v23 =	vmul.f32 v3, v6;
	v42 =	vmul.f32 v12, v6  }
0x33: {  	v0 =	vshrl.u32 v8, $0x10;
	v10 =	vmul.f32 v11, v1;
	v24 =	vmul.f32 v11, v6  }
0x34: {  	v0 =	vand.u32 $0x1, v0;
	v45 =	vmul.f32 v16, v6;
	v27 =	vmul.f32 v11, v7  }
0x35: {  	v47 =	vmul.f32 v12, v7;
	v46 =	vmul.f32 v12, v4;
	v0 =	vadd.s32 v0, v8  }
0x36: {  	v8 =	vmul.f32 v16, v4;
	v18 =	vadd.s32 $0x7FFF, v0;
	v0 =	vadd.f32 v5, v2  }
0x37: {  	v22 =	vadd.f32 v20, v2;
	v25 =	vadd.f32 v19, v2;
	v15 =	vshrl.u32 v14, $0x10  }
0x38: {  	v26 =	vadd.f32 v23, v2;
	v19 =	vmul.f32 v12, v1;
	v35 =	vadd.f32 v10, v2  }
0x39: {  	v20 =	vimm.f32 $0.0e+00;
	v12 =	vimm.f32 $0.0e+00;
	v40 =	vand.u32 $0xFFFF0000, v18  }
0x3a: {  	v5 =	vadd.f32 v8, v2;
	v8 =	vadd.f32 v17, v2;
	v17 =	vmul.f32 v16, v7  }
0x3b: {  	v18 =	vmul.f32 v9, v6;
	v15 =	vand.u32 $0x1, v15;
	v16 =	vimm.f32 $0.0e+00  }
0x3c: {  	v41 =	vmul.f32 v40, v1;
	v13 =	vmul.f32 v40, v7;
	v14 =	vadd.s32 v15, v14  }
0x3d: {  	v28 =	vadd.f32 v19, v2;
	v19 =	vimm.f32 $0.0e+00;
	v21 =	vadd.f32 v17, v2  }
0x3e: {  	v17 =	vmul.f32 v11, v4;
	v14 =	vadd.s32 $0x7FFF, v14;
	v37 =	vadd.f32 v18, v2  }
0x3f: {  	v18 =	vimm.f32 $0.0e+00;
	v11 =	vimm.f32 $0.0e+00;
	v44 =	vand.u32 $0xFFFF0000, v14  }
0x40: {  	v14 =	vmul.f32 v40, v4;
	v32 =	vadd.f32 v13, v2;
	v15 =	vmul.f32 v44, v1  }
0x41: {  	v13 =	vimm.f32 $0.0e+00;
	v10 =	vmul.f32 v44, v4;
	v33 =	vadd.f32 v17, v2  }
0x42: {  	v23 =	vadd.f32 v14, v2;
	v14 =	vimm.f32 $0.0e+00;
	v34 =	vadd.f32 v15, v2  }
0x43: {  	s16 =	simm.s32 $0x200;
	v17 =	vadd.f32 v10, v2;
	v10 =	vimm.f32 $0.0e+00;
	v15 =	vimm.f32 $0.0e+00  }
.LBB2_2:
0x44: {  	s17 =	sshra.s32 s16, $0x2;
	p0 =	sne.s32 s16, $0x1FE00;
	s16 =	sadd.s32 $0x200, s16;
	v2 =	vadd.f32 v24, v2;
	v18 =	vadd.f32 v47, v18;
	v24 =	vmul.f32 v44, v7  }
0x45: {  	v16 =	vadd.f32 v27, v16;
	v27 =	vmul.f32 v44, v6;
	v47 =	vld [tilespmem:s17+$0x8000];
	v39 =	vadd.f32 v46, v39  }
0x46: {  	v43 =	vand.u32 $0xFFFF0000, v43;
	v38 =	vadd.f32 v45, v38;
	v44 =	vld [tilespmem:s17+$0x70];
	v10 =	vadd.f32 v24, v10  }
0x47: {  	v45 =	vmul.f32 v43, v1;
	v36 =	vadd.f32 v27, v36;
	v27 =	vmul.f32 v40, v6;
	v24 =	vld [tilespmem:s17+$0x60]  }
0x48: {  	v31 =	vadd.f32 v41, v31;
	v9 =	vmul.f32 v9, v1;
	v7 =	vmul.f32 v43, v7;
	v46 =	vld [tilespmem:s17+$0x0]  }
0x49: {  	v14 =	vadd.f32 v42, v14;
	v41 =	vmul.f32 v43, v4;
	v30 =	vadd.f32 v45, v30;
	v40 =	vld [tilespmem:s17+$0x50]  }
0x4a: {  	v4 =	vmul.f32 v3, v4;
	v6 =	vmul.f32 v43, v6;
	v19 =	vadd.f32 v27, v19;
	v42 =	vld [tilespmem:s17+$0x40]  }
0x4b: {  	v1 =	vmul.f32 v3, v1;
	v20 =	vadd.f32 v9, v20;
	v15 =	vadd.f32 v7, v15;
	v27 =	vld [tilespmem:s17+$0x10]  }
0x4c: {  	v13 =	vadd.f32 v4, v13;
	v7 =	vshrl.u32 v44, $0x10;
	v43 =	vld [tilespmem:s17+$0x20];
	v3 =	vshrl.u32 v24, $0x10  }
0x4d: {  	v29 =	vadd.f32 v1, v29;
	v4 =	vand.u32 $0x1, v7;
	v3 =	vand.u32 $0x1, v3  }
0x4e: {  	v12 =	vadd.f32 v41, v12;
	v1 =	vadd.s32 v3, v24;
	v3 =	vadd.s32 v4, v44  }
0x4f: {  	v24 =	vshrl.u32 v46, $0x10;
	v9 =	vadd.s32 $0x7FFF, v1;
	v3 =	vadd.s32 $0x7FFF, v3  }
0x50: {  	v7 =	vshrl.u32 v40, $0x10;
	v1 =	vbroadcast v47, $0x0;
	v3 =	vand.u32 $0xFFFF0000, v3  }
0x51: {  	v11 =	vadd.f32 v6, v11;
	v4 =	vbroadcast v47, $0x2;
	v41 =	vshrl.u32 v43, $0x10  }
0x52: {  	v45 =	vshrl.u32 v42, $0x10;
	v7 =	vand.u32 $0x1, v7;
	v44 =	vshrl.u32 v27, $0x10  }
0x53: {  	v6 =	vbroadcast v47, $0x3;
	v45 =	vand.u32 $0x1, v45;
	v40 =	vadd.s32 v7, v40  }
0x54: {  	v7 =	vbroadcast v47, $0x1;
	v9 =	vand.u32 $0xFFFF0000, v9;
	v40 =	vadd.s32 $0x7FFF, v40  }
0x55: {  	v42 =	vadd.s32 v45, v42;
	v45 =	vand.u32 $0xFFFF0000, v40;
	v40 =	vmul.f32 v9, v4  }
0x56: {  	v24 =	vand.u32 $0x1, v24;
	v48 =	vmul.f32 v9, v7;
	v47 =	vmul.f32 v45, v4  }
0x57: {  	v42 =	vadd.s32 $0x7FFF, v42;
	v49 =	vmul.f32 v45, v1;
	v0 =	vadd.f32 v40, v0  }
0x58: {  	v40 =	vand.u32 $0xFFFF0000, v42;
	v8 =	vadd.f32 v48, v8;
	v5 =	vadd.f32 v47, v5  }
0x59: {  	v41 =	vand.u32 $0x1, v41;
	v42 =	vmul.f32 v45, v7;
	v47 =	vmul.f32 v9, v6  }
0x5a: {  	v44 =	vand.u32 $0x1, v44;
	v43 =	vadd.s32 v41, v43;
	v41 =	vmul.f32 v40, v1;
	v48 =	vld [tilespmem:s17+$0x30]  }
0x5b: {  	v51 =	vmul.f32 v3, v6;
	v50 =	vmul.f32 v3, v7;
	v43 =	vadd.s32 $0x7FFF, v43  }
0x5c: {  	v24 =	vadd.s32 v24, v46;
	v46 =	vand.u32 $0xFFFF0000, v43;
	v21 =	vadd.f32 v42, v21  }
0x5d: {  	v27 =	vadd.s32 v44, v27;
	v22 =	vadd.f32 v50, v22;
	v42 =	vmul.f32 v46, v6  }
0x5e: {  	v27 =	vadd.s32 $0x7FFF, v27;
	v50 =	vmul.f32 v40, v7;
	v25 =	vadd.f32 v49, v25  }
0x5f: {  	v26 =	vadd.f32 v51, v26;
	v27 =	vand.u32 $0xFFFF0000, v27;
	v43 =	vshrl.u32 v48, $0x10  }
0x60: {  	v49 =	vmul.f32 v27, v4;
	v44 =	vmul.f32 v46, v1;
	v51 =	vand.u32 $0x1, v43  }
0x61: {  	v52 =	vmul.f32 v27, v1;
	v43 =	vadd.s32 $0x7FFF, v24;
	v24 =	vadd.s32 v51, v48  }
0x62: {  	v37 =	vadd.f32 v47, v37;
	v28 =	vadd.f32 v44, v28;
	v44 =	vadd.s32 $0x7FFF, v24  }
.Ltmp0:
0x63: {  	v48 =	vmul.f32 v40, v4;
	v24 =	vmul.f32 v27, v6;
	v44 =	vand.u32 $0xFFFF0000, v44;
	(pc) =	sbr.rel @p0 .LBB2_2-.Ltmp0, $4  }
0x64: {  	v45 =	vmul.f32 v45, v6;
	v35 =	vadd.f32 v52, v35;
	v51 =	vmul.f32 v44, v1  }
0x65: {  	v32 =	vadd.f32 v50, v32;
	v27 =	vmul.f32 v27, v7;
	v52 =	vmul.f32 v44, v4  }
0x66: {  	v33 =	vadd.f32 v49, v33;
	v47 =	vmul.f32 v46, v7;
	v34 =	vadd.f32 v51, v34  }
0x67: {  	v46 =	vmul.f32 v46, v4;
	v23 =	vadd.f32 v48, v23;
	v17 =	vadd.f32 v52, v17  }
0x68: {  	s16 =	simm.s32 $0x0  }
0x69: {  	[tilespmem:s16], [sflag:$0x1] =	stream.strided.gather [hbm4b:s6+s12], $0x8000, s13, s12, $0x38;
	[tilespmem:$0x18180] =	vst v63  }
0x6a: {  	_ =	swait.ge [sflag:s10], $0x8000  }
0x6b: {  	[sflag:s10] =	ssyncset.done $0x0  }
0x6c: {  	v24 =	vadd.f32 v24, v2;
	v2 =	vmul.f32 v44, v7;
	s31 =	simm.s32 $0x0;
	[sflag:s10] =	ssyncadd.s32 $0xFFFF8000  }
0x6d: {  	v18 =	vadd.f32 v47, v18;
	v43 =	vand.u32 $0xFFFF0000, v43;
	v54 =	vld [tilespmem:s31+$0x10000]  }
0x6e: {  	v27 =	vadd.f32 v27, v16;
	v61 =	vadd.f32 v2, v10;
	v2 =	vmul.f32 v43, v1;
	v56 =	vld [tilespmem:s31+$0x60]  }
0x6f: {  	v53 =	vmul.f32 v44, v6;
	v16 =	vadd.f32 v46, v39;
	v39 =	vadd.f32 v41, v31;
	v31 =	vld [tilespmem:s31+$0x70]  }
0x70: {  	v55 =	vmul.f32 v40, v6;
	v7 =	vmul.f32 v43, v7;
	v41 =	vadd.f32 v2, v30;
	v30 =	vld [tilespmem:s31+$0x0]  }
0x71: {  	v9 =	vmul.f32 v9, v1;
	v14 =	vadd.f32 v42, v14;
	v10 =	vadd.f32 v45, v38;
	v57 =	vld [tilespmem:s31+$0x50]  }
0x72: {  	v40 =	vadd.f32 v7, v15;
	v2 =	vmul.f32 v43, v4;
	v4 =	vmul.f32 v3, v4;
	v7 =	vld [tilespmem:s31+$0x40]  }
0x73: {  	v44 =	vadd.f32 v53, v36;
	v19 =	vadd.f32 v55, v19;
	v3 =	vmul.f32 v3, v1;
	v58 =	vld [tilespmem:s31+$0x10]  }
0x74: {  	v6 =	vmul.f32 v43, v6;
	v9 =	vadd.f32 v9, v20;
	v1 =	vadd.f32 v4, v13  }
0x75: {  	v4 =	vadd.f32 v3, v29;
	v36 =	vadd.f32 v2, v12  }
0x76: {  	v29 =	vld [tilespmem:s31+$0x20];
	v12 =	vadd.f32 v6, v11;
	v3 =	vshrl.u32 v56, $0x10;
	v2 =	vshrl.u32 v31, $0x10  }
0x77: {  	v11 =	vshrl.u32 v30, $0x10;
	v6 =	vbroadcast v54, $0x0;
	v15 =	vshrl.u32 v57, $0x10  }
0x78: {  	v59 =	vshrl.u32 v58, $0x10;
	v20 =	vshrl.u32 v7, $0x10;
	v38 =	vbroadcast v54, $0x3  }
0x79: {  	v3 =	vand.u32 $0x1, v3;
	v2 =	vand.u32 $0x1, v2;
	v15 =	vand.u32 $0x1, v15  }
0x7a: {  	v60 =	vand.u32 $0x1, v20;
	v20 =	vbroadcast v54, $0x1;
	v62 =	vand.u32 $0x1, v11  }
0x7b: {  	v3 =	vadd.s32 v3, v56;
	v2 =	vadd.s32 v2, v31;
	v31 =	vshrl.u32 v29, $0x10  }
0x7c: {  	v15 =	vadd.s32 v15, v57;
	v7 =	vadd.s32 v60, v7;
	v13 =	vadd.s32 $0x7FFF, v3  }
0x7d: {  	v2 =	vadd.s32 $0x7FFF, v2;
	v3 =	vbroadcast v54, $0x2;
	v15 =	vadd.s32 $0x7FFF, v15  }
0x7e: {  	v48 =	vadd.s32 $0x7FFF, v7;
	v13 =	vand.u32 $0xFFFF0000, v13;
	v45 =	vand.u32 $0xFFFF0000, v15  }
0x7f: {  	v2 =	vand.u32 $0xFFFF0000, v2;
	v15 =	vmul.f32 v13, v3;
	v11 =	vmul.f32 v45, v3  }
0x80: {  	v52 =	vand.u32 $0xFFFF0000, v48;
	v63 =	vmul.f32 v13, v20;
	v49 =	vmul.f32 v45, v6  }
0x81: {  	v42 =	vadd.s32 v62, v30;
	v50 =	vmul.f32 v52, v6;
	v54 =	vmul.f32 v2, v38  }
0x82: {  	v60 =	vmul.f32 v52, v3;
	v47 =	vmul.f32 v45, v38;
	v7 =	vadd.f32 v15, v0  }
0x83: {  	v53 =	vld [tilespmem:s31+$0x30];
	v15 =	vadd.f32 v11, v5;
	v11 =	vadd.f32 v63, v8;
	v0 =	vand.u32 $0x1, v31  }
0x84: {  	v5 =	vmul.f32 v45, v20;
	v8 =	vmul.f32 v13, v38;
	v0 =	vadd.s32 v0, v29  }
0x85: {  	v31 =	vand.u32 $0x1, v59;
	v29 =	vmul.f32 v2, v20;
	v0 =	vadd.s32 $0x7FFF, v0  }
0x86: {  	v21 =	vadd.f32 v5, v21;
	v8 =	vadd.f32 v8, v37;
	v55 =	vand.u32 $0xFFFF0000, v0  }
0x87: {  	v0 =	vadd.s32 v31, v58;
	v5 =	vadd.f32 v29, v22;
	v22 =	vmul.f32 v52, v20  }
0x88: {  	v29 =	vadd.f32 v49, v25;
	v25 =	vshrl.u32 v53, $0x10;
	v30 =	vmul.f32 v55, v38  }
0x89: {  	v0 =	vadd.s32 $0x7FFF, v0;
	v31 =	vmul.f32 v55, v6;
	v57 =	vand.u32 $0x1, v25  }
0x8a: {  	v25 =	vadd.s32 $0x7FFF, v42;
	v37 =	vmul.f32 v55, v20;
	v56 =	vand.u32 $0xFFFF0000, v0  }
0x8b: {  	v0 =	vadd.f32 v54, v26;
	v59 =	vadd.s32 v57, v53;
	v53 =	vadd.f32 v60, v23  }
0x8c: {  	v26 =	vmul.f32 v56, v3;
	v31 =	vadd.f32 v31, v28;
	v28 =	vadd.s32 $0x7FFF, v59  }
0x8d: {  	v58 =	vmul.f32 v56, v6;
	v42 =	vmul.f32 v56, v38;
	v28 =	vand.u32 $0xFFFF0000, v28  }
0x8e: {  	v59 =	vadd.f32 v22, v32;
	v62 =	vmul.f32 v28, v6;
	v63 =	vmul.f32 v28, v3  }
0x8f: {  	v43 =	vmul.f32 v56, v20;
	v35 =	vadd.f32 v58, v35;
	v32 =	vadd.f32 v26, v33  }
0x90: {  	s16 =	simm.s32 $0x200;
	v33 =	vmul.f32 v55, v3;
	v22 =	vadd.f32 v62, v34;
	v17 =	vadd.f32 v63, v17  }
.LBB2_4:
0x91: {  	s17 =	sshra.s32 s16, $0x2;
	p0 =	sne.s32 s16, $0x1FE00;
	s16 =	sadd.s32 $0x200, s16;
	v24 =	vadd.f32 v42, v24;
	v18 =	vadd.f32 v37, v18;
	v23 =	vmul.f32 v28, v20  }
0x92: {  	v27 =	vadd.f32 v43, v27;
	v28 =	vmul.f32 v28, v38;
	v26 =	vld [tilespmem:s17+$0x10000];
	v16 =	vadd.f32 v33, v16  }
0x93: {  	v25 =	vand.u32 $0xFFFF0000, v25;
	v10 =	vadd.f32 v47, v10;
	v33 =	vld [tilespmem:s17+$0x70];
	v61 =	vadd.f32 v23, v61  }
0x94: {  	v34 =	vmul.f32 v25, v6;
	v44 =	vadd.f32 v28, v44;
	v28 =	vmul.f32 v52, v38;
	v23 =	vld [tilespmem:s17+$0x60]  }
0x95: {  	v39 =	vadd.f32 v50, v39;
	v13 =	vmul.f32 v13, v6;
	v20 =	vmul.f32 v25, v20;
	v37 =	vld [tilespmem:s17+$0x0]  }
0x96: {  	v14 =	vadd.f32 v30, v14;
	v41 =	vadd.f32 v34, v41;
	v34 =	vmul.f32 v25, v3;
	v42 =	vld [tilespmem:s17+$0x50]  }
0x97: {  	v25 =	vmul.f32 v25, v38;
	v3 =	vmul.f32 v2, v3;
	v19 =	vadd.f32 v28, v19;
	v30 =	vld [tilespmem:s17+$0x40]  }
0x98: {  	v9 =	vadd.f32 v13, v9;
	v40 =	vadd.f32 v20, v40;
	v2 =	vmul.f32 v2, v6;
	v28 =	vld [tilespmem:s17+$0x10]  }
0x99: {  	v1 =	vadd.f32 v3, v1;
	v13 =	vshrl.u32 v33, $0x10;
	v43 =	vld [tilespmem:s17+$0x20];
	v6 =	vshrl.u32 v23, $0x10  }
0x9a: {  	v4 =	vadd.f32 v2, v4;
	v3 =	vand.u32 $0x1, v6;
	v6 =	vand.u32 $0x1, v13  }
0x9b: {  	v36 =	vadd.f32 v34, v36;
	v2 =	vadd.s32 v3, v23;
	v3 =	vadd.s32 v6, v33  }
0x9c: {  	v23 =	vshrl.u32 v37, $0x10;
	v13 =	vadd.s32 $0x7FFF, v2;
	v2 =	vadd.s32 $0x7FFF, v3  }
0x9d: {  	v6 =	vbroadcast v26, $0x0;
	v20 =	vshrl.u32 v42, $0x10;
	v2 =	vand.u32 $0xFFFF0000, v2  }
0x9e: {  	v12 =	vadd.f32 v25, v12;
	v3 =	vbroadcast v26, $0x2;
	v33 =	vshrl.u32 v43, $0x10  }
0x9f: {  	v34 =	vshrl.u32 v30, $0x10;
	v20 =	vand.u32 $0x1, v20;
	v25 =	vshrl.u32 v28, $0x10  }
0xa0: {  	v38 =	vbroadcast v26, $0x3;
	v34 =	vand.u32 $0x1, v34;
	v42 =	vadd.s32 v20, v42  }
0xa1: {  	v20 =	vbroadcast v26, $0x1;
	v13 =	vand.u32 $0xFFFF0000, v13;
	v26 =	vadd.s32 $0x7FFF, v42  }
0xa2: {  	v30 =	vadd.s32 v34, v30;
	v34 =	vmul.f32 v13, v3;
	v26 =	vand.u32 $0xFFFF0000, v26  }
0xa3: {  	v23 =	vand.u32 $0x1, v23;
	v45 =	vmul.f32 v13, v20;
	v42 =	vmul.f32 v26, v3  }
0xa4: {  	v30 =	vadd.s32 $0x7FFF, v30;
	v46 =	vmul.f32 v26, v6;
	v7 =	vadd.f32 v34, v7  }
0xa5: {  	v52 =	vand.u32 $0xFFFF0000, v30;
	v11 =	vadd.f32 v45, v11;
	v15 =	vadd.f32 v42, v15  }
0xa6: {  	v30 =	vand.u32 $0x1, v33;
	v33 =	vmul.f32 v26, v20;
	v34 =	vmul.f32 v13, v38  }
0xa7: {  	v25 =	vand.u32 $0x1, v25;
	v30 =	vadd.s32 v30, v43;
	v50 =	vmul.f32 v52, v6;
	v42 =	vld [tilespmem:s17+$0x30]  }
0xa8: {  	v43 =	vmul.f32 v2, v20;
	v45 =	vmul.f32 v2, v38;
	v30 =	vadd.s32 $0x7FFF, v30  }
0xa9: {  	v23 =	vadd.s32 v23, v37;
	v21 =	vadd.f32 v33, v21;
	v48 =	vand.u32 $0xFFFF0000, v30  }
0xaa: {  	v25 =	vadd.s32 v25, v28;
	v5 =	vadd.f32 v43, v5;
	v30 =	vmul.f32 v48, v38  }
0xab: {  	v25 =	vadd.s32 $0x7FFF, v25;
	v33 =	vmul.f32 v52, v20;
	v29 =	vadd.f32 v46, v29  }
0xac: {  	v37 =	vand.u32 $0xFFFF0000, v25;
	v0 =	vadd.f32 v45, v0;
	v25 =	vshrl.u32 v42, $0x10  }
0xad: {  	v45 =	vmul.f32 v37, v3;
	v28 =	vmul.f32 v48, v6;
	v43 =	vand.u32 $0x1, v25  }
0xae: {  	v25 =	vadd.s32 $0x7FFF, v23;
	v23 =	vmul.f32 v37, v6;
	v42 =	vadd.s32 v43, v42  }
0xaf: {  	v8 =	vadd.f32 v34, v8;
	v31 =	vadd.f32 v28, v31;
	v28 =	vadd.s32 $0x7FFF, v42  }
.Ltmp1:
0xb0: {  	v34 =	vmul.f32 v52, v3;
	v42 =	vmul.f32 v37, v38;
	v28 =	vand.u32 $0xFFFF0000, v28;
	(pc) =	sbr.rel @p0 .LBB2_4-.Ltmp1, $4  }
0xb1: {  	v47 =	vmul.f32 v26, v38;
	v35 =	vadd.f32 v23, v35;
	v23 =	vmul.f32 v28, v6  }
0xb2: {  	v59 =	vadd.f32 v33, v59;
	v43 =	vmul.f32 v37, v20;
	v26 =	vmul.f32 v28, v3  }
0xb3: {  	v32 =	vadd.f32 v45, v32;
	v37 =	vmul.f32 v48, v20;
	v22 =	vadd.f32 v23, v22  }
0xb4: {  	v33 =	vmul.f32 v48, v3;
	v53 =	vadd.f32 v34, v53;
	v17 =	vadd.f32 v26, v17  }
0xb5: {  	v34 =	vld [tilespmem:$0x18000];
	_ =	sdelay $0x1  }
0xb6: {  	v45 =	vand.u32 $0xFFFF0000, v25  }
0xb7: {  	v23 =	vmul.f32 v45, v6;
	_ =	sdelay $0x1  }
0xb8: {  	v23 =	vadd.f32 v23, v41;
	v25 =	vbroadcast v34, $0x0;
	_ =	sdelay $0x1  }
0xb9: {  	v23 =	vadd.f32 v25, v23;
	_ =	sdelay $0x1  }
0xba: {  	v26 =	vadd.f32 v23, v23;
	_ =	sdelay $0x1  }
0xbb: {  	v26 =	vmin.f32 v26, $6.000000000e+01  }
0xbc: {  	v26 =	vmul.f32 $1.442695020e+00, v26;
	_ =	sdelay $0x1  }
0xbd: {  	(erf) = vpow2.f32 v26;
	_ =	sdelay $0x8  }
0xbe: {  	v26 =	vpop (erf)  }
0xbf: {  	v46 =	vadd.f32 $1.000000000e+00, v26;
	_ =	sdelay $0x1  }
0xc0: {  	(erf) = vrcp.f32 v46;
	_ =	sdelay $0x7  }
0xc1: {  	v26 =	vadd.f32 $-1.000000000e+00, v26  }
0xc2: {  	v41 =	vpop (erf)  }
0xc3: {  	v26 =	vmul.f32 v41, v26;
	_ =	sdelay $0x1  }
0xc4: {  	v26 =	vmul.f32 $2.002000090e+00, v26;
	_ =	sdelay $0x1  }
0xc5: {  	v26 =	vadd.f32 $1.258291200e+07, v26;
	_ =	sdelay $0x1  }
0xc6: {  	v26 =	vadd.f32 $-1.258291200e+07, v26;
	_ =	sdelay $0x1  }
0xc7: {  	[tilespmem:$0x1FE30] =	vst v26;
	v26 =	vmul.f32 $5.000000000e-01, v26;
	_ =	sdelay $0x1  }
0xc8: {  	v23 =	vsub.f32 v23, v26;
	_ =	sdelay $0x1  }
0xc9: {  	v23 =	vmul.f32 $4.000000000e+00, v23;
	_ =	sdelay $0x1  }
0xca: {  	v23 =	vadd.f32 v23, v23;
	_ =	sdelay $0x1  }
0xcb: {  	v23 =	vmin.f32 v23, $6.000000000e+01  }
0xcc: {  	v23 =	vmul.f32 $1.442695020e+00, v23;
	_ =	sdelay $0x1  }
0xcd: {  	(erf) = vpow2.f32 v23;
	_ =	sdelay $0x1  }
0xce: {  	v48 =	vmul.f32 v45, v20;
	_ =	sdelay $0x1  }
0xcf: {  	v49 =	vadd.f32 v48, v40;
	v23 =	vbroadcast v34, $0x1;
	_ =	sdelay $0x1  }
0xd0: {  	v26 =	vadd.f32 v23, v49;
	_ =	sdelay $0x1  }
0xd1: {  	v51 =	vadd.f32 v26, v26  }
0xd2: {  	v54 =	vpop (erf)  }
0xd3: {  	v40 =	vmin.f32 v51, $6.000000000e+01;
	v41 =	vadd.f32 $1.000000000e+00, v54  }
0xd4: {  	v40 =	vmul.f32 $1.442695020e+00, v40  }
0xd5: {  	(erf) = vrcp.f32 v41  }
0xd6: {  	(erf) = vpow2.f32 v40;
	_ =	sdelay $0x7  }
0xd7: {  	v55 =	vpop (erf)  }
0xd8: {  	v56 =	vpop (erf)  }
0xd9: {  	v57 =	vadd.f32 $1.000000000e+00, v56;
	_ =	sdelay $0x1  }
0xda: {  	(erf) = vrcp.f32 v57;
	_ =	sdelay $0x7  }
0xdb: {  	v40 =	vadd.f32 $-1.000000000e+00, v56  }
0xdc: {  	v41 =	vpop (erf)  }
0xdd: {  	v40 =	vmul.f32 v41, v40;
	_ =	sdelay $0x1  }
0xde: {  	v40 =	vmul.f32 $2.002000090e+00, v40;
	_ =	sdelay $0x1  }
0xdf: {  	v40 =	vadd.f32 $1.258291200e+07, v40;
	_ =	sdelay $0x1  }
0xe0: {  	v40 =	vadd.f32 $-1.258291200e+07, v40;
	_ =	sdelay $0x1  }
0xe1: {  	[tilespmem:$0x1FE10] =	vst v40;
	v40 =	vmul.f32 $5.000000000e-01, v40;
	_ =	sdelay $0x1  }
0xe2: {  	v26 =	vsub.f32 v26, v40;
	_ =	sdelay $0x1  }
0xe3: {  	v26 =	vmul.f32 $4.000000000e+00, v26;
	_ =	sdelay $0x1  }
0xe4: {  	v26 =	vadd.f32 v26, v26;
	_ =	sdelay $0x1  }
0xe5: {  	v26 =	vmin.f32 v26, $6.000000000e+01  }
0xe6: {  	v26 =	vmul.f32 $1.442695020e+00, v26;
	_ =	sdelay $0x1  }
0xe7: {  	(erf) = vpow2.f32 v26;
	_ =	sdelay $0x1  }
0xe8: {  	v58 =	vmul.f32 v45, v3;
	_ =	sdelay $0x1  }
0xe9: {  	v36 =	vadd.f32 v58, v36;
	v26 =	vbroadcast v34, $0x2;
	_ =	sdelay $0x1  }
0xea: {  	v36 =	vadd.f32 v26, v36;
	_ =	sdelay $0x1  }
0xeb: {  	v60 =	vadd.f32 v36, v36  }
0xec: {  	v62 =	vpop (erf)  }
0xed: {  	v40 =	vmin.f32 v60, $6.000000000e+01;
	v41 =	vadd.f32 $1.000000000e+00, v62  }
0xee: {  	v40 =	vmul.f32 $1.442695020e+00, v40  }
0xef: {  	(erf) = vrcp.f32 v41  }
0xf0: {  	(erf) = vpow2.f32 v40;
	_ =	sdelay $0x7  }
0xf1: {  	v63 =	vpop (erf)  }
0xf2: {  	v46 =	vpop (erf)  }
0xf3: {  	v48 =	vadd.f32 $1.000000000e+00, v46;
	_ =	sdelay $0x1  }
0xf4: {  	(erf) = vrcp.f32 v48;
	_ =	sdelay $0x7  }
0xf5: {  	v40 =	vadd.f32 $-1.000000000e+00, v46  }
0xf6: {  	v41 =	vpop (erf)  }
0xf7: {  	v40 =	vmul.f32 v41, v40;
	_ =	sdelay $0x1  }
0xf8: {  	v40 =	vmul.f32 $2.002000090e+00, v40;
	_ =	sdelay $0x1  }
0xf9: {  	v40 =	vadd.f32 $1.258291200e+07, v40;
	_ =	sdelay $0x1  }
0xfa: {  	v40 =	vadd.f32 $-1.258291200e+07, v40;
	_ =	sdelay $0x1  }
0xfb: {  	[tilespmem:$0x1FE50] =	vst v40;
	v40 =	vmul.f32 $5.000000000e-01, v40;
	_ =	sdelay $0x1  }
0xfc: {  	v36 =	vsub.f32 v36, v40;
	_ =	sdelay $0x1  }
0xfd: {  	v36 =	vmul.f32 $4.000000000e+00, v36;
	_ =	sdelay $0x1  }
0xfe: {  	v36 =	vadd.f32 v36, v36;
	_ =	sdelay $0x1  }
0xff: {  	v36 =	vmin.f32 v36, $6.000000000e+01  }
0x100: {  	v36 =	vmul.f32 $1.442695020e+00, v36;
	_ =	sdelay $0x1  }
0x101: {  	(erf) = vpow2.f32 v36;
	_ =	sdelay $0x1  }
0x102: {  	v49 =	vmul.f32 v45, v38;
	_ =	sdelay $0x1  }
0x103: {  	v36 =	vadd.f32 v49, v12;
	v12 =	vbroadcast v34, $0x3;
	_ =	sdelay $0x1  }
0x104: {  	v34 =	vadd.f32 v12, v36;
	_ =	sdelay $0x1  }
0x105: {  	v36 =	vadd.f32 v34, v34  }
0x106: {  	v51 =	vpop (erf)  }
0x107: {  	v36 =	vmin.f32 v36, $6.000000000e+01;
	v40 =	vadd.f32 $1.000000000e+00, v51  }
0x108: {  	v36 =	vmul.f32 $1.442695020e+00, v36  }
0x109: {  	(erf) = vrcp.f32 v40  }
0x10a: {  	(erf) = vpow2.f32 v36;
	_ =	sdelay $0x7  }
0x10b: {  	[tilespmem:$0x1FDC0] =	vst v54;
	v54 =	vpop (erf)  }
0x10c: {  	[tilespmem:$0x1FDE0] =	vst v55;
	v55 =	vpop (erf)  }
0x10d: {  	v56 =	vadd.f32 $1.000000000e+00, v55;
	_ =	sdelay $0x1  }
0x10e: {  	(erf) = vrcp.f32 v56;
	_ =	sdelay $0x7  }
0x10f: {  	v36 =	vadd.f32 $-1.000000000e+00, v55  }
0x110: {  	v40 =	vpop (erf)  }
0x111: {  	v36 =	vmul.f32 v40, v36;
	_ =	sdelay $0x1  }
0x112: {  	v36 =	vmul.f32 $2.002000090e+00, v36;
	_ =	sdelay $0x1  }
0x113: {  	v36 =	vadd.f32 $1.258291200e+07, v36;
	_ =	sdelay $0x1  }
0x114: {  	v36 =	vadd.f32 $-1.258291200e+07, v36;
	_ =	sdelay $0x1  }
0x115: {  	[tilespmem:$0x1FE60] =	vst v36;
	v36 =	vmul.f32 $5.000000000e-01, v36;
	_ =	sdelay $0x1  }
0x116: {  	v34 =	vsub.f32 v34, v36;
	_ =	sdelay $0x1  }
0x117: {  	v34 =	vmul.f32 $4.000000000e+00, v34;
	_ =	sdelay $0x1  }
0x118: {  	v34 =	vadd.f32 v34, v34;
	_ =	sdelay $0x1  }
0x119: {  	v34 =	vmin.f32 v34, $6.000000000e+01  }
0x11a: {  	v34 =	vmul.f32 $1.442695020e+00, v34;
	_ =	sdelay $0x1  }
0x11b: {  	(erf) = vpow2.f32 v34;
	_ =	sdelay $0x5  }
0x11c: {  	v57 =	vadd.f32 v25, v35;
	_ =	sdelay $0x1  }
0x11d: {  	v35 =	vadd.f32 v57, v57  }
0x11e: {  	v58 =	vpop (erf)  }
0x11f: {  	v35 =	vmin.f32 v35, $6.000000000e+01;
	v36 =	vadd.f32 $1.000000000e+00, v58  }
0x120: {  	v35 =	vmul.f32 $1.442695020e+00, v35  }
0x121: {  	(erf) = vrcp.f32 v36  }
0x122: {  	(erf) = vpow2.f32 v35;
	_ =	sdelay $0x7  }
0x123: {  	v60 =	vpop (erf)  }
0x124: {  	[tilespmem:$0x1FDB0] =	vst v62;
	v62 =	vpop (erf)  }
0x125: {  	[tilespmem:$0x1FDD0] =	vst v63;
	v63 =	vadd.f32 $1.000000000e+00, v62;
	_ =	sdelay $0x1  }
0x126: {  	(erf) = vrcp.f32 v63;
	_ =	sdelay $0x7  }
0x127: {  	v35 =	vadd.f32 $-1.000000000e+00, v62  }
0x128: {  	v36 =	vpop (erf)  }
0x129: {  	v35 =	vmul.f32 v36, v35;
	_ =	sdelay $0x1  }
0x12a: {  	v35 =	vmul.f32 $2.002000090e+00, v35;
	_ =	sdelay $0x1  }
0x12b: {  	v35 =	vadd.f32 $1.258291200e+07, v35;
	_ =	sdelay $0x1  }
0x12c: {  	v35 =	vadd.f32 $-1.258291200e+07, v35;
	_ =	sdelay $0x1  }
0x12d: {  	[tilespmem:$0x1FED0] =	vst v35;
	v35 =	vmul.f32 $5.000000000e-01, v35;
	_ =	sdelay $0x1  }
0x12e: {  	v34 =	vsub.f32 v57, v35;
	_ =	sdelay $0x1  }
0x12f: {  	v34 =	vmul.f32 $4.000000000e+00, v34;
	_ =	sdelay $0x1  }
0x130: {  	v34 =	vadd.f32 v34, v34;
	_ =	sdelay $0x1  }
0x131: {  	v34 =	vmin.f32 v34, $6.000000000e+01  }
0x132: {  	v34 =	vmul.f32 $1.442695020e+00, v34;
	_ =	sdelay $0x1  }
0x133: {  	(erf) = vpow2.f32 v34;
	_ =	sdelay $0x3  }
0x134: {  	v27 =	vadd.f32 v43, v27;
	_ =	sdelay $0x1  }
0x135: {  	v27 =	vadd.f32 v23, v27;
	_ =	sdelay $0x1  }
0x136: {  	v40 =	vadd.f32 v27, v27  }
0x137: {  	v41 =	vpop (erf)  }
0x138: {  	v34 =	vmin.f32 v40, $6.000000000e+01;
	v35 =	vadd.f32 $1.000000000e+00, v41  }
0x139: {  	v34 =	vmul.f32 $1.442695020e+00, v34  }
0x13a: {  	(erf) = vrcp.f32 v35  }
0x13b: {  	(erf) = vpow2.f32 v34;
	_ =	sdelay $0x7  }
0x13c: {  	v43 =	vpop (erf)  }
0x13d: {  	v45 =	vpop (erf)  }
0x13e: {  	v46 =	vadd.f32 $1.000000000e+00, v45;
	_ =	sdelay $0x1  }
0x13f: {  	(erf) = vrcp.f32 v46;
	_ =	sdelay $0x7  }
0x140: {  	v34 =	vadd.f32 $-1.000000000e+00, v45  }
0x141: {  	v35 =	vpop (erf)  }
0x142: {  	v34 =	vmul.f32 v35, v34;
	_ =	sdelay $0x1  }
0x143: {  	v34 =	vmul.f32 $2.002000090e+00, v34;
	_ =	sdelay $0x1  }
0x144: {  	v34 =	vadd.f32 $1.258291200e+07, v34;
	_ =	sdelay $0x1  }
0x145: {  	v34 =	vadd.f32 $-1.258291200e+07, v34;
	_ =	sdelay $0x1  }
0x146: {  	[tilespmem:$0x1FEB0] =	vst v34;
	v34 =	vmul.f32 $5.000000000e-01, v34;
	_ =	sdelay $0x1  }
0x147: {  	v27 =	vsub.f32 v27, v34;
	_ =	sdelay $0x1  }
0x148: {  	v27 =	vmul.f32 $4.000000000e+00, v27;
	_ =	sdelay $0x1  }
0x149: {  	v27 =	vadd.f32 v27, v27;
	_ =	sdelay $0x1  }
0x14a: {  	v27 =	vmin.f32 v27, $6.000000000e+01  }
0x14b: {  	v27 =	vmul.f32 $1.442695020e+00, v27;
	_ =	sdelay $0x1  }
0x14c: {  	(erf) = vpow2.f32 v27;
	_ =	sdelay $0x5  }
0x14d: {  	v48 =	vadd.f32 v26, v32;
	_ =	sdelay $0x1  }
0x14e: {  	v32 =	vadd.f32 v48, v48  }
0x14f: {  	v49 =	vpop (erf)  }
0x150: {  	v32 =	vmin.f32 v32, $6.000000000e+01;
	v34 =	vadd.f32 $1.000000000e+00, v49  }
0x151: {  	v32 =	vmul.f32 $1.442695020e+00, v32  }
0x152: {  	(erf) = vrcp.f32 v34  }
0x153: {  	(erf) = vpow2.f32 v32;
	_ =	sdelay $0x7  }
0x154: {  	[tilespmem:$0x1FDF0] =	vst v51;
	v51 =	vpop (erf)  }
0x155: {  	[tilespmem:$0x1FE00] =	vst v54;
	v54 =	vpop (erf)  }
0x156: {  	v55 =	vadd.f32 $1.000000000e+00, v54;
	_ =	sdelay $0x1  }
0x157: {  	(erf) = vrcp.f32 v55;
	_ =	sdelay $0x7  }
0x158: {  	v32 =	vadd.f32 $-1.000000000e+00, v54  }
0x159: {  	v34 =	vpop (erf)  }
0x15a: {  	v32 =	vmul.f32 v34, v32;
	_ =	sdelay $0x1  }
0x15b: {  	v32 =	vmul.f32 $2.002000090e+00, v32;
	_ =	sdelay $0x1  }
0x15c: {  	v32 =	vadd.f32 $1.258291200e+07, v32;
	_ =	sdelay $0x1  }
0x15d: {  	v32 =	vadd.f32 $-1.258291200e+07, v32;
	_ =	sdelay $0x1  }
0x15e: {  	[tilespmem:$0x1FF00] =	vst v32;
	v32 =	vmul.f32 $5.000000000e-01, v32;
	_ =	sdelay $0x1  }
0x15f: {  	v27 =	vsub.f32 v48, v32;
	_ =	sdelay $0x1  }
0x160: {  	v27 =	vmul.f32 $4.000000000e+00, v27;
	_ =	sdelay $0x1  }
0x161: {  	v27 =	vadd.f32 v27, v27;
	_ =	sdelay $0x1  }
0x162: {  	v27 =	vmin.f32 v27, $6.000000000e+01  }
0x163: {  	v27 =	vmul.f32 $1.442695020e+00, v27;
	_ =	sdelay $0x1  }
0x164: {  	(erf) = vpow2.f32 v27;
	_ =	sdelay $0x3  }
0x165: {  	v24 =	vadd.f32 v42, v24;
	_ =	sdelay $0x1  }
0x166: {  	v24 =	vadd.f32 v12, v24;
	_ =	sdelay $0x1  }
0x167: {  	v56 =	vadd.f32 v24, v24  }
0x168: {  	[tilespmem:$0x1FE80] =	vst v41;
	v41 =	vpop (erf)  }
0x169: {  	v27 =	vmin.f32 v56, $6.000000000e+01;
	v57 =	vadd.f32 $1.000000000e+00, v41  }
0x16a: {  	v27 =	vmul.f32 $1.442695020e+00, v27  }
0x16b: {  	(erf) = vrcp.f32 v57  }
0x16c: {  	(erf) = vpow2.f32 v27;
	_ =	sdelay $0x7  }
0x16d: {  	[tilespmem:$0x1FE20] =	vst v58;
	v58 =	vpop (erf)  }
0x16e: {  	[tilespmem:$0x1FE40] =	vst v60;
	v60 =	vpop (erf)  }
0x16f: {  	v62 =	vadd.f32 $1.000000000e+00, v60;
	_ =	sdelay $0x1  }
0x170: {  	(erf) = vrcp.f32 v62;
	_ =	sdelay $0x7  }
0x171: {  	v27 =	vadd.f32 $-1.000000000e+00, v60  }
0x172: {  	v32 =	vpop (erf)  }
0x173: {  	v27 =	vmul.f32 v32, v27;
	_ =	sdelay $0x1  }
0x174: {  	v27 =	vmul.f32 $2.002000090e+00, v27;
	_ =	sdelay $0x1  }
0x175: {  	v27 =	vadd.f32 $1.258291200e+07, v27;
	_ =	sdelay $0x1  }
0x176: {  	v27 =	vadd.f32 $-1.258291200e+07, v27;
	_ =	sdelay $0x1  }
0x177: {  	[tilespmem:$0x1FF10] =	vst v27;
	v27 =	vmul.f32 $5.000000000e-01, v27;
	_ =	sdelay $0x1  }
0x178: {  	v24 =	vsub.f32 v24, v27;
	_ =	sdelay $0x1  }
0x179: {  	v24 =	vmul.f32 $4.000000000e+00, v24;
	_ =	sdelay $0x1  }
0x17a: {  	v24 =	vadd.f32 v24, v24;
	_ =	sdelay $0x1  }
0x17b: {  	v24 =	vmin.f32 v24, $6.000000000e+01  }
0x17c: {  	v24 =	vmul.f32 $1.442695020e+00, v24;
	_ =	sdelay $0x1  }
0x17d: {  	(erf) = vpow2.f32 v24;
	_ =	sdelay $0x5  }
0x17e: {  	v63 =	vadd.f32 v25, v31;
	_ =	sdelay $0x1  }
0x17f: {  	v34 =	vadd.f32 v63, v63  }
0x180: {  	v48 =	vpop (erf)  }
0x181: {  	v27 =	vmin.f32 v34, $6.000000000e+01;
	v35 =	vadd.f32 $1.000000000e+00, v48  }
0x182: {  	v27 =	vmul.f32 $1.442695020e+00, v27  }
0x183: {  	(erf) = vrcp.f32 v35  }
0x184: {  	(erf) = vpow2.f32 v27;
	_ =	sdelay $0x7  }
0x185: {  	v36 =	vpop (erf)  }
0x186: {  	v40 =	vpop (erf)  }
0x187: {  	v42 =	vadd.f32 $1.000000000e+00, v40;
	_ =	sdelay $0x1  }
0x188: {  	(erf) = vrcp.f32 v42;
	_ =	sdelay $0x7  }
0x189: {  	v27 =	vadd.f32 $-1.000000000e+00, v40  }
0x18a: {  	v31 =	vpop (erf)  }
0x18b: {  	v27 =	vmul.f32 v31, v27;
	_ =	sdelay $0x1  }
0x18c: {  	v27 =	vmul.f32 $2.002000090e+00, v27;
	_ =	sdelay $0x1  }
0x18d: {  	v27 =	vadd.f32 $1.258291200e+07, v27;
	_ =	sdelay $0x1  }
0x18e: {  	v27 =	vadd.f32 $-1.258291200e+07, v27;
	_ =	sdelay $0x1  }
0x18f: {  	[tilespmem:$0x1FF40] =	vst v27;
	v27 =	vmul.f32 $5.000000000e-01, v27;
	_ =	sdelay $0x1  }
0x190: {  	v24 =	vsub.f32 v63, v27;
	_ =	sdelay $0x1  }
0x191: {  	v24 =	vmul.f32 $4.000000000e+00, v24;
	_ =	sdelay $0x1  }
0x192: {  	v24 =	vadd.f32 v24, v24;
	_ =	sdelay $0x1  }
0x193: {  	v24 =	vmin.f32 v24, $6.000000000e+01  }
0x194: {  	v24 =	vmul.f32 $1.442695020e+00, v24;
	_ =	sdelay $0x1  }
0x195: {  	(erf) = vpow2.f32 v24;
	_ =	sdelay $0x3  }
0x196: {  	v18 =	vadd.f32 v37, v18;
	_ =	sdelay $0x1  }
0x197: {  	v18 =	vadd.f32 v23, v18;
	_ =	sdelay $0x1  }
0x198: {  	[tilespmem:$0x1FEA0] =	vst v43;
	v43 =	vadd.f32 v18, v18  }
0x199: {  	v54 =	vpop (erf)  }
0x19a: {  	v24 =	vmin.f32 v43, $6.000000000e+01;
	v45 =	vadd.f32 $1.000000000e+00, v54  }
0x19b: {  	v24 =	vmul.f32 $1.442695020e+00, v24  }
0x19c: {  	(erf) = vrcp.f32 v45  }
0x19d: {  	(erf) = vpow2.f32 v24;
	_ =	sdelay $0x7  }
0x19e: {  	v46 =	vpop (erf)  }
0x19f: {  	[tilespmem:$0x1FE70] =	vst v49;
	v49 =	vpop (erf)  }
0x1a0: {  	[tilespmem:$0x1FE90] =	vst v51;
	v51 =	vadd.f32 $1.000000000e+00, v49;
	_ =	sdelay $0x1  }
0x1a1: {  	(erf) = vrcp.f32 v51;
	_ =	sdelay $0x7  }
0x1a2: {  	v24 =	vadd.f32 $-1.000000000e+00, v49  }
0x1a3: {  	v27 =	vpop (erf)  }
0x1a4: {  	v24 =	vmul.f32 v27, v24;
	_ =	sdelay $0x1  }
0x1a5: {  	v24 =	vmul.f32 $2.002000090e+00, v24;
	_ =	sdelay $0x1  }
0x1a6: {  	v24 =	vadd.f32 $1.258291200e+07, v24;
	_ =	sdelay $0x1  }
0x1a7: {  	v49 =	vadd.f32 $-1.258291200e+07, v24;
	_ =	sdelay $0x1  }
0x1a8: {  	v24 =	vmul.f32 $5.000000000e-01, v49;
	_ =	sdelay $0x1  }
0x1a9: {  	v18 =	vsub.f32 v18, v24;
	_ =	sdelay $0x1  }
0x1aa: {  	v18 =	vmul.f32 $4.000000000e+00, v18;
	_ =	sdelay $0x1  }
0x1ab: {  	v18 =	vadd.f32 v18, v18;
	_ =	sdelay $0x1  }
0x1ac: {  	v18 =	vmin.f32 v18, $6.000000000e+01  }
0x1ad: {  	v18 =	vmul.f32 $1.442695020e+00, v18;
	_ =	sdelay $0x1  }
0x1ae: {  	(erf) = vpow2.f32 v18;
	_ =	sdelay $0x3  }
0x1af: {  	v16 =	vadd.f32 v33, v16;
	_ =	sdelay $0x1  }
0x1b0: {  	v16 =	vadd.f32 v26, v16;
	_ =	sdelay $0x1  }
0x1b1: {  	v55 =	vadd.f32 v16, v16  }
0x1b2: {  	[tilespmem:$0x1FEC0] =	vst v58;
	v58 =	vpop (erf)  }
0x1b3: {  	v18 =	vmin.f32 v55, $6.000000000e+01;
	v57 =	vadd.f32 $1.000000000e+00, v58  }
0x1b4: {  	v18 =	vmul.f32 $1.442695020e+00, v18  }
0x1b5: {  	(erf) = vrcp.f32 v57  }
0x1b6: {  	(erf) = vpow2.f32 v18;
	_ =	sdelay $0x7  }
0x1b7: {  	v60 =	vpop (erf)  }
0x1b8: {  	v62 =	vpop (erf)  }
0x1b9: {  	v63 =	vadd.f32 $1.000000000e+00, v62;
	_ =	sdelay $0x1  }
0x1ba: {  	(erf) = vrcp.f32 v63;
	_ =	sdelay $0x7  }
0x1bb: {  	v18 =	vadd.f32 $-1.000000000e+00, v62  }
0x1bc: {  	v24 =	vpop (erf)  }
0x1bd: {  	v18 =	vmul.f32 v24, v18;
	_ =	sdelay $0x1  }
0x1be: {  	v18 =	vmul.f32 $2.002000090e+00, v18;
	_ =	sdelay $0x1  }
0x1bf: {  	v18 =	vadd.f32 $1.258291200e+07, v18;
	_ =	sdelay $0x1  }
0x1c0: {  	v51 =	vadd.f32 $-1.258291200e+07, v18;
	_ =	sdelay $0x1  }
0x1c1: {  	v18 =	vmul.f32 $5.000000000e-01, v51;
	_ =	sdelay $0x1  }
0x1c2: {  	v16 =	vsub.f32 v16, v18;
	_ =	sdelay $0x1  }
0x1c3: {  	v16 =	vmul.f32 $4.000000000e+00, v16;
	_ =	sdelay $0x1  }
0x1c4: {  	v16 =	vadd.f32 v16, v16;
	_ =	sdelay $0x1  }
0x1c5: {  	v16 =	vmin.f32 v16, $6.000000000e+01  }
0x1c6: {  	v16 =	vmul.f32 $1.442695020e+00, v16;
	_ =	sdelay $0x1  }
0x1c7: {  	(erf) = vpow2.f32 v16;
	_ =	sdelay $0x3  }
0x1c8: {  	v14 =	vadd.f32 v30, v14;
	_ =	sdelay $0x1  }
0x1c9: {  	v14 =	vadd.f32 v12, v14;
	_ =	sdelay $0x1  }
0x1ca: {  	v31 =	vadd.f32 v14, v14  }
0x1cb: {  	v62 =	vpop (erf)  }
0x1cc: {  	v16 =	vmin.f32 v31, $6.000000000e+01;
	v32 =	vadd.f32 $1.000000000e+00, v62  }
0x1cd: {  	v16 =	vmul.f32 $1.442695020e+00, v16  }
0x1ce: {  	(erf) = vrcp.f32 v32  }
0x1cf: {  	(erf) = vpow2.f32 v16;
	_ =	sdelay $0x7  }
0x1d0: {  	v33 =	vpop (erf)  }
0x1d1: {  	v34 =	vpop (erf)  }
0x1d2: {  	v35 =	vadd.f32 $1.000000000e+00, v34;
	_ =	sdelay $0x1  }
0x1d3: {  	(erf) = vrcp.f32 v35;
	_ =	sdelay $0x7  }
0x1d4: {  	v16 =	vadd.f32 $-1.000000000e+00, v34  }
0x1d5: {  	v18 =	vpop (erf)  }
0x1d6: {  	v16 =	vmul.f32 v18, v16;
	_ =	sdelay $0x1  }
0x1d7: {  	v16 =	vmul.f32 $2.002000090e+00, v16;
	_ =	sdelay $0x1  }
0x1d8: {  	v16 =	vadd.f32 $1.258291200e+07, v16;
	_ =	sdelay $0x1  }
0x1d9: {  	v56 =	vadd.f32 $-1.258291200e+07, v16;
	_ =	sdelay $0x1  }
0x1da: {  	v16 =	vmul.f32 $5.000000000e-01, v56;
	_ =	sdelay $0x1  }
0x1db: {  	v14 =	vsub.f32 v14, v16;
	_ =	sdelay $0x1  }
0x1dc: {  	v14 =	vmul.f32 $4.000000000e+00, v14;
	_ =	sdelay $0x1  }
0x1dd: {  	v14 =	vadd.f32 v14, v14;
	_ =	sdelay $0x1  }
0x1de: {  	v14 =	vmin.f32 v14, $6.000000000e+01  }
0x1df: {  	v14 =	vmul.f32 $1.442695020e+00, v14;
	_ =	sdelay $0x1  }
0x1e0: {  	(erf) = vpow2.f32 v14;
	_ =	sdelay $0x5  }
0x1e1: {  	[tilespmem:$0x1FEE0] =	vst v36;
	v36 =	vadd.f32 v25, v22;
	_ =	sdelay $0x1  }
0x1e2: {  	v37 =	vadd.f32 v36, v36  }
0x1e3: {  	v40 =	vpop (erf)  }
0x1e4: {  	v16 =	vmin.f32 v37, $6.000000000e+01;
	v45 =	vadd.f32 $1.000000000e+00, v40  }
0x1e5: {  	v16 =	vmul.f32 $1.442695020e+00, v16  }
0x1e6: {  	(erf) = vrcp.f32 v45  }
0x1e7: {  	(erf) = vpow2.f32 v16;
	_ =	sdelay $0x7  }
0x1e8: {  	[tilespmem:$0x1FEF0] =	vst v46;
	v46 =	vpop (erf)  }
0x1e9: {  	v55 =	vpop (erf)  }
0x1ea: {  	v57 =	vadd.f32 $1.000000000e+00, v55;
	_ =	sdelay $0x1  }
0x1eb: {  	(erf) = vrcp.f32 v57;
	_ =	sdelay $0x7  }
0x1ec: {  	v16 =	vadd.f32 $-1.000000000e+00, v55  }
0x1ed: {  	v18 =	vpop (erf)  }
0x1ee: {  	v16 =	vmul.f32 v18, v16;
	_ =	sdelay $0x1  }
0x1ef: {  	v16 =	vmul.f32 $2.002000090e+00, v16;
	_ =	sdelay $0x1  }
0x1f0: {  	v16 =	vadd.f32 $1.258291200e+07, v16;
	_ =	sdelay $0x1  }
0x1f1: {  	v57 =	vadd.f32 $-1.258291200e+07, v16;
	_ =	sdelay $0x1  }
0x1f2: {  	v16 =	vmul.f32 $5.000000000e-01, v57;
	_ =	sdelay $0x1  }
0x1f3: {  	v14 =	vsub.f32 v36, v16;
	_ =	sdelay $0x1  }
0x1f4: {  	v14 =	vmul.f32 $4.000000000e+00, v14;
	_ =	sdelay $0x1  }
0x1f5: {  	v14 =	vadd.f32 v14, v14;
	_ =	sdelay $0x1  }
0x1f6: {  	v14 =	vmin.f32 v14, $6.000000000e+01  }
0x1f7: {  	v14 =	vmul.f32 $1.442695020e+00, v14;
	_ =	sdelay $0x1  }
0x1f8: {  	(erf) = vpow2.f32 v14;
	_ =	sdelay $0x1  }
0x1f9: {  	[tilespmem:$0x1FF20] =	vst v60;
	v60 =	vmul.f32 v28, v20;
	_ =	sdelay $0x1  }
0x1fa: {  	v14 =	vadd.f32 v60, v61;
	_ =	sdelay $0x1  }
0x1fb: {  	v14 =	vadd.f32 v23, v14;
	_ =	sdelay $0x1  }
0x1fc: {  	v61 =	vadd.f32 v14, v14  }
0x1fd: {  	v37 =	vpop (erf)  }
0x1fe: {  	v16 =	vmin.f32 v61, $6.000000000e+01;
	v63 =	vadd.f32 $1.000000000e+00, v37  }
0x1ff: {  	v16 =	vmul.f32 $1.442695020e+00, v16  }
0x200: {  	(erf) = vrcp.f32 v63  }
0x201: {  	(erf) = vpow2.f32 v16;
	_ =	sdelay $0x7  }
0x202: {  	v20 =	vpop (erf)  }
0x203: {  	v22 =	vpop (erf)  }
0x204: {  	v24 =	vadd.f32 $1.000000000e+00, v22;
	_ =	sdelay $0x1  }
0x205: {  	(erf) = vrcp.f32 v24;
	_ =	sdelay $0x7  }
0x206: {  	v16 =	vadd.f32 $-1.000000000e+00, v22  }
0x207: {  	v18 =	vpop (erf)  }
0x208: {  	v16 =	vmul.f32 v18, v16;
	_ =	sdelay $0x1  }
0x209: {  	v16 =	vmul.f32 $2.002000090e+00, v16;
	_ =	sdelay $0x1  }
0x20a: {  	v16 =	vadd.f32 $1.258291200e+07, v16;
	_ =	sdelay $0x1  }
0x20b: {  	v61 =	vadd.f32 $-1.258291200e+07, v16;
	_ =	sdelay $0x1  }
0x20c: {  	v16 =	vmul.f32 $5.000000000e-01, v61;
	_ =	sdelay $0x1  }
0x20d: {  	v14 =	vsub.f32 v14, v16;
	_ =	sdelay $0x1  }
0x20e: {  	v14 =	vmul.f32 $4.000000000e+00, v14;
	_ =	sdelay $0x1  }
0x20f: {  	v14 =	vadd.f32 v14, v14;
	_ =	sdelay $0x1  }
0x210: {  	v14 =	vmin.f32 v14, $6.000000000e+01  }
0x211: {  	v14 =	vmul.f32 $1.442695020e+00, v14;
	_ =	sdelay $0x1  }
0x212: {  	(erf) = vpow2.f32 v14;
	_ =	sdelay $0x5  }
0x213: {  	v27 =	vadd.f32 v26, v17;
	_ =	sdelay $0x1  }
0x214: {  	[tilespmem:$0x1FF30] =	vst v33;
	v33 =	vadd.f32 v27, v27  }
0x215: {  	v30 =	vpop (erf)  }
0x216: {  	v16 =	vmin.f32 v33, $6.000000000e+01;
	v34 =	vadd.f32 $1.000000000e+00, v30  }
0x217: {  	v16 =	vmul.f32 $1.442695020e+00, v16  }
0x218: {  	(erf) = vrcp.f32 v34  }
0x219: {  	(erf) = vpow2.f32 v16;
	_ =	sdelay $0x7  }
0x21a: {  	v35 =	vpop (erf)  }
0x21b: {  	v36 =	vpop (erf)  }
0x21c: {  	v42 =	vadd.f32 $1.000000000e+00, v36;
	_ =	sdelay $0x1  }
0x21d: {  	(erf) = vrcp.f32 v42;
	_ =	sdelay $0x7  }
0x21e: {  	v16 =	vadd.f32 $-1.000000000e+00, v36  }
0x21f: {  	v17 =	vpop (erf)  }
0x220: {  	v16 =	vmul.f32 v17, v16;
	_ =	sdelay $0x1  }
0x221: {  	v16 =	vmul.f32 $2.002000090e+00, v16;
	_ =	sdelay $0x1  }
0x222: {  	v16 =	vadd.f32 $1.258291200e+07, v16;
	_ =	sdelay $0x1  }
0x223: {  	v31 =	vadd.f32 $-1.258291200e+07, v16;
	_ =	sdelay $0x1  }
0x224: {  	v16 =	vmul.f32 $5.000000000e-01, v31;
	_ =	sdelay $0x1  }
0x225: {  	v14 =	vsub.f32 v27, v16;
	_ =	sdelay $0x1  }
0x226: {  	v14 =	vmul.f32 $4.000000000e+00, v14;
	_ =	sdelay $0x1  }
0x227: {  	v14 =	vadd.f32 v14, v14;
	_ =	sdelay $0x1  }
0x228: {  	v14 =	vmin.f32 v14, $6.000000000e+01  }
0x229: {  	v14 =	vmul.f32 $1.442695020e+00, v14;
	_ =	sdelay $0x1  }
0x22a: {  	(erf) = vpow2.f32 v14;
	_ =	sdelay $0x1  }
0x22b: {  	v43 =	vmul.f32 v28, v38;
	_ =	sdelay $0x1  }
0x22c: {  	v14 =	vadd.f32 v43, v44;
	_ =	sdelay $0x1  }
0x22d: {  	v14 =	vadd.f32 v12, v14;
	_ =	sdelay $0x1  }
0x22e: {  	v45 =	vadd.f32 v14, v14  }
0x22f: {  	v27 =	vpop (erf)  }
0x230: {  	[tilespmem:$0x1FF50] =	vst v46;
	v16 =	vmin.f32 v45, $6.000000000e+01;
	v46 =	vadd.f32 $1.000000000e+00, v27  }
0x231: {  	v16 =	vmul.f32 $1.442695020e+00, v16  }
0x232: {  	(erf) = vrcp.f32 v46  }
0x233: {  	(erf) = vpow2.f32 v16;
	_ =	sdelay $0x7  }
0x234: {  	v55 =	vpop (erf)  }
0x235: {  	v60 =	vpop (erf)  }
0x236: {  	v63 =	vadd.f32 $1.000000000e+00, v60;
	_ =	sdelay $0x1  }
0x237: {  	(erf) = vrcp.f32 v63;
	_ =	sdelay $0x7  }
0x238: {  	v16 =	vadd.f32 $-1.000000000e+00, v60  }
0x239: {  	v17 =	vpop (erf)  }
0x23a: {  	v16 =	vmul.f32 v17, v16;
	_ =	sdelay $0x1  }
0x23b: {  	v16 =	vmul.f32 $2.002000090e+00, v16;
	_ =	sdelay $0x1  }
0x23c: {  	v16 =	vadd.f32 $1.258291200e+07, v16;
	_ =	sdelay $0x1  }
0x23d: {  	v44 =	vadd.f32 $-1.258291200e+07, v16;
	_ =	sdelay $0x1  }
0x23e: {  	v16 =	vmul.f32 $5.000000000e-01, v44;
	_ =	sdelay $0x1  }
0x23f: {  	v14 =	vsub.f32 v14, v16;
	_ =	sdelay $0x1  }
0x240: {  	v14 =	vmul.f32 $4.000000000e+00, v14;
	_ =	sdelay $0x1  }
0x241: {  	v14 =	vadd.f32 v14, v14;
	_ =	sdelay $0x1  }
0x242: {  	v14 =	vmin.f32 v14, $6.000000000e+01  }
0x243: {  	v14 =	vmul.f32 $1.442695020e+00, v14;
	_ =	sdelay $0x1  }
0x244: {  	(erf) = vpow2.f32 v14;
	_ =	sdelay $0x3  }
0x245: {  	v18 =	vadd.f32 v50, v39;
	_ =	sdelay $0x1  }
0x246: {  	v14 =	vadd.f32 v25, v18;
	_ =	sdelay $0x1  }
0x247: {  	[tilespmem:$0x1FF60] =	vst v20;
	v20 =	vadd.f32 v14, v14  }
0x248: {  	v50 =	vpop (erf)  }
0x249: {  	v16 =	vmin.f32 v20, $6.000000000e+01;
	v22 =	vadd.f32 $1.000000000e+00, v50  }
0x24a: {  	v16 =	vmul.f32 $1.442695020e+00, v16  }
0x24b: {  	(erf) = vrcp.f32 v22  }
0x24c: {  	(erf) = vpow2.f32 v16;
	_ =	sdelay $0x7  }
0x24d: {  	v24 =	vpop (erf)  }
0x24e: {  	v28 =	vpop (erf)  }
0x24f: {  	v32 =	vadd.f32 $1.000000000e+00, v28;
	_ =	sdelay $0x1  }
0x250: {  	(erf) = vrcp.f32 v32;
	_ =	sdelay $0x7  }
0x251: {  	v16 =	vadd.f32 $-1.000000000e+00, v28  }
0x252: {  	v17 =	vpop (erf)  }
0x253: {  	v16 =	vmul.f32 v17, v16;
	_ =	sdelay $0x1  }
0x254: {  	v16 =	vmul.f32 $2.002000090e+00, v16;
	_ =	sdelay $0x1  }
0x255: {  	v16 =	vadd.f32 $1.258291200e+07, v16;
	_ =	sdelay $0x1  }
0x256: {  	v39 =	vadd.f32 $-1.258291200e+07, v16;
	_ =	sdelay $0x1  }
0x257: {  	v16 =	vmul.f32 $5.000000000e-01, v39;
	_ =	sdelay $0x1  }
0x258: {  	v14 =	vsub.f32 v14, v16;
	_ =	sdelay $0x1  }
0x259: {  	v14 =	vmul.f32 $4.000000000e+00, v14;
	_ =	sdelay $0x1  }
0x25a: {  	v14 =	vadd.f32 v14, v14;
	_ =	sdelay $0x1  }
0x25b: {  	v14 =	vmin.f32 v14, $6.000000000e+01  }
0x25c: {  	v14 =	vmul.f32 $1.442695020e+00, v14;
	_ =	sdelay $0x1  }
0x25d: {  	(erf) = vpow2.f32 v14;
	_ =	sdelay $0x5  }
0x25e: {  	v33 =	vadd.f32 v23, v59;
	_ =	sdelay $0x1  }
0x25f: {  	v34 =	vadd.f32 v33, v33  }
0x260: {  	[tilespmem:$0x1FF90] =	vst v24;
	v24 =	vpop (erf)  }
0x261: {  	[tilespmem:$0x1FF70] =	vst v35;
	v16 =	vmin.f32 v34, $6.000000000e+01;
	v35 =	vadd.f32 $1.000000000e+00, v24  }
0x262: {  	v16 =	vmul.f32 $1.442695020e+00, v16  }
0x263: {  	(erf) = vrcp.f32 v35  }
0x264: {  	(erf) = vpow2.f32 v16;
	_ =	sdelay $0x7  }
0x265: {  	v36 =	vpop (erf)  }
0x266: {  	v42 =	vpop (erf)  }
0x267: {  	v43 =	vadd.f32 $1.000000000e+00, v42;
	_ =	sdelay $0x1  }
0x268: {  	(erf) = vrcp.f32 v43;
	_ =	sdelay $0x7  }
0x269: {  	v16 =	vadd.f32 $-1.000000000e+00, v42  }
0x26a: {  	v17 =	vpop (erf)  }
0x26b: {  	v16 =	vmul.f32 v17, v16;
	_ =	sdelay $0x1  }
0x26c: {  	v16 =	vmul.f32 $2.002000090e+00, v16;
	_ =	sdelay $0x1  }
0x26d: {  	v16 =	vadd.f32 $1.258291200e+07, v16;
	_ =	sdelay $0x1  }
0x26e: {  	v59 =	vadd.f32 $-1.258291200e+07, v16;
	_ =	sdelay $0x1  }
0x26f: {  	v16 =	vmul.f32 $5.000000000e-01, v59;
	_ =	sdelay $0x1  }
0x270: {  	v14 =	vsub.f32 v33, v16;
	_ =	sdelay $0x1  }
0x271: {  	v14 =	vmul.f32 $4.000000000e+00, v14;
	_ =	sdelay $0x1  }
0x272: {  	v14 =	vadd.f32 v14, v14;
	_ =	sdelay $0x1  }
0x273: {  	v14 =	vmin.f32 v14, $6.000000000e+01  }
0x274: {  	v14 =	vmul.f32 $1.442695020e+00, v14;
	_ =	sdelay $0x1  }
0x275: {  	(erf) = vpow2.f32 v14;
	_ =	sdelay $0x5  }
0x276: {  	v45 =	vadd.f32 v26, v53;
	_ =	sdelay $0x1  }
0x277: {  	v46 =	vadd.f32 v45, v45  }
0x278: {  	v20 =	vpop (erf)  }
0x279: {  	v16 =	vmin.f32 v46, $6.000000000e+01;
	v53 =	vadd.f32 $1.000000000e+00, v20  }
0x27a: {  	v16 =	vmul.f32 $1.442695020e+00, v16  }
0x27b: {  	(erf) = vrcp.f32 v53  }
0x27c: {  	(erf) = vpow2.f32 v16;
	_ =	sdelay $0x7  }
0x27d: {  	[tilespmem:$0x1FF80] =	vst v55;
	v55 =	vpop (erf)  }
0x27e: {  	v60 =	vpop (erf)  }
0x27f: {  	v63 =	vadd.f32 $1.000000000e+00, v60;
	_ =	sdelay $0x1  }
0x280: {  	(erf) = vrcp.f32 v63;
	_ =	sdelay $0x7  }
0x281: {  	v16 =	vadd.f32 $-1.000000000e+00, v60  }
0x282: {  	v17 =	vpop (erf)  }
0x283: {  	v16 =	vmul.f32 v17, v16;
	_ =	sdelay $0x1  }
0x284: {  	v16 =	vmul.f32 $2.002000090e+00, v16;
	_ =	sdelay $0x1  }
0x285: {  	v16 =	vadd.f32 $1.258291200e+07, v16;
	_ =	sdelay $0x1  }
0x286: {  	v53 =	vadd.f32 $-1.258291200e+07, v16;
	_ =	sdelay $0x1  }
0x287: {  	v16 =	vmul.f32 $5.000000000e-01, v53;
	_ =	sdelay $0x1  }
0x288: {  	v14 =	vsub.f32 v45, v16;
	_ =	sdelay $0x1  }
0x289: {  	v14 =	vmul.f32 $4.000000000e+00, v14;
	_ =	sdelay $0x1  }
0x28a: {  	v14 =	vadd.f32 v14, v14;
	_ =	sdelay $0x1  }
0x28b: {  	v14 =	vmin.f32 v14, $6.000000000e+01  }
0x28c: {  	v14 =	vmul.f32 $1.442695020e+00, v14;
	_ =	sdelay $0x1  }
0x28d: {  	(erf) = vpow2.f32 v14;
	_ =	sdelay $0x1  }
0x28e: {  	v18 =	vmul.f32 v52, v38;
	_ =	sdelay $0x1  }
0x28f: {  	v14 =	vadd.f32 v18, v19;
	_ =	sdelay $0x1  }
0x290: {  	v14 =	vadd.f32 v12, v14;
	_ =	sdelay $0x1  }
0x291: {  	v22 =	vadd.f32 v14, v14  }
0x292: {  	v52 =	vpop (erf)  }
0x293: {  	v16 =	vmin.f32 v22, $6.000000000e+01;
	v28 =	vadd.f32 $1.000000000e+00, v52  }
0x294: {  	v16 =	vmul.f32 $1.442695020e+00, v16  }
0x295: {  	(erf) = vrcp.f32 v28  }
0x296: {  	(erf) = vpow2.f32 v16;
	_ =	sdelay $0x7  }
0x297: {  	v32 =	vpop (erf)  }
0x298: {  	v33 =	vpop (erf)  }
0x299: {  	v34 =	vadd.f32 $1.000000000e+00, v33;
	_ =	sdelay $0x1  }
0x29a: {  	(erf) = vrcp.f32 v34;
	_ =	sdelay $0x7  }
0x29b: {  	v16 =	vadd.f32 $-1.000000000e+00, v33  }
0x29c: {  	v17 =	vpop (erf)  }
0x29d: {  	v16 =	vmul.f32 v17, v16;
	_ =	sdelay $0x1  }
0x29e: {  	v16 =	vmul.f32 $2.002000090e+00, v16;
	_ =	sdelay $0x1  }
0x29f: {  	v16 =	vadd.f32 $1.258291200e+07, v16;
	_ =	sdelay $0x1  }
0x2a0: {  	v38 =	vadd.f32 $-1.258291200e+07, v16;
	_ =	sdelay $0x1  }
0x2a1: {  	v16 =	vmul.f32 $5.000000000e-01, v38;
	_ =	sdelay $0x1  }
0x2a2: {  	v14 =	vsub.f32 v14, v16;
	_ =	sdelay $0x1  }
0x2a3: {  	v14 =	vmul.f32 $4.000000000e+00, v14;
	_ =	sdelay $0x1  }
0x2a4: {  	v14 =	vadd.f32 v14, v14;
	_ =	sdelay $0x1  }
0x2a5: {  	v14 =	vmin.f32 v14, $6.000000000e+01  }
0x2a6: {  	v14 =	vmul.f32 $1.442695020e+00, v14;
	_ =	sdelay $0x1  }
0x2a7: {  	(erf) = vpow2.f32 v14;
	_ =	sdelay $0x5  }
0x2a8: {  	v35 =	vadd.f32 v25, v29;
	_ =	sdelay $0x1  }
0x2a9: {  	v42 =	vadd.f32 v35, v35  }
0x2aa: {  	v29 =	vpop (erf)  }
0x2ab: {  	v16 =	vmin.f32 v42, $6.000000000e+01;
	v43 =	vadd.f32 $1.000000000e+00, v29  }
0x2ac: {  	v16 =	vmul.f32 $1.442695020e+00, v16  }
0x2ad: {  	(erf) = vrcp.f32 v43  }
0x2ae: {  	(erf) = vpow2.f32 v16;
	_ =	sdelay $0x7  }
0x2af: {  	v45 =	vpop (erf)  }
0x2b0: {  	v46 =	vpop (erf)  }
0x2b1: {  	[tilespmem:$0x1FFA0] =	vst v55;
	v55 =	vadd.f32 $1.000000000e+00, v46;
	_ =	sdelay $0x1  }
0x2b2: {  	(erf) = vrcp.f32 v55;
	_ =	sdelay $0x7  }
0x2b3: {  	v16 =	vadd.f32 $-1.000000000e+00, v46  }
0x2b4: {  	v17 =	vpop (erf)  }
0x2b5: {  	v16 =	vmul.f32 v17, v16;
	_ =	sdelay $0x1  }
0x2b6: {  	v16 =	vmul.f32 $2.002000090e+00, v16;
	_ =	sdelay $0x1  }
0x2b7: {  	v16 =	vadd.f32 $1.258291200e+07, v16;
	_ =	sdelay $0x1  }
0x2b8: {  	[tilespmem:$0x1FFB0] =	vst v36;
	v36 =	vadd.f32 $-1.258291200e+07, v16;
	_ =	sdelay $0x1  }
0x2b9: {  	v16 =	vmul.f32 $5.000000000e-01, v36;
	_ =	sdelay $0x1  }
0x2ba: {  	v14 =	vsub.f32 v35, v16;
	_ =	sdelay $0x1  }
0x2bb: {  	v14 =	vmul.f32 $4.000000000e+00, v14;
	_ =	sdelay $0x1  }
0x2bc: {  	v14 =	vadd.f32 v14, v14;
	_ =	sdelay $0x1  }
0x2bd: {  	v14 =	vmin.f32 v14, $6.000000000e+01  }
0x2be: {  	v14 =	vmul.f32 $1.442695020e+00, v14;
	_ =	sdelay $0x1  }
0x2bf: {  	(erf) = vpow2.f32 v14;
	_ =	sdelay $0x5  }
0x2c0: {  	v60 =	vadd.f32 v23, v21;
	_ =	sdelay $0x1  }
0x2c1: {  	v63 =	vadd.f32 v60, v60  }
0x2c2: {  	v14 =	vpop (erf)  }
0x2c3: {  	v17 =	vmin.f32 v63, $6.000000000e+01;
	v21 =	vadd.f32 $1.000000000e+00, v14  }
0x2c4: {  	v17 =	vmul.f32 $1.442695020e+00, v17  }
0x2c5: {  	(erf) = vrcp.f32 v21  }
0x2c6: {  	(erf) = vpow2.f32 v17;
	_ =	sdelay $0x7  }
0x2c7: {  	v55 =	vpop (erf)  }
0x2c8: {  	v17 =	vpop (erf)  }
0x2c9: {  	v22 =	vadd.f32 $1.000000000e+00, v17;
	_ =	sdelay $0x1  }
0x2ca: {  	(erf) = vrcp.f32 v22;
	_ =	sdelay $0x7  }
0x2cb: {  	v17 =	vadd.f32 $-1.000000000e+00, v17  }
0x2cc: {  	v18 =	vpop (erf)  }
0x2cd: {  	v17 =	vmul.f32 v18, v17;
	_ =	sdelay $0x1  }
0x2ce: {  	v17 =	vmul.f32 $2.002000090e+00, v17;
	_ =	sdelay $0x1  }
0x2cf: {  	v17 =	vadd.f32 $1.258291200e+07, v17;
	_ =	sdelay $0x1  }
0x2d0: {  	v35 =	vadd.f32 $-1.258291200e+07, v17;
	_ =	sdelay $0x1  }
0x2d1: {  	v17 =	vmul.f32 $5.000000000e-01, v35;
	_ =	sdelay $0x1  }
0x2d2: {  	v16 =	vsub.f32 v60, v17;
	_ =	sdelay $0x1  }
0x2d3: {  	v16 =	vmul.f32 $4.000000000e+00, v16;
	_ =	sdelay $0x1  }
0x2d4: {  	v16 =	vadd.f32 v16, v16;
	_ =	sdelay $0x1  }
0x2d5: {  	v16 =	vmin.f32 v16, $6.000000000e+01  }
0x2d6: {  	v16 =	vmul.f32 $1.442695020e+00, v16;
	_ =	sdelay $0x1  }
0x2d7: {  	(erf) = vpow2.f32 v16;
	_ =	sdelay $0x5  }
0x2d8: {  	v15 =	vadd.f32 v26, v15;
	_ =	sdelay $0x1  }
0x2d9: {  	v28 =	vadd.f32 v15, v15  }
0x2da: {  	v16 =	vpop (erf)  }
0x2db: {  	[tilespmem:$0x1FFC0] =	vst v32;
	v17 =	vmin.f32 v28, $6.000000000e+01;
	v32 =	vadd.f32 $1.000000000e+00, v16  }
0x2dc: {  	v17 =	vmul.f32 $1.442695020e+00, v17  }
0x2dd: {  	(erf) = vrcp.f32 v32  }
0x2de: {  	(erf) = vpow2.f32 v17;
	_ =	sdelay $0x7  }
0x2df: {  	v33 =	vpop (erf)  }
0x2e0: {  	v34 =	vpop (erf)  }
0x2e1: {  	v42 =	vadd.f32 $1.000000000e+00, v34;
	_ =	sdelay $0x1  }
0x2e2: {  	(erf) = vrcp.f32 v42;
	_ =	sdelay $0x7  }
0x2e3: {  	v17 =	vadd.f32 $-1.000000000e+00, v34  }
0x2e4: {  	v18 =	vpop (erf)  }
0x2e5: {  	v17 =	vmul.f32 v18, v17;
	_ =	sdelay $0x1  }
0x2e6: {  	v17 =	vmul.f32 $2.002000090e+00, v17;
	_ =	sdelay $0x1  }
0x2e7: {  	v17 =	vadd.f32 $1.258291200e+07, v17;
	_ =	sdelay $0x1  }
0x2e8: {  	[tilespmem:$0x1FFE0] =	vst v33;
	v33 =	vadd.f32 $-1.258291200e+07, v17;
	_ =	sdelay $0x1  }
0x2e9: {  	v17 =	vmul.f32 $5.000000000e-01, v33;
	_ =	sdelay $0x1  }
0x2ea: {  	v15 =	vsub.f32 v15, v17;
	_ =	sdelay $0x1  }
0x2eb: {  	v15 =	vmul.f32 $4.000000000e+00, v15;
	_ =	sdelay $0x1  }
0x2ec: {  	v15 =	vadd.f32 v15, v15;
	_ =	sdelay $0x1  }
0x2ed: {  	v15 =	vmin.f32 v15, $6.000000000e+01  }
0x2ee: {  	v15 =	vmul.f32 $1.442695020e+00, v15;
	_ =	sdelay $0x1  }
0x2ef: {  	(erf) = vpow2.f32 v15;
	_ =	sdelay $0x3  }
0x2f0: {  	v10 =	vadd.f32 v47, v10;
	_ =	sdelay $0x1  }
0x2f1: {  	v10 =	vadd.f32 v12, v10;
	_ =	sdelay $0x1  }
0x2f2: {  	v43 =	vadd.f32 v10, v10  }
0x2f3: {  	v47 =	vpop (erf)  }
0x2f4: {  	[tilespmem:$0x1FFD0] =	vst v45;
	v15 =	vmin.f32 v43, $6.000000000e+01;
	v45 =	vadd.f32 $1.000000000e+00, v47  }
0x2f5: {  	v15 =	vmul.f32 $1.442695020e+00, v15  }
0x2f6: {  	(erf) = vrcp.f32 v45  }
0x2f7: {  	(erf) = vpow2.f32 v15;
	_ =	sdelay $0x7  }
0x2f8: {  	v46 =	vpop (erf)  }
0x2f9: {  	v60 =	vpop (erf)  }
0x2fa: {  	v63 =	vadd.f32 $1.000000000e+00, v60;
	_ =	sdelay $0x1  }
0x2fb: {  	(erf) = vrcp.f32 v63;
	_ =	sdelay $0x7  }
0x2fc: {  	v15 =	vadd.f32 $-1.000000000e+00, v60  }
0x2fd: {  	v17 =	vpop (erf)  }
0x2fe: {  	v15 =	vmul.f32 v17, v15;
	_ =	sdelay $0x1  }
0x2ff: {  	v15 =	vmul.f32 $2.002000090e+00, v15;
	_ =	sdelay $0x1  }
0x300: {  	v15 =	vadd.f32 $1.258291200e+07, v15;
	_ =	sdelay $0x1  }
0x301: {  	v32 =	vadd.f32 $-1.258291200e+07, v15;
	_ =	sdelay $0x1  }
0x302: {  	v15 =	vmul.f32 $5.000000000e-01, v32;
	_ =	sdelay $0x1  }
0x303: {  	v10 =	vsub.f32 v10, v15;
	_ =	sdelay $0x1  }
0x304: {  	v10 =	vmul.f32 $4.000000000e+00, v10;
	_ =	sdelay $0x1  }
0x305: {  	v10 =	vadd.f32 v10, v10;
	_ =	sdelay $0x1  }
0x306: {  	v10 =	vmin.f32 v10, $6.000000000e+01  }
0x307: {  	v10 =	vmul.f32 $1.442695020e+00, v10;
	_ =	sdelay $0x1  }
0x308: {  	(erf) = vpow2.f32 v10;
	_ =	sdelay $0x1  }
0x309: {  	v13 =	vmul.f32 v13, v6;
	_ =	sdelay $0x1  }
0x30a: {  	v9 =	vadd.f32 v13, v9;
	_ =	sdelay $0x1  }
0x30b: {  	v9 =	vadd.f32 v25, v9;
	_ =	sdelay $0x1  }
0x30c: {  	v15 =	vadd.f32 v9, v9  }
0x30d: {  	v19 =	vpop (erf)  }
0x30e: {  	v10 =	vmin.f32 v15, $6.000000000e+01;
	v21 =	vadd.f32 $1.000000000e+00, v19  }
0x30f: {  	v10 =	vmul.f32 $1.442695020e+00, v10  }
0x310: {  	(erf) = vrcp.f32 v21  }
0x311: {  	(erf) = vpow2.f32 v10;
	_ =	sdelay $0x7  }
0x312: {  	[tilespmem:$0x1FFF0] =	vst v46;
	v46 =	vpop (erf)  }
0x313: {  	v10 =	vpop (erf)  }
0x314: {  	v22 =	vadd.f32 $1.000000000e+00, v10;
	_ =	sdelay $0x1  }
0x315: {  	(erf) = vrcp.f32 v22;
	_ =	sdelay $0x7  }
0x316: {  	v10 =	vadd.f32 $-1.000000000e+00, v10  }
0x317: {  	v15 =	vpop (erf)  }
0x318: {  	v10 =	vmul.f32 v15, v10;
	_ =	sdelay $0x1  }
0x319: {  	v10 =	vmul.f32 $2.002000090e+00, v10;
	_ =	sdelay $0x1  }
0x31a: {  	v10 =	vadd.f32 $1.258291200e+07, v10;
	_ =	sdelay $0x1  }
0x31b: {  	v22 =	vadd.f32 $-1.258291200e+07, v10;
	_ =	sdelay $0x1  }
0x31c: {  	v10 =	vmul.f32 $5.000000000e-01, v22;
	_ =	sdelay $0x1  }
0x31d: {  	v9 =	vsub.f32 v9, v10;
	_ =	sdelay $0x1  }
0x31e: {  	v9 =	vmul.f32 $4.000000000e+00, v9;
	_ =	sdelay $0x1  }
0x31f: {  	v9 =	vadd.f32 v9, v9;
	_ =	sdelay $0x1  }
0x320: {  	v9 =	vmin.f32 v9, $6.000000000e+01  }
0x321: {  	v9 =	vmul.f32 $1.442695020e+00, v9;
	_ =	sdelay $0x1  }
0x322: {  	(erf) = vpow2.f32 v9;
	_ =	sdelay $0x5  }
0x323: {  	v28 =	vadd.f32 v23, v11;
	_ =	sdelay $0x1  }
0x324: {  	v34 =	vadd.f32 v28, v28  }
0x325: {  	v18 =	vpop (erf)  }
0x326: {  	v10 =	vmin.f32 v34, $6.000000000e+01;
	v42 =	vadd.f32 $1.000000000e+00, v18  }
0x327: {  	v10 =	vmul.f32 $1.442695020e+00, v10  }
0x328: {  	(erf) = vrcp.f32 v42  }
0x329: {  	(erf) = vpow2.f32 v10;
	_ =	sdelay $0x7  }
0x32a: {  	v45 =	vpop (erf)  }
0x32b: {  	v10 =	vpop (erf)  }
0x32c: {  	v43 =	vadd.f32 $1.000000000e+00, v10;
	_ =	sdelay $0x1  }
0x32d: {  	(erf) = vrcp.f32 v43;
	_ =	sdelay $0x7  }
0x32e: {  	v10 =	vadd.f32 $-1.000000000e+00, v10  }
0x32f: {  	v15 =	vpop (erf)  }
0x330: {  	v10 =	vmul.f32 v15, v10;
	_ =	sdelay $0x1  }
0x331: {  	v10 =	vmul.f32 $2.002000090e+00, v10;
	_ =	sdelay $0x1  }
0x332: {  	v10 =	vadd.f32 $1.258291200e+07, v10;
	_ =	sdelay $0x1  }
0x333: {  	v21 =	vadd.f32 $-1.258291200e+07, v10;
	_ =	sdelay $0x1  }
0x334: {  	v10 =	vmul.f32 $5.000000000e-01, v21;
	_ =	sdelay $0x1  }
0x335: {  	v9 =	vsub.f32 v28, v10;
	_ =	sdelay $0x1  }
0x336: {  	v9 =	vmul.f32 $4.000000000e+00, v9;
	_ =	sdelay $0x1  }
0x337: {  	v9 =	vadd.f32 v9, v9;
	_ =	sdelay $0x1  }
0x338: {  	v9 =	vmin.f32 v9, $6.000000000e+01  }
0x339: {  	v9 =	vmul.f32 $1.442695020e+00, v9;
	_ =	sdelay $0x1  }
0x33a: {  	(erf) = vpow2.f32 v9;
	_ =	sdelay $0x5  }
0x33b: {  	v7 =	vadd.f32 v26, v7;
	_ =	sdelay $0x1  }
0x33c: {  	v60 =	vadd.f32 v7, v7  }
0x33d: {  	v11 =	vpop (erf)  }
0x33e: {  	v10 =	vmin.f32 v60, $6.000000000e+01;
	v63 =	vadd.f32 $1.000000000e+00, v11  }
0x33f: {  	v10 =	vmul.f32 $1.442695020e+00, v10  }
0x340: {  	(erf) = vrcp.f32 v63  }
0x341: {  	(erf) = vpow2.f32 v10;
	_ =	sdelay $0x7  }
0x342: {  	v43 =	vpop (erf)  }
0x343: {  	v10 =	vpop (erf)  }
0x344: {  	v9 =	vadd.f32 $1.000000000e+00, v10;
	_ =	sdelay $0x1  }
0x345: {  	(erf) = vrcp.f32 v9;
	_ =	sdelay $0x7  }
0x346: {  	v10 =	vadd.f32 $-1.000000000e+00, v10  }
0x347: {  	v28 =	vpop (erf)  }
0x348: {  	v10 =	vmul.f32 v28, v10;
	_ =	sdelay $0x1  }
0x349: {  	v10 =	vmul.f32 $2.002000090e+00, v10;
	_ =	sdelay $0x1  }
0x34a: {  	v10 =	vadd.f32 $1.258291200e+07, v10;
	_ =	sdelay $0x1  }
0x34b: {  	v17 =	vadd.f32 $-1.258291200e+07, v10;
	_ =	sdelay $0x1  }
0x34c: {  	v13 =	vmul.f32 $5.000000000e-01, v17;
	_ =	sdelay $0x1  }
0x34d: {  	v7 =	vsub.f32 v7, v13;
	_ =	sdelay $0x1  }
0x34e: {  	v7 =	vmul.f32 $4.000000000e+00, v7;
	_ =	sdelay $0x1  }
0x34f: {  	v7 =	vadd.f32 v7, v7;
	_ =	sdelay $0x1  }
0x350: {  	v7 =	vmin.f32 v7, $6.000000000e+01  }
0x351: {  	v7 =	vmul.f32 $1.442695020e+00, v7;
	_ =	sdelay $0x1  }
0x352: {  	(erf) = vpow2.f32 v7;
	_ =	sdelay $0x5  }
0x353: {  	v28 =	vadd.f32 v12, v8;
	_ =	sdelay $0x1  }
0x354: {  	v8 =	vadd.f32 v28, v28  }
0x355: {  	v10 =	vpop (erf)  }
0x356: {  	v8 =	vmin.f32 v8, $6.000000000e+01;
	v15 =	vadd.f32 $1.000000000e+00, v10  }
0x357: {  	v8 =	vmul.f32 $1.442695020e+00, v8  }
0x358: {  	(erf) = vrcp.f32 v15  }
0x359: {  	(erf) = vpow2.f32 v8;
	_ =	sdelay $0x7  }
0x35a: {  	v42 =	vpop (erf)  }
0x35b: {  	v8 =	vpop (erf)  }
0x35c: {  	v63 =	vadd.f32 $1.000000000e+00, v8;
	_ =	sdelay $0x1  }
0x35d: {  	(erf) = vrcp.f32 v63;
	_ =	sdelay $0x7  }
0x35e: {  	v8 =	vadd.f32 $-1.000000000e+00, v8  }
0x35f: {  	v63 =	vpop (erf)  }
0x360: {  	v8 =	vmul.f32 v63, v8;
	_ =	sdelay $0x1  }
0x361: {  	v8 =	vmul.f32 $2.002000090e+00, v8;
	_ =	sdelay $0x1  }
0x362: {  	v8 =	vadd.f32 $1.258291200e+07, v8;
	_ =	sdelay $0x1  }
0x363: {  	v15 =	vadd.f32 $-1.258291200e+07, v8;
	_ =	sdelay $0x1  }
0x364: {  	v34 =	vmul.f32 $5.000000000e-01, v15;
	_ =	sdelay $0x1  }
0x365: {  	v28 =	vsub.f32 v28, v34;
	_ =	sdelay $0x1  }
0x366: {  	v28 =	vmul.f32 $4.000000000e+00, v28;
	_ =	sdelay $0x1  }
0x367: {  	v28 =	vadd.f32 v28, v28;
	_ =	sdelay $0x1  }
0x368: {  	v28 =	vmin.f32 v28, $6.000000000e+01  }
0x369: {  	v28 =	vmul.f32 $1.442695020e+00, v28;
	_ =	sdelay $0x1  }
0x36a: {  	(erf) = vpow2.f32 v28;
	_ =	sdelay $0x1  }
0x36b: {  	v63 =	vmul.f32 v2, v6;
	_ =	sdelay $0x1  }
0x36c: {  	v4 =	vadd.f32 v63, v4;
	_ =	sdelay $0x1  }
0x36d: {  	v25 =	vadd.f32 v25, v4;
	_ =	sdelay $0x1  }
0x36e: {  	v4 =	vadd.f32 v25, v25  }
0x36f: {  	v8 =	vpop (erf)  }
0x370: {  	v4 =	vmin.f32 v4, $6.000000000e+01;
	v9 =	vadd.f32 $1.000000000e+00, v8  }
0x371: {  	v4 =	vmul.f32 $1.442695020e+00, v4  }
0x372: {  	(erf) = vrcp.f32 v9  }
0x373: {  	(erf) = vpow2.f32 v4;
	_ =	sdelay $0x7  }
0x374: {  	v34 =	vpop (erf)  }
0x375: {  	v4 =	vpop (erf)  }
0x376: {  	v13 =	vadd.f32 $1.000000000e+00, v4;
	_ =	sdelay $0x1  }
0x377: {  	(erf) = vrcp.f32 v13;
	_ =	sdelay $0x7  }
0x378: {  	v4 =	vadd.f32 $-1.000000000e+00, v4  }
0x379: {  	v63 =	vpop (erf)  }
0x37a: {  	v4 =	vmul.f32 v63, v4;
	_ =	sdelay $0x1  }
0x37b: {  	v4 =	vmul.f32 $2.002000090e+00, v4;
	_ =	sdelay $0x1  }
0x37c: {  	v4 =	vadd.f32 $1.258291200e+07, v4;
	_ =	sdelay $0x1  }
0x37d: {  	v13 =	vadd.f32 $-1.258291200e+07, v4;
	_ =	sdelay $0x1  }
0x37e: {  	v28 =	vmul.f32 $5.000000000e-01, v13;
	_ =	sdelay $0x1  }
0x37f: {  	v25 =	vsub.f32 v25, v28;
	_ =	sdelay $0x1  }
0x380: {  	v25 =	vmul.f32 $4.000000000e+00, v25;
	_ =	sdelay $0x1  }
0x381: {  	v25 =	vadd.f32 v25, v25;
	_ =	sdelay $0x1  }
0x382: {  	v25 =	vmin.f32 v25, $6.000000000e+01  }
0x383: {  	v25 =	vmul.f32 $1.442695020e+00, v25;
	_ =	sdelay $0x1  }
0x384: {  	(erf) = vpow2.f32 v25;
	_ =	sdelay $0x5  }
0x385: {  	v63 =	vadd.f32 v23, v5;
	_ =	sdelay $0x1  }
0x386: {  	v5 =	vadd.f32 v63, v63  }
0x387: {  	v23 =	vpop (erf)  }
0x388: {  	v5 =	vmin.f32 v5, $6.000000000e+01;
	v60 =	vadd.f32 $1.000000000e+00, v23  }
0x389: {  	v5 =	vmul.f32 $1.442695020e+00, v5  }
0x38a: {  	(erf) = vrcp.f32 v60  }
0x38b: {  	(erf) = vpow2.f32 v5;
	_ =	sdelay $0x7  }
0x38c: {  	v28 =	vpop (erf)  }
0x38d: {  	v5 =	vpop (erf)  }
0x38e: {  	v60 =	vadd.f32 $1.000000000e+00, v5;
	_ =	sdelay $0x1  }
0x38f: {  	(erf) = vrcp.f32 v60;
	_ =	sdelay $0x7  }
0x390: {  	v5 =	vadd.f32 $-1.000000000e+00, v5  }
0x391: {  	v60 =	vpop (erf)  }
0x392: {  	v5 =	vmul.f32 v60, v5;
	_ =	sdelay $0x1  }
0x393: {  	v5 =	vmul.f32 $2.002000090e+00, v5;
	_ =	sdelay $0x1  }
0x394: {  	v5 =	vadd.f32 $1.258291200e+07, v5;
	_ =	sdelay $0x1  }
0x395: {  	v9 =	vadd.f32 $-1.258291200e+07, v5;
	_ =	sdelay $0x1  }
0x396: {  	v7 =	vmul.f32 $5.000000000e-01, v9;
	_ =	sdelay $0x1  }
0x397: {  	v60 =	vsub.f32 v63, v7;
	_ =	sdelay $0x1  }
0x398: {  	v60 =	vmul.f32 $4.000000000e+00, v60;
	_ =	sdelay $0x1  }
0x399: {  	v60 =	vadd.f32 v60, v60;
	_ =	sdelay $0x1  }
0x39a: {  	v60 =	vmin.f32 v60, $6.000000000e+01  }
0x39b: {  	v60 =	vmul.f32 $1.442695020e+00, v60;
	_ =	sdelay $0x1  }
0x39c: {  	(erf) = vpow2.f32 v60;
	_ =	sdelay $0x1  }
0x39d: {  	v25 =	vmul.f32 v2, v3;
	_ =	sdelay $0x1  }
0x39e: {  	v1 =	vadd.f32 v25, v1;
	_ =	sdelay $0x1  }
0x39f: {  	v63 =	vadd.f32 v26, v1;
	_ =	sdelay $0x1  }
0x3a0: {  	v60 =	vadd.f32 v63, v63  }
0x3a1: {  	v7 =	vpop (erf)  }
0x3a2: {  	v26 =	vld [tilespmem:$0x1FDB0];
	v2 =	vmin.f32 v60, $6.000000000e+01;
	v25 =	vadd.f32 $1.000000000e+00, v7  }
0x3a3: {  	v2 =	vmul.f32 $1.442695020e+00, v2  }
0x3a4: {  	v5 =	vld [tilespmem:$0x1FDC0];
	(erf) = vrcp.f32 v25  }
0x3a5: {  	(erf) = vpow2.f32 v2;
	_ =	sdelay $0x1  }
0x3a6: {  	v60 =	vadd.f32 $-1.000000000e+00, v26;
	v26 =	vld [tilespmem:$0x1FDD0];
	_ =	sdelay $0x1  }
0x3a7: {  	v6 =	vadd.f32 $-1.000000000e+00, v5;
	v5 =	vld [tilespmem:$0x1FDF0]  }
0x3a8: {  	v4 =	vld [tilespmem:$0x1FDE0];
	_ =	sdelay $0x1  }
0x3a9: {  	v60 =	vmul.f32 v26, v60  }
0x3aa: {  	v25 =	vpop (erf)  }
0x3ab: {  	v26 =	vmul.f32 $2.002000090e+00, v60;
	v60 =	vadd.f32 $-1.000000000e+00, v5;
	v5 =	vpop (erf)  }
0x3ac: {  	v3 =	vmul.f32 v4, v6;
	v6 =	vadd.f32 $1.000000000e+00, v5  }
0x3ad: {  	v4 =	vld [tilespmem:$0x1FE00]  }
0x3ae: {  	(erf) = vrcp.f32 v6;
	v6 =	vld [tilespmem:$0x1FE10];
	_ =	sdelay $0x2  }
0x3af: {  	v3 =	vmul.f32 $2.002000090e+00, v3;
	_ =	sdelay $0x1  }
0x3b0: {  	v60 =	vmul.f32 v4, v60;
	v4 =	vadd.f32 $1.258291200e+07, v3;
	v3 =	vadd.f32 $2.000000000e+00, v6;
	v6 =	vld [tilespmem:$0x1FE20];
	_ =	sdelay $0x4  }
0x3b1: {  	v1 =	vadd.f32 $-1.000000000e+00, v6;
	v6 =	vld [tilespmem:$0x1FE30];
	_ =	sdelay $0x4  }
0x3b2: {  	v2 =	vadd.f32 $2.000000000e+00, v6;
	v6 =	vld [tilespmem:$0x1FE40]  }
0x3b3: {  	v60 =	vmul.f32 $2.002000090e+00, v60;
	_ =	sdelay $0x1  }
0x3b4: {  	v60 =	vadd.f32 $1.258291200e+07, v60;
	v3 =	vmul.f32 $5.000000000e+00, v3  }
0x3b5: {  	v26 =	vadd.f32 $1.258291200e+07, v26  }
0x3b6: {  	v1 =	vmul.f32 v6, v1;
	v6 =	vadd.f32 v3, v2;
	v3 =	vadd.f32 $-1.258291200e+07, v60;
	v60 =	vld [tilespmem:$0x1FE50]  }
0x3b7: {  	v26 =	vadd.f32 $-1.258291200e+07, v26;
	_ =	sdelay $0x1  }
0x3b8: {  	v4 =	vadd.f32 $-1.258291200e+07, v4;
	v26 =	vadd.f32 $2.000000000e+00, v26;
	_ =	sdelay $0x1  }
0x3b9: {  	v4 =	vadd.f32 $2.000000000e+00, v4;
	v26 =	vmul.f32 $5.000000000e+00, v26;
	v60 =	vadd.f32 $2.000000000e+00, v60;
	_ =	sdelay $0x1  }
0x3ba: {  	v4 =	vadd.f32 v26, v4;
	v1 =	vmul.f32 $2.002000090e+00, v1;
	v26 =	vmul.f32 $2.500000000e+01, v60;
	v60 =	vld [tilespmem:$0x1FE60];
	_ =	sdelay $0x1  }
0x3bb: {  	v1 =	vadd.f32 $1.258291200e+07, v1;
	_ =	sdelay $0x2  }
0x3bc: {  	v5 =	vadd.f32 $-1.000000000e+00, v5;
	v60 =	vadd.f32 $2.000000000e+00, v60  }
0x3bd: {  	v2 =	vadd.f32 $-1.258291200e+07, v1;
	v1 =	vpop (erf)  }
0x3be: {  	v1 =	vmul.f32 v1, v5;
	v5 =	vmul.f32 $1.250000000e+02, v60;
	v60 =	vld [tilespmem:$0x1FE70];
	_ =	sdelay $0x3  }
0x3bf: {  	v3 =	vadd.f32 $2.000000000e+00, v3  }
0x3c0: {  	v6 =	vadd.f32 v6, v26;
	v26 =	vadd.f32 $-1.000000000e+00, v60;
	v60 =	vld [tilespmem:$0x1FE80];
	_ =	sdelay $0x1  }
0x3c1: {  	v3 =	vmul.f32 $2.500000000e+01, v3;
	_ =	sdelay $0x1  }
0x3c2: {  	v3 =	vadd.f32 v4, v3  }
0x3c3: {  	v4 =	vadd.f32 $-1.000000000e+00, v60;
	v60 =	vadd.f32 v6, v5;
	v5 =	vld [tilespmem:$0x1FE90];
	_ =	sdelay $0x4  }
0x3c4: {  	v5 =	vmul.f32 v5, v26;
	v26 =	vld [tilespmem:$0x1FEA0]  }
0x3c5: {  	v6 =	vadd.f32 $-1.000000000e+00, v41;
	v41 =	vld [tilespmem:$0x1FEB0]  }
0x3c6: {  	v2 =	vadd.f32 $2.000000000e+00, v2;
	_ =	sdelay $0x1  }
0x3c7: {  	v2 =	vmul.f32 $1.250000000e+02, v2  }
0x3c8: {  	v4 =	vmul.f32 v26, v4  }
0x3c9: {  	v26 =	vadd.f32 v3, v2;
	v2 =	vmul.f32 $2.002000090e+00, v5;
	v5 =	vadd.f32 $2.000000000e+00, v41;
	v41 =	vld [tilespmem:$0x1FEC0];
	_ =	sdelay $0x3  }
0x3ca: {  	v1 =	vmul.f32 $2.002000090e+00, v1  }
0x3cb: {  	v6 =	vmul.f32 v41, v6;
	v41 =	vld [tilespmem:$0x1FED0]  }
0x3cc: {  	v1 =	vadd.f32 $1.258291200e+07, v1;
	_ =	sdelay $0x1  }
0x3cd: {  	v54 =	vadd.f32 $-1.000000000e+00, v54;
	v3 =	vadd.f32 $-1.258291200e+07, v1  }
0x3ce: {  	v58 =	vadd.f32 $-1.000000000e+00, v58;
	v4 =	vmul.f32 $2.002000090e+00, v4;
	v2 =	vadd.f32 $1.258291200e+07, v2  }
0x3cf: {  	v1 =	vadd.f32 $2.000000000e+00, v41;
	v41 =	vadd.f32 $-1.000000000e+00, v48;
	v48 =	vmul.f32 $5.000000000e-01, v3  }
0x3d0: {  	v4 =	vadd.f32 $1.258291200e+07, v4;
	v2 =	vadd.f32 $-1.258291200e+07, v2  }
0x3d1: {  	v37 =	vadd.f32 $-1.000000000e+00, v37;
	v48 =	vsub.f32 v63, v48;
	v63 =	vld [tilespmem:$0x1FEF0]  }
0x3d2: {  	v4 =	vadd.f32 $-1.258291200e+07, v4;
	v2 =	vadd.f32 $2.000000000e+00, v2  }
0x3d3: {  	v30 =	vadd.f32 $-1.000000000e+00, v30;
	v31 =	vadd.f32 $2.000000000e+00, v31;
	v5 =	vmul.f32 $5.000000000e+00, v5  }
0x3d4: {  	v27 =	vadd.f32 $-1.000000000e+00, v27;
	v4 =	vadd.f32 $2.000000000e+00, v4;
	v2 =	vmul.f32 $5.000000000e+00, v2  }
0x3d5: {  	v35 =	vadd.f32 $2.000000000e+00, v35;
	v1 =	vadd.f32 v5, v1;
	v5 =	vmul.f32 $2.002000090e+00, v6;
	v6 =	vld [tilespmem:$0x1FEE0]  }
0x3d6: {  	v44 =	vadd.f32 $2.000000000e+00, v44;
	v2 =	vadd.f32 v2, v4;
	v4 =	vmul.f32 v63, v54;
	v54 =	vld [tilespmem:$0x1FF00]  }
0x3d7: {  	v24 =	vadd.f32 $-1.000000000e+00, v24;
	v36 =	vadd.f32 $2.000000000e+00, v36;
	v35 =	vmul.f32 $5.000000000e+00, v35  }
0x3d8: {  	v20 =	vadd.f32 $-1.000000000e+00, v20;
	v19 =	vadd.f32 $-1.000000000e+00, v19;
	v63 =	vld [tilespmem:$0x1FF10]  }
0x3d9: {  	v31 =	vmul.f32 $2.500000000e+01, v31;
	v14 =	vadd.f32 $-1.000000000e+00, v14;
	v35 =	vadd.f32 v35, v36  }
0x3da: {  	v19 =	vmul.f32 v46, v19;
	v18 =	vadd.f32 $-1.000000000e+00, v18;
	v5 =	vadd.f32 $1.258291200e+07, v5  }
0x3db: {  	v6 =	vmul.f32 v6, v41;
	v41 =	vmul.f32 $4.000000000e+00, v48;
	v48 =	vadd.f32 $2.000000000e+00, v54  }
0x3dc: {  	v16 =	vadd.f32 $-1.000000000e+00, v16;
	v19 =	vmul.f32 $2.002000090e+00, v19;
	v18 =	vmul.f32 v45, v18  }
0x3dd: {  	v5 =	vadd.f32 $-1.258291200e+07, v5;
	v54 =	vadd.f32 $2.000000000e+00, v63;
	v48 =	vmul.f32 $2.500000000e+01, v48  }
0x3de: {  	v33 =	vadd.f32 $2.000000000e+00, v33;
	v19 =	vadd.f32 $1.258291200e+07, v19;
	v18 =	vmul.f32 $2.002000090e+00, v18  }
0x3df: {  	v5 =	vadd.f32 $2.000000000e+00, v5;
	v1 =	vadd.f32 v1, v48;
	v48 =	vmul.f32 $1.250000000e+02, v54;
	v54 =	vld [tilespmem:$0x1FF20]  }
0x3e0: {  	v11 =	vadd.f32 $-1.000000000e+00, v11;
	v6 =	vmul.f32 $2.002000090e+00, v6;
	v41 =	vadd.f32 v41, v41  }
0x3e1: {  	v18 =	vadd.f32 $1.258291200e+07, v18;
	v45 =	vadd.f32 $2.000000000e+00, v21;
	v5 =	vmul.f32 $2.500000000e+01, v5;
	v63 =	vld [tilespmem:$0x1FF30]  }
0x3e2: {  	v11 =	vmul.f32 v43, v11;
	v6 =	vadd.f32 $1.258291200e+07, v6;
	v41 =	vmin.f32 v41, $6.000000000e+01  }
0x3e3: {  	v4 =	vmul.f32 $2.002000090e+00, v4;
	v41 =	vmul.f32 $1.442695020e+00, v41;
	v2 =	vadd.f32 v2, v5  }
0x3e4: {  	v6 =	vadd.f32 $-1.258291200e+07, v6;
	v5 =	vmul.f32 v54, v58;
	v58 =	vadd.f32 $-1.000000000e+00, v62  }
0x3e5: {  	(erf) = vpow2.f32 v41;
	v62 =	vadd.f32 $2.000000000e+00, v49;
	v54 =	vadd.f32 $1.258291200e+07, v4;
	v49 =	vld [tilespmem:$0x1FF70]  }
0x3e6: {  	v6 =	vadd.f32 $2.000000000e+00, v6;
	v1 =	vadd.f32 v1, v48;
	v48 =	vmul.f32 v63, v58;
	v58 =	vld [tilespmem:$0x1FF40]  }
0x3e7: {  	v41 =	vadd.f32 v12, v0;
	v5 =	vmul.f32 $2.002000090e+00, v5;
	v0 =	vadd.f32 $-1.258291200e+07, v54;
	v54 =	vld [tilespmem:$0x1FF50]  }
0x3e8: {  	v43 =	vadd.f32 $-1.258291200e+07, v18;
	v10 =	vadd.f32 $-1.000000000e+00, v10;
	v6 =	vmul.f32 $1.250000000e+02, v6  }
0x3e9: {  	v11 =	vmul.f32 $2.002000090e+00, v11;
	v8 =	vadd.f32 $-1.000000000e+00, v8;
	v5 =	vadd.f32 $1.258291200e+07, v5  }
0x3ea: {  	v2 =	vadd.f32 v2, v6;
	v6 =	vmul.f32 $5.000000000e+00, v62;
	v62 =	vadd.f32 $-1.000000000e+00, v40  }
0x3eb: {  	v63 =	vmul.f32 $2.002000090e+00, v48;
	v30 =	vmul.f32 v49, v30;
	v5 =	vadd.f32 $-1.258291200e+07, v5  }
0x3ec: {  	v4 =	vadd.f32 $2.000000000e+00, v58;
	v12 =	vmul.f32 v54, v62;
	v58 =	vadd.f32 $2.000000000e+00, v0  }
0x3ed: {  	v62 =	vadd.f32 v41, v41;
	v54 =	vadd.f32 $2.000000000e+00, v51;
	v30 =	vmul.f32 $2.002000090e+00, v30  }
0x3ee: {  	v0 =	vpop (erf);
	v5 =	vadd.f32 $2.000000000e+00, v5;
	v4 =	vadd.f32 v6, v4;
	v12 =	vmul.f32 $2.002000090e+00, v12  }
0x3ef: {  	v6 =	vadd.f32 $1.258291200e+07, v63;
	v48 =	vmin.f32 v62, $6.000000000e+01;
	v63 =	vadd.f32 $1.000000000e+00, v0  }
0x3f0: {  	v62 =	vadd.f32 $2.000000000e+00, v56;
	v48 =	vmul.f32 $1.442695020e+00, v48;
	v12 =	vadd.f32 $1.258291200e+07, v12  }
0x3f1: {  	v30 =	vadd.f32 $1.258291200e+07, v30;
	v5 =	vmul.f32 $5.000000000e+00, v5;
	(erf) = vrcp.f32 v63  }
0x3f2: {  	v56 =	vld [tilespmem:$0x1FF80];
	v6 =	vadd.f32 $-1.258291200e+07, v6;
	(erf) = vpow2.f32 v48;
	v12 =	vadd.f32 $-1.258291200e+07, v12  }
0x3f3: {  	v26 =	vtrunc.f32 v26;
	v63 =	vld [tilespmem:$0x1FF60];
	v30 =	vadd.f32 $-1.258291200e+07, v30;
	v5 =	vadd.f32 v5, v58  }
0x3f4: {  	v58 =	vmul.f32 $2.500000000e+01, v54;
	v6 =	vadd.f32 $2.000000000e+00, v6;
	v12 =	vadd.f32 $2.000000000e+00, v12  }
0x3f5: {  	v1 =	vtrunc.f32 v1;
	v51 =	vmul.f32 $1.250000000e+02, v62;
	v30 =	vadd.f32 $2.000000000e+00, v30  }
0x3f6: {  	v62 =	vld [tilespmem:$0x1FF90];
	v4 =	vadd.f32 v4, v58;
	v6 =	vmul.f32 $2.500000000e+01, v6;
	v12 =	vmul.f32 $1.250000000e+02, v12  }
0x3f7: {  	v27 =	vmul.f32 v56, v27;
	v58 =	vadd.f32 $-1.000000000e+00, v50;
	v56 =	vadd.f32 $2.000000000e+00, v61  }
0x3f8: {  	v61 =	vmul.f32 $1.250000000e+02, v44;
	v37 =	vmul.f32 v63, v37;
	v5 =	vadd.f32 v5, v6  }
0x3f9: {  	v27 =	vmul.f32 $2.002000090e+00, v27;
	v63 =	vadd.f32 $2.000000000e+00, v57;
	v57 =	vmul.f32 $5.000000000e+00, v56  }
0x3fa: {  	v44 =	vadd.f32 $-1.000000000e+00, v29;
	v54 =	vmul.f32 $2.002000090e+00, v37;
	v5 =	vadd.f32 v5, v12;
	v12 =	vpop (erf)  }
0x3fb: {  	v37 =	vmul.f32 v62, v58;
	v27 =	vadd.f32 $1.258291200e+07, v27;
	v40 =	vadd.f32 v57, v63;
	v63 =	vld [tilespmem:$0x1FFA0];
	v48 =	vpop (erf)  }
0x3fc: {  	v30 =	vmul.f32 $5.000000000e+00, v30;
	v6 =	vadd.f32 $1.258291200e+07, v54;
	v54 =	vadd.f32 $1.000000000e+00, v48  }
0x3fd: {  	v37 =	vmul.f32 $2.002000090e+00, v37;
	v27 =	vadd.f32 $-1.258291200e+07, v27;
	v31 =	vadd.f32 v40, v31;
	v40 =	vld [tilespmem:$0x1FFB0]  }
0x3fe: {  	v4 =	vadd.f32 v4, v51;
	v6 =	vadd.f32 $-1.258291200e+07, v6;
	(erf) = vrcp.f32 v54  }
0x3ff: {  	v51 =	vtrunc.f32 v60;
	v37 =	vadd.f32 $1.258291200e+07, v37;
	v27 =	vadd.f32 $2.000000000e+00, v27  }
0x400: {  	v50 =	vld [tilespmem:$0x1FFD0];
	v57 =	vadd.f32 $2.000000000e+00, v39;
	v39 =	vtrunc.f32 v5;
	v20 =	vmul.f32 v63, v20  }
0x401: {  	v49 =	vld [tilespmem:$0x1FFC0];
	v6 =	vadd.f32 $2.000000000e+00, v6;
	v37 =	vadd.f32 $-1.258291200e+07, v37;
	v27 =	vmul.f32 $2.500000000e+01, v27  }
0x402: {  	v24 =	vmul.f32 v40, v24;
	v40 =	vmul.f32 v55, v14;
	v55 =	vadd.f32 $2.000000000e+00, v59  }
0x403: {  	v20 =	vmul.f32 $2.002000090e+00, v20;
	v6 =	vadd.f32 v30, v6;
	v58 =	vadd.f32 $2.000000000e+00, v37  }
0x404: {  	v14 =	vcvt.f32.s32 v51;
	v30 =	vadd.f32 v31, v61;
	v37 =	vadd.f32 $-1.000000000e+00, v52  }
0x405: {  	v31 =	vmul.f32 v50, v44;
	v52 =	vadd.f32 $-1.000000000e+00, v48;
	v24 =	vmul.f32 $2.002000090e+00, v24  }
0x406: {  	v20 =	vadd.f32 $1.258291200e+07, v20;
	v6 =	vadd.f32 v6, v27;
	v29 =	vmul.f32 v49, v37  }
0x407: {  	v31 =	vmul.f32 $2.002000090e+00, v31;
	v49 =	vadd.f32 $2.000000000e+00, v53;
	v24 =	vadd.f32 $1.258291200e+07, v24;
	v54 =	vpop (erf)  }
0x408: {  	v56 =	vadd.f32 $-1.258291200e+07, v20;
	v60 =	vmul.f32 $2.002000090e+00, v29;
	v37 =	vmul.f32 v54, v52  }
0x409: {  	v53 =	vld [tilespmem:$0x1FFE0];
	v20 =	vcvt.f32.s32 v26;
	v26 =	vcvt.f32.s32 v1;
	v50 =	vadd.f32 $1.258291200e+07, v31  }
0x40a: {  	v24 =	vadd.f32 $-1.258291200e+07, v24;
	v1 =	vadd.f32 $1.258291200e+07, v60;
	v51 =	vmul.f32 $2.002000090e+00, v37  }
0x40b: {  	v62 =	vmul.f32 $1.250000000e+02, v58;
	v58 =	vadd.f32 $2.000000000e+00, v56;
	v5 =	vadd.f32 $-1.258291200e+07, v50  }
0x40c: {  	v27 =	vmul.f32 $5.000000000e+00, v55;
	v1 =	vadd.f32 $-1.258291200e+07, v1;
	v31 =	vadd.f32 $1.258291200e+07, v51  }
0x40d: {  	v24 =	vadd.f32 $2.000000000e+00, v24;
	v61 =	vmul.f32 $5.000000000e+00, v58;
	v52 =	vadd.f32 $2.000000000e+00, v38  }
0x40e: {  	v38 =	vmul.f32 v53, v16;
	v1 =	vadd.f32 $2.000000000e+00, v1;
	v16 =	vadd.f32 $-1.258291200e+07, v31  }
0x40f: {  	v10 =	vmul.f32 v42, v10;
	v59 =	vadd.f32 v27, v57;
	v5 =	vadd.f32 $2.000000000e+00, v5  }
0x410: {  	v63 =	vadd.f32 v61, v24;
	v1 =	vmul.f32 $2.500000000e+01, v1;
	v57 =	vmul.f32 $5.000000000e-01, v16  }
0x411: {  	v17 =	vadd.f32 $2.000000000e+00, v17;
	v10 =	vmul.f32 $2.002000090e+00, v10;
	v8 =	vmul.f32 v34, v8  }
0x412: {  	v5 =	vmul.f32 $1.250000000e+02, v5;
	v1 =	vadd.f32 v63, v1;
	v60 =	vsub.f32 v41, v57  }
0x413: {  	v42 =	vadd.f32 $1.258291200e+07, v11;
	v10 =	vadd.f32 $1.258291200e+07, v10  }
0x414: {  	v8 =	vmul.f32 $2.002000090e+00, v8;
	v1 =	vadd.f32 v1, v5;
	v5 =	vmul.f32 $4.000000000e+00, v60  }
0x415: {  	v11 =	vadd.f32 $2.000000000e+00, v43;
	v10 =	vadd.f32 $-1.258291200e+07, v10  }
0x416: {  	v8 =	vadd.f32 $1.258291200e+07, v8;
	v2 =	vtrunc.f32 v2;
	v5 =	vadd.f32 v5, v5  }
0x417: {  	v6 =	vadd.f32 v6, v62;
	v27 =	vcvt.f32.s32 v2;
	v62 =	vtrunc.f32 v4  }
0x418: {  	v2 =	vmul.f32 $2.500000000e+01, v49;
	v29 =	vcvt.f32.s32 v62;
	v62 =	vld [tilespmem:$0x1FFF0];
	v5 =	vmin.f32 v5, $6.000000000e+01  }
0x419: {  	v10 =	vadd.f32 $2.000000000e+00, v10;
	v8 =	vadd.f32 $-1.258291200e+07, v8;
	v5 =	vmul.f32 $1.442695020e+00, v5  }
0x41a: {  	v7 =	vadd.f32 $-1.000000000e+00, v7;
	v2 =	vadd.f32 v59, v2  }
0x41b: {  	v58 =	vadd.f32 $-1.000000000e+00, v47;
	v37 =	vmul.f32 $1.250000000e+02, v52;
	(erf) = vpow2.f32 v5  }
0x41c: {  	v15 =	vadd.f32 $2.000000000e+00, v15;
	v8 =	vadd.f32 $2.000000000e+00, v8;
	v55 =	vmul.f32 $2.002000090e+00, v38  }
0x41d: {  	v7 =	vmul.f32 v25, v7;
	v2 =	vadd.f32 v2, v37;
	v37 =	vmul.f32 v62, v58  }
0x41e: {  	v13 =	vadd.f32 $2.000000000e+00, v13;
	v54 =	vmul.f32 $2.002000090e+00, v40;
	v4 =	vadd.f32 $1.258291200e+07, v55  }
0x41f: {  	v9 =	vadd.f32 $2.000000000e+00, v9;
	v7 =	vmul.f32 $2.002000090e+00, v7;
	v37 =	vmul.f32 $2.002000090e+00, v37  }
0x420: {  	v56 =	vadd.f32 $1.258291200e+07, v54;
	v4 =	vadd.f32 $-1.258291200e+07, v4  }
0x421: {  	v7 =	vadd.f32 $1.258291200e+07, v7;
	v48 =	vtrunc.f32 v30;
	v37 =	vadd.f32 $1.258291200e+07, v37  }
0x422: {  	v30 =	vcvt.f32.s32 v39;
	v61 =	vadd.f32 $-1.258291200e+07, v56;
	v4 =	vadd.f32 $2.000000000e+00, v4  }
0x423: {  	v39 =	vadd.f32 $-1.258291200e+07, v19;
	v6 =	vtrunc.f32 v6;
	v63 =	vadd.f32 $-1.258291200e+07, v37  }
0x424: {  	v59 =	vcvt.f32.s32 v6;
	v6 =	vadd.f32 $2.000000000e+00, v61;
	v4 =	vmul.f32 $5.000000000e+00, v4;
	v46 =	vpop (erf)  }
0x425: {  	v17 =	vmul.f32 $2.500000000e+01, v17;
	v38 =	vadd.f32 $2.000000000e+00, v63;
	v47 =	vadd.f32 $1.000000000e+00, v46  }
0x426: {  	v9 =	vmul.f32 $5.000000000e+00, v9;
	v0 =	vadd.f32 $-1.000000000e+00, v0;
	v4 =	vadd.f32 v4, v6  }
0x427: {  	v41 =	vmul.f32 $2.500000000e+01, v38;
	v5 =	vadd.f32 $2.000000000e+00, v39;
	(erf) = vrcp.f32 v47  }
0x428: {  	v7 =	vadd.f32 $-1.258291200e+07, v7;
	v3 =	vadd.f32 $2.000000000e+00, v3;
	v0 =	vmul.f32 v12, v0  }
0x429: {  	v9 =	vadd.f32 v9, v13;
	v4 =	vadd.f32 v4, v41;
	v5 =	vmul.f32 $1.250000000e+02, v5  }
0x42a: {  	v7 =	vadd.f32 $2.000000000e+00, v7;
	v3 =	vmul.f32 $2.500000000e+01, v3;
	v0 =	vmul.f32 $2.002000090e+00, v0  }
0x42b: {  	v10 =	vmul.f32 $2.500000000e+01, v10;
	v4 =	vadd.f32 v4, v5;
	v5 =	vadd.f32 $-1.258291200e+07, v42  }
0x42c: {  	v8 =	vmul.f32 $1.250000000e+02, v8;
	v3 =	vadd.f32 v9, v3;
	v0 =	vadd.f32 $1.258291200e+07, v0  }
0x42d: {  	v24 =	vcvt.f32.s32 v48;
	v48 =	vadd.f32 $-1.000000000e+00, v23;
	v5 =	vadd.f32 $2.000000000e+00, v5  }
0x42e: {  	v7 =	vmul.f32 $5.000000000e+00, v7;
	v44 =	vadd.f32 $2.000000000e+00, v22;
	v0 =	vadd.f32 $-1.258291200e+07, v0  }
0x42f: {  	v50 =	vmul.f32 v28, v48;
	v5 =	vmul.f32 $5.000000000e+00, v5;
	v52 =	vadd.f32 $-1.000000000e+00, v46  }
0x430: {  	v0 =	vadd.f32 $2.000000000e+00, v0;
	v40 =	vadd.f32 $2.000000000e+00, v32;
	v37 =	vmul.f32 $2.500000000e+01, v33;
	v53 =	vpop (erf)  }
0x431: {  	v51 =	vmul.f32 $2.002000090e+00, v50;
	v5 =	vadd.f32 v5, v11;
	v12 =	vmul.f32 v53, v52  }
0x432: {  	v0 =	vmul.f32 $2.500000000e+01, v0;
	v19 =	vmul.f32 $1.250000000e+02, v40;
	v6 =	vadd.f32 v35, v37  }
0x433: {  	[tilespmem:$0x18080] =	vst v14;
	v5 =	vadd.f32 v5, v10;
	v10 =	vadd.f32 $1.258291200e+07, v51;
	v12 =	vmul.f32 $2.002000090e+00, v12  }
0x434: {  	[tilespmem:$0x18120] =	vst v30;
	v54 =	vmul.f32 $1.250000000e+02, v15;
	v6 =	vadd.f32 v6, v19;
	v19 =	vmul.f32 $5.000000000e+00, v45  }
0x435: {  	[tilespmem:$0x18100] =	vst v20;
	v2 =	vtrunc.f32 v2;
	v10 =	vadd.f32 $-1.258291200e+07, v10;
	v12 =	vadd.f32 $1.258291200e+07, v12  }
0x436: {  	[tilespmem:$0x18090] =	vst v26;
	v2 =	vcvt.f32.s32 v2;
	v55 =	vadd.f32 $2.000000000e+00, v16;
	v18 =	vadd.f32 v19, v44  }
0x437: {  	[tilespmem:$0x18110] =	vst v27;
	v1 =	vtrunc.f32 v1;
	v10 =	vadd.f32 $2.000000000e+00, v10;
	v12 =	vadd.f32 $-1.258291200e+07, v12  }
0x438: {  	[tilespmem:$0x180A0] =	vst v29;
	v1 =	vcvt.f32.s32 v1;
	v57 =	vmul.f32 $1.250000000e+02, v55;
	v49 =	vadd.f32 v18, v17  }
0x439: {  	[tilespmem:$0x18130] =	vst v59;
	v6 =	vtrunc.f32 v6;
	v7 =	vadd.f32 v7, v10;
	v56 =	vadd.f32 $2.000000000e+00, v12  }
0x43a: {  	[tilespmem:$0x180B0] =	vst v24;
	v6 =	vcvt.f32.s32 v6;
	v4 =	vtrunc.f32 v4;
	v11 =	vadd.f32 v49, v54  }
0x43b: {  	[tilespmem:$0x180C0] =	vst v2;
	v58 =	vadd.f32 v5, v8;
	v0 =	vadd.f32 v7, v0;
	v59 =	vmul.f32 $1.250000000e+02, v56  }
0x43c: {  	[tilespmem:$0x18140] =	vst v1;
	v3 =	vadd.f32 v3, v57;
	v60 =	vcvt.f32.s32 v4;
	v61 =	vtrunc.f32 v11  }
0x43d: {  	[tilespmem:$0x180D0] =	vst v6;
	v4 =	vcvt.f32.s32 v61;
	v2 =	vtrunc.f32 v58;
	v0 =	vadd.f32 v0, v59  }
0x43e: {  	v63 =	vtrunc.f32 v3;
	[tilespmem:$0x18150] =	vst v60;
	v62 =	vcvt.f32.s32 v2  }
0x43f: {  	[tilespmem:$0x180E0] =	vst v4;
	v2 =	vcvt.f32.s32 v63;
	v0 =	vtrunc.f32 v0  }
0x440: {  	s15 =	sadd.s32 $0x1, s15;
	[tilespmem:$0x18160] =	vst v62;
	v0 =	vcvt.f32.s32 v0  }
0x441: {  	p0 =	sne.s32 s15, s8;
	[tilespmem:$0x180F0] =	vst v2  }
.Ltmp2:
0x442: {  	[tilespmem:$0x18170] =	vst v0;
	(pc) =	sbr.rel @p0 .LBB2_1-.Ltmp2, $4  }
0x443: {  	[hbm4b:s7+s2] =	stream.linear.scatter [tilespmem:s14], [sflag:$0x1], $0x100, $0x38;
	[tilespmem:$0x18180] =	vst v63  }
0x444: {  	_ =	swait.ge [sflag:s10], $0x100  }
0x445: {  	[sflag:s10] =	ssyncset.done $0x0  }
0x446: {  	[sflag:s10] =	ssyncadd.s32 $0xFFFFFF00  }
0x447: {  	_ =	sfence.sel $0x180000  }
0x448: {  	[bflag:$0x0] =	sbarrier.arrive $0xFFFF  }
0x449: {  	p0 =	sne.s32 s1, $0x0;
	_ =	strace $0x90000047  }
0x44a: {  	s0 =	sadd.s32 @!p0 $0x100000, s0;
	[bflag:$0x2] =	sbarrier.arrive $0xFFFF  }
0x44b: {  	[sflag:s0] =	ssyncadd.tile.s32 @!p0 $0x1;
	_ =	shalt  }
.Lfunc_end2:
_tile_overlayer_lowered:
.L_overlay_start_2:
0x44c: {  	(tag) =	ssettag $0x2  }
0x44d: {  	s0 =	rddreg [dreg:$0x0];
	s2 =	stileid.u32  }
0x44e: {  	s1 =	rddreg [dreg:$0x1];
	p0 =	sne.s32 s2, $0x0  }
0x44f: {  	s3 =	rddreg [dreg:$0x2];
	[bflag:$0x3] =	sbarrier.arrive $0xFFFF;
	s2 =	simm.s32 @!p0 $0x1C01  }
0x450: {  	[timem:s3], [sflag:s2] =	dma.local @!p0 [hbm:s0], s1  }
0x451: {  	s0 =	simm.s32 @!p0 $0x1  }
0x452: {  	_ =	swait.ge @!p0 [sflag:s0], s1  }
0x453: {  	s1 =	ssub.s32 @!p0 $0x0, s1;
	[sflag:s0] =	ssyncset.done @!p0 $0x0  }
0x454: {  	[sflag:s0] =	ssyncadd.s32 @!p0 s1  }
0x455: {  	[bflag:$0x3] =	sbarrier.arrive $0xFFFF  }
0x456: {  	_ =	shalt  }

</sc_bundles>
